<compile_context>
chip_gen: v7x
topology: tpu7x:2x2x1
jax: 0.10.2.dev20260603
libtpu: 0.0.44.dev20260713+nightly
codegen_flags: <defaults>
</compile_context>

<pallas_src>
import functools
import jax
import jax.numpy as jnp
from jax import lax
from jax.experimental import pallas as pl
from jax.experimental.pallas import tpu as pltpu
from jax.experimental.pallas import tpu_sc as plsc

B, D, H, W = 4, 192, 224, 224
NW = 32
RB = 8
NBAND = H // RB
DP = 24
NP = D // DP
NVB = RB * W // 16
CPR = W // 16
EPS2 = 1e-16


def _rsqrt16(x):
    i = lax.bitcast_convert_type(x, jnp.int32)
    i = 0x5F3759DF - (i >> 1)
    y = lax.bitcast_convert_type(i, jnp.float32)
    for _ in range(3):
        y = y * (1.5 - 0.5 * x * y * y)
    return y


def _sc_body(s_hbm, t_hbm, ox_hbm, m_hbm, c_hbm,
             ls_hbm, cn_hbm,
             s_v, t_v, ox_v, m_v, c_v,
             ast_v, ass_v, att_v, ls_v, cn_v):
    wid = lax.axis_index("s") * 2 + lax.axis_index("c")
    r0 = wid * RB

    @pl.when(wid < NBAND)
    def _active():
        for b in range(B):
            pltpu.sync_copy(ox_hbm.at[b, 0, pl.ds(r0, RB)], ox_v)
            pltpu.sync_copy(m_hbm.at[b, pl.ds(r0, RB)], m_v)

            def phase_step(p, _):
                pltpu.sync_copy(s_hbm.at[b, pl.ds(p * DP, DP), pl.ds(r0, RB)], s_v)
                pltpu.sync_copy(t_hbm.at[b, pl.ds(p * DP, DP), pl.ds(r0, RB)], t_v)
                pltpu.sync_copy(c_hbm.at[pl.ds(p * DP, DP)], c_v)
                first = p == 0

                def pix_step(pv, _):
                    row = pv // CPR
                    col = (pv % CPR) * 16
                    zero = jnp.zeros((16,), jnp.float32)
                    st = jnp.where(first, zero, ast_v[row, pl.ds(col, 16)])
                    ss = jnp.where(first, zero, ass_v[row, pl.ds(col, 16)])
                    tt = jnp.where(first, zero, att_v[row, pl.ds(col, 16)])
                    for dd in range(DP):
                        sv = s_v[dd, row, pl.ds(col, 16)]
                        tv = t_v[dd, row, pl.ds(col, 16)] - c_v[dd]
                        st = st + sv * tv
                        ss = ss + sv * sv
                        tt = tt + tv * tv
                    ast_v[row, pl.ds(col, 16)] = st
                    ass_v[row, pl.ds(col, 16)] = ss
                    att_v[row, pl.ds(col, 16)] = tt
                    return 0

                lax.fori_loop(0, NVB, pix_step, 0)
                return 0

            lax.fori_loop(0, NP, phase_step, 0)

            def loss_step(pv, carry):
                acc_ls, acc_cn = carry
                row = pv // CPR
                col = (pv % CPR) * 16
                st = ast_v[row, pl.ds(col, 16)]
                ss = ass_v[row, pl.ds(col, 16)]
                tt = att_v[row, pl.ds(col, 16)]
                inv = _rsqrt16(jnp.maximum(ss, EPS2)) * _rsqrt16(jnp.maximum(tt, EPS2))
                loss = 1.0 - st * inv
                oxv = ox_v[row, pl.ds(col, 16)]
                mv = m_v[row, pl.ds(col, 16)]
                vf = jnp.where((oxv != 0.0) & (mv == 0.0), 1.0, 0.0)
                return acc_ls + loss * vf, acc_cn + vf

            zero = jnp.zeros((16,), jnp.float32)
            acc_ls, acc_cn = lax.fori_loop(0, NVB, loss_step, (zero, zero))
            ls_v[b] = acc_ls
            cn_v[b] = acc_cn

        pltpu.sync_copy(ls_v, ls_hbm.at[wid])
        pltpu.sync_copy(cn_v, cn_hbm.at[wid])

    @pl.when(wid >= NBAND)
    def _idle():
        ls_v[...] = jnp.zeros_like(ls_v)
        cn_v[...] = jnp.zeros_like(cn_v)
        pltpu.sync_copy(ls_v, ls_hbm.at[wid])
        pltpu.sync_copy(cn_v, cn_hbm.at[wid])


def sc_partials(student_feats, teacher_feats, m, original_x, cb):
    mesh = plsc.VectorSubcoreMesh(core_axis_name="c", subcore_axis_name="s")
    f = functools.partial(
        pl.kernel,
        mesh=mesh,
        out_type=[
            jax.ShapeDtypeStruct((NW, B, 16), jnp.float32),
            jax.ShapeDtypeStruct((NW, B, 16), jnp.float32),
        ],
        scratch_types=[
            pltpu.VMEM((DP, RB, W), jnp.float32),
            pltpu.VMEM((DP, RB, W), jnp.float32),
            pltpu.VMEM((RB, W), jnp.float32),
            pltpu.VMEM((RB, W), jnp.float32),
            pltpu.VMEM((DP, 16), jnp.float32),
            pltpu.VMEM((RB, W), jnp.float32),
            pltpu.VMEM((RB, W), jnp.float32),
            pltpu.VMEM((RB, W), jnp.float32),
            pltpu.VMEM((B, 16), jnp.float32),
            pltpu.VMEM((B, 16), jnp.float32),
        ],
    )(_sc_body)
    return f(student_feats, teacher_feats, original_x, m, cb)


def _finalize_kernel(ls_ref, cn_ref, out_ref):
    ls = jnp.sum(jnp.sum(ls_ref[...], axis=0), axis=1, keepdims=True)
    cn = jnp.sum(jnp.sum(cn_ref[...], axis=0), axis=1, keepdims=True)
    per = ls / jnp.clip(cn, 1.0, None)
    hv = (cn > 0.0).astype(jnp.float32)
    num = jnp.sum(per * hv, keepdims=True).reshape(1, 1)
    den = jnp.maximum(jnp.sum(hv, keepdims=True).reshape(1, 1), 1.0)
    total = jnp.sum(cn, keepdims=True).reshape(1, 1)
    out_ref[...] = jnp.where(total == 0.0, 0.0, num / den)


def kernel(student_feats, teacher_feats, mask, original_x, center):
    m = mask.astype(jnp.float32)
    cb = jnp.broadcast_to(center.reshape(D, 1), (D, 16))
    ls, cn = sc_partials(student_feats, teacher_feats, m, original_x, cb)
    out = pl.pallas_call(
        _finalize_kernel,
        out_shape=jax.ShapeDtypeStruct((1, 1), jnp.float32),
    )(ls, cn)
    return out[0, 0]

# --- scband reference (transcript-rebuilt; emitter-appended) ---
"""Pipeline reference for scband-pixel-dinoloss-62036507623554 (READ-ONLY COPY).

The authoritative reference and input builder live on the scoring server;
editing this copy changes nothing except your own understanding.
"""

import jax, jax.numpy as jnp
import numpy as np

B, D, H, W = 4, 192, 224, 224

def setup_inputs(seed: int = 0) -> dict:
    key = jax.random.key(seed)
    k1, k2, k3, k4 = jax.random.split(key, 4)
    student_feats = jax.random.normal(k1, (B, D, H, W), dtype=jnp.float32)
    teacher_feats = jax.random.normal(k2, (B, D, H, W), dtype=jnp.float32)
    mask = jax.random.bernoulli(k3, 0.5, (B, H, W))
    original_x = jax.random.normal(k4, (B, 1, H, W), dtype=jnp.float32)
    center = jnp.zeros((D,), dtype=jnp.float32)  # buffer, lazily-initialized to zeros in torch
    return {"student_feats": student_feats, "teacher_feats": teacher_feats, "mask": mask, "original_x": original_x, "center": center}


def reference(student_feats, teacher_feats, mask, original_x, center):
    # active pixels: original image nonzero
    active = original_x[:, 0] != 0  # [B, H, W]
    valid = active & (~mask)        # [B, H, W]
    counts = jnp.sum(valid, axis=(1, 2)).astype(jnp.float32)  # [B]
    # permute to [B, H, W, D]
    s = jnp.transpose(student_feats, (0, 2, 3, 1))
    t = jnp.transpose(teacher_feats, (0, 2, 3, 1))
    # use_centering=True: subtract running center (zeros at init, kept faithful)
    t = t - center
    # cosine loss: 1 - cosine_similarity along feature dim (torch eps=1e-8)
    eps = 1e-8
    s_norm = jnp.maximum(jnp.sqrt(jnp.sum(s * s, axis=-1)), eps)
    t_norm = jnp.maximum(jnp.sqrt(jnp.sum(t * t, axis=-1)), eps)
    cos = jnp.sum(s * t, axis=-1) / (s_norm * t_norm)  # [B, H, W]
    loss = 1.0 - cos
    # scatter_add over batch index == masked per-image sum over valid pixels
    validf = valid.astype(loss.dtype)
    per_image_loss = jnp.sum(loss * validf, axis=(1, 2))  # [B]
    per_image_loss = per_image_loss / jnp.clip(counts, 1.0, None)
    has_valid = (counts > 0).astype(loss.dtype)
    mean_loss = jnp.sum(per_image_loss * has_valid) / jnp.maximum(jnp.sum(has_valid), 1.0)
    # counts.sum() == 0 -> return 0.0 (early-return branch in torch)
    return jnp.where(jnp.sum(counts) == 0, jnp.zeros((), dtype=loss.dtype), mean_loss)

if __name__ == "__main__":
    import jax
    _d = setup_inputs()
    print(jax.jit(kernel)(*tuple(_d.values())))

</pallas_src>

<mosaic_0001>
#map = affine_map<(d0, d1) -> (0, 0, 0, 0)>
#map1 = affine_map<(d0, d1) -> (0, 0, 0)>
#map2 = affine_map<(d0, d1) -> (0, 0)>
module attributes {stable_mosaic.version = 14 : i64} {
  func.func @_sc_body(%arg0: i32, %arg1: i32, %arg2: memref<4x192x224x224xf32, #tpu.memory_space<hbm>>, %arg3: memref<4x192x224x224xf32, #tpu.memory_space<hbm>>, %arg4: memref<4x1x224x224xf32, #tpu.memory_space<hbm>>, %arg5: memref<4x224x224xf32, #tpu.memory_space<hbm>>, %arg6: memref<192x16xf32, #tpu.memory_space<hbm>>, %arg7: memref<32x4x16xf32, #tpu.memory_space<hbm>>, %arg8: memref<32x4x16xf32, #tpu.memory_space<hbm>>, %arg9: memref<24x8x224xf32, #tpu.memory_space<vmem>>, %arg10: memref<24x8x224xf32, #tpu.memory_space<vmem>>, %arg11: memref<8x224xf32, #tpu.memory_space<vmem>>, %arg12: memref<8x224xf32, #tpu.memory_space<vmem>>, %arg13: memref<24x16xf32, #tpu.memory_space<vmem>>, %arg14: memref<8x224xf32, #tpu.memory_space<vmem>>, %arg15: memref<8x224xf32, #tpu.memory_space<vmem>>, %arg16: memref<8x224xf32, #tpu.memory_space<vmem>>, %arg17: memref<4x16xf32, #tpu.memory_space<vmem>>, %arg18: memref<4x16xf32, #tpu.memory_space<vmem>>) attributes {dimension_semantics = [#tpu.dimension_semantics<core_parallel>, #tpu.dimension_semantics<subcore_parallel>], iteration_bounds = array<i64: 2, 16>, scalar_prefetch = 0 : i64, scratch_operands = 10 : i64, tpu.core_type = #tpu.core_type<sc_vector_subcore>, window_params = [{transform_indices = #map}, {transform_indices = #map}, {transform_indices = #map}, {transform_indices = #map1}, {transform_indices = #map2}, {transform_indices = #map1}, {transform_indices = #map1}]} {
    %mul3A = arith.constant 2 : i32
    %mul3A_0 = arith.muli %arg1, %mul3A : i32
    %add3A = arith.addi %mul3A_0, %arg0 : i32
    %mul3A_1 = arith.constant 8 : i32
    %mul3A_2 = arith.muli %add3A, %mul3A_1 : i32
    %lt3A = arith.constant 28 : i32
    %lt3A_3 = arith.cmpi slt, %add3A, %lt3A : i32
    %convert_element_type3A = arith.extui %lt3A_3 : i1 to i32
    %cond3A = arith.constant 0 : i32
    %cond3A_4 = arith.cmpi ne, %convert_element_type3A, %cond3A : i32
    scf.if %cond3A_4 {
      %run_scoped3A = arith.constant 0 : i32
      %run_scoped3A_9 = arith.constant 0 : i32
      "tpu.region"() ({
        %run_scoped3A_125 = tpu.sem_alloc : memref<!tpu.dma_semaphore, #tpu.memory_space<semaphore_mem>>
        %dma_start3A = arith.constant 0 : i32
        %dma_start3A_126 = tpu.memref_slice %arg4[%run_scoped3A, %run_scoped3A_9, %mul3A_2, %dma_start3A] : memref<4x1x224x224xf32, #tpu.memory_space<hbm>> -> memref<1x1x8x224xf32, #tpu.memory_space<hbm>>
        %dma_start3A_127 = tpu.memref_squeeze %dma_start3A_126 : memref<1x1x8x224xf32, #tpu.memory_space<hbm>> -> memref<8x224xf32, #tpu.memory_space<hbm>>
        %dma_start3A_128 = arith.constant 0 : i32
        %dma_start3A_129 = tpu.memref_slice %arg4[%run_scoped3A, %run_scoped3A_9, %mul3A_2, %dma_start3A_128] : memref<4x1x224x224xf32, #tpu.memory_space<hbm>> -> memref<1x1x8x224xf32, #tpu.memory_space<hbm>>
        %dma_start3A_130 = tpu.memref_squeeze %dma_start3A_129 : memref<1x1x8x224xf32, #tpu.memory_space<hbm>> -> memref<8x224xf32, #tpu.memory_space<hbm>>
        tpu.enqueue_dma source(%dma_start3A_130 : memref<8x224xf32, #tpu.memory_space<hbm>>) target(%arg11 : memref<8x224xf32, #tpu.memory_space<vmem>>) target_semaphore(%run_scoped3A_125 : memref<!tpu.dma_semaphore, #tpu.memory_space<semaphore_mem>>)
        %dma_wait3A = arith.constant 0 : i32
        %dma_wait3A_131 = tpu.memref_slice %arg4[%run_scoped3A, %run_scoped3A_9, %mul3A_2, %dma_wait3A] : memref<4x1x224x224xf32, #tpu.memory_space<hbm>> -> memref<1x1x8x224xf32, #tpu.memory_space<hbm>>
        %dma_wait3A_132 = tpu.memref_squeeze %dma_wait3A_131 : memref<1x1x8x224xf32, #tpu.memory_space<hbm>> -> memref<8x224xf32, #tpu.memory_space<hbm>>
        %dma_wait3A_133 = arith.constant 0 : i32
        %dma_wait3A_134 = tpu.memref_slice %arg4[%run_scoped3A, %run_scoped3A_9, %mul3A_2, %dma_wait3A_133] : memref<4x1x224x224xf32, #tpu.memory_space<hbm>> -> memref<1x1x8x224xf32, #tpu.memory_space<hbm>>
        %dma_wait3A_135 = tpu.memref_squeeze %dma_wait3A_134 : memref<1x1x8x224xf32, #tpu.memory_space<hbm>> -> memref<8x224xf32, #tpu.memory_space<hbm>>
        tpu.wait_dma2 semaphore(%run_scoped3A_125 : memref<!tpu.dma_semaphore, #tpu.memory_space<semaphore_mem>>) src(%dma_wait3A_135 : memref<8x224xf32, #tpu.memory_space<hbm>>) dst(%arg11 : memref<8x224xf32, #tpu.memory_space<vmem>>)
        tpu.yield
      }) : () -> ()
      %run_scoped3A_10 = arith.constant 0 : i32
      "tpu.region"() ({
        %run_scoped3A_125 = tpu.sem_alloc : memref<!tpu.dma_semaphore, #tpu.memory_space<semaphore_mem>>
        %dma_start3A = arith.constant 0 : i32
        %dma_start3A_126 = tpu.memref_slice %arg5[%run_scoped3A_10, %mul3A_2, %dma_start3A] : memref<4x224x224xf32, #tpu.memory_space<hbm>> -> memref<1x8x224xf32, #tpu.memory_space<hbm>>
        %dma_start3A_127 = tpu.memref_squeeze %dma_start3A_126 : memref<1x8x224xf32, #tpu.memory_space<hbm>> -> memref<8x224xf32, #tpu.memory_space<hbm>>
        %dma_start3A_128 = arith.constant 0 : i32
        %dma_start3A_129 = tpu.memref_slice %arg5[%run_scoped3A_10, %mul3A_2, %dma_start3A_128] : memref<4x224x224xf32, #tpu.memory_space<hbm>> -> memref<1x8x224xf32, #tpu.memory_space<hbm>>
        %dma_start3A_130 = tpu.memref_squeeze %dma_start3A_129 : memref<1x8x224xf32, #tpu.memory_space<hbm>> -> memref<8x224xf32, #tpu.memory_space<hbm>>
        tpu.enqueue_dma source(%dma_start3A_130 : memref<8x224xf32, #tpu.memory_space<hbm>>) target(%arg12 : memref<8x224xf32, #tpu.memory_space<vmem>>) target_semaphore(%run_scoped3A_125 : memref<!tpu.dma_semaphore, #tpu.memory_space<semaphore_mem>>)
        %dma_wait3A = arith.constant 0 : i32
        %dma_wait3A_131 = tpu.memref_slice %arg5[%run_scoped3A_10, %mul3A_2, %dma_wait3A] : memref<4x224x224xf32, #tpu.memory_space<hbm>> -> memref<1x8x224xf32, #tpu.memory_space<hbm>>
        %dma_wait3A_132 = tpu.memref_squeeze %dma_wait3A_131 : memref<1x8x224xf32, #tpu.memory_space<hbm>> -> memref<8x224xf32, #tpu.memory_space<hbm>>
        %dma_wait3A_133 = arith.constant 0 : i32
        %dma_wait3A_134 = tpu.memref_slice %arg5[%run_scoped3A_10, %mul3A_2, %dma_wait3A_133] : memref<4x224x224xf32, #tpu.memory_space<hbm>> -> memref<1x8x224xf32, #tpu.memory_space<hbm>>
        %dma_wait3A_135 = tpu.memref_squeeze %dma_wait3A_134 : memref<1x8x224xf32, #tpu.memory_space<hbm>> -> memref<8x224xf32, #tpu.memory_space<hbm>>
        tpu.wait_dma2 semaphore(%run_scoped3A_125 : memref<!tpu.dma_semaphore, #tpu.memory_space<semaphore_mem>>) src(%dma_wait3A_135 : memref<8x224xf32, #tpu.memory_space<hbm>>) dst(%arg12 : memref<8x224xf32, #tpu.memory_space<vmem>>)
        tpu.yield
      }) : () -> ()
      %scan3A = arith.constant 0 : i32
      %scan3A_11 = arith.constant 0 : i32
      %scan3A_12 = arith.constant 8 : i32
      %scan3A_13 = arith.addi %scan3A_11, %scan3A_12 : i32
      %scan3A_14 = arith.constant 1 : i32
      %scan3A_15 = scf.for %scan3A_125 = %scan3A_11 to %scan3A_13 step %scan3A_14 iter_args(%scan3A_126 = %scan3A) -> (i32)  : i32 {
        %mul3A_127 = arith.constant 24 : i32
        %mul3A_128 = arith.muli %scan3A_125, %mul3A_127 : i32
        %run_scoped3A_129 = arith.constant 0 : i32
        "tpu.region"() ({
          %run_scoped3A_144 = tpu.sem_alloc : memref<!tpu.dma_semaphore, #tpu.memory_space<semaphore_mem>>
          %dma_start3A = arith.constant 0 : i32
          %dma_start3A_145 = tpu.memref_slice %arg2[%run_scoped3A_129, %mul3A_128, %mul3A_2, %dma_start3A] : memref<4x192x224x224xf32, #tpu.memory_space<hbm>> -> memref<1x24x8x224xf32, #tpu.memory_space<hbm>>
          %dma_start3A_146 = tpu.memref_squeeze %dma_start3A_145 : memref<1x24x8x224xf32, #tpu.memory_space<hbm>> -> memref<24x8x224xf32, #tpu.memory_space<hbm>>
          %dma_start3A_147 = arith.constant 0 : i32
          %dma_start3A_148 = tpu.memref_slice %arg2[%run_scoped3A_129, %mul3A_128, %mul3A_2, %dma_start3A_147] : memref<4x192x224x224xf32, #tpu.memory_space<hbm>> -> memref<1x24x8x224xf32, #tpu.memory_space<hbm>>
          %dma_start3A_149 = tpu.memref_squeeze %dma_start3A_148 : memref<1x24x8x224xf32, #tpu.memory_space<hbm>> -> memref<24x8x224xf32, #tpu.memory_space<hbm>>
          tpu.enqueue_dma source(%dma_start3A_149 : memref<24x8x224xf32, #tpu.memory_space<hbm>>) target(%arg9 : memref<24x8x224xf32, #tpu.memory_space<vmem>>) target_semaphore(%run_scoped3A_144 : memref<!tpu.dma_semaphore, #tpu.memory_space<semaphore_mem>>)
          %dma_wait3A = arith.constant 0 : i32
          %dma_wait3A_150 = tpu.memref_slice %arg2[%run_scoped3A_129, %mul3A_128, %mul3A_2, %dma_wait3A] : memref<4x192x224x224xf32, #tpu.memory_space<hbm>> -> memref<1x24x8x224xf32, #tpu.memory_space<hbm>>
          %dma_wait3A_151 = tpu.memref_squeeze %dma_wait3A_150 : memref<1x24x8x224xf32, #tpu.memory_space<hbm>> -> memref<24x8x224xf32, #tpu.memory_space<hbm>>
          %dma_wait3A_152 = arith.constant 0 : i32
          %dma_wait3A_153 = tpu.memref_slice %arg2[%run_scoped3A_129, %mul3A_128, %mul3A_2, %dma_wait3A_152] : memref<4x192x224x224xf32, #tpu.memory_space<hbm>> -> memref<1x24x8x224xf32, #tpu.memory_space<hbm>>
          %dma_wait3A_154 = tpu.memref_squeeze %dma_wait3A_153 : memref<1x24x8x224xf32, #tpu.memory_space<hbm>> -> memref<24x8x224xf32, #tpu.memory_space<hbm>>
          tpu.wait_dma2 semaphore(%run_scoped3A_144 : memref<!tpu.dma_semaphore, #tpu.memory_space<semaphore_mem>>) src(%dma_wait3A_154 : memref<24x8x224xf32, #tpu.memory_space<hbm>>) dst(%arg9 : memref<24x8x224xf32, #tpu.memory_space<vmem>>)
          tpu.yield
        }) : () -> ()
        %mul3A_130 = arith.constant 24 : i32
        %mul3A_131 = arith.muli %scan3A_125, %mul3A_130 : i32
        %run_scoped3A_132 = arith.constant 0 : i32
        "tpu.region"() ({
          %run_scoped3A_144 = tpu.sem_alloc : memref<!tpu.dma_semaphore, #tpu.memory_space<semaphore_mem>>
          %dma_start3A = arith.constant 0 : i32
          %dma_start3A_145 = tpu.memref_slice %arg3[%run_scoped3A_132, %mul3A_131, %mul3A_2, %dma_start3A] : memref<4x192x224x224xf32, #tpu.memory_space<hbm>> -> memref<1x24x8x224xf32, #tpu.memory_space<hbm>>
          %dma_start3A_146 = tpu.memref_squeeze %dma_start3A_145 : memref<1x24x8x224xf32, #tpu.memory_space<hbm>> -> memref<24x8x224xf32, #tpu.memory_space<hbm>>
          %dma_start3A_147 = arith.constant 0 : i32
          %dma_start3A_148 = tpu.memref_slice %arg3[%run_scoped3A_132, %mul3A_131, %mul3A_2, %dma_start3A_147] : memref<4x192x224x224xf32, #tpu.memory_space<hbm>> -> memref<1x24x8x224xf32, #tpu.memory_space<hbm>>
          %dma_start3A_149 = tpu.memref_squeeze %dma_start3A_148 : memref<1x24x8x224xf32, #tpu.memory_space<hbm>> -> memref<24x8x224xf32, #tpu.memory_space<hbm>>
          tpu.enqueue_dma source(%dma_start3A_149 : memref<24x8x224xf32, #tpu.memory_space<hbm>>) target(%arg10 : memref<24x8x224xf32, #tpu.memory_space<vmem>>) target_semaphore(%run_scoped3A_144 : memref<!tpu.dma_semaphore, #tpu.memory_space<semaphore_mem>>)
          %dma_wait3A = arith.constant 0 : i32
          %dma_wait3A_150 = tpu.memref_slice %arg3[%run_scoped3A_132, %mul3A_131, %mul3A_2, %dma_wait3A] : memref<4x192x224x224xf32, #tpu.memory_space<hbm>> -> memref<1x24x8x224xf32, #tpu.memory_space<hbm>>
          %dma_wait3A_151 = tpu.memref_squeeze %dma_wait3A_150 : memref<1x24x8x224xf32, #tpu.memory_space<hbm>> -> memref<24x8x224xf32, #tpu.memory_space<hbm>>
          %dma_wait3A_152 = arith.constant 0 : i32
          %dma_wait3A_153 = tpu.memref_slice %arg3[%run_scoped3A_132, %mul3A_131, %mul3A_2, %dma_wait3A_152] : memref<4x192x224x224xf32, #tpu.memory_space<hbm>> -> memref<1x24x8x224xf32, #tpu.memory_space<hbm>>
          %dma_wait3A_154 = tpu.memref_squeeze %dma_wait3A_153 : memref<1x24x8x224xf32, #tpu.memory_space<hbm>> -> memref<24x8x224xf32, #tpu.memory_space<hbm>>
          tpu.wait_dma2 semaphore(%run_scoped3A_144 : memref<!tpu.dma_semaphore, #tpu.memory_space<semaphore_mem>>) src(%dma_wait3A_154 : memref<24x8x224xf32, #tpu.memory_space<hbm>>) dst(%arg10 : memref<24x8x224xf32, #tpu.memory_space<vmem>>)
          tpu.yield
        }) : () -> ()
        %mul3A_133 = arith.constant 24 : i32
        %mul3A_134 = arith.muli %scan3A_125, %mul3A_133 : i32
        "tpu.region"() ({
          %run_scoped3A_144 = tpu.sem_alloc : memref<!tpu.dma_semaphore, #tpu.memory_space<semaphore_mem>>
          %dma_start3A = arith.constant 0 : i32
          %dma_start3A_145 = tpu.memref_slice %arg6[%mul3A_134, %dma_start3A] : memref<192x16xf32, #tpu.memory_space<hbm>> -> memref<24x16xf32, #tpu.memory_space<hbm>>
          %dma_start3A_146 = arith.constant 0 : i32
          %dma_start3A_147 = tpu.memref_slice %arg6[%mul3A_134, %dma_start3A_146] : memref<192x16xf32, #tpu.memory_space<hbm>> -> memref<24x16xf32, #tpu.memory_space<hbm>>
          tpu.enqueue_dma source(%dma_start3A_147 : memref<24x16xf32, #tpu.memory_space<hbm>>) target(%arg13 : memref<24x16xf32, #tpu.memory_space<vmem>>) target_semaphore(%run_scoped3A_144 : memref<!tpu.dma_semaphore, #tpu.memory_space<semaphore_mem>>)
          %dma_wait3A = arith.constant 0 : i32
          %dma_wait3A_148 = tpu.memref_slice %arg6[%mul3A_134, %dma_wait3A] : memref<192x16xf32, #tpu.memory_space<hbm>> -> memref<24x16xf32, #tpu.memory_space<hbm>>
          %dma_wait3A_149 = arith.constant 0 : i32
          %dma_wait3A_150 = tpu.memref_slice %arg6[%mul3A_134, %dma_wait3A_149] : memref<192x16xf32, #tpu.memory_space<hbm>> -> memref<24x16xf32, #tpu.memory_space<hbm>>
          tpu.wait_dma2 semaphore(%run_scoped3A_144 : memref<!tpu.dma_semaphore, #tpu.memory_space<semaphore_mem>>) src(%dma_wait3A_150 : memref<24x16xf32, #tpu.memory_space<hbm>>) dst(%arg13 : memref<24x16xf32, #tpu.memory_space<vmem>>)
          tpu.yield
        }) : () -> ()
        %eq3A = arith.constant 0 : i32
        %eq3A_135 = arith.cmpi eq, %scan3A_125, %eq3A : i32
        %scan3A_136 = arith.constant 0 : i32
        %scan3A_137 = arith.constant 0 : i32
        %scan3A_138 = arith.constant 112 : i32
        %scan3A_139 = arith.addi %scan3A_137, %scan3A_138 : i32
        %scan3A_140 = arith.constant 1 : i32
        %scan3A_141 = scf.for %scan3A_144 = %scan3A_137 to %scan3A_139 step %scan3A_140 iter_args(%scan3A_145 = %scan3A_136) -> (i32)  : i32 {
          %jit3A = arith.constant 14 : i32
          %div3A = arith.divsi %scan3A_144, %jit3A : i32
          %sign3A = arith.constant 0 : i32
          %sign3A_146 = arith.cmpi sgt, %scan3A_144, %sign3A : i32
          %sign3A_147 = arith.extui %sign3A_146 : i1 to i32
          %sign3A_148 = arith.constant 0 : i32
          %sign3A_149 = arith.cmpi slt, %scan3A_144, %sign3A_148 : i32
          %sign3A_150 = arith.extui %sign3A_149 : i1 to i32
          %sign3A_151 = arith.subi %sign3A_147, %sign3A_150 : i32
          %sign3A_152 = arith.constant 0 : i32
          %sign3A_153 = arith.cmpi sgt, %jit3A, %sign3A_152 : i32
          %sign3A_154 = arith.extui %sign3A_153 : i1 to i32
          %sign3A_155 = arith.constant 0 : i32
          %sign3A_156 = arith.cmpi slt, %jit3A, %sign3A_155 : i32
          %sign3A_157 = arith.extui %sign3A_156 : i1 to i32
          %sign3A_158 = arith.subi %sign3A_154, %sign3A_157 : i32
          %ne3A = arith.cmpi ne, %sign3A_151, %sign3A_158 : i32
          %rem3A = arith.remsi %scan3A_144, %jit3A : i32
          %ne3A_159 = arith.constant 0 : i32
          %ne3A_160 = arith.cmpi ne, %rem3A, %ne3A_159 : i32
          %and3A = arith.andi %ne3A, %ne3A_160 : i1
          %sub3A = arith.constant 1 : i32
          %sub3A_161 = arith.subi %div3A, %sub3A : i32
          %select_n3A = arith.select %and3A, %sub3A_161, %div3A : i32
          %jit3A_162 = arith.constant 14 : i32
          %eq3A_163 = arith.constant 0 : i32
          %eq3A_164 = arith.cmpi eq, %jit3A_162, %eq3A_163 : i32
          %jit3A_165 = arith.constant 1 : i32
          %select_n3A_166 = arith.select %eq3A_164, %jit3A_165, %jit3A_162 : i32
          %rem3A_167 = arith.remsi %scan3A_144, %select_n3A_166 : i32
          %ne3A_168 = arith.constant 0 : i32
          %ne3A_169 = arith.cmpi ne, %rem3A_167, %ne3A_168 : i32
          %lt3A_170 = arith.constant 0 : i32
          %lt3A_171 = arith.cmpi slt, %rem3A_167, %lt3A_170 : i32
          %lt3A_172 = arith.constant 0 : i32
          %lt3A_173 = arith.cmpi slt, %select_n3A_166, %lt3A_172 : i32
          %ne3A_174 = arith.xori %lt3A_171, %lt3A_173 : i1
          %and3A_175 = arith.andi %ne3A_174, %ne3A_169 : i1
          %add3A_176 = arith.addi %rem3A_167, %select_n3A_166 : i32
          %select_n3A_177 = arith.select %and3A_175, %add3A_176, %rem3A_167 : i32
          %mul3A_178 = arith.constant 16 : i32
          %mul3A_179 = arith.muli %select_n3A_177, %mul3A_178 : i32
          %broadcast_in_dim3A_180 = arith.constant 0.000000e+00 : f32
          %broadcast_in_dim3A_181 = vector.broadcast %broadcast_in_dim3A_180 : f32 to vector<16xf32>
          %get3A = arith.index_cast %select_n3A : i32 to index
          %get3A_182 = arith.index_cast %mul3A_179 : i32 to index
          %get3A_183 = tpu.vector_load %arg14[%get3A, %get3A_182] {strides = array<i32>} : memref<8x224xf32, #tpu.memory_space<vmem>>, vector<1x16xf32>,
          %get3A_184 = vector.shape_cast %get3A_183 : vector<1x16xf32> to vector<16xf32>
          %select_n3A_185 = arith.select %eq3A_135, %broadcast_in_dim3A_181, %get3A_184 : vector<16xf32>
          %get3A_186 = arith.index_cast %select_n3A : i32 to index
          %get3A_187 = arith.index_cast %mul3A_179 : i32 to index
          %get3A_188 = tpu.vector_load %arg15[%get3A_186, %get3A_187] {strides = array<i32>} : memref<8x224xf32, #tpu.memory_space<vmem>>, vector<1x16xf32>,
          %get3A_189 = vector.shape_cast %get3A_188 : vector<1x16xf32> to vector<16xf32>
          %select_n3A_190 = arith.select %eq3A_135, %broadcast_in_dim3A_181, %get3A_189 : vector<16xf32>
          %get3A_191 = arith.index_cast %select_n3A : i32 to index
          %get3A_192 = arith.index_cast %mul3A_179 : i32 to index
          %get3A_193 = tpu.vector_load %arg16[%get3A_191, %get3A_192] {strides = array<i32>} : memref<8x224xf32, #tpu.memory_space<vmem>>, vector<1x16xf32>,
          %get3A_194 = vector.shape_cast %get3A_193 : vector<1x16xf32> to vector<16xf32>
          %select_n3A_195 = arith.select %eq3A_135, %broadcast_in_dim3A_181, %get3A_194 : vector<16xf32>
          %get3A_196 = arith.constant 0 : i32
          %get3A_197 = arith.index_cast %get3A_196 : i32 to index
          %get3A_198 = arith.index_cast %select_n3A : i32 to index
          %get3A_199 = arith.index_cast %mul3A_179 : i32 to index
          %get3A_200 = tpu.vector_load %arg9[%get3A_197, %get3A_198, %get3A_199] {strides = array<i32>} : memref<24x8x224xf32, #tpu.memory_space<vmem>>, vector<1x1x16xf32>,
          %get3A_201 = vector.shape_cast %get3A_200 : vector<1x1x16xf32> to vector<16xf32>
          %get3A_202 = arith.constant 0 : i32
          %get3A_203 = arith.index_cast %get3A_202 : i32 to index
          %get3A_204 = arith.index_cast %select_n3A : i32 to index
          %get3A_205 = arith.index_cast %mul3A_179 : i32 to index
          %get3A_206 = tpu.vector_load %arg10[%get3A_203, %get3A_204, %get3A_205] {strides = array<i32>} : memref<24x8x224xf32, #tpu.memory_space<vmem>>, vector<1x1x16xf32>,
          %get3A_207 = vector.shape_cast %get3A_206 : vector<1x1x16xf32> to vector<16xf32>
          %get3A_208 = arith.constant 0 : i32
          %get3A_209 = arith.index_cast %get3A_208 : i32 to index
          %get3A_210 = arith.constant 0 : index
          %get3A_211 = tpu.vector_load %arg13[%get3A_209, %get3A_210] {strides = array<i32>} : memref<24x16xf32, #tpu.memory_space<vmem>>, vector<1x16xf32>,
          %get3A_212 = vector.shape_cast %get3A_211 : vector<1x16xf32> to vector<16xf32>
          %sub3A_213 = arith.subf %get3A_207, %get3A_212 : vector<16xf32>
          %mul3A_214 = arith.mulf %get3A_201, %sub3A_213 : vector<16xf32>
          %add3A_215 = arith.addf %select_n3A_185, %mul3A_214 : vector<16xf32>
          %mul3A_216 = arith.mulf %get3A_201, %get3A_201 : vector<16xf32>
          %add3A_217 = arith.addf %select_n3A_190, %mul3A_216 : vector<16xf32>
          %mul3A_218 = arith.mulf %sub3A_213, %sub3A_213 : vector<16xf32>
          %add3A_219 = arith.addf %select_n3A_195, %mul3A_218 : vector<16xf32>
          %get3A_220 = arith.constant 1 : i32
          %get3A_221 = arith.index_cast %get3A_220 : i32 to index
          %get3A_222 = arith.index_cast %select_n3A : i32 to index
          %get3A_223 = arith.index_cast %mul3A_179 : i32 to index
          %get3A_224 = tpu.vector_load %arg9[%get3A_221, %get3A_222, %get3A_223] {strides = array<i32>} : memref<24x8x224xf32, #tpu.memory_space<vmem>>, vector<1x1x16xf32>,
          %get3A_225 = vector.shape_cast %get3A_224 : vector<1x1x16xf32> to vector<16xf32>
          %get3A_226 = arith.constant 1 : i32
          %get3A_227 = arith.index_cast %get3A_226 : i32 to index
          %get3A_228 = arith.index_cast %select_n3A : i32 to index
          %get3A_229 = arith.index_cast %mul3A_179 : i32 to index
          %get3A_230 = tpu.vector_load %arg10[%get3A_227, %get3A_228, %get3A_229] {strides = array<i32>} : memref<24x8x224xf32, #tpu.memory_space<vmem>>, vector<1x1x16xf32>,
          %get3A_231 = vector.shape_cast %get3A_230 : vector<1x1x16xf32> to vector<16xf32>
          %get3A_232 = arith.constant 1 : i32
          %get3A_233 = arith.index_cast %get3A_232 : i32 to index
          %get3A_234 = arith.constant 0 : index
          %get3A_235 = tpu.vector_load %arg13[%get3A_233, %get3A_234] {strides = array<i32>} : memref<24x16xf32, #tpu.memory_space<vmem>>, vector<1x16xf32>,
          %get3A_236 = vector.shape_cast %get3A_235 : vector<1x16xf32> to vector<16xf32>
          %sub3A_237 = arith.subf %get3A_231, %get3A_236 : vector<16xf32>
          %mul3A_238 = arith.mulf %get3A_225, %sub3A_237 : vector<16xf32>
          %add3A_239 = arith.addf %add3A_215, %mul3A_238 : vector<16xf32>
          %mul3A_240 = arith.mulf %get3A_225, %get3A_225 : vector<16xf32>
          %add3A_241 = arith.addf %add3A_217, %mul3A_240 : vector<16xf32>
          %mul3A_242 = arith.mulf %sub3A_237, %sub3A_237 : vector<16xf32>
          %add3A_243 = arith.addf %add3A_219, %mul3A_242 : vector<16xf32>
          %get3A_244 = arith.constant 2 : i32
          %get3A_245 = arith.index_cast %get3A_244 : i32 to index
          %get3A_246 = arith.index_cast %select_n3A : i32 to index
          %get3A_247 = arith.index_cast %mul3A_179 : i32 to index
          %get3A_248 = tpu.vector_load %arg9[%get3A_245, %get3A_246, %get3A_247] {strides = array<i32>} : memref<24x8x224xf32, #tpu.memory_space<vmem>>, vector<1x1x16xf32>,
          %get3A_249 = vector.shape_cast %get3A_248 : vector<1x1x16xf32> to vector<16xf32>
          %get3A_250 = arith.constant 2 : i32
          %get3A_251 = arith.index_cast %get3A_250 : i32 to index
          %get3A_252 = arith.index_cast %select_n3A : i32 to index
          %get3A_253 = arith.index_cast %mul3A_179 : i32 to index
          %get3A_254 = tpu.vector_load %arg10[%get3A_251, %get3A_252, %get3A_253] {strides = array<i32>} : memref<24x8x224xf32, #tpu.memory_space<vmem>>, vector<1x1x16xf32>,
          %get3A_255 = vector.shape_cast %get3A_254 : vector<1x1x16xf32> to vector<16xf32>
          %get3A_256 = arith.constant 2 : i32
          %get3A_257 = arith.index_cast %get3A_256 : i32 to index
          %get3A_258 = arith.constant 0 : index
          %get3A_259 = tpu.vector_load %arg13[%get3A_257, %get3A_258] {strides = array<i32>} : memref<24x16xf32, #tpu.memory_space<vmem>>, vector<1x16xf32>,
          %get3A_260 = vector.shape_cast %get3A_259 : vector<1x16xf32> to vector<16xf32>
          %sub3A_261 = arith.subf %get3A_255, %get3A_260 : vector<16xf32>
          %mul3A_262 = arith.mulf %get3A_249, %sub3A_261 : vector<16xf32>
          %add3A_263 = arith.addf %add3A_239, %mul3A_262 : vector<16xf32>
          %mul3A_264 = arith.mulf %get3A_249, %get3A_249 : vector<16xf32>
          %add3A_265 = arith.addf %add3A_241, %mul3A_264 : vector<16xf32>
          %mul3A_266 = arith.mulf %sub3A_261, %sub3A_261 : vector<16xf32>
          %add3A_267 = arith.addf %add3A_243, %mul3A_266 : vector<16xf32>
          %get3A_268 = arith.constant 3 : i32
          %get3A_269 = arith.index_cast %get3A_268 : i32 to index
          %get3A_270 = arith.index_cast %select_n3A : i32 to index
          %get3A_271 = arith.index_cast %mul3A_179 : i32 to index
          %get3A_272 = tpu.vector_load %arg9[%get3A_269, %get3A_270, %get3A_271] {strides = array<i32>} : memref<24x8x224xf32, #tpu.memory_space<vmem>>, vector<1x1x16xf32>,
          %get3A_273 = vector.shape_cast %get3A_272 : vector<1x1x16xf32> to vector<16xf32>
          %get3A_274 = arith.constant 3 : i32
          %get3A_275 = arith.index_cast %get3A_274 : i32 to index
          %get3A_276 = arith.index_cast %select_n3A : i32 to index
          %get3A_277 = arith.index_cast %mul3A_179 : i32 to index
          %get3A_278 = tpu.vector_load %arg10[%get3A_275, %get3A_276, %get3A_277] {strides = array<i32>} : memref<24x8x224xf32, #tpu.memory_space<vmem>>, vector<1x1x16xf32>,
          %get3A_279 = vector.shape_cast %get3A_278 : vector<1x1x16xf32> to vector<16xf32>
          %get3A_280 = arith.constant 3 : i32
          %get3A_281 = arith.index_cast %get3A_280 : i32 to index
          %get3A_282 = arith.constant 0 : index
          %get3A_283 = tpu.vector_load %arg13[%get3A_281, %get3A_282] {strides = array<i32>} : memref<24x16xf32, #tpu.memory_space<vmem>>, vector<1x16xf32>,
          %get3A_284 = vector.shape_cast %get3A_283 : vector<1x16xf32> to vector<16xf32>
          %sub3A_285 = arith.subf %get3A_279, %get3A_284 : vector<16xf32>
          %mul3A_286 = arith.mulf %get3A_273, %sub3A_285 : vector<16xf32>
          %add3A_287 = arith.addf %add3A_263, %mul3A_286 : vector<16xf32>
          %mul3A_288 = arith.mulf %get3A_273, %get3A_273 : vector<16xf32>
          %add3A_289 = arith.addf %add3A_265, %mul3A_288 : vector<16xf32>
          %mul3A_290 = arith.mulf %sub3A_285, %sub3A_285 : vector<16xf32>
          %add3A_291 = arith.addf %add3A_267, %mul3A_290 : vector<16xf32>
          %get3A_292 = arith.constant 4 : i32
          %get3A_293 = arith.index_cast %get3A_292 : i32 to index
          %get3A_294 = arith.index_cast %select_n3A : i32 to index
          %get3A_295 = arith.index_cast %mul3A_179 : i32 to index
          %get3A_296 = tpu.vector_load %arg9[%get3A_293, %get3A_294, %get3A_295] {strides = array<i32>} : memref<24x8x224xf32, #tpu.memory_space<vmem>>, vector<1x1x16xf32>,
          %get3A_297 = vector.shape_cast %get3A_296 : vector<1x1x16xf32> to vector<16xf32>
          %get3A_298 = arith.constant 4 : i32
          %get3A_299 = arith.index_cast %get3A_298 : i32 to index
          %get3A_300 = arith.index_cast %select_n3A : i32 to index
          %get3A_301 = arith.index_cast %mul3A_179 : i32 to index
          %get3A_302 = tpu.vector_load %arg10[%get3A_299, %get3A_300, %get3A_301] {strides = array<i32>} : memref<24x8x224xf32, #tpu.memory_space<vmem>>, vector<1x1x16xf32>,
          %get3A_303 = vector.shape_cast %get3A_302 : vector<1x1x16xf32> to vector<16xf32>
          %get3A_304 = arith.constant 4 : i32
          %get3A_305 = arith.index_cast %get3A_304 : i32 to index
          %get3A_306 = arith.constant 0 : index
          %get3A_307 = tpu.vector_load %arg13[%get3A_305, %get3A_306] {strides = array<i32>} : memref<24x16xf32, #tpu.memory_space<vmem>>, vector<1x16xf32>,
          %get3A_308 = vector.shape_cast %get3A_307 : vector<1x16xf32> to vector<16xf32>
          %sub3A_309 = arith.subf %get3A_303, %get3A_308 : vector<16xf32>
          %mul3A_310 = arith.mulf %get3A_297, %sub3A_309 : vector<16xf32>
          %add3A_311 = arith.addf %add3A_287, %mul3A_310 : vector<16xf32>
          %mul3A_312 = arith.mulf %get3A_297, %get3A_297 : vector<16xf32>
          %add3A_313 = arith.addf %add3A_289, %mul3A_312 : vector<16xf32>
          %mul3A_314 = arith.mulf %sub3A_309, %sub3A_309 : vector<16xf32>
          %add3A_315 = arith.addf %add3A_291, %mul3A_314 : vector<16xf32>
          %get3A_316 = arith.constant 5 : i32
          %get3A_317 = arith.index_cast %get3A_316 : i32 to index
          %get3A_318 = arith.index_cast %select_n3A : i32 to index
          %get3A_319 = arith.index_cast %mul3A_179 : i32 to index
          %get3A_320 = tpu.vector_load %arg9[%get3A_317, %get3A_318, %get3A_319] {strides = array<i32>} : memref<24x8x224xf32, #tpu.memory_space<vmem>>, vector<1x1x16xf32>,
          %get3A_321 = vector.shape_cast %get3A_320 : vector<1x1x16xf32> to vector<16xf32>
          %get3A_322 = arith.constant 5 : i32
          %get3A_323 = arith.index_cast %get3A_322 : i32 to index
          %get3A_324 = arith.index_cast %select_n3A : i32 to index
          %get3A_325 = arith.index_cast %mul3A_179 : i32 to index
          %get3A_326 = tpu.vector_load %arg10[%get3A_323, %get3A_324, %get3A_325] {strides = array<i32>} : memref<24x8x224xf32, #tpu.memory_space<vmem>>, vector<1x1x16xf32>,
          %get3A_327 = vector.shape_cast %get3A_326 : vector<1x1x16xf32> to vector<16xf32>
          %get3A_328 = arith.constant 5 : i32
          %get3A_329 = arith.index_cast %get3A_328 : i32 to index
          %get3A_330 = arith.constant 0 : index
          %get3A_331 = tpu.vector_load %arg13[%get3A_329, %get3A_330] {strides = array<i32>} : memref<24x16xf32, #tpu.memory_space<vmem>>, vector<1x16xf32>,
          %get3A_332 = vector.shape_cast %get3A_331 : vector<1x16xf32> to vector<16xf32>
          %sub3A_333 = arith.subf %get3A_327, %get3A_332 : vector<16xf32>
          %mul3A_334 = arith.mulf %get3A_321, %sub3A_333 : vector<16xf32>
          %add3A_335 = arith.addf %add3A_311, %mul3A_334 : vector<16xf32>
          %mul3A_336 = arith.mulf %get3A_321, %get3A_321 : vector<16xf32>
          %add3A_337 = arith.addf %add3A_313, %mul3A_336 : vector<16xf32>
          %mul3A_338 = arith.mulf %sub3A_333, %sub3A_333 : vector<16xf32>
          %add3A_339 = arith.addf %add3A_315, %mul3A_338 : vector<16xf32>
          %get3A_340 = arith.constant 6 : i32
          %get3A_341 = arith.index_cast %get3A_340 : i32 to index
          %get3A_342 = arith.index_cast %select_n3A : i32 to index
          %get3A_343 = arith.index_cast %mul3A_179 : i32 to index
          %get3A_344 = tpu.vector_load %arg9[%get3A_341, %get3A_342, %get3A_343] {strides = array<i32>} : memref<24x8x224xf32, #tpu.memory_space<vmem>>, vector<1x1x16xf32>,
          %get3A_345 = vector.shape_cast %get3A_344 : vector<1x1x16xf32> to vector<16xf32>
          %get3A_346 = arith.constant 6 : i32
          %get3A_347 = arith.index_cast %get3A_346 : i32 to index
          %get3A_348 = arith.index_cast %select_n3A : i32 to index
          %get3A_349 = arith.index_cast %mul3A_179 : i32 to index
          %get3A_350 = tpu.vector_load %arg10[%get3A_347, %get3A_348, %get3A_349] {strides = array<i32>} : memref<24x8x224xf32, #tpu.memory_space<vmem>>, vector<1x1x16xf32>,
          %get3A_351 = vector.shape_cast %get3A_350 : vector<1x1x16xf32> to vector<16xf32>
          %get3A_352 = arith.constant 6 : i32
          %get3A_353 = arith.index_cast %get3A_352 : i32 to index
          %get3A_354 = arith.constant 0 : index
          %get3A_355 = tpu.vector_load %arg13[%get3A_353, %get3A_354] {strides = array<i32>} : memref<24x16xf32, #tpu.memory_space<vmem>>, vector<1x16xf32>,
          %get3A_356 = vector.shape_cast %get3A_355 : vector<1x16xf32> to vector<16xf32>
          %sub3A_357 = arith.subf %get3A_351, %get3A_356 : vector<16xf32>
          %mul3A_358 = arith.mulf %get3A_345, %sub3A_357 : vector<16xf32>
          %add3A_359 = arith.addf %add3A_335, %mul3A_358 : vector<16xf32>
          %mul3A_360 = arith.mulf %get3A_345, %get3A_345 : vector<16xf32>
          %add3A_361 = arith.addf %add3A_337, %mul3A_360 : vector<16xf32>
          %mul3A_362 = arith.mulf %sub3A_357, %sub3A_357 : vector<16xf32>
          %add3A_363 = arith.addf %add3A_339, %mul3A_362 : vector<16xf32>
          %get3A_364 = arith.constant 7 : i32
          %get3A_365 = arith.index_cast %get3A_364 : i32 to index
          %get3A_366 = arith.index_cast %select_n3A : i32 to index
          %get3A_367 = arith.index_cast %mul3A_179 : i32 to index
          %get3A_368 = tpu.vector_load %arg9[%get3A_365, %get3A_366, %get3A_367] {strides = array<i32>} : memref<24x8x224xf32, #tpu.memory_space<vmem>>, vector<1x1x16xf32>,
          %get3A_369 = vector.shape_cast %get3A_368 : vector<1x1x16xf32> to vector<16xf32>
          %get3A_370 = arith.constant 7 : i32
          %get3A_371 = arith.index_cast %get3A_370 : i32 to index
          %get3A_372 = arith.index_cast %select_n3A : i32 to index
          %get3A_373 = arith.index_cast %mul3A_179 : i32 to index
          %get3A_374 = tpu.vector_load %arg10[%get3A_371, %get3A_372, %get3A_373] {strides = array<i32>} : memref<24x8x224xf32, #tpu.memory_space<vmem>>, vector<1x1x16xf32>,
          %get3A_375 = vector.shape_cast %get3A_374 : vector<1x1x16xf32> to vector<16xf32>
          %get3A_376 = arith.constant 7 : i32
          %get3A_377 = arith.index_cast %get3A_376 : i32 to index
          %get3A_378 = arith.constant 0 : index
          %get3A_379 = tpu.vector_load %arg13[%get3A_377, %get3A_378] {strides = array<i32>} : memref<24x16xf32, #tpu.memory_space<vmem>>, vector<1x16xf32>,
          %get3A_380 = vector.shape_cast %get3A_379 : vector<1x16xf32> to vector<16xf32>
          %sub3A_381 = arith.subf %get3A_375, %get3A_380 : vector<16xf32>
          %mul3A_382 = arith.mulf %get3A_369, %sub3A_381 : vector<16xf32>
          %add3A_383 = arith.addf %add3A_359, %mul3A_382 : vector<16xf32>
          %mul3A_384 = arith.mulf %get3A_369, %get3A_369 : vector<16xf32>
          %add3A_385 = arith.addf %add3A_361, %mul3A_384 : vector<16xf32>
          %mul3A_386 = arith.mulf %sub3A_381, %sub3A_381 : vector<16xf32>
          %add3A_387 = arith.addf %add3A_363, %mul3A_386 : vector<16xf32>
          %get3A_388 = arith.constant 8 : i32
          %get3A_389 = arith.index_cast %get3A_388 : i32 to index
          %get3A_390 = arith.index_cast %select_n3A : i32 to index
          %get3A_391 = arith.index_cast %mul3A_179 : i32 to index
          %get3A_392 = tpu.vector_load %arg9[%get3A_389, %get3A_390, %get3A_391] {strides = array<i32>} : memref<24x8x224xf32, #tpu.memory_space<vmem>>, vector<1x1x16xf32>,
          %get3A_393 = vector.shape_cast %get3A_392 : vector<1x1x16xf32> to vector<16xf32>
          %get3A_394 = arith.constant 8 : i32
          %get3A_395 = arith.index_cast %get3A_394 : i32 to index
          %get3A_396 = arith.index_cast %select_n3A : i32 to index
          %get3A_397 = arith.index_cast %mul3A_179 : i32 to index
          %get3A_398 = tpu.vector_load %arg10[%get3A_395, %get3A_396, %get3A_397] {strides = array<i32>} : memref<24x8x224xf32, #tpu.memory_space<vmem>>, vector<1x1x16xf32>,
          %get3A_399 = vector.shape_cast %get3A_398 : vector<1x1x16xf32> to vector<16xf32>
          %get3A_400 = arith.constant 8 : i32
          %get3A_401 = arith.index_cast %get3A_400 : i32 to index
          %get3A_402 = arith.constant 0 : index
          %get3A_403 = tpu.vector_load %arg13[%get3A_401, %get3A_402] {strides = array<i32>} : memref<24x16xf32, #tpu.memory_space<vmem>>, vector<1x16xf32>,
          %get3A_404 = vector.shape_cast %get3A_403 : vector<1x16xf32> to vector<16xf32>
          %sub3A_405 = arith.subf %get3A_399, %get3A_404 : vector<16xf32>
          %mul3A_406 = arith.mulf %get3A_393, %sub3A_405 : vector<16xf32>
          %add3A_407 = arith.addf %add3A_383, %mul3A_406 : vector<16xf32>
          %mul3A_408 = arith.mulf %get3A_393, %get3A_393 : vector<16xf32>
          %add3A_409 = arith.addf %add3A_385, %mul3A_408 : vector<16xf32>
          %mul3A_410 = arith.mulf %sub3A_405, %sub3A_405 : vector<16xf32>
          %add3A_411 = arith.addf %add3A_387, %mul3A_410 : vector<16xf32>
          %get3A_412 = arith.constant 9 : i32
          %get3A_413 = arith.index_cast %get3A_412 : i32 to index
          %get3A_414 = arith.index_cast %select_n3A : i32 to index
          %get3A_415 = arith.index_cast %mul3A_179 : i32 to index
          %get3A_416 = tpu.vector_load %arg9[%get3A_413, %get3A_414, %get3A_415] {strides = array<i32>} : memref<24x8x224xf32, #tpu.memory_space<vmem>>, vector<1x1x16xf32>,
          %get3A_417 = vector.shape_cast %get3A_416 : vector<1x1x16xf32> to vector<16xf32>
          %get3A_418 = arith.constant 9 : i32
          %get3A_419 = arith.index_cast %get3A_418 : i32 to index
          %get3A_420 = arith.index_cast %select_n3A : i32 to index
          %get3A_421 = arith.index_cast %mul3A_179 : i32 to index
          %get3A_422 = tpu.vector_load %arg10[%get3A_419, %get3A_420, %get3A_421] {strides = array<i32>} : memref<24x8x224xf32, #tpu.memory_space<vmem>>, vector<1x1x16xf32>,
          %get3A_423 = vector.shape_cast %get3A_422 : vector<1x1x16xf32> to vector<16xf32>
          %get3A_424 = arith.constant 9 : i32
          %get3A_425 = arith.index_cast %get3A_424 : i32 to index
          %get3A_426 = arith.constant 0 : index
          %get3A_427 = tpu.vector_load %arg13[%get3A_425, %get3A_426] {strides = array<i32>} : memref<24x16xf32, #tpu.memory_space<vmem>>, vector<1x16xf32>,
          %get3A_428 = vector.shape_cast %get3A_427 : vector<1x16xf32> to vector<16xf32>
          %sub3A_429 = arith.subf %get3A_423, %get3A_428 : vector<16xf32>
          %mul3A_430 = arith.mulf %get3A_417, %sub3A_429 : vector<16xf32>
          %add3A_431 = arith.addf %add3A_407, %mul3A_430 : vector<16xf32>
          %mul3A_432 = arith.mulf %get3A_417, %get3A_417 : vector<16xf32>
          %add3A_433 = arith.addf %add3A_409, %mul3A_432 : vector<16xf32>
          %mul3A_434 = arith.mulf %sub3A_429, %sub3A_429 : vector<16xf32>
          %add3A_435 = arith.addf %add3A_411, %mul3A_434 : vector<16xf32>
          %get3A_436 = arith.constant 10 : i32
          %get3A_437 = arith.index_cast %get3A_436 : i32 to index
          %get3A_438 = arith.index_cast %select_n3A : i32 to index
          %get3A_439 = arith.index_cast %mul3A_179 : i32 to index
          %get3A_440 = tpu.vector_load %arg9[%get3A_437, %get3A_438, %get3A_439] {strides = array<i32>} : memref<24x8x224xf32, #tpu.memory_space<vmem>>, vector<1x1x16xf32>,
          %get3A_441 = vector.shape_cast %get3A_440 : vector<1x1x16xf32> to vector<16xf32>
          %get3A_442 = arith.constant 10 : i32
          %get3A_443 = arith.index_cast %get3A_442 : i32 to index
          %get3A_444 = arith.index_cast %select_n3A : i32 to index
          %get3A_445 = arith.index_cast %mul3A_179 : i32 to index
          %get3A_446 = tpu.vector_load %arg10[%get3A_443, %get3A_444, %get3A_445] {strides = array<i32>} : memref<24x8x224xf32, #tpu.memory_space<vmem>>, vector<1x1x16xf32>,
          %get3A_447 = vector.shape_cast %get3A_446 : vector<1x1x16xf32> to vector<16xf32>
          %get3A_448 = arith.constant 10 : i32
          %get3A_449 = arith.index_cast %get3A_448 : i32 to index
          %get3A_450 = arith.constant 0 : index
          %get3A_451 = tpu.vector_load %arg13[%get3A_449, %get3A_450] {strides = array<i32>} : memref<24x16xf32, #tpu.memory_space<vmem>>, vector<1x16xf32>,
          %get3A_452 = vector.shape_cast %get3A_451 : vector<1x16xf32> to vector<16xf32>
          %sub3A_453 = arith.subf %get3A_447, %get3A_452 : vector<16xf32>
          %mul3A_454 = arith.mulf %get3A_441, %sub3A_453 : vector<16xf32>
          %add3A_455 = arith.addf %add3A_431, %mul3A_454 : vector<16xf32>
          %mul3A_456 = arith.mulf %get3A_441, %get3A_441 : vector<16xf32>
          %add3A_457 = arith.addf %add3A_433, %mul3A_456 : vector<16xf32>
          %mul3A_458 = arith.mulf %sub3A_453, %sub3A_453 : vector<16xf32>
          %add3A_459 = arith.addf %add3A_435, %mul3A_458 : vector<16xf32>
          %get3A_460 = arith.constant 11 : i32
          %get3A_461 = arith.index_cast %get3A_460 : i32 to index
          %get3A_462 = arith.index_cast %select_n3A : i32 to index
          %get3A_463 = arith.index_cast %mul3A_179 : i32 to index
          %get3A_464 = tpu.vector_load %arg9[%get3A_461, %get3A_462, %get3A_463] {strides = array<i32>} : memref<24x8x224xf32, #tpu.memory_space<vmem>>, vector<1x1x16xf32>,
          %get3A_465 = vector.shape_cast %get3A_464 : vector<1x1x16xf32> to vector<16xf32>
          %get3A_466 = arith.constant 11 : i32
          %get3A_467 = arith.index_cast %get3A_466 : i32 to index
          %get3A_468 = arith.index_cast %select_n3A : i32 to index
          %get3A_469 = arith.index_cast %mul3A_179 : i32 to index
          %get3A_470 = tpu.vector_load %arg10[%get3A_467, %get3A_468, %get3A_469] {strides = array<i32>} : memref<24x8x224xf32, #tpu.memory_space<vmem>>, vector<1x1x16xf32>,
          %get3A_471 = vector.shape_cast %get3A_470 : vector<1x1x16xf32> to vector<16xf32>
          %get3A_472 = arith.constant 11 : i32
          %get3A_473 = arith.index_cast %get3A_472 : i32 to index
          %get3A_474 = arith.constant 0 : index
          %get3A_475 = tpu.vector_load %arg13[%get3A_473, %get3A_474] {strides = array<i32>} : memref<24x16xf32, #tpu.memory_space<vmem>>, vector<1x16xf32>,
          %get3A_476 = vector.shape_cast %get3A_475 : vector<1x16xf32> to vector<16xf32>
          %sub3A_477 = arith.subf %get3A_471, %get3A_476 : vector<16xf32>
          %mul3A_478 = arith.mulf %get3A_465, %sub3A_477 : vector<16xf32>
          %add3A_479 = arith.addf %add3A_455, %mul3A_478 : vector<16xf32>
          %mul3A_480 = arith.mulf %get3A_465, %get3A_465 : vector<16xf32>
          %add3A_481 = arith.addf %add3A_457, %mul3A_480 : vector<16xf32>
          %mul3A_482 = arith.mulf %sub3A_477, %sub3A_477 : vector<16xf32>
          %add3A_483 = arith.addf %add3A_459, %mul3A_482 : vector<16xf32>
          %get3A_484 = arith.constant 12 : i32
          %get3A_485 = arith.index_cast %get3A_484 : i32 to index
          %get3A_486 = arith.index_cast %select_n3A : i32 to index
          %get3A_487 = arith.index_cast %mul3A_179 : i32 to index
          %get3A_488 = tpu.vector_load %arg9[%get3A_485, %get3A_486, %get3A_487] {strides = array<i32>} : memref<24x8x224xf32, #tpu.memory_space<vmem>>, vector<1x1x16xf32>,
          %get3A_489 = vector.shape_cast %get3A_488 : vector<1x1x16xf32> to vector<16xf32>
          %get3A_490 = arith.constant 12 : i32
          %get3A_491 = arith.index_cast %get3A_490 : i32 to index
          %get3A_492 = arith.index_cast %select_n3A : i32 to index
          %get3A_493 = arith.index_cast %mul3A_179 : i32 to index
          %get3A_494 = tpu.vector_load %arg10[%get3A_491, %get3A_492, %get3A_493] {strides = array<i32>} : memref<24x8x224xf32, #tpu.memory_space<vmem>>, vector<1x1x16xf32>,
          %get3A_495 = vector.shape_cast %get3A_494 : vector<1x1x16xf32> to vector<16xf32>
          %get3A_496 = arith.constant 12 : i32
          %get3A_497 = arith.index_cast %get3A_496 : i32 to index
          %get3A_498 = arith.constant 0 : index
          %get3A_499 = tpu.vector_load %arg13[%get3A_497, %get3A_498] {strides = array<i32>} : memref<24x16xf32, #tpu.memory_space<vmem>>, vector<1x16xf32>,
          %get3A_500 = vector.shape_cast %get3A_499 : vector<1x16xf32> to vector<16xf32>
          %sub3A_501 = arith.subf %get3A_495, %get3A_500 : vector<16xf32>
          %mul3A_502 = arith.mulf %get3A_489, %sub3A_501 : vector<16xf32>
          %add3A_503 = arith.addf %add3A_479, %mul3A_502 : vector<16xf32>
          %mul3A_504 = arith.mulf %get3A_489, %get3A_489 : vector<16xf32>
          %add3A_505 = arith.addf %add3A_481, %mul3A_504 : vector<16xf32>
          %mul3A_506 = arith.mulf %sub3A_501, %sub3A_501 : vector<16xf32>
          %add3A_507 = arith.addf %add3A_483, %mul3A_506 : vector<16xf32>
          %get3A_508 = arith.constant 13 : i32
          %get3A_509 = arith.index_cast %get3A_508 : i32 to index
          %get3A_510 = arith.index_cast %select_n3A : i32 to index
          %get3A_511 = arith.index_cast %mul3A_179 : i32 to index
          %get3A_512 = tpu.vector_load %arg9[%get3A_509, %get3A_510, %get3A_511] {strides = array<i32>} : memref<24x8x224xf32, #tpu.memory_space<vmem>>, vector<1x1x16xf32>,
          %get3A_513 = vector.shape_cast %get3A_512 : vector<1x1x16xf32> to vector<16xf32>
          %get3A_514 = arith.constant 13 : i32
          %get3A_515 = arith.index_cast %get3A_514 : i32 to index
          %get3A_516 = arith.index_cast %select_n3A : i32 to index
          %get3A_517 = arith.index_cast %mul3A_179 : i32 to index
          %get3A_518 = tpu.vector_load %arg10[%get3A_515, %get3A_516, %get3A_517] {strides = array<i32>} : memref<24x8x224xf32, #tpu.memory_space<vmem>>, vector<1x1x16xf32>,
          %get3A_519 = vector.shape_cast %get3A_518 : vector<1x1x16xf32> to vector<16xf32>
          %get3A_520 = arith.constant 13 : i32
          %get3A_521 = arith.index_cast %get3A_520 : i32 to index
          %get3A_522 = arith.constant 0 : index
          %get3A_523 = tpu.vector_load %arg13[%get3A_521, %get3A_522] {strides = array<i32>} : memref<24x16xf32, #tpu.memory_space<vmem>>, vector<1x16xf32>,
          %get3A_524 = vector.shape_cast %get3A_523 : vector<1x16xf32> to vector<16xf32>
          %sub3A_525 = arith.subf %get3A_519, %get3A_524 : vector<16xf32>
          %mul3A_526 = arith.mulf %get3A_513, %sub3A_525 : vector<16xf32>
          %add3A_527 = arith.addf %add3A_503, %mul3A_526 : vector<16xf32>
          %mul3A_528 = arith.mulf %get3A_513, %get3A_513 : vector<16xf32>
          %add3A_529 = arith.addf %add3A_505, %mul3A_528 : vector<16xf32>
          %mul3A_530 = arith.mulf %sub3A_525, %sub3A_525 : vector<16xf32>
          %add3A_531 = arith.addf %add3A_507, %mul3A_530 : vector<16xf32>
          %get3A_532 = arith.constant 14 : i32
          %get3A_533 = arith.index_cast %get3A_532 : i32 to index
          %get3A_534 = arith.index_cast %select_n3A : i32 to index
          %get3A_535 = arith.index_cast %mul3A_179 : i32 to index
          %get3A_536 = tpu.vector_load %arg9[%get3A_533, %get3A_534, %get3A_535] {strides = array<i32>} : memref<24x8x224xf32, #tpu.memory_space<vmem>>, vector<1x1x16xf32>,
          %get3A_537 = vector.shape_cast %get3A_536 : vector<1x1x16xf32> to vector<16xf32>
          %get3A_538 = arith.constant 14 : i32
          %get3A_539 = arith.index_cast %get3A_538 : i32 to index
          %get3A_540 = arith.index_cast %select_n3A : i32 to index
          %get3A_541 = arith.index_cast %mul3A_179 : i32 to index
          %get3A_542 = tpu.vector_load %arg10[%get3A_539, %get3A_540, %get3A_541] {strides = array<i32>} : memref<24x8x224xf32, #tpu.memory_space<vmem>>, vector<1x1x16xf32>,
          %get3A_543 = vector.shape_cast %get3A_542 : vector<1x1x16xf32> to vector<16xf32>
          %get3A_544 = arith.constant 14 : i32
          %get3A_545 = arith.index_cast %get3A_544 : i32 to index
          %get3A_546 = arith.constant 0 : index
          %get3A_547 = tpu.vector_load %arg13[%get3A_545, %get3A_546] {strides = array<i32>} : memref<24x16xf32, #tpu.memory_space<vmem>>, vector<1x16xf32>,
          %get3A_548 = vector.shape_cast %get3A_547 : vector<1x16xf32> to vector<16xf32>
          %sub3A_549 = arith.subf %get3A_543, %get3A_548 : vector<16xf32>
          %mul3A_550 = arith.mulf %get3A_537, %sub3A_549 : vector<16xf32>
          %add3A_551 = arith.addf %add3A_527, %mul3A_550 : vector<16xf32>
          %mul3A_552 = arith.mulf %get3A_537, %get3A_537 : vector<16xf32>
          %add3A_553 = arith.addf %add3A_529, %mul3A_552 : vector<16xf32>
          %mul3A_554 = arith.mulf %sub3A_549, %sub3A_549 : vector<16xf32>
          %add3A_555 = arith.addf %add3A_531, %mul3A_554 : vector<16xf32>
          %get3A_556 = arith.constant 15 : i32
          %get3A_557 = arith.index_cast %get3A_556 : i32 to index
          %get3A_558 = arith.index_cast %select_n3A : i32 to index
          %get3A_559 = arith.index_cast %mul3A_179 : i32 to index
          %get3A_560 = tpu.vector_load %arg9[%get3A_557, %get3A_558, %get3A_559] {strides = array<i32>} : memref<24x8x224xf32, #tpu.memory_space<vmem>>, vector<1x1x16xf32>,
          %get3A_561 = vector.shape_cast %get3A_560 : vector<1x1x16xf32> to vector<16xf32>
          %get3A_562 = arith.constant 15 : i32
          %get3A_563 = arith.index_cast %get3A_562 : i32 to index
          %get3A_564 = arith.index_cast %select_n3A : i32 to index
          %get3A_565 = arith.index_cast %mul3A_179 : i32 to index
          %get3A_566 = tpu.vector_load %arg10[%get3A_563, %get3A_564, %get3A_565] {strides = array<i32>} : memref<24x8x224xf32, #tpu.memory_space<vmem>>, vector<1x1x16xf32>,
          %get3A_567 = vector.shape_cast %get3A_566 : vector<1x1x16xf32> to vector<16xf32>
          %get3A_568 = arith.constant 15 : i32
          %get3A_569 = arith.index_cast %get3A_568 : i32 to index
          %get3A_570 = arith.constant 0 : index
          %get3A_571 = tpu.vector_load %arg13[%get3A_569, %get3A_570] {strides = array<i32>} : memref<24x16xf32, #tpu.memory_space<vmem>>, vector<1x16xf32>,
          %get3A_572 = vector.shape_cast %get3A_571 : vector<1x16xf32> to vector<16xf32>
          %sub3A_573 = arith.subf %get3A_567, %get3A_572 : vector<16xf32>
          %mul3A_574 = arith.mulf %get3A_561, %sub3A_573 : vector<16xf32>
          %add3A_575 = arith.addf %add3A_551, %mul3A_574 : vector<16xf32>
          %mul3A_576 = arith.mulf %get3A_561, %get3A_561 : vector<16xf32>
          %add3A_577 = arith.addf %add3A_553, %mul3A_576 : vector<16xf32>
          %mul3A_578 = arith.mulf %sub3A_573, %sub3A_573 : vector<16xf32>
          %add3A_579 = arith.addf %add3A_555, %mul3A_578 : vector<16xf32>
          %get3A_580 = arith.constant 16 : i32
          %get3A_581 = arith.index_cast %get3A_580 : i32 to index
          %get3A_582 = arith.index_cast %select_n3A : i32 to index
          %get3A_583 = arith.index_cast %mul3A_179 : i32 to index
          %get3A_584 = tpu.vector_load %arg9[%get3A_581, %get3A_582, %get3A_583] {strides = array<i32>} : memref<24x8x224xf32, #tpu.memory_space<vmem>>, vector<1x1x16xf32>,
          %get3A_585 = vector.shape_cast %get3A_584 : vector<1x1x16xf32> to vector<16xf32>
          %get3A_586 = arith.constant 16 : i32
          %get3A_587 = arith.index_cast %get3A_586 : i32 to index
          %get3A_588 = arith.index_cast %select_n3A : i32 to index
          %get3A_589 = arith.index_cast %mul3A_179 : i32 to index
          %get3A_590 = tpu.vector_load %arg10[%get3A_587, %get3A_588, %get3A_589] {strides = array<i32>} : memref<24x8x224xf32, #tpu.memory_space<vmem>>, vector<1x1x16xf32>,
          %get3A_591 = vector.shape_cast %get3A_590 : vector<1x1x16xf32> to vector<16xf32>
          %get3A_592 = arith.constant 16 : i32
          %get3A_593 = arith.index_cast %get3A_592 : i32 to index
          %get3A_594 = arith.constant 0 : index
          %get3A_595 = tpu.vector_load %arg13[%get3A_593, %get3A_594] {strides = array<i32>} : memref<24x16xf32, #tpu.memory_space<vmem>>, vector<1x16xf32>,
          %get3A_596 = vector.shape_cast %get3A_595 : vector<1x16xf32> to vector<16xf32>
          %sub3A_597 = arith.subf %get3A_591, %get3A_596 : vector<16xf32>
          %mul3A_598 = arith.mulf %get3A_585, %sub3A_597 : vector<16xf32>
          %add3A_599 = arith.addf %add3A_575, %mul3A_598 : vector<16xf32>
          %mul3A_600 = arith.mulf %get3A_585, %get3A_585 : vector<16xf32>
          %add3A_601 = arith.addf %add3A_577, %mul3A_600 : vector<16xf32>
          %mul3A_602 = arith.mulf %sub3A_597, %sub3A_597 : vector<16xf32>
          %add3A_603 = arith.addf %add3A_579, %mul3A_602 : vector<16xf32>
          %get3A_604 = arith.constant 17 : i32
          %get3A_605 = arith.index_cast %get3A_604 : i32 to index
          %get3A_606 = arith.index_cast %select_n3A : i32 to index
          %get3A_607 = arith.index_cast %mul3A_179 : i32 to index
          %get3A_608 = tpu.vector_load %arg9[%get3A_605, %get3A_606, %get3A_607] {strides = array<i32>} : memref<24x8x224xf32, #tpu.memory_space<vmem>>, vector<1x1x16xf32>,
          %get3A_609 = vector.shape_cast %get3A_608 : vector<1x1x16xf32> to vector<16xf32>
          %get3A_610 = arith.constant 17 : i32
          %get3A_611 = arith.index_cast %get3A_610 : i32 to index
          %get3A_612 = arith.index_cast %select_n3A : i32 to index
          %get3A_613 = arith.index_cast %mul3A_179 : i32 to index
          %get3A_614 = tpu.vector_load %arg10[%get3A_611, %get3A_612, %get3A_613] {strides = array<i32>} : memref<24x8x224xf32, #tpu.memory_space<vmem>>, vector<1x1x16xf32>,
          %get3A_615 = vector.shape_cast %get3A_614 : vector<1x1x16xf32> to vector<16xf32>
          %get3A_616 = arith.constant 17 : i32
          %get3A_617 = arith.index_cast %get3A_616 : i32 to index
          %get3A_618 = arith.constant 0 : index
          %get3A_619 = tpu.vector_load %arg13[%get3A_617, %get3A_618] {strides = array<i32>} : memref<24x16xf32, #tpu.memory_space<vmem>>, vector<1x16xf32>,
          %get3A_620 = vector.shape_cast %get3A_619 : vector<1x16xf32> to vector<16xf32>
          %sub3A_621 = arith.subf %get3A_615, %get3A_620 : vector<16xf32>
          %mul3A_622 = arith.mulf %get3A_609, %sub3A_621 : vector<16xf32>
          %add3A_623 = arith.addf %add3A_599, %mul3A_622 : vector<16xf32>
          %mul3A_624 = arith.mulf %get3A_609, %get3A_609 : vector<16xf32>
          %add3A_625 = arith.addf %add3A_601, %mul3A_624 : vector<16xf32>
          %mul3A_626 = arith.mulf %sub3A_621, %sub3A_621 : vector<16xf32>
          %add3A_627 = arith.addf %add3A_603, %mul3A_626 : vector<16xf32>
          %get3A_628 = arith.constant 18 : i32
          %get3A_629 = arith.index_cast %get3A_628 : i32 to index
          %get3A_630 = arith.index_cast %select_n3A : i32 to index
          %get3A_631 = arith.index_cast %mul3A_179 : i32 to index
          %get3A_632 = tpu.vector_load %arg9[%get3A_629, %get3A_630, %get3A_631] {strides = array<i32>} : memref<24x8x224xf32, #tpu.memory_space<vmem>>, vector<1x1x16xf32>,
          %get3A_633 = vector.shape_cast %get3A_632 : vector<1x1x16xf32> to vector<16xf32>
          %get3A_634 = arith.constant 18 : i32
          %get3A_635 = arith.index_cast %get3A_634 : i32 to index
          %get3A_636 = arith.index_cast %select_n3A : i32 to index
          %get3A_637 = arith.index_cast %mul3A_179 : i32 to index
          %get3A_638 = tpu.vector_load %arg10[%get3A_635, %get3A_636, %get3A_637] {strides = array<i32>} : memref<24x8x224xf32, #tpu.memory_space<vmem>>, vector<1x1x16xf32>,
          %get3A_639 = vector.shape_cast %get3A_638 : vector<1x1x16xf32> to vector<16xf32>
          %get3A_640 = arith.constant 18 : i32
          %get3A_641 = arith.index_cast %get3A_640 : i32 to index
          %get3A_642 = arith.constant 0 : index
          %get3A_643 = tpu.vector_load %arg13[%get3A_641, %get3A_642] {strides = array<i32>} : memref<24x16xf32, #tpu.memory_space<vmem>>, vector<1x16xf32>,
          %get3A_644 = vector.shape_cast %get3A_643 : vector<1x16xf32> to vector<16xf32>
          %sub3A_645 = arith.subf %get3A_639, %get3A_644 : vector<16xf32>
          %mul3A_646 = arith.mulf %get3A_633, %sub3A_645 : vector<16xf32>
          %add3A_647 = arith.addf %add3A_623, %mul3A_646 : vector<16xf32>
          %mul3A_648 = arith.mulf %get3A_633, %get3A_633 : vector<16xf32>
          %add3A_649 = arith.addf %add3A_625, %mul3A_648 : vector<16xf32>
          %mul3A_650 = arith.mulf %sub3A_645, %sub3A_645 : vector<16xf32>
          %add3A_651 = arith.addf %add3A_627, %mul3A_650 : vector<16xf32>
          %get3A_652 = arith.constant 19 : i32
          %get3A_653 = arith.index_cast %get3A_652 : i32 to index
          %get3A_654 = arith.index_cast %select_n3A : i32 to index
          %get3A_655 = arith.index_cast %mul3A_179 : i32 to index
          %get3A_656 = tpu.vector_load %arg9[%get3A_653, %get3A_654, %get3A_655] {strides = array<i32>} : memref<24x8x224xf32, #tpu.memory_space<vmem>>, vector<1x1x16xf32>,
          %get3A_657 = vector.shape_cast %get3A_656 : vector<1x1x16xf32> to vector<16xf32>
          %get3A_658 = arith.constant 19 : i32
          %get3A_659 = arith.index_cast %get3A_658 : i32 to index
          %get3A_660 = arith.index_cast %select_n3A : i32 to index
          %get3A_661 = arith.index_cast %mul3A_179 : i32 to index
          %get3A_662 = tpu.vector_load %arg10[%get3A_659, %get3A_660, %get3A_661] {strides = array<i32>} : memref<24x8x224xf32, #tpu.memory_space<vmem>>, vector<1x1x16xf32>,
          %get3A_663 = vector.shape_cast %get3A_662 : vector<1x1x16xf32> to vector<16xf32>
          %get3A_664 = arith.constant 19 : i32
          %get3A_665 = arith.index_cast %get3A_664 : i32 to index
          %get3A_666 = arith.constant 0 : index
          %get3A_667 = tpu.vector_load %arg13[%get3A_665, %get3A_666] {strides = array<i32>} : memref<24x16xf32, #tpu.memory_space<vmem>>, vector<1x16xf32>,
          %get3A_668 = vector.shape_cast %get3A_667 : vector<1x16xf32> to vector<16xf32>
          %sub3A_669 = arith.subf %get3A_663, %get3A_668 : vector<16xf32>
          %mul3A_670 = arith.mulf %get3A_657, %sub3A_669 : vector<16xf32>
          %add3A_671 = arith.addf %add3A_647, %mul3A_670 : vector<16xf32>
          %mul3A_672 = arith.mulf %get3A_657, %get3A_657 : vector<16xf32>
          %add3A_673 = arith.addf %add3A_649, %mul3A_672 : vector<16xf32>
          %mul3A_674 = arith.mulf %sub3A_669, %sub3A_669 : vector<16xf32>
          %add3A_675 = arith.addf %add3A_651, %mul3A_674 : vector<16xf32>
          %get3A_676 = arith.constant 20 : i32
          %get3A_677 = arith.index_cast %get3A_676 : i32 to index
          %get3A_678 = arith.index_cast %select_n3A : i32 to index
          %get3A_679 = arith.index_cast %mul3A_179 : i32 to index
          %get3A_680 = tpu.vector_load %arg9[%get3A_677, %get3A_678, %get3A_679] {strides = array<i32>} : memref<24x8x224xf32, #tpu.memory_space<vmem>>, vector<1x1x16xf32>,
          %get3A_681 = vector.shape_cast %get3A_680 : vector<1x1x16xf32> to vector<16xf32>
          %get3A_682 = arith.constant 20 : i32
          %get3A_683 = arith.index_cast %get3A_682 : i32 to index
          %get3A_684 = arith.index_cast %select_n3A : i32 to index
          %get3A_685 = arith.index_cast %mul3A_179 : i32 to index
          %get3A_686 = tpu.vector_load %arg10[%get3A_683, %get3A_684, %get3A_685] {strides = array<i32>} : memref<24x8x224xf32, #tpu.memory_space<vmem>>, vector<1x1x16xf32>,
          %get3A_687 = vector.shape_cast %get3A_686 : vector<1x1x16xf32> to vector<16xf32>
          %get3A_688 = arith.constant 20 : i32
          %get3A_689 = arith.index_cast %get3A_688 : i32 to index
          %get3A_690 = arith.constant 0 : index
          %get3A_691 = tpu.vector_load %arg13[%get3A_689, %get3A_690] {strides = array<i32>} : memref<24x16xf32, #tpu.memory_space<vmem>>, vector<1x16xf32>,
          %get3A_692 = vector.shape_cast %get3A_691 : vector<1x16xf32> to vector<16xf32>
          %sub3A_693 = arith.subf %get3A_687, %get3A_692 : vector<16xf32>
          %mul3A_694 = arith.mulf %get3A_681, %sub3A_693 : vector<16xf32>
          %add3A_695 = arith.addf %add3A_671, %mul3A_694 : vector<16xf32>
          %mul3A_696 = arith.mulf %get3A_681, %get3A_681 : vector<16xf32>
          %add3A_697 = arith.addf %add3A_673, %mul3A_696 : vector<16xf32>
          %mul3A_698 = arith.mulf %sub3A_693, %sub3A_693 : vector<16xf32>
          %add3A_699 = arith.addf %add3A_675, %mul3A_698 : vector<16xf32>
          %get3A_700 = arith.constant 21 : i32
          %get3A_701 = arith.index_cast %get3A_700 : i32 to index
          %get3A_702 = arith.index_cast %select_n3A : i32 to index
          %get3A_703 = arith.index_cast %mul3A_179 : i32 to index
          %get3A_704 = tpu.vector_load %arg9[%get3A_701, %get3A_702, %get3A_703] {strides = array<i32>} : memref<24x8x224xf32, #tpu.memory_space<vmem>>, vector<1x1x16xf32>,
          %get3A_705 = vector.shape_cast %get3A_704 : vector<1x1x16xf32> to vector<16xf32>
          %get3A_706 = arith.constant 21 : i32
          %get3A_707 = arith.index_cast %get3A_706 : i32 to index
          %get3A_708 = arith.index_cast %select_n3A : i32 to index
          %get3A_709 = arith.index_cast %mul3A_179 : i32 to index
          %get3A_710 = tpu.vector_load %arg10[%get3A_707, %get3A_708, %get3A_709] {strides = array<i32>} : memref<24x8x224xf32, #tpu.memory_space<vmem>>, vector<1x1x16xf32>,
          %get3A_711 = vector.shape_cast %get3A_710 : vector<1x1x16xf32> to vector<16xf32>
          %get3A_712 = arith.constant 21 : i32
          %get3A_713 = arith.index_cast %get3A_712 : i32 to index
          %get3A_714 = arith.constant 0 : index
          %get3A_715 = tpu.vector_load %arg13[%get3A_713, %get3A_714] {strides = array<i32>} : memref<24x16xf32, #tpu.memory_space<vmem>>, vector<1x16xf32>,
          %get3A_716 = vector.shape_cast %get3A_715 : vector<1x16xf32> to vector<16xf32>
          %sub3A_717 = arith.subf %get3A_711, %get3A_716 : vector<16xf32>
          %mul3A_718 = arith.mulf %get3A_705, %sub3A_717 : vector<16xf32>
          %add3A_719 = arith.addf %add3A_695, %mul3A_718 : vector<16xf32>
          %mul3A_720 = arith.mulf %get3A_705, %get3A_705 : vector<16xf32>
          %add3A_721 = arith.addf %add3A_697, %mul3A_720 : vector<16xf32>
          %mul3A_722 = arith.mulf %sub3A_717, %sub3A_717 : vector<16xf32>
          %add3A_723 = arith.addf %add3A_699, %mul3A_722 : vector<16xf32>
          %get3A_724 = arith.constant 22 : i32
          %get3A_725 = arith.index_cast %get3A_724 : i32 to index
          %get3A_726 = arith.index_cast %select_n3A : i32 to index
          %get3A_727 = arith.index_cast %mul3A_179 : i32 to index
          %get3A_728 = tpu.vector_load %arg9[%get3A_725, %get3A_726, %get3A_727] {strides = array<i32>} : memref<24x8x224xf32, #tpu.memory_space<vmem>>, vector<1x1x16xf32>,
          %get3A_729 = vector.shape_cast %get3A_728 : vector<1x1x16xf32> to vector<16xf32>
          %get3A_730 = arith.constant 22 : i32
          %get3A_731 = arith.index_cast %get3A_730 : i32 to index
          %get3A_732 = arith.index_cast %select_n3A : i32 to index
          %get3A_733 = arith.index_cast %mul3A_179 : i32 to index
          %get3A_734 = tpu.vector_load %arg10[%get3A_731, %get3A_732, %get3A_733] {strides = array<i32>} : memref<24x8x224xf32, #tpu.memory_space<vmem>>, vector<1x1x16xf32>,
          %get3A_735 = vector.shape_cast %get3A_734 : vector<1x1x16xf32> to vector<16xf32>
          %get3A_736 = arith.constant 22 : i32
          %get3A_737 = arith.index_cast %get3A_736 : i32 to index
          %get3A_738 = arith.constant 0 : index
          %get3A_739 = tpu.vector_load %arg13[%get3A_737, %get3A_738] {strides = array<i32>} : memref<24x16xf32, #tpu.memory_space<vmem>>, vector<1x16xf32>,
          %get3A_740 = vector.shape_cast %get3A_739 : vector<1x16xf32> to vector<16xf32>
          %sub3A_741 = arith.subf %get3A_735, %get3A_740 : vector<16xf32>
          %mul3A_742 = arith.mulf %get3A_729, %sub3A_741 : vector<16xf32>
          %add3A_743 = arith.addf %add3A_719, %mul3A_742 : vector<16xf32>
          %mul3A_744 = arith.mulf %get3A_729, %get3A_729 : vector<16xf32>
          %add3A_745 = arith.addf %add3A_721, %mul3A_744 : vector<16xf32>
          %mul3A_746 = arith.mulf %sub3A_741, %sub3A_741 : vector<16xf32>
          %add3A_747 = arith.addf %add3A_723, %mul3A_746 : vector<16xf32>
          %get3A_748 = arith.constant 23 : i32
          %get3A_749 = arith.index_cast %get3A_748 : i32 to index
          %get3A_750 = arith.index_cast %select_n3A : i32 to index
          %get3A_751 = arith.index_cast %mul3A_179 : i32 to index
          %get3A_752 = tpu.vector_load %arg9[%get3A_749, %get3A_750, %get3A_751] {strides = array<i32>} : memref<24x8x224xf32, #tpu.memory_space<vmem>>, vector<1x1x16xf32>,
          %get3A_753 = vector.shape_cast %get3A_752 : vector<1x1x16xf32> to vector<16xf32>
          %get3A_754 = arith.constant 23 : i32
          %get3A_755 = arith.index_cast %get3A_754 : i32 to index
          %get3A_756 = arith.index_cast %select_n3A : i32 to index
          %get3A_757 = arith.index_cast %mul3A_179 : i32 to index
          %get3A_758 = tpu.vector_load %arg10[%get3A_755, %get3A_756, %get3A_757] {strides = array<i32>} : memref<24x8x224xf32, #tpu.memory_space<vmem>>, vector<1x1x16xf32>,
          %get3A_759 = vector.shape_cast %get3A_758 : vector<1x1x16xf32> to vector<16xf32>
          %get3A_760 = arith.constant 23 : i32
          %get3A_761 = arith.index_cast %get3A_760 : i32 to index
          %get3A_762 = arith.constant 0 : index
          %get3A_763 = tpu.vector_load %arg13[%get3A_761, %get3A_762] {strides = array<i32>} : memref<24x16xf32, #tpu.memory_space<vmem>>, vector<1x16xf32>,
          %get3A_764 = vector.shape_cast %get3A_763 : vector<1x16xf32> to vector<16xf32>
          %sub3A_765 = arith.subf %get3A_759, %get3A_764 : vector<16xf32>
          %mul3A_766 = arith.mulf %get3A_753, %sub3A_765 : vector<16xf32>
          %add3A_767 = arith.addf %add3A_743, %mul3A_766 : vector<16xf32>
          %mul3A_768 = arith.mulf %get3A_753, %get3A_753 : vector<16xf32>
          %add3A_769 = arith.addf %add3A_745, %mul3A_768 : vector<16xf32>
          %mul3A_770 = arith.mulf %sub3A_765, %sub3A_765 : vector<16xf32>
          %add3A_771 = arith.addf %add3A_747, %mul3A_770 : vector<16xf32>
          %swap3A_772 = arith.index_cast %select_n3A : i32 to index
          %swap3A_773 = arith.index_cast %mul3A_179 : i32 to index
          %swap3A_774 = tpu.vector_load %arg14[%swap3A_772, %swap3A_773] {strides = array<i32>} : memref<8x224xf32, #tpu.memory_space<vmem>>, vector<1x16xf32>,
          %swap3A_775 = vector.shape_cast %swap3A_774 : vector<1x16xf32> to vector<16xf32>
          %swap3A_776 = vector.shape_cast %add3A_767 : vector<16xf32> to vector<1x16xf32>
          tpu.vector_store %arg14[%swap3A_772, %swap3A_773], %swap3A_776 {strides = array<i32>} : memref<8x224xf32, #tpu.memory_space<vmem>>, vector<1x16xf32>,
          %swap3A_777 = arith.index_cast %select_n3A : i32 to index
          %swap3A_778 = arith.index_cast %mul3A_179 : i32 to index
          %swap3A_779 = tpu.vector_load %arg15[%swap3A_777, %swap3A_778] {strides = array<i32>} : memref<8x224xf32, #tpu.memory_space<vmem>>, vector<1x16xf32>,
          %swap3A_780 = vector.shape_cast %swap3A_779 : vector<1x16xf32> to vector<16xf32>
          %swap3A_781 = vector.shape_cast %add3A_769 : vector<16xf32> to vector<1x16xf32>
          tpu.vector_store %arg15[%swap3A_777, %swap3A_778], %swap3A_781 {strides = array<i32>} : memref<8x224xf32, #tpu.memory_space<vmem>>, vector<1x16xf32>,
          %swap3A_782 = arith.index_cast %select_n3A : i32 to index
          %swap3A_783 = arith.index_cast %mul3A_179 : i32 to index
          %swap3A_784 = tpu.vector_load %arg16[%swap3A_782, %swap3A_783] {strides = array<i32>} : memref<8x224xf32, #tpu.memory_space<vmem>>, vector<1x16xf32>,
          %swap3A_785 = vector.shape_cast %swap3A_784 : vector<1x16xf32> to vector<16xf32>
          %swap3A_786 = vector.shape_cast %add3A_771 : vector<16xf32> to vector<1x16xf32>
          tpu.vector_store %arg16[%swap3A_782, %swap3A_783], %swap3A_786 {strides = array<i32>} : memref<8x224xf32, #tpu.memory_space<vmem>>, vector<1x16xf32>,
          %scan3A_787 = arith.constant 0 : i32
          scf.yield %scan3A_787 : i32
        }
        %scan3A_142 = arith.constant 112 : i32
        %scan3A_143 = arith.constant 0 : i32
        scf.yield %scan3A_143 : i32
      }
      %scan3A_16 = arith.constant 8 : i32
      %broadcast_in_dim3A = arith.constant 0.000000e+00 : f32
      %broadcast_in_dim3A_17 = vector.broadcast %broadcast_in_dim3A : f32 to vector<16xf32>
      %scan3A_18 = arith.constant 0 : i32
      %scan3A_19 = arith.constant 112 : i32
      %scan3A_20 = arith.addi %scan3A_18, %scan3A_19 : i32
      %scan3A_21 = arith.constant 1 : i32
      %scan3A_22:2 = scf.for %scan3A_125 = %scan3A_18 to %scan3A_20 step %scan3A_21 iter_args(%scan3A_126 = %broadcast_in_dim3A_17, %scan3A_127 = %broadcast_in_dim3A_17) -> (vector<16xf32>, vector<16xf32>)  : i32 {
        %jit3A = arith.constant 14 : i32
        %div3A = arith.divsi %scan3A_125, %jit3A : i32
        %sign3A = arith.constant 0 : i32
        %sign3A_128 = arith.cmpi sgt, %scan3A_125, %sign3A : i32
        %sign3A_129 = arith.extui %sign3A_128 : i1 to i32
        %sign3A_130 = arith.constant 0 : i32
        %sign3A_131 = arith.cmpi slt, %scan3A_125, %sign3A_130 : i32
        %sign3A_132 = arith.extui %sign3A_131 : i1 to i32
        %sign3A_133 = arith.subi %sign3A_129, %sign3A_132 : i32
        %sign3A_134 = arith.constant 0 : i32
        %sign3A_135 = arith.cmpi sgt, %jit3A, %sign3A_134 : i32
        %sign3A_136 = arith.extui %sign3A_135 : i1 to i32
        %sign3A_137 = arith.constant 0 : i32
        %sign3A_138 = arith.cmpi slt, %jit3A, %sign3A_137 : i32
        %sign3A_139 = arith.extui %sign3A_138 : i1 to i32
        %sign3A_140 = arith.subi %sign3A_136, %sign3A_139 : i32
        %ne3A = arith.cmpi ne, %sign3A_133, %sign3A_140 : i32
        %rem3A = arith.remsi %scan3A_125, %jit3A : i32
        %ne3A_141 = arith.constant 0 : i32
        %ne3A_142 = arith.cmpi ne, %rem3A, %ne3A_141 : i32
        %and3A = arith.andi %ne3A, %ne3A_142 : i1
        %sub3A = arith.constant 1 : i32
        %sub3A_143 = arith.subi %div3A, %sub3A : i32
        %select_n3A = arith.select %and3A, %sub3A_143, %div3A : i32
        %jit3A_144 = arith.constant 14 : i32
        %eq3A = arith.constant 0 : i32
        %eq3A_145 = arith.cmpi eq, %jit3A_144, %eq3A : i32
        %jit3A_146 = arith.constant 1 : i32
        %select_n3A_147 = arith.select %eq3A_145, %jit3A_146, %jit3A_144 : i32
        %rem3A_148 = arith.remsi %scan3A_125, %select_n3A_147 : i32
        %ne3A_149 = arith.constant 0 : i32
        %ne3A_150 = arith.cmpi ne, %rem3A_148, %ne3A_149 : i32
        %lt3A_151 = arith.constant 0 : i32
        %lt3A_152 = arith.cmpi slt, %rem3A_148, %lt3A_151 : i32
        %lt3A_153 = arith.constant 0 : i32
        %lt3A_154 = arith.cmpi slt, %select_n3A_147, %lt3A_153 : i32
        %ne3A_155 = arith.xori %lt3A_152, %lt3A_154 : i1
        %and3A_156 = arith.andi %ne3A_155, %ne3A_150 : i1
        %add3A_157 = arith.addi %rem3A_148, %select_n3A_147 : i32
        %select_n3A_158 = arith.select %and3A_156, %add3A_157, %rem3A_148 : i32
        %mul3A_159 = arith.constant 16 : i32
        %mul3A_160 = arith.muli %select_n3A_158, %mul3A_159 : i32
        %get3A = arith.index_cast %select_n3A : i32 to index
        %get3A_161 = arith.index_cast %mul3A_160 : i32 to index
        %get3A_162 = tpu.vector_load %arg14[%get3A, %get3A_161] {strides = array<i32>} : memref<8x224xf32, #tpu.memory_space<vmem>>, vector<1x16xf32>,
        %get3A_163 = vector.shape_cast %get3A_162 : vector<1x16xf32> to vector<16xf32>
        %get3A_164 = arith.index_cast %select_n3A : i32 to index
        %get3A_165 = arith.index_cast %mul3A_160 : i32 to index
        %get3A_166 = tpu.vector_load %arg15[%get3A_164, %get3A_165] {strides = array<i32>} : memref<8x224xf32, #tpu.memory_space<vmem>>, vector<1x16xf32>,
        %get3A_167 = vector.shape_cast %get3A_166 : vector<1x16xf32> to vector<16xf32>
        %get3A_168 = arith.index_cast %select_n3A : i32 to index
        %get3A_169 = arith.index_cast %mul3A_160 : i32 to index
        %get3A_170 = tpu.vector_load %arg16[%get3A_168, %get3A_169] {strides = array<i32>} : memref<8x224xf32, #tpu.memory_space<vmem>>, vector<1x16xf32>,
        %get3A_171 = vector.shape_cast %get3A_170 : vector<1x16xf32> to vector<16xf32>
        %max3A = arith.constant 1.000000e-16 : f32
        %max3A_172 = vector.broadcast %max3A : f32 to vector<16xf32>
        %max3A_173 = arith.maximumf %get3A_167, %max3A_172 : vector<16xf32>
        %bitcast_convert_type3A = tpu.bitcast %max3A_173 : vector<16xf32> -> vector<16xi32>
        %shift_right_arithmetic3A = arith.constant 1 : i32
        %shift_right_arithmetic3A_174 = vector.broadcast %shift_right_arithmetic3A : i32 to vector<16xi32>
        %shift_right_arithmetic3A_175 = arith.shrsi %bitcast_convert_type3A, %shift_right_arithmetic3A_174 : vector<16xi32>
        %sub3A_176 = arith.constant 1597463007 : i32
        %sub3A_177 = vector.broadcast %sub3A_176 : i32 to vector<16xi32>
        %sub3A_178 = arith.subi %sub3A_177, %shift_right_arithmetic3A_175 : vector<16xi32>
        %bitcast_convert_type3A_179 = tpu.bitcast %sub3A_178 : vector<16xi32> -> vector<16xf32>
        %mul3A_180 = arith.constant 5.000000e-01 : f32
        %mul3A_181 = vector.broadcast %mul3A_180 : f32 to vector<16xf32>
        %mul3A_182 = arith.mulf %mul3A_181, %max3A_173 : vector<16xf32>
        %mul3A_183 = arith.mulf %mul3A_182, %bitcast_convert_type3A_179 : vector<16xf32>
        %mul3A_184 = arith.mulf %mul3A_183, %bitcast_convert_type3A_179 : vector<16xf32>
        %sub3A_185 = arith.constant 1.500000e+00 : f32
        %sub3A_186 = vector.broadcast %sub3A_185 : f32 to vector<16xf32>
        %sub3A_187 = arith.subf %sub3A_186, %mul3A_184 : vector<16xf32>
        %mul3A_188 = arith.mulf %bitcast_convert_type3A_179, %sub3A_187 : vector<16xf32>
        %mul3A_189 = arith.constant 5.000000e-01 : f32
        %mul3A_190 = vector.broadcast %mul3A_189 : f32 to vector<16xf32>
        %mul3A_191 = arith.mulf %mul3A_190, %max3A_173 : vector<16xf32>
        %mul3A_192 = arith.mulf %mul3A_191, %mul3A_188 : vector<16xf32>
        %mul3A_193 = arith.mulf %mul3A_192, %mul3A_188 : vector<16xf32>
        %sub3A_194 = arith.constant 1.500000e+00 : f32
        %sub3A_195 = vector.broadcast %sub3A_194 : f32 to vector<16xf32>
        %sub3A_196 = arith.subf %sub3A_195, %mul3A_193 : vector<16xf32>
        %mul3A_197 = arith.mulf %mul3A_188, %sub3A_196 : vector<16xf32>
        %mul3A_198 = arith.constant 5.000000e-01 : f32
        %mul3A_199 = vector.broadcast %mul3A_198 : f32 to vector<16xf32>
        %mul3A_200 = arith.mulf %mul3A_199, %max3A_173 : vector<16xf32>
        %mul3A_201 = arith.mulf %mul3A_200, %mul3A_197 : vector<16xf32>
        %mul3A_202 = arith.mulf %mul3A_201, %mul3A_197 : vector<16xf32>
        %sub3A_203 = arith.constant 1.500000e+00 : f32
        %sub3A_204 = vector.broadcast %sub3A_203 : f32 to vector<16xf32>
        %sub3A_205 = arith.subf %sub3A_204, %mul3A_202 : vector<16xf32>
        %mul3A_206 = arith.mulf %mul3A_197, %sub3A_205 : vector<16xf32>
        %max3A_207 = arith.constant 1.000000e-16 : f32
        %max3A_208 = vector.broadcast %max3A_207 : f32 to vector<16xf32>
        %max3A_209 = arith.maximumf %get3A_171, %max3A_208 : vector<16xf32>
        %bitcast_convert_type3A_210 = tpu.bitcast %max3A_209 : vector<16xf32> -> vector<16xi32>
        %shift_right_arithmetic3A_211 = arith.constant 1 : i32
        %shift_right_arithmetic3A_212 = vector.broadcast %shift_right_arithmetic3A_211 : i32 to vector<16xi32>
        %shift_right_arithmetic3A_213 = arith.shrsi %bitcast_convert_type3A_210, %shift_right_arithmetic3A_212 : vector<16xi32>
        %sub3A_214 = arith.constant 1597463007 : i32
        %sub3A_215 = vector.broadcast %sub3A_214 : i32 to vector<16xi32>
        %sub3A_216 = arith.subi %sub3A_215, %shift_right_arithmetic3A_213 : vector<16xi32>
        %bitcast_convert_type3A_217 = tpu.bitcast %sub3A_216 : vector<16xi32> -> vector<16xf32>
        %mul3A_218 = arith.constant 5.000000e-01 : f32
        %mul3A_219 = vector.broadcast %mul3A_218 : f32 to vector<16xf32>
        %mul3A_220 = arith.mulf %mul3A_219, %max3A_209 : vector<16xf32>
        %mul3A_221 = arith.mulf %mul3A_220, %bitcast_convert_type3A_217 : vector<16xf32>
        %mul3A_222 = arith.mulf %mul3A_221, %bitcast_convert_type3A_217 : vector<16xf32>
        %sub3A_223 = arith.constant 1.500000e+00 : f32
        %sub3A_224 = vector.broadcast %sub3A_223 : f32 to vector<16xf32>
        %sub3A_225 = arith.subf %sub3A_224, %mul3A_222 : vector<16xf32>
        %mul3A_226 = arith.mulf %bitcast_convert_type3A_217, %sub3A_225 : vector<16xf32>
        %mul3A_227 = arith.constant 5.000000e-01 : f32
        %mul3A_228 = vector.broadcast %mul3A_227 : f32 to vector<16xf32>
        %mul3A_229 = arith.mulf %mul3A_228, %max3A_209 : vector<16xf32>
        %mul3A_230 = arith.mulf %mul3A_229, %mul3A_226 : vector<16xf32>
        %mul3A_231 = arith.mulf %mul3A_230, %mul3A_226 : vector<16xf32>
        %sub3A_232 = arith.constant 1.500000e+00 : f32
        %sub3A_233 = vector.broadcast %sub3A_232 : f32 to vector<16xf32>
        %sub3A_234 = arith.subf %sub3A_233, %mul3A_231 : vector<16xf32>
        %mul3A_235 = arith.mulf %mul3A_226, %sub3A_234 : vector<16xf32>
        %mul3A_236 = arith.constant 5.000000e-01 : f32
        %mul3A_237 = vector.broadcast %mul3A_236 : f32 to vector<16xf32>
        %mul3A_238 = arith.mulf %mul3A_237, %max3A_209 : vector<16xf32>
        %mul3A_239 = arith.mulf %mul3A_238, %mul3A_235 : vector<16xf32>
        %mul3A_240 = arith.mulf %mul3A_239, %mul3A_235 : vector<16xf32>
        %sub3A_241 = arith.constant 1.500000e+00 : f32
        %sub3A_242 = vector.broadcast %sub3A_241 : f32 to vector<16xf32>
        %sub3A_243 = arith.subf %sub3A_242, %mul3A_240 : vector<16xf32>
        %mul3A_244 = arith.mulf %mul3A_235, %sub3A_243 : vector<16xf32>
        %mul3A_245 = arith.mulf %mul3A_206, %mul3A_244 : vector<16xf32>
        %mul3A_246 = arith.mulf %get3A_163, %mul3A_245 : vector<16xf32>
        %sub3A_247 = arith.constant 1.000000e+00 : f32
        %sub3A_248 = vector.broadcast %sub3A_247 : f32 to vector<16xf32>
        %sub3A_249 = arith.subf %sub3A_248, %mul3A_246 : vector<16xf32>
        %get3A_250 = arith.index_cast %select_n3A : i32 to index
        %get3A_251 = arith.index_cast %mul3A_160 : i32 to index
        %get3A_252 = tpu.vector_load %arg11[%get3A_250, %get3A_251] {strides = array<i32>} : memref<8x224xf32, #tpu.memory_space<vmem>>, vector<1x16xf32>,
        %get3A_253 = vector.shape_cast %get3A_252 : vector<1x16xf32> to vector<16xf32>
        %get3A_254 = arith.index_cast %select_n3A : i32 to index
        %get3A_255 = arith.index_cast %mul3A_160 : i32 to index
        %get3A_256 = tpu.vector_load %arg12[%get3A_254, %get3A_255] {strides = array<i32>} : memref<8x224xf32, #tpu.memory_space<vmem>>, vector<1x16xf32>,
        %get3A_257 = vector.shape_cast %get3A_256 : vector<1x16xf32> to vector<16xf32>
        %ne3A_258 = arith.constant 0.000000e+00 : f32
        %ne3A_259 = vector.broadcast %ne3A_258 : f32 to vector<16xf32>
        %ne3A_260 = arith.cmpf one, %get3A_253, %ne3A_259 : vector<16xf32>
        %eq3A_261 = arith.constant 0.000000e+00 : f32
        %eq3A_262 = vector.broadcast %eq3A_261 : f32 to vector<16xf32>
        %eq3A_263 = arith.cmpf oeq, %get3A_257, %eq3A_262 : vector<16xf32>
        %and3A_264 = arith.andi %ne3A_260, %eq3A_263 : vector<16xi1>
        %jit3A_265 = arith.constant 1.000000e+00 : f32
        %jit3A_266 = arith.constant 0.000000e+00 : f32
        %broadcast_in_dim3A_267 = vector.broadcast %jit3A_265 : f32 to vector<16xf32>
        %broadcast_in_dim3A_268 = vector.broadcast %jit3A_266 : f32 to vector<16xf32>
        %select_n3A_269 = arith.select %and3A_264, %broadcast_in_dim3A_267, %broadcast_in_dim3A_268 : vector<16xi1>, vector<16xf32>
        %mul3A_270 = arith.mulf %sub3A_249, %select_n3A_269 : vector<16xf32>
        %add3A_271 = arith.addf %scan3A_126, %mul3A_270 : vector<16xf32>
        %add3A_272 = arith.addf %scan3A_127, %select_n3A_269 : vector<16xf32>
        scf.yield %add3A_271, %add3A_272 : vector<16xf32>, vector<16xf32>
      }
      %scan3A_23 = arith.constant 112 : i32
      %swap3A = arith.constant 0 : i32
      %swap3A_24 = arith.index_cast %swap3A : i32 to index
      %swap3A_25 = arith.constant 0 : index
      %swap3A_26 = tpu.vector_load %arg17[%swap3A_24, %swap3A_25] {strides = array<i32>} : memref<4x16xf32, #tpu.memory_space<vmem>>, vector<1x16xf32>,
      %swap3A_27 = vector.shape_cast %swap3A_26 : vector<1x16xf32> to vector<16xf32>
      %swap3A_28 = vector.shape_cast %scan3A_22#0 : vector<16xf32> to vector<1x16xf32>
      tpu.vector_store %arg17[%swap3A_24, %swap3A_25], %swap3A_28 {strides = array<i32>} : memref<4x16xf32, #tpu.memory_space<vmem>>, vector<1x16xf32>,
      %swap3A_29 = arith.constant 0 : i32
      %swap3A_30 = arith.index_cast %swap3A_29 : i32 to index
      %swap3A_31 = arith.constant 0 : index
      %swap3A_32 = tpu.vector_load %arg18[%swap3A_30, %swap3A_31] {strides = array<i32>} : memref<4x16xf32, #tpu.memory_space<vmem>>, vector<1x16xf32>,
      %swap3A_33 = vector.shape_cast %swap3A_32 : vector<1x16xf32> to vector<16xf32>
      %swap3A_34 = vector.shape_cast %scan3A_22#1 : vector<16xf32> to vector<1x16xf32>
      tpu.vector_store %arg18[%swap3A_30, %swap3A_31], %swap3A_34 {strides = array<i32>} : memref<4x16xf32, #tpu.memory_space<vmem>>, vector<1x16xf32>,
      %run_scoped3A_35 = arith.constant 1 : i32
      %run_scoped3A_36 = arith.constant 0 : i32
      "tpu.region"() ({
        %run_scoped3A_125 = tpu.sem_alloc : memref<!tpu.dma_semaphore, #tpu.memory_space<semaphore_mem>>
        %dma_start3A = arith.constant 0 : i32
        %dma_start3A_126 = tpu.memref_slice %arg4[%run_scoped3A_35, %run_scoped3A_36, %mul3A_2, %dma_start3A] : memref<4x1x224x224xf32, #tpu.memory_space<hbm>> -> memref<1x1x8x224xf32, #tpu.memory_space<hbm>>
        %dma_start3A_127 = tpu.memref_squeeze %dma_start3A_126 : memref<1x1x8x224xf32, #tpu.memory_space<hbm>> -> memref<8x224xf32, #tpu.memory_space<hbm>>
        %dma_start3A_128 = arith.constant 0 : i32
        %dma_start3A_129 = tpu.memref_slice %arg4[%run_scoped3A_35, %run_scoped3A_36, %mul3A_2, %dma_start3A_128] : memref<4x1x224x224xf32, #tpu.memory_space<hbm>> -> memref<1x1x8x224xf32, #tpu.memory_space<hbm>>
        %dma_start3A_130 = tpu.memref_squeeze %dma_start3A_129 : memref<1x1x8x224xf32, #tpu.memory_space<hbm>> -> memref<8x224xf32, #tpu.memory_space<hbm>>
        tpu.enqueue_dma source(%dma_start3A_130 : memref<8x224xf32, #tpu.memory_space<hbm>>) target(%arg11 : memref<8x224xf32, #tpu.memory_space<vmem>>) target_semaphore(%run_scoped3A_125 : memref<!tpu.dma_semaphore, #tpu.memory_space<semaphore_mem>>)
        %dma_wait3A = arith.constant 0 : i32
        %dma_wait3A_131 = tpu.memref_slice %arg4[%run_scoped3A_35, %run_scoped3A_36, %mul3A_2, %dma_wait3A] : memref<4x1x224x224xf32, #tpu.memory_space<hbm>> -> memref<1x1x8x224xf32, #tpu.memory_space<hbm>>
        %dma_wait3A_132 = tpu.memref_squeeze %dma_wait3A_131 : memref<1x1x8x224xf32, #tpu.memory_space<hbm>> -> memref<8x224xf32, #tpu.memory_space<hbm>>
        %dma_wait3A_133 = arith.constant 0 : i32
        %dma_wait3A_134 = tpu.memref_slice %arg4[%run_scoped3A_35, %run_scoped3A_36, %mul3A_2, %dma_wait3A_133] : memref<4x1x224x224xf32, #tpu.memory_space<hbm>> -> memref<1x1x8x224xf32, #tpu.memory_space<hbm>>
        %dma_wait3A_135 = tpu.memref_squeeze %dma_wait3A_134 : memref<1x1x8x224xf32, #tpu.memory_space<hbm>> -> memref<8x224xf32, #tpu.memory_space<hbm>>
        tpu.wait_dma2 semaphore(%run_scoped3A_125 : memref<!tpu.dma_semaphore, #tpu.memory_space<semaphore_mem>>) src(%dma_wait3A_135 : memref<8x224xf32, #tpu.memory_space<hbm>>) dst(%arg11 : memref<8x224xf32, #tpu.memory_space<vmem>>)
        tpu.yield
      }) : () -> ()
      %run_scoped3A_37 = arith.constant 1 : i32
      "tpu.region"() ({
        %run_scoped3A_125 = tpu.sem_alloc : memref<!tpu.dma_semaphore, #tpu.memory_space<semaphore_mem>>
        %dma_start3A = arith.constant 0 : i32
        %dma_start3A_126 = tpu.memref_slice %arg5[%run_scoped3A_37, %mul3A_2, %dma_start3A] : memref<4x224x224xf32, #tpu.memory_space<hbm>> -> memref<1x8x224xf32, #tpu.memory_space<hbm>>
        %dma_start3A_127 = tpu.memref_squeeze %dma_start3A_126 : memref<1x8x224xf32, #tpu.memory_space<hbm>> -> memref<8x224xf32, #tpu.memory_space<hbm>>
        %dma_start3A_128 = arith.constant 0 : i32
        %dma_start3A_129 = tpu.memref_slice %arg5[%run_scoped3A_37, %mul3A_2, %dma_start3A_128] : memref<4x224x224xf32, #tpu.memory_space<hbm>> -> memref<1x8x224xf32, #tpu.memory_space<hbm>>
        %dma_start3A_130 = tpu.memref_squeeze %dma_start3A_129 : memref<1x8x224xf32, #tpu.memory_space<hbm>> -> memref<8x224xf32, #tpu.memory_space<hbm>>
        tpu.enqueue_dma source(%dma_start3A_130 : memref<8x224xf32, #tpu.memory_space<hbm>>) target(%arg12 : memref<8x224xf32, #tpu.memory_space<vmem>>) target_semaphore(%run_scoped3A_125 : memref<!tpu.dma_semaphore, #tpu.memory_space<semaphore_mem>>)
        %dma_wait3A = arith.constant 0 : i32
        %dma_wait3A_131 = tpu.memref_slice %arg5[%run_scoped3A_37, %mul3A_2, %dma_wait3A] : memref<4x224x224xf32, #tpu.memory_space<hbm>> -> memref<1x8x224xf32, #tpu.memory_space<hbm>>
        %dma_wait3A_132 = tpu.memref_squeeze %dma_wait3A_131 : memref<1x8x224xf32, #tpu.memory_space<hbm>> -> memref<8x224xf32, #tpu.memory_space<hbm>>
        %dma_wait3A_133 = arith.constant 0 : i32
        %dma_wait3A_134 = tpu.memref_slice %arg5[%run_scoped3A_37, %mul3A_2, %dma_wait3A_133] : memref<4x224x224xf32, #tpu.memory_space<hbm>> -> memref<1x8x224xf32, #tpu.memory_space<hbm>>
        %dma_wait3A_135 = tpu.memref_squeeze %dma_wait3A_134 : memref<1x8x224xf32, #tpu.memory_space<hbm>> -> memref<8x224xf32, #tpu.memory_space<hbm>>
        tpu.wait_dma2 semaphore(%run_scoped3A_125 : memref<!tpu.dma_semaphore, #tpu.memory_space<semaphore_mem>>) src(%dma_wait3A_135 : memref<8x224xf32, #tpu.memory_space<hbm>>) dst(%arg12 : memref<8x224xf32, #tpu.memory_space<vmem>>)
        tpu.yield
      }) : () -> ()
      %scan3A_38 = arith.constant 0 : i32
      %scan3A_39 = arith.constant 0 : i32
      %scan3A_40 = arith.constant 8 : i32
      %scan3A_41 = arith.addi %scan3A_39, %scan3A_40 : i32
      %scan3A_42 = arith.constant 1 : i32
      %scan3A_43 = scf.for %scan3A_125 = %scan3A_39 to %scan3A_41 step %scan3A_42 iter_args(%scan3A_126 = %scan3A_38) -> (i32)  : i32 {
        %mul3A_127 = arith.constant 24 : i32
        %mul3A_128 = arith.muli %scan3A_125, %mul3A_127 : i32
        %run_scoped3A_129 = arith.constant 1 : i32
        "tpu.region"() ({
          %run_scoped3A_144 = tpu.sem_alloc : memref<!tpu.dma_semaphore, #tpu.memory_space<semaphore_mem>>
          %dma_start3A = arith.constant 0 : i32
          %dma_start3A_145 = tpu.memref_slice %arg2[%run_scoped3A_129, %mul3A_128, %mul3A_2, %dma_start3A] : memref<4x192x224x224xf32, #tpu.memory_space<hbm>> -> memref<1x24x8x224xf32, #tpu.memory_space<hbm>>
          %dma_start3A_146 = tpu.memref_squeeze %dma_start3A_145 : memref<1x24x8x224xf32, #tpu.memory_space<hbm>> -> memref<24x8x224xf32, #tpu.memory_space<hbm>>
          %dma_start3A_147 = arith.constant 0 : i32
          %dma_start3A_148 = tpu.memref_slice %arg2[%run_scoped3A_129, %mul3A_128, %mul3A_2, %dma_start3A_147] : memref<4x192x224x224xf32, #tpu.memory_space<hbm>> -> memref<1x24x8x224xf32, #tpu.memory_space<hbm>>
          %dma_start3A_149 = tpu.memref_squeeze %dma_start3A_148 : memref<1x24x8x224xf32, #tpu.memory_space<hbm>> -> memref<24x8x224xf32, #tpu.memory_space<hbm>>
          tpu.enqueue_dma source(%dma_start3A_149 : memref<24x8x224xf32, #tpu.memory_space<hbm>>) target(%arg9 : memref<24x8x224xf32, #tpu.memory_space<vmem>>) target_semaphore(%run_scoped3A_144 : memref<!tpu.dma_semaphore, #tpu.memory_space<semaphore_mem>>)
          %dma_wait3A = arith.constant 0 : i32
          %dma_wait3A_150 = tpu.memref_slice %arg2[%run_scoped3A_129, %mul3A_128, %mul3A_2, %dma_wait3A] : memref<4x192x224x224xf32, #tpu.memory_space<hbm>> -> memref<1x24x8x224xf32, #tpu.memory_space<hbm>>
          %dma_wait3A_151 = tpu.memref_squeeze %dma_wait3A_150 : memref<1x24x8x224xf32, #tpu.memory_space<hbm>> -> memref<24x8x224xf32, #tpu.memory_space<hbm>>
          %dma_wait3A_152 = arith.constant 0 : i32
          %dma_wait3A_153 = tpu.memref_slice %arg2[%run_scoped3A_129, %mul3A_128, %mul3A_2, %dma_wait3A_152] : memref<4x192x224x224xf32, #tpu.memory_space<hbm>> -> memref<1x24x8x224xf32, #tpu.memory_space<hbm>>
          %dma_wait3A_154 = tpu.memref_squeeze %dma_wait3A_153 : memref<1x24x8x224xf32, #tpu.memory_space<hbm>> -> memref<24x8x224xf32, #tpu.memory_space<hbm>>
          tpu.wait_dma2 semaphore(%run_scoped3A_144 : memref<!tpu.dma_semaphore, #tpu.memory_space<semaphore_mem>>) src(%dma_wait3A_154 : memref<24x8x224xf32, #tpu.memory_space<hbm>>) dst(%arg9 : memref<24x8x224xf32, #tpu.memory_space<vmem>>)
          tpu.yield
        }) : () -> ()
        %mul3A_130 = arith.constant 24 : i32
        %mul3A_131 = arith.muli %scan3A_125, %mul3A_130 : i32
        %run_scoped3A_132 = arith.constant 1 : i32
        "tpu.region"() ({
          %run_scoped3A_144 = tpu.sem_alloc : memref<!tpu.dma_semaphore, #tpu.memory_space<semaphore_mem>>
          %dma_start3A = arith.constant 0 : i32
          %dma_start3A_145 = tpu.memref_slice %arg3[%run_scoped3A_132, %mul3A_131, %mul3A_2, %dma_start3A] : memref<4x192x224x224xf32, #tpu.memory_space<hbm>> -> memref<1x24x8x224xf32, #tpu.memory_space<hbm>>
          %dma_start3A_146 = tpu.memref_squeeze %dma_start3A_145 : memref<1x24x8x224xf32, #tpu.memory_space<hbm>> -> memref<24x8x224xf32, #tpu.memory_space<hbm>>
          %dma_start3A_147 = arith.constant 0 : i32
          %dma_start3A_148 = tpu.memref_slice %arg3[%run_scoped3A_132, %mul3A_131, %mul3A_2, %dma_start3A_147] : memref<4x192x224x224xf32, #tpu.memory_space<hbm>> -> memref<1x24x8x224xf32, #tpu.memory_space<hbm>>
          %dma_start3A_149 = tpu.memref_squeeze %dma_start3A_148 : memref<1x24x8x224xf32, #tpu.memory_space<hbm>> -> memref<24x8x224xf32, #tpu.memory_space<hbm>>
          tpu.enqueue_dma source(%dma_start3A_149 : memref<24x8x224xf32, #tpu.memory_space<hbm>>) target(%arg10 : memref<24x8x224xf32, #tpu.memory_space<vmem>>) target_semaphore(%run_scoped3A_144 : memref<!tpu.dma_semaphore, #tpu.memory_space<semaphore_mem>>)
          %dma_wait3A = arith.constant 0 : i32
          %dma_wait3A_150 = tpu.memref_slice %arg3[%run_scoped3A_132, %mul3A_131, %mul3A_2, %dma_wait3A] : memref<4x192x224x224xf32, #tpu.memory_space<hbm>> -> memref<1x24x8x224xf32, #tpu.memory_space<hbm>>
          %dma_wait3A_151 = tpu.memref_squeeze %dma_wait3A_150 : memref<1x24x8x224xf32, #tpu.memory_space<hbm>> -> memref<24x8x224xf32, #tpu.memory_space<hbm>>
          %dma_wait3A_152 = arith.constant 0 : i32
          %dma_wait3A_153 = tpu.memref_slice %arg3[%run_scoped3A_132, %mul3A_131, %mul3A_2, %dma_wait3A_152] : memref<4x192x224x224xf32, #tpu.memory_space<hbm>> -> memref<1x24x8x224xf32, #tpu.memory_space<hbm>>
          %dma_wait3A_154 = tpu.memref_squeeze %dma_wait3A_153 : memref<1x24x8x224xf32, #tpu.memory_space<hbm>> -> memref<24x8x224xf32, #tpu.memory_space<hbm>>
          tpu.wait_dma2 semaphore(%run_scoped3A_144 : memref<!tpu.dma_semaphore, #tpu.memory_space<semaphore_mem>>) src(%dma_wait3A_154 : memref<24x8x224xf32, #tpu.memory_space<hbm>>) dst(%arg10 : memref<24x8x224xf32, #tpu.memory_space<vmem>>)
          tpu.yield
        }) : () -> ()
        %mul3A_133 = arith.constant 24 : i32
        %mul3A_134 = arith.muli %scan3A_125, %mul3A_133 : i32
        "tpu.region"() ({
          %run_scoped3A_144 = tpu.sem_alloc : memref<!tpu.dma_semaphore, #tpu.memory_space<semaphore_mem>>
          %dma_start3A = arith.constant 0 : i32
          %dma_start3A_145 = tpu.memref_slice %arg6[%mul3A_134, %dma_start3A] : memref<192x16xf32, #tpu.memory_space<hbm>> -> memref<24x16xf32, #tpu.memory_space<hbm>>
          %dma_start3A_146 = arith.constant 0 : i32
          %dma_start3A_147 = tpu.memref_slice %arg6[%mul3A_134, %dma_start3A_146] : memref<192x16xf32, #tpu.memory_space<hbm>> -> memref<24x16xf32, #tpu.memory_space<hbm>>
          tpu.enqueue_dma source(%dma_start3A_147 : memref<24x16xf32, #tpu.memory_space<hbm>>) target(%arg13 : memref<24x16xf32, #tpu.memory_space<vmem>>) target_semaphore(%run_scoped3A_144 : memref<!tpu.dma_semaphore, #tpu.memory_space<semaphore_mem>>)
          %dma_wait3A = arith.constant 0 : i32
          %dma_wait3A_148 = tpu.memref_slice %arg6[%mul3A_134, %dma_wait3A] : memref<192x16xf32, #tpu.memory_space<hbm>> -> memref<24x16xf32, #tpu.memory_space<hbm>>
          %dma_wait3A_149 = arith.constant 0 : i32
          %dma_wait3A_150 = tpu.memref_slice %arg6[%mul3A_134, %dma_wait3A_149] : memref<192x16xf32, #tpu.memory_space<hbm>> -> memref<24x16xf32, #tpu.memory_space<hbm>>
          tpu.wait_dma2 semaphore(%run_scoped3A_144 : memref<!tpu.dma_semaphore, #tpu.memory_space<semaphore_mem>>) src(%dma_wait3A_150 : memref<24x16xf32, #tpu.memory_space<hbm>>) dst(%arg13 : memref<24x16xf32, #tpu.memory_space<vmem>>)
          tpu.yield
        }) : () -> ()
        %eq3A = arith.constant 0 : i32
        %eq3A_135 = arith.cmpi eq, %scan3A_125, %eq3A : i32
        %scan3A_136 = arith.constant 0 : i32
        %scan3A_137 = arith.constant 0 : i32
        %scan3A_138 = arith.constant 112 : i32
        %scan3A_139 = arith.addi %scan3A_137, %scan3A_138 : i32
        %scan3A_140 = arith.constant 1 : i32
        %scan3A_141 = scf.for %scan3A_144 = %scan3A_137 to %scan3A_139 step %scan3A_140 iter_args(%scan3A_145 = %scan3A_136) -> (i32)  : i32 {
          %jit3A = arith.constant 14 : i32
          %div3A = arith.divsi %scan3A_144, %jit3A : i32
          %sign3A = arith.constant 0 : i32
          %sign3A_146 = arith.cmpi sgt, %scan3A_144, %sign3A : i32
          %sign3A_147 = arith.extui %sign3A_146 : i1 to i32
          %sign3A_148 = arith.constant 0 : i32
          %sign3A_149 = arith.cmpi slt, %scan3A_144, %sign3A_148 : i32
          %sign3A_150 = arith.extui %sign3A_149 : i1 to i32
          %sign3A_151 = arith.subi %sign3A_147, %sign3A_150 : i32
          %sign3A_152 = arith.constant 0 : i32
          %sign3A_153 = arith.cmpi sgt, %jit3A, %sign3A_152 : i32
          %sign3A_154 = arith.extui %sign3A_153 : i1 to i32
          %sign3A_155 = arith.constant 0 : i32
          %sign3A_156 = arith.cmpi slt, %jit3A, %sign3A_155 : i32
          %sign3A_157 = arith.extui %sign3A_156 : i1 to i32
          %sign3A_158 = arith.subi %sign3A_154, %sign3A_157 : i32
          %ne3A = arith.cmpi ne, %sign3A_151, %sign3A_158 : i32
          %rem3A = arith.remsi %scan3A_144, %jit3A : i32
          %ne3A_159 = arith.constant 0 : i32
          %ne3A_160 = arith.cmpi ne, %rem3A, %ne3A_159 : i32
          %and3A = arith.andi %ne3A, %ne3A_160 : i1
          %sub3A = arith.constant 1 : i32
          %sub3A_161 = arith.subi %div3A, %sub3A : i32
          %select_n3A = arith.select %and3A, %sub3A_161, %div3A : i32
          %jit3A_162 = arith.constant 14 : i32
          %eq3A_163 = arith.constant 0 : i32
          %eq3A_164 = arith.cmpi eq, %jit3A_162, %eq3A_163 : i32
          %jit3A_165 = arith.constant 1 : i32
          %select_n3A_166 = arith.select %eq3A_164, %jit3A_165, %jit3A_162 : i32
          %rem3A_167 = arith.remsi %scan3A_144, %select_n3A_166 : i32
          %ne3A_168 = arith.constant 0 : i32
          %ne3A_169 = arith.cmpi ne, %rem3A_167, %ne3A_168 : i32
          %lt3A_170 = arith.constant 0 : i32
          %lt3A_171 = arith.cmpi slt, %rem3A_167, %lt3A_170 : i32
          %lt3A_172 = arith.constant 0 : i32
          %lt3A_173 = arith.cmpi slt, %select_n3A_166, %lt3A_172 : i32
          %ne3A_174 = arith.xori %lt3A_171, %lt3A_173 : i1
          %and3A_175 = arith.andi %ne3A_174, %ne3A_169 : i1
          %add3A_176 = arith.addi %rem3A_167, %select_n3A_166 : i32
          %select_n3A_177 = arith.select %and3A_175, %add3A_176, %rem3A_167 : i32
          %mul3A_178 = arith.constant 16 : i32
          %mul3A_179 = arith.muli %select_n3A_177, %mul3A_178 : i32
          %broadcast_in_dim3A_180 = arith.constant 0.000000e+00 : f32
          %broadcast_in_dim3A_181 = vector.broadcast %broadcast_in_dim3A_180 : f32 to vector<16xf32>
          %get3A = arith.index_cast %select_n3A : i32 to index
          %get3A_182 = arith.index_cast %mul3A_179 : i32 to index
          %get3A_183 = tpu.vector_load %arg14[%get3A, %get3A_182] {strides = array<i32>} : memref<8x224xf32, #tpu.memory_space<vmem>>, vector<1x16xf32>,
          %get3A_184 = vector.shape_cast %get3A_183 : vector<1x16xf32> to vector<16xf32>
          %select_n3A_185 = arith.select %eq3A_135, %broadcast_in_dim3A_181, %get3A_184 : vector<16xf32>
          %get3A_186 = arith.index_cast %select_n3A : i32 to index
          %get3A_187 = arith.index_cast %mul3A_179 : i32 to index
          %get3A_188 = tpu.vector_load %arg15[%get3A_186, %get3A_187] {strides = array<i32>} : memref<8x224xf32, #tpu.memory_space<vmem>>, vector<1x16xf32>,
          %get3A_189 = vector.shape_cast %get3A_188 : vector<1x16xf32> to vector<16xf32>
          %select_n3A_190 = arith.select %eq3A_135, %broadcast_in_dim3A_181, %get3A_189 : vector<16xf32>
          %get3A_191 = arith.index_cast %select_n3A : i32 to index
          %get3A_192 = arith.index_cast %mul3A_179 : i32 to index
          %get3A_193 = tpu.vector_load %arg16[%get3A_191, %get3A_192] {strides = array<i32>} : memref<8x224xf32, #tpu.memory_space<vmem>>, vector<1x16xf32>,
          %get3A_194 = vector.shape_cast %get3A_193 : vector<1x16xf32> to vector<16xf32>
          %select_n3A_195 = arith.select %eq3A_135, %broadcast_in_dim3A_181, %get3A_194 : vector<16xf32>
          %get3A_196 = arith.constant 0 : i32
          %get3A_197 = arith.index_cast %get3A_196 : i32 to index
          %get3A_198 = arith.index_cast %select_n3A : i32 to index
          %get3A_199 = arith.index_cast %mul3A_179 : i32 to index
          %get3A_200 = tpu.vector_load %arg9[%get3A_197, %get3A_198, %get3A_199] {strides = array<i32>} : memref<24x8x224xf32, #tpu.memory_space<vmem>>, vector<1x1x16xf32>,
          %get3A_201 = vector.shape_cast %get3A_200 : vector<1x1x16xf32> to vector<16xf32>
          %get3A_202 = arith.constant 0 : i32
          %get3A_203 = arith.index_cast %get3A_202 : i32 to index
          %get3A_204 = arith.index_cast %select_n3A : i32 to index
          %get3A_205 = arith.index_cast %mul3A_179 : i32 to index
          %get3A_206 = tpu.vector_load %arg10[%get3A_203, %get3A_204, %get3A_205] {strides = array<i32>} : memref<24x8x224xf32, #tpu.memory_space<vmem>>, vector<1x1x16xf32>,
          %get3A_207 = vector.shape_cast %get3A_206 : vector<1x1x16xf32> to vector<16xf32>
          %get3A_208 = arith.constant 0 : i32
          %get3A_209 = arith.index_cast %get3A_208 : i32 to index
          %get3A_210 = arith.constant 0 : index
          %get3A_211 = tpu.vector_load %arg13[%get3A_209, %get3A_210] {strides = array<i32>} : memref<24x16xf32, #tpu.memory_space<vmem>>, vector<1x16xf32>,
          %get3A_212 = vector.shape_cast %get3A_211 : vector<1x16xf32> to vector<16xf32>
          %sub3A_213 = arith.subf %get3A_207, %get3A_212 : vector<16xf32>
          %mul3A_214 = arith.mulf %get3A_201, %sub3A_213 : vector<16xf32>
          %add3A_215 = arith.addf %select_n3A_185, %mul3A_214 : vector<16xf32>
          %mul3A_216 = arith.mulf %get3A_201, %get3A_201 : vector<16xf32>
          %add3A_217 = arith.addf %select_n3A_190, %mul3A_216 : vector<16xf32>
          %mul3A_218 = arith.mulf %sub3A_213, %sub3A_213 : vector<16xf32>
          %add3A_219 = arith.addf %select_n3A_195, %mul3A_218 : vector<16xf32>
          %get3A_220 = arith.constant 1 : i32
          %get3A_221 = arith.index_cast %get3A_220 : i32 to index
          %get3A_222 = arith.index_cast %select_n3A : i32 to index
          %get3A_223 = arith.index_cast %mul3A_179 : i32 to index
          %get3A_224 = tpu.vector_load %arg9[%get3A_221, %get3A_222, %get3A_223] {strides = array<i32>} : memref<24x8x224xf32, #tpu.memory_space<vmem>>, vector<1x1x16xf32>,
          %get3A_225 = vector.shape_cast %get3A_224 : vector<1x1x16xf32> to vector<16xf32>
          %get3A_226 = arith.constant 1 : i32
          %get3A_227 = arith.index_cast %get3A_226 : i32 to index
          %get3A_228 = arith.index_cast %select_n3A : i32 to index
          %get3A_229 = arith.index_cast %mul3A_179 : i32 to index
          %get3A_230 = tpu.vector_load %arg10[%get3A_227, %get3A_228, %get3A_229] {strides = array<i32>} : memref<24x8x224xf32, #tpu.memory_space<vmem>>, vector<1x1x16xf32>,
          %get3A_231 = vector.shape_cast %get3A_230 : vector<1x1x16xf32> to vector<16xf32>
          %get3A_232 = arith.constant 1 : i32
          %get3A_233 = arith.index_cast %get3A_232 : i32 to index
          %get3A_234 = arith.constant 0 : index
          %get3A_235 = tpu.vector_load %arg13[%get3A_233, %get3A_234] {strides = array<i32>} : memref<24x16xf32, #tpu.memory_space<vmem>>, vector<1x16xf32>,
          %get3A_236 = vector.shape_cast %get3A_235 : vector<1x16xf32> to vector<16xf32>
          %sub3A_237 = arith.subf %get3A_231, %get3A_236 : vector<16xf32>
          %mul3A_238 = arith.mulf %get3A_225, %sub3A_237 : vector<16xf32>
          %add3A_239 = arith.addf %add3A_215, %mul3A_238 : vector<16xf32>
          %mul3A_240 = arith.mulf %get3A_225, %get3A_225 : vector<16xf32>
          %add3A_241 = arith.addf %add3A_217, %mul3A_240 : vector<16xf32>
          %mul3A_242 = arith.mulf %sub3A_237, %sub3A_237 : vector<16xf32>
          %add3A_243 = arith.addf %add3A_219, %mul3A_242 : vector<16xf32>
          %get3A_244 = arith.constant 2 : i32
          %get3A_245 = arith.index_cast %get3A_244 : i32 to index
          %get3A_246 = arith.index_cast %select_n3A : i32 to index
          %get3A_247 = arith.index_cast %mul3A_179 : i32 to index
          %get3A_248 = tpu.vector_load %arg9[%get3A_245, %get3A_246, %get3A_247] {strides = array<i32>} : memref<24x8x224xf32, #tpu.memory_space<vmem>>, vector<1x1x16xf32>,
          %get3A_249 = vector.shape_cast %get3A_248 : vector<1x1x16xf32> to vector<16xf32>
          %get3A_250 = arith.constant 2 : i32
          %get3A_251 = arith.index_cast %get3A_250 : i32 to index
          %get3A_252 = arith.index_cast %select_n3A : i32 to index
          %get3A_253 = arith.index_cast %mul3A_179 : i32 to index
          %get3A_254 = tpu.vector_load %arg10[%get3A_251, %get3A_252, %get3A_253] {strides = array<i32>} : memref<24x8x224xf32, #tpu.memory_space<vmem>>, vector<1x1x16xf32>,
          %get3A_255 = vector.shape_cast %get3A_254 : vector<1x1x16xf32> to vector<16xf32>
          %get3A_256 = arith.constant 2 : i32
          %get3A_257 = arith.index_cast %get3A_256 : i32 to index
          %get3A_258 = arith.constant 0 : index
          %get3A_259 = tpu.vector_load %arg13[%get3A_257, %get3A_258] {strides = array<i32>} : memref<24x16xf32, #tpu.memory_space<vmem>>, vector<1x16xf32>,
          %get3A_260 = vector.shape_cast %get3A_259 : vector<1x16xf32> to vector<16xf32>
          %sub3A_261 = arith.subf %get3A_255, %get3A_260 : vector<16xf32>
          %mul3A_262 = arith.mulf %get3A_249, %sub3A_261 : vector<16xf32>
          %add3A_263 = arith.addf %add3A_239, %mul3A_262 : vector<16xf32>
          %mul3A_264 = arith.mulf %get3A_249, %get3A_249 : vector<16xf32>
          %add3A_265 = arith.addf %add3A_241, %mul3A_264 : vector<16xf32>
          %mul3A_266 = arith.mulf %sub3A_261, %sub3A_261 : vector<16xf32>
          %add3A_267 = arith.addf %add3A_243, %mul3A_266 : vector<16xf32>
          %get3A_268 = arith.constant 3 : i32
          %get3A_269 = arith.index_cast %get3A_268 : i32 to index
          %get3A_270 = arith.index_cast %select_n3A : i32 to index
          %get3A_271 = arith.index_cast %mul3A_179 : i32 to index
          %get3A_272 = tpu.vector_load %arg9[%get3A_269, %get3A_270, %get3A_271] {strides = array<i32>} : memref<24x8x224xf32, #tpu.memory_space<vmem>>, vector<1x1x16xf32>,
          %get3A_273 = vector.shape_cast %get3A_272 : vector<1x1x16xf32> to vector<16xf32>
          %get3A_274 = arith.constant 3 : i32
          %get3A_275 = arith.index_cast %get3A_274 : i32 to index
          %get3A_276 = arith.index_cast %select_n3A : i32 to index
          %get3A_277 = arith.index_cast %mul3A_179 : i32 to index
          %get3A_278 = tpu.vector_load %arg10[%get3A_275, %get3A_276, %get3A_277] {strides = array<i32>} : memref<24x8x224xf32, #tpu.memory_space<vmem>>, vector<1x1x16xf32>,
          %get3A_279 = vector.shape_cast %get3A_278 : vector<1x1x16xf32> to vector<16xf32>
          %get3A_280 = arith.constant 3 : i32
          %get3A_281 = arith.index_cast %get3A_280 : i32 to index
          %get3A_282 = arith.constant 0 : index
          %get3A_283 = tpu.vector_load %arg13[%get3A_281, %get3A_282] {strides = array<i32>} : memref<24x16xf32, #tpu.memory_space<vmem>>, vector<1x16xf32>,
          %get3A_284 = vector.shape_cast %get3A_283 : vector<1x16xf32> to vector<16xf32>
          %sub3A_285 = arith.subf %get3A_279, %get3A_284 : vector<16xf32>
          %mul3A_286 = arith.mulf %get3A_273, %sub3A_285 : vector<16xf32>
          %add3A_287 = arith.addf %add3A_263, %mul3A_286 : vector<16xf32>
          %mul3A_288 = arith.mulf %get3A_273, %get3A_273 : vector<16xf32>
          %add3A_289 = arith.addf %add3A_265, %mul3A_288 : vector<16xf32>
          %mul3A_290 = arith.mulf %sub3A_285, %sub3A_285 : vector<16xf32>
          %add3A_291 = arith.addf %add3A_267, %mul3A_290 : vector<16xf32>
          %get3A_292 = arith.constant 4 : i32
          %get3A_293 = arith.index_cast %get3A_292 : i32 to index
          %get3A_294 = arith.index_cast %select_n3A : i32 to index
          %get3A_295 = arith.index_cast %mul3A_179 : i32 to index
          %get3A_296 = tpu.vector_load %arg9[%get3A_293, %get3A_294, %get3A_295] {strides = array<i32>} : memref<24x8x224xf32, #tpu.memory_space<vmem>>, vector<1x1x16xf32>,
          %get3A_297 = vector.shape_cast %get3A_296 : vector<1x1x16xf32> to vector<16xf32>
          %get3A_298 = arith.constant 4 : i32
          %get3A_299 = arith.index_cast %get3A_298 : i32 to index
          %get3A_300 = arith.index_cast %select_n3A : i32 to index
          %get3A_301 = arith.index_cast %mul3A_179 : i32 to index
          %get3A_302 = tpu.vector_load %arg10[%get3A_299, %get3A_300, %get3A_301] {strides = array<i32>} : memref<24x8x224xf32, #tpu.memory_space<vmem>>, vector<1x1x16xf32>,
          %get3A_303 = vector.shape_cast %get3A_302 : vector<1x1x16xf32> to vector<16xf32>
          %get3A_304 = arith.constant 4 : i32
          %get3A_305 = arith.index_cast %get3A_304 : i32 to index
          %get3A_306 = arith.constant 0 : index
          %get3A_307 = tpu.vector_load %arg13[%get3A_305, %get3A_306] {strides = array<i32>} : memref<24x16xf32, #tpu.memory_space<vmem>>, vector<1x16xf32>,
          %get3A_308 = vector.shape_cast %get3A_307 : vector<1x16xf32> to vector<16xf32>
          %sub3A_309 = arith.subf %get3A_303, %get3A_308 : vector<16xf32>
          %mul3A_310 = arith.mulf %get3A_297, %sub3A_309 : vector<16xf32>
          %add3A_311 = arith.addf %add3A_287, %mul3A_310 : vector<16xf32>
          %mul3A_312 = arith.mulf %get3A_297, %get3A_297 : vector<16xf32>
          %add3A_313 = arith.addf %add3A_289, %mul3A_312 : vector<16xf32>
          %mul3A_314 = arith.mulf %sub3A_309, %sub3A_309 : vector<16xf32>
          %add3A_315 = arith.addf %add3A_291, %mul3A_314 : vector<16xf32>
          %get3A_316 = arith.constant 5 : i32
          %get3A_317 = arith.index_cast %get3A_316 : i32 to index
          %get3A_318 = arith.index_cast %select_n3A : i32 to index
          %get3A_319 = arith.index_cast %mul3A_179 : i32 to index
          %get3A_320 = tpu.vector_load %arg9[%get3A_317, %get3A_318, %get3A_319] {strides = array<i32>} : memref<24x8x224xf32, #tpu.memory_space<vmem>>, vector<1x1x16xf32>,
          %get3A_321 = vector.shape_cast %get3A_320 : vector<1x1x16xf32> to vector<16xf32>
          %get3A_322 = arith.constant 5 : i32
          %get3A_323 = arith.index_cast %get3A_322 : i32 to index
          %get3A_324 = arith.index_cast %select_n3A : i32 to index
          %get3A_325 = arith.index_cast %mul3A_179 : i32 to index
          %get3A_326 = tpu.vector_load %arg10[%get3A_323, %get3A_324, %get3A_325] {strides = array<i32>} : memref<24x8x224xf32, #tpu.memory_space<vmem>>, vector<1x1x16xf32>,
          %get3A_327 = vector.shape_cast %get3A_326 : vector<1x1x16xf32> to vector<16xf32>
          %get3A_328 = arith.constant 5 : i32
          %get3A_329 = arith.index_cast %get3A_328 : i32 to index
          %get3A_330 = arith.constant 0 : index
          %get3A_331 = tpu.vector_load %arg13[%get3A_329, %get3A_330] {strides = array<i32>} : memref<24x16xf32, #tpu.memory_space<vmem>>, vector<1x16xf32>,
          %get3A_332 = vector.shape_cast %get3A_331 : vector<1x16xf32> to vector<16xf32>
          %sub3A_333 = arith.subf %get3A_327, %get3A_332 : vector<16xf32>
          %mul3A_334 = arith.mulf %get3A_321, %sub3A_333 : vector<16xf32>
          %add3A_335 = arith.addf %add3A_311, %mul3A_334 : vector<16xf32>
          %mul3A_336 = arith.mulf %get3A_321, %get3A_321 : vector<16xf32>
          %add3A_337 = arith.addf %add3A_313, %mul3A_336 : vector<16xf32>
          %mul3A_338 = arith.mulf %sub3A_333, %sub3A_333 : vector<16xf32>
          %add3A_339 = arith.addf %add3A_315, %mul3A_338 : vector<16xf32>
          %get3A_340 = arith.constant 6 : i32
          %get3A_341 = arith.index_cast %get3A_340 : i32 to index
          %get3A_342 = arith.index_cast %select_n3A : i32 to index
          %get3A_343 = arith.index_cast %mul3A_179 : i32 to index
          %get3A_344 = tpu.vector_load %arg9[%get3A_341, %get3A_342, %get3A_343] {strides = array<i32>} : memref<24x8x224xf32, #tpu.memory_space<vmem>>, vector<1x1x16xf32>,
          %get3A_345 = vector.shape_cast %get3A_344 : vector<1x1x16xf32> to vector<16xf32>
          %get3A_346 = arith.constant 6 : i32
          %get3A_347 = arith.index_cast %get3A_346 : i32 to index
          %get3A_348 = arith.index_cast %select_n3A : i32 to index
          %get3A_349 = arith.index_cast %mul3A_179 : i32 to index
          %get3A_350 = tpu.vector_load %arg10[%get3A_347, %get3A_348, %get3A_349] {strides = array<i32>} : memref<24x8x224xf32, #tpu.memory_space<vmem>>, vector<1x1x16xf32>,
          %get3A_351 = vector.shape_cast %get3A_350 : vector<1x1x16xf32> to vector<16xf32>
          %get3A_352 = arith.constant 6 : i32
          %get3A_353 = arith.index_cast %get3A_352 : i32 to index
          %get3A_354 = arith.constant 0 : index
          %get3A_355 = tpu.vector_load %arg13[%get3A_353, %get3A_354] {strides = array<i32>} : memref<24x16xf32, #tpu.memory_space<vmem>>, vector<1x16xf32>,
          %get3A_356 = vector.shape_cast %get3A_355 : vector<1x16xf32> to vector<16xf32>
          %sub3A_357 = arith.subf %get3A_351, %get3A_356 : vector<16xf32>
          %mul3A_358 = arith.mulf %get3A_345, %sub3A_357 : vector<16xf32>
          %add3A_359 = arith.addf %add3A_335, %mul3A_358 : vector<16xf32>
          %mul3A_360 = arith.mulf %get3A_345, %get3A_345 : vector<16xf32>
          %add3A_361 = arith.addf %add3A_337, %mul3A_360 : vector<16xf32>
          %mul3A_362 = arith.mulf %sub3A_357, %sub3A_357 : vector<16xf32>
          %add3A_363 = arith.addf %add3A_339, %mul3A_362 : vector<16xf32>
          %get3A_364 = arith.constant 7 : i32
          %get3A_365 = arith.index_cast %get3A_364 : i32 to index
          %get3A_366 = arith.index_cast %select_n3A : i32 to index
          %get3A_367 = arith.index_cast %mul3A_179 : i32 to index
          %get3A_368 = tpu.vector_load %arg9[%get3A_365, %get3A_366, %get3A_367] {strides = array<i32>} : memref<24x8x224xf32, #tpu.memory_space<vmem>>, vector<1x1x16xf32>,
          %get3A_369 = vector.shape_cast %get3A_368 : vector<1x1x16xf32> to vector<16xf32>
          %get3A_370 = arith.constant 7 : i32
          %get3A_371 = arith.index_cast %get3A_370 : i32 to index
          %get3A_372 = arith.index_cast %select_n3A : i32 to index
          %get3A_373 = arith.index_cast %mul3A_179 : i32 to index
          %get3A_374 = tpu.vector_load %arg10[%get3A_371, %get3A_372, %get3A_373] {strides = array<i32>} : memref<24x8x224xf32, #tpu.memory_space<vmem>>, vector<1x1x16xf32>,
          %get3A_375 = vector.shape_cast %get3A_374 : vector<1x1x16xf32> to vector<16xf32>
          %get3A_376 = arith.constant 7 : i32
          %get3A_377 = arith.index_cast %get3A_376 : i32 to index
          %get3A_378 = arith.constant 0 : index
          %get3A_379 = tpu.vector_load %arg13[%get3A_377, %get3A_378] {strides = array<i32>} : memref<24x16xf32, #tpu.memory_space<vmem>>, vector<1x16xf32>,
          %get3A_380 = vector.shape_cast %get3A_379 : vector<1x16xf32> to vector<16xf32>
          %sub3A_381 = arith.subf %get3A_375, %get3A_380 : vector<16xf32>
          %mul3A_382 = arith.mulf %get3A_369, %sub3A_381 : vector<16xf32>
          %add3A_383 = arith.addf %add3A_359, %mul3A_382 : vector<16xf32>
          %mul3A_384 = arith.mulf %get3A_369, %get3A_369 : vector<16xf32>
          %add3A_385 = arith.addf %add3A_361, %mul3A_384 : vector<16xf32>
          %mul3A_386 = arith.mulf %sub3A_381, %sub3A_381 : vector<16xf32>
          %add3A_387 = arith.addf %add3A_363, %mul3A_386 : vector<16xf32>
          %get3A_388 = arith.constant 8 : i32
          %get3A_389 = arith.index_cast %get3A_388 : i32 to index
          %get3A_390 = arith.index_cast %select_n3A : i32 to index
          %get3A_391 = arith.index_cast %mul3A_179 : i32 to index
          %get3A_392 = tpu.vector_load %arg9[%get3A_389, %get3A_390, %get3A_391] {strides = array<i32>} : memref<24x8x224xf32, #tpu.memory_space<vmem>>, vector<1x1x16xf32>,
          %get3A_393 = vector.shape_cast %get3A_392 : vector<1x1x16xf32> to vector<16xf32>
          %get3A_394 = arith.constant 8 : i32
          %get3A_395 = arith.index_cast %get3A_394 : i32 to index
          %get3A_396 = arith.index_cast %select_n3A : i32 to index
          %get3A_397 = arith.index_cast %mul3A_179 : i32 to index
          %get3A_398 = tpu.vector_load %arg10[%get3A_395, %get3A_396, %get3A_397] {strides = array<i32>} : memref<24x8x224xf32, #tpu.memory_space<vmem>>, vector<1x1x16xf32>,
          %get3A_399 = vector.shape_cast %get3A_398 : vector<1x1x16xf32> to vector<16xf32>
          %get3A_400 = arith.constant 8 : i32
          %get3A_401 = arith.index_cast %get3A_400 : i32 to index
          %get3A_402 = arith.constant 0 : index
          %get3A_403 = tpu.vector_load %arg13[%get3A_401, %get3A_402] {strides = array<i32>} : memref<24x16xf32, #tpu.memory_space<vmem>>, vector<1x16xf32>,
          %get3A_404 = vector.shape_cast %get3A_403 : vector<1x16xf32> to vector<16xf32>
          %sub3A_405 = arith.subf %get3A_399, %get3A_404 : vector<16xf32>
          %mul3A_406 = arith.mulf %get3A_393, %sub3A_405 : vector<16xf32>
          %add3A_407 = arith.addf %add3A_383, %mul3A_406 : vector<16xf32>
          %mul3A_408 = arith.mulf %get3A_393, %get3A_393 : vector<16xf32>
          %add3A_409 = arith.addf %add3A_385, %mul3A_408 : vector<16xf32>
          %mul3A_410 = arith.mulf %sub3A_405, %sub3A_405 : vector<16xf32>
          %add3A_411 = arith.addf %add3A_387, %mul3A_410 : vector<16xf32>
          %get3A_412 = arith.constant 9 : i32
          %get3A_413 = arith.index_cast %get3A_412 : i32 to index
          %get3A_414 = arith.index_cast %select_n3A : i32 to index
          %get3A_415 = arith.index_cast %mul3A_179 : i32 to index
          %get3A_416 = tpu.vector_load %arg9[%get3A_413, %get3A_414, %get3A_415] {strides = array<i32>} : memref<24x8x224xf32, #tpu.memory_space<vmem>>, vector<1x1x16xf32>,
          %get3A_417 = vector.shape_cast %get3A_416 : vector<1x1x16xf32> to vector<16xf32>
          %get3A_418 = arith.constant 9 : i32
          %get3A_419 = arith.index_cast %get3A_418 : i32 to index
          %get3A_420 = arith.index_cast %select_n3A : i32 to index
          %get3A_421 = arith.index_cast %mul3A_179 : i32 to index
          %get3A_422 = tpu.vector_load %arg10[%get3A_419, %get3A_420, %get3A_421] {strides = array<i32>} : memref<24x8x224xf32, #tpu.memory_space<vmem>>, vector<1x1x16xf32>,
          %get3A_423 = vector.shape_cast %get3A_422 : vector<1x1x16xf32> to vector<16xf32>
          %get3A_424 = arith.constant 9 : i32
          %get3A_425 = arith.index_cast %get3A_424 : i32 to index
          %get3A_426 = arith.constant 0 : index
          %get3A_427 = tpu.vector_load %arg13[%get3A_425, %get3A_426] {strides = array<i32>} : memref<24x16xf32, #tpu.memory_space<vmem>>, vector<1x16xf32>,
          %get3A_428 = vector.shape_cast %get3A_427 : vector<1x16xf32> to vector<16xf32>
          %sub3A_429 = arith.subf %get3A_423, %get3A_428 : vector<16xf32>
          %mul3A_430 = arith.mulf %get3A_417, %sub3A_429 : vector<16xf32>
          %add3A_431 = arith.addf %add3A_407, %mul3A_430 : vector<16xf32>
          %mul3A_432 = arith.mulf %get3A_417, %get3A_417 : vector<16xf32>
          %add3A_433 = arith.addf %add3A_409, %mul3A_432 : vector<16xf32>
          %mul3A_434 = arith.mulf %sub3A_429, %sub3A_429 : vector<16xf32>
          %add3A_435 = arith.addf %add3A_411, %mul3A_434 : vector<16xf32>
          %get3A_436 = arith.constant 10 : i32
          %get3A_437 = arith.index_cast %get3A_436 : i32 to index
          %get3A_438 = arith.index_cast %select_n3A : i32 to index
          %get3A_439 = arith.index_cast %mul3A_179 : i32 to index
          %get3A_440 = tpu.vector_load %arg9[%get3A_437, %get3A_438, %get3A_439] {strides = array<i32>} : memref<24x8x224xf32, #tpu.memory_space<vmem>>, vector<1x1x16xf32>,
          %get3A_441 = vector.shape_cast %get3A_440 : vector<1x1x16xf32> to vector<16xf32>
          %get3A_442 = arith.constant 10 : i32
          %get3A_443 = arith.index_cast %get3A_442 : i32 to index
          %get3A_444 = arith.index_cast %select_n3A : i32 to index
          %get3A_445 = arith.index_cast %mul3A_179 : i32 to index
          %get3A_446 = tpu.vector_load %arg10[%get3A_443, %get3A_444, %get3A_445] {strides = array<i32>} : memref<24x8x224xf32, #tpu.memory_space<vmem>>, vector<1x1x16xf32>,
          %get3A_447 = vector.shape_cast %get3A_446 : vector<1x1x16xf32> to vector<16xf32>
          %get3A_448 = arith.constant 10 : i32
          %get3A_449 = arith.index_cast %get3A_448 : i32 to index
          %get3A_450 = arith.constant 0 : index
          %get3A_451 = tpu.vector_load %arg13[%get3A_449, %get3A_450] {strides = array<i32>} : memref<24x16xf32, #tpu.memory_space<vmem>>, vector<1x16xf32>,
          %get3A_452 = vector.shape_cast %get3A_451 : vector<1x16xf32> to vector<16xf32>
          %sub3A_453 = arith.subf %get3A_447, %get3A_452 : vector<16xf32>
          %mul3A_454 = arith.mulf %get3A_441, %sub3A_453 : vector<16xf32>
          %add3A_455 = arith.addf %add3A_431, %mul3A_454 : vector<16xf32>
          %mul3A_456 = arith.mulf %get3A_441, %get3A_441 : vector<16xf32>
          %add3A_457 = arith.addf %add3A_433, %mul3A_456 : vector<16xf32>
          %mul3A_458 = arith.mulf %sub3A_453, %sub3A_453 : vector<16xf32>
          %add3A_459 = arith.addf %add3A_435, %mul3A_458 : vector<16xf32>
          %get3A_460 = arith.constant 11 : i32
          %get3A_461 = arith.index_cast %get3A_460 : i32 to index
          %get3A_462 = arith.index_cast %select_n3A : i32 to index
          %get3A_463 = arith.index_cast %mul3A_179 : i32 to index
          %get3A_464 = tpu.vector_load %arg9[%get3A_461, %get3A_462, %get3A_463] {strides = array<i32>} : memref<24x8x224xf32, #tpu.memory_space<vmem>>, vector<1x1x16xf32>,
          %get3A_465 = vector.shape_cast %get3A_464 : vector<1x1x16xf32> to vector<16xf32>
          %get3A_466 = arith.constant 11 : i32
          %get3A_467 = arith.index_cast %get3A_466 : i32 to index
          %get3A_468 = arith.index_cast %select_n3A : i32 to index
          %get3A_469 = arith.index_cast %mul3A_179 : i32 to index
          %get3A_470 = tpu.vector_load %arg10[%get3A_467, %get3A_468, %get3A_469] {strides = array<i32>} : memref<24x8x224xf32, #tpu.memory_space<vmem>>, vector<1x1x16xf32>,
          %get3A_471 = vector.shape_cast %get3A_470 : vector<1x1x16xf32> to vector<16xf32>
          %get3A_472 = arith.constant 11 : i32
          %get3A_473 = arith.index_cast %get3A_472 : i32 to index
          %get3A_474 = arith.constant 0 : index
          %get3A_475 = tpu.vector_load %arg13[%get3A_473, %get3A_474] {strides = array<i32>} : memref<24x16xf32, #tpu.memory_space<vmem>>, vector<1x16xf32>,
          %get3A_476 = vector.shape_cast %get3A_475 : vector<1x16xf32> to vector<16xf32>
          %sub3A_477 = arith.subf %get3A_471, %get3A_476 : vector<16xf32>
          %mul3A_478 = arith.mulf %get3A_465, %sub3A_477 : vector<16xf32>
          %add3A_479 = arith.addf %add3A_455, %mul3A_478 : vector<16xf32>
          %mul3A_480 = arith.mulf %get3A_465, %get3A_465 : vector<16xf32>
          %add3A_481 = arith.addf %add3A_457, %mul3A_480 : vector<16xf32>
          %mul3A_482 = arith.mulf %sub3A_477, %sub3A_477 : vector<16xf32>
          %add3A_483 = arith.addf %add3A_459, %mul3A_482 : vector<16xf32>
          %get3A_484 = arith.constant 12 : i32
          %get3A_485 = arith.index_cast %get3A_484 : i32 to index
          %get3A_486 = arith.index_cast %select_n3A : i32 to index
          %get3A_487 = arith.index_cast %mul3A_179 : i32 to index
          %get3A_488 = tpu.vector_load %arg9[%get3A_485, %get3A_486, %get3A_487] {strides = array<i32>} : memref<24x8x224xf32, #tpu.memory_space<vmem>>, vector<1x1x16xf32>,
          %get3A_489 = vector.shape_cast %get3A_488 : vector<1x1x16xf32> to vector<16xf32>
          %get3A_490 = arith.constant 12 : i32
          %get3A_491 = arith.index_cast %get3A_490 : i32 to index
          %get3A_492 = arith.index_cast %select_n3A : i32 to index
          %get3A_493 = arith.index_cast %mul3A_179 : i32 to index
          %get3A_494 = tpu.vector_load %arg10[%get3A_491, %get3A_492, %get3A_493] {strides = array<i32>} : memref<24x8x224xf32, #tpu.memory_space<vmem>>, vector<1x1x16xf32>,
          %get3A_495 = vector.shape_cast %get3A_494 : vector<1x1x16xf32> to vector<16xf32>
          %get3A_496 = arith.constant 12 : i32
          %get3A_497 = arith.index_cast %get3A_496 : i32 to index
          %get3A_498 = arith.constant 0 : index
          %get3A_499 = tpu.vector_load %arg13[%get3A_497, %get3A_498] {strides = array<i32>} : memref<24x16xf32, #tpu.memory_space<vmem>>, vector<1x16xf32>,
          %get3A_500 = vector.shape_cast %get3A_499 : vector<1x16xf32> to vector<16xf32>
          %sub3A_501 = arith.subf %get3A_495, %get3A_500 : vector<16xf32>
          %mul3A_502 = arith.mulf %get3A_489, %sub3A_501 : vector<16xf32>
          %add3A_503 = arith.addf %add3A_479, %mul3A_502 : vector<16xf32>
          %mul3A_504 = arith.mulf %get3A_489, %get3A_489 : vector<16xf32>
          %add3A_505 = arith.addf %add3A_481, %mul3A_504 : vector<16xf32>
          %mul3A_506 = arith.mulf %sub3A_501, %sub3A_501 : vector<16xf32>
          %add3A_507 = arith.addf %add3A_483, %mul3A_506 : vector<16xf32>
          %get3A_508 = arith.constant 13 : i32
          %get3A_509 = arith.index_cast %get3A_508 : i32 to index
          %get3A_510 = arith.index_cast %select_n3A : i32 to index
          %get3A_511 = arith.index_cast %mul3A_179 : i32 to index
          %get3A_512 = tpu.vector_load %arg9[%get3A_509, %get3A_510, %get3A_511] {strides = array<i32>} : memref<24x8x224xf32, #tpu.memory_space<vmem>>, vector<1x1x16xf32>,
          %get3A_513 = vector.shape_cast %get3A_512 : vector<1x1x16xf32> to vector<16xf32>
          %get3A_514 = arith.constant 13 : i32
          %get3A_515 = arith.index_cast %get3A_514 : i32 to index
          %get3A_516 = arith.index_cast %select_n3A : i32 to index
          %get3A_517 = arith.index_cast %mul3A_179 : i32 to index
          %get3A_518 = tpu.vector_load %arg10[%get3A_515, %get3A_516, %get3A_517] {strides = array<i32>} : memref<24x8x224xf32, #tpu.memory_space<vmem>>, vector<1x1x16xf32>,
          %get3A_519 = vector.shape_cast %get3A_518 : vector<1x1x16xf32> to vector<16xf32>
          %get3A_520 = arith.constant 13 : i32
          %get3A_521 = arith.index_cast %get3A_520 : i32 to index
          %get3A_522 = arith.constant 0 : index
          %get3A_523 = tpu.vector_load %arg13[%get3A_521, %get3A_522] {strides = array<i32>} : memref<24x16xf32, #tpu.memory_space<vmem>>, vector<1x16xf32>,
          %get3A_524 = vector.shape_cast %get3A_523 : vector<1x16xf32> to vector<16xf32>
          %sub3A_525 = arith.subf %get3A_519, %get3A_524 : vector<16xf32>
          %mul3A_526 = arith.mulf %get3A_513, %sub3A_525 : vector<16xf32>
          %add3A_527 = arith.addf %add3A_503, %mul3A_526 : vector<16xf32>
          %mul3A_528 = arith.mulf %get3A_513, %get3A_513 : vector<16xf32>
          %add3A_529 = arith.addf %add3A_505, %mul3A_528 : vector<16xf32>
          %mul3A_530 = arith.mulf %sub3A_525, %sub3A_525 : vector<16xf32>
          %add3A_531 = arith.addf %add3A_507, %mul3A_530 : vector<16xf32>
          %get3A_532 = arith.constant 14 : i32
          %get3A_533 = arith.index_cast %get3A_532 : i32 to index
          %get3A_534 = arith.index_cast %select_n3A : i32 to index
          %get3A_535 = arith.index_cast %mul3A_179 : i32 to index
          %get3A_536 = tpu.vector_load %arg9[%get3A_533, %get3A_534, %get3A_535] {strides = array<i32>} : memref<24x8x224xf32, #tpu.memory_space<vmem>>, vector<1x1x16xf32>,
          %get3A_537 = vector.shape_cast %get3A_536 : vector<1x1x16xf32> to vector<16xf32>
          %get3A_538 = arith.constant 14 : i32
          %get3A_539 = arith.index_cast %get3A_538 : i32 to index
          %get3A_540 = arith.index_cast %select_n3A : i32 to index
          %get3A_541 = arith.index_cast %mul3A_179 : i32 to index
          %get3A_542 = tpu.vector_load %arg10[%get3A_539, %get3A_540, %get3A_541] {strides = array<i32>} : memref<24x8x224xf32, #tpu.memory_space<vmem>>, vector<1x1x16xf32>,
          %get3A_543 = vector.shape_cast %get3A_542 : vector<1x1x16xf32> to vector<16xf32>
          %get3A_544 = arith.constant 14 : i32
          %get3A_545 = arith.index_cast %get3A_544 : i32 to index
          %get3A_546 = arith.constant 0 : index
          %get3A_547 = tpu.vector_load %arg13[%get3A_545, %get3A_546] {strides = array<i32>} : memref<24x16xf32, #tpu.memory_space<vmem>>, vector<1x16xf32>,
          %get3A_548 = vector.shape_cast %get3A_547 : vector<1x16xf32> to vector<16xf32>
          %sub3A_549 = arith.subf %get3A_543, %get3A_548 : vector<16xf32>
          %mul3A_550 = arith.mulf %get3A_537, %sub3A_549 : vector<16xf32>
          %add3A_551 = arith.addf %add3A_527, %mul3A_550 : vector<16xf32>
          %mul3A_552 = arith.mulf %get3A_537, %get3A_537 : vector<16xf32>
          %add3A_553 = arith.addf %add3A_529, %mul3A_552 : vector<16xf32>
          %mul3A_554 = arith.mulf %sub3A_549, %sub3A_549 : vector<16xf32>
          %add3A_555 = arith.addf %add3A_531, %mul3A_554 : vector<16xf32>
          %get3A_556 = arith.constant 15 : i32
          %get3A_557 = arith.index_cast %get3A_556 : i32 to index
          %get3A_558 = arith.index_cast %select_n3A : i32 to index
          %get3A_559 = arith.index_cast %mul3A_179 : i32 to index
          %get3A_560 = tpu.vector_load %arg9[%get3A_557, %get3A_558, %get3A_559] {strides = array<i32>} : memref<24x8x224xf32, #tpu.memory_space<vmem>>, vector<1x1x16xf32>,
          %get3A_561 = vector.shape_cast %get3A_560 : vector<1x1x16xf32> to vector<16xf32>
          %get3A_562 = arith.constant 15 : i32
          %get3A_563 = arith.index_cast %get3A_562 : i32 to index
          %get3A_564 = arith.index_cast %select_n3A : i32 to index
          %get3A_565 = arith.index_cast %mul3A_179 : i32 to index
          %get3A_566 = tpu.vector_load %arg10[%get3A_563, %get3A_564, %get3A_565] {strides = array<i32>} : memref<24x8x224xf32, #tpu.memory_space<vmem>>, vector<1x1x16xf32>,
          %get3A_567 = vector.shape_cast %get3A_566 : vector<1x1x16xf32> to vector<16xf32>
          %get3A_568 = arith.constant 15 : i32
          %get3A_569 = arith.index_cast %get3A_568 : i32 to index
          %get3A_570 = arith.constant 0 : index
          %get3A_571 = tpu.vector_load %arg13[%get3A_569, %get3A_570] {strides = array<i32>} : memref<24x16xf32, #tpu.memory_space<vmem>>, vector<1x16xf32>,
          %get3A_572 = vector.shape_cast %get3A_571 : vector<1x16xf32> to vector<16xf32>
          %sub3A_573 = arith.subf %get3A_567, %get3A_572 : vector<16xf32>
          %mul3A_574 = arith.mulf %get3A_561, %sub3A_573 : vector<16xf32>
          %add3A_575 = arith.addf %add3A_551, %mul3A_574 : vector<16xf32>
          %mul3A_576 = arith.mulf %get3A_561, %get3A_561 : vector<16xf32>
          %add3A_577 = arith.addf %add3A_553, %mul3A_576 : vector<16xf32>
          %mul3A_578 = arith.mulf %sub3A_573, %sub3A_573 : vector<16xf32>
          %add3A_579 = arith.addf %add3A_555, %mul3A_578 : vector<16xf32>
          %get3A_580 = arith.constant 16 : i32
          %get3A_581 = arith.index_cast %get3A_580 : i32 to index
          %get3A_582 = arith.index_cast %select_n3A : i32 to index
          %get3A_583 = arith.index_cast %mul3A_179 : i32 to index
          %get3A_584 = tpu.vector_load %arg9[%get3A_581, %get3A_582, %get3A_583] {strides = array<i32>} : memref<24x8x224xf32, #tpu.memory_space<vmem>>, vector<1x1x16xf32>,
          %get3A_585 = vector.shape_cast %get3A_584 : vector<1x1x16xf32> to vector<16xf32>
          %get3A_586 = arith.constant 16 : i32
          %get3A_587 = arith.index_cast %get3A_586 : i32 to index
          %get3A_588 = arith.index_cast %select_n3A : i32 to index
          %get3A_589 = arith.index_cast %mul3A_179 : i32 to index
          %get3A_590 = tpu.vector_load %arg10[%get3A_587, %get3A_588, %get3A_589] {strides = array<i32>} : memref<24x8x224xf32, #tpu.memory_space<vmem>>, vector<1x1x16xf32>,
          %get3A_591 = vector.shape_cast %get3A_590 : vector<1x1x16xf32> to vector<16xf32>
          %get3A_592 = arith.constant 16 : i32
          %get3A_593 = arith.index_cast %get3A_592 : i32 to index
          %get3A_594 = arith.constant 0 : index
          %get3A_595 = tpu.vector_load %arg13[%get3A_593, %get3A_594] {strides = array<i32>} : memref<24x16xf32, #tpu.memory_space<vmem>>, vector<1x16xf32>,
          %get3A_596 = vector.shape_cast %get3A_595 : vector<1x16xf32> to vector<16xf32>
          %sub3A_597 = arith.subf %get3A_591, %get3A_596 : vector<16xf32>
          %mul3A_598 = arith.mulf %get3A_585, %sub3A_597 : vector<16xf32>
          %add3A_599 = arith.addf %add3A_575, %mul3A_598 : vector<16xf32>
          %mul3A_600 = arith.mulf %get3A_585, %get3A_585 : vector<16xf32>
          %add3A_601 = arith.addf %add3A_577, %mul3A_600 : vector<16xf32>
          %mul3A_602 = arith.mulf %sub3A_597, %sub3A_597 : vector<16xf32>
          %add3A_603 = arith.addf %add3A_579, %mul3A_602 : vector<16xf32>
          %get3A_604 = arith.constant 17 : i32
          %get3A_605 = arith.index_cast %get3A_604 : i32 to index
          %get3A_606 = arith.index_cast %select_n3A : i32 to index
          %get3A_607 = arith.index_cast %mul3A_179 : i32 to index
          %get3A_608 = tpu.vector_load %arg9[%get3A_605, %get3A_606, %get3A_607] {strides = array<i32>} : memref<24x8x224xf32, #tpu.memory_space<vmem>>, vector<1x1x16xf32>,
          %get3A_609 = vector.shape_cast %get3A_608 : vector<1x1x16xf32> to vector<16xf32>
          %get3A_610 = arith.constant 17 : i32
          %get3A_611 = arith.index_cast %get3A_610 : i32 to index
          %get3A_612 = arith.index_cast %select_n3A : i32 to index
          %get3A_613 = arith.index_cast %mul3A_179 : i32 to index
          %get3A_614 = tpu.vector_load %arg10[%get3A_611, %get3A_612, %get3A_613] {strides = array<i32>} : memref<24x8x224xf32, #tpu.memory_space<vmem>>, vector<1x1x16xf32>,
          %get3A_615 = vector.shape_cast %get3A_614 : vector<1x1x16xf32> to vector<16xf32>
          %get3A_616 = arith.constant 17 : i32
          %get3A_617 = arith.index_cast %get3A_616 : i32 to index
          %get3A_618 = arith.constant 0 : index
          %get3A_619 = tpu.vector_load %arg13[%get3A_617, %get3A_618] {strides = array<i32>} : memref<24x16xf32, #tpu.memory_space<vmem>>, vector<1x16xf32>,
          %get3A_620 = vector.shape_cast %get3A_619 : vector<1x16xf32> to vector<16xf32>
          %sub3A_621 = arith.subf %get3A_615, %get3A_620 : vector<16xf32>
          %mul3A_622 = arith.mulf %get3A_609, %sub3A_621 : vector<16xf32>
          %add3A_623 = arith.addf %add3A_599, %mul3A_622 : vector<16xf32>
          %mul3A_624 = arith.mulf %get3A_609, %get3A_609 : vector<16xf32>
          %add3A_625 = arith.addf %add3A_601, %mul3A_624 : vector<16xf32>
          %mul3A_626 = arith.mulf %sub3A_621, %sub3A_621 : vector<16xf32>
          %add3A_627 = arith.addf %add3A_603, %mul3A_626 : vector<16xf32>
          %get3A_628 = arith.constant 18 : i32
          %get3A_629 = arith.index_cast %get3A_628 : i32 to index
          %get3A_630 = arith.index_cast %select_n3A : i32 to index
          %get3A_631 = arith.index_cast %mul3A_179 : i32 to index
          %get3A_632 = tpu.vector_load %arg9[%get3A_629, %get3A_630, %get3A_631] {strides = array<i32>} : memref<24x8x224xf32, #tpu.memory_space<vmem>>, vector<1x1x16xf32>,
          %get3A_633 = vector.shape_cast %get3A_632 : vector<1x1x16xf32> to vector<16xf32>
          %get3A_634 = arith.constant 18 : i32
          %get3A_635 = arith.index_cast %get3A_634 : i32 to index
          %get3A_636 = arith.index_cast %select_n3A : i32 to index
          %get3A_637 = arith.index_cast %mul3A_179 : i32 to index
          %get3A_638 = tpu.vector_load %arg10[%get3A_635, %get3A_636, %get3A_637] {strides = array<i32>} : memref<24x8x224xf32, #tpu.memory_space<vmem>>, vector<1x1x16xf32>,
          %get3A_639 = vector.shape_cast %get3A_638 : vector<1x1x16xf32> to vector<16xf32>
          %get3A_640 = arith.constant 18 : i32
          %get3A_641 = arith.index_cast %get3A_640 : i32 to index
          %get3A_642 = arith.constant 0 : index
          %get3A_643 = tpu.vector_load %arg13[%get3A_641, %get3A_642] {strides = array<i32>} : memref<24x16xf32, #tpu.memory_space<vmem>>, vector<1x16xf32>,
          %get3A_644 = vector.shape_cast %get3A_643 : vector<1x16xf32> to vector<16xf32>
          %sub3A_645 = arith.subf %get3A_639, %get3A_644 : vector<16xf32>
          %mul3A_646 = arith.mulf %get3A_633, %sub3A_645 : vector<16xf32>
          %add3A_647 = arith.addf %add3A_623, %mul3A_646 : vector<16xf32>
          %mul3A_648 = arith.mulf %get3A_633, %get3A_633 : vector<16xf32>
          %add3A_649 = arith.addf %add3A_625, %mul3A_648 : vector<16xf32>
          %mul3A_650 = arith.mulf %sub3A_645, %sub3A_645 : vector<16xf32>
          %add3A_651 = arith.addf %add3A_627, %mul3A_650 : vector<16xf32>
          %get3A_652 = arith.constant 19 : i32
          %get3A_653 = arith.index_cast %get3A_652 : i32 to index
          %get3A_654 = arith.index_cast %select_n3A : i32 to index
          %get3A_655 = arith.index_cast %mul3A_179 : i32 to index
          %get3A_656 = tpu.vector_load %arg9[%get3A_653, %get3A_654, %get3A_655] {strides = array<i32>} : memref<24x8x224xf32, #tpu.memory_space<vmem>>, vector<1x1x16xf32>,
          %get3A_657 = vector.shape_cast %get3A_656 : vector<1x1x16xf32> to vector<16xf32>
          %get3A_658 = arith.constant 19 : i32
          %get3A_659 = arith.index_cast %get3A_658 : i32 to index
          %get3A_660 = arith.index_cast %select_n3A : i32 to index
          %get3A_661 = arith.index_cast %mul3A_179 : i32 to index
          %get3A_662 = tpu.vector_load %arg10[%get3A_659, %get3A_660, %get3A_661] {strides = array<i32>} : memref<24x8x224xf32, #tpu.memory_space<vmem>>, vector<1x1x16xf32>,
          %get3A_663 = vector.shape_cast %get3A_662 : vector<1x1x16xf32> to vector<16xf32>
          %get3A_664 = arith.constant 19 : i32
          %get3A_665 = arith.index_cast %get3A_664 : i32 to index
          %get3A_666 = arith.constant 0 : index
          %get3A_667 = tpu.vector_load %arg13[%get3A_665, %get3A_666] {strides = array<i32>} : memref<24x16xf32, #tpu.memory_space<vmem>>, vector<1x16xf32>,
          %get3A_668 = vector.shape_cast %get3A_667 : vector<1x16xf32> to vector<16xf32>
          %sub3A_669 = arith.subf %get3A_663, %get3A_668 : vector<16xf32>
          %mul3A_670 = arith.mulf %get3A_657, %sub3A_669 : vector<16xf32>
          %add3A_671 = arith.addf %add3A_647, %mul3A_670 : vector<16xf32>
          %mul3A_672 = arith.mulf %get3A_657, %get3A_657 : vector<16xf32>
          %add3A_673 = arith.addf %add3A_649, %mul3A_672 : vector<16xf32>
          %mul3A_674 = arith.mulf %sub3A_669, %sub3A_669 : vector<16xf32>
          %add3A_675 = arith.addf %add3A_651, %mul3A_674 : vector<16xf32>
          %get3A_676 = arith.constant 20 : i32
          %get3A_677 = arith.index_cast %get3A_676 : i32 to index
          %get3A_678 = arith.index_cast %select_n3A : i32 to index
          %get3A_679 = arith.index_cast %mul3A_179 : i32 to index
          %get3A_680 = tpu.vector_load %arg9[%get3A_677, %get3A_678, %get3A_679] {strides = array<i32>} : memref<24x8x224xf32, #tpu.memory_space<vmem>>, vector<1x1x16xf32>,
          %get3A_681 = vector.shape_cast %get3A_680 : vector<1x1x16xf32> to vector<16xf32>
          %get3A_682 = arith.constant 20 : i32
          %get3A_683 = arith.index_cast %get3A_682 : i32 to index
          %get3A_684 = arith.index_cast %select_n3A : i32 to index
          %get3A_685 = arith.index_cast %mul3A_179 : i32 to index
          %get3A_686 = tpu.vector_load %arg10[%get3A_683, %get3A_684, %get3A_685] {strides = array<i32>} : memref<24x8x224xf32, #tpu.memory_space<vmem>>, vector<1x1x16xf32>,
          %get3A_687 = vector.shape_cast %get3A_686 : vector<1x1x16xf32> to vector<16xf32>
          %get3A_688 = arith.constant 20 : i32
          %get3A_689 = arith.index_cast %get3A_688 : i32 to index
          %get3A_690 = arith.constant 0 : index
          %get3A_691 = tpu.vector_load %arg13[%get3A_689, %get3A_690] {strides = array<i32>} : memref<24x16xf32, #tpu.memory_space<vmem>>, vector<1x16xf32>,
          %get3A_692 = vector.shape_cast %get3A_691 : vector<1x16xf32> to vector<16xf32>
          %sub3A_693 = arith.subf %get3A_687, %get3A_692 : vector<16xf32>
          %mul3A_694 = arith.mulf %get3A_681, %sub3A_693 : vector<16xf32>
          %add3A_695 = arith.addf %add3A_671, %mul3A_694 : vector<16xf32>
          %mul3A_696 = arith.mulf %get3A_681, %get3A_681 : vector<16xf32>
          %add3A_697 = arith.addf %add3A_673, %mul3A_696 : vector<16xf32>
          %mul3A_698 = arith.mulf %sub3A_693, %sub3A_693 : vector<16xf32>
          %add3A_699 = arith.addf %add3A_675, %mul3A_698 : vector<16xf32>
          %get3A_700 = arith.constant 21 : i32
          %get3A_701 = arith.index_cast %get3A_700 : i32 to index
          %get3A_702 = arith.index_cast %select_n3A : i32 to index
          %get3A_703 = arith.index_cast %mul3A_179 : i32 to index
          %get3A_704 = tpu.vector_load %arg9[%get3A_701, %get3A_702, %get3A_703] {strides = array<i32>} : memref<24x8x224xf32, #tpu.memory_space<vmem>>, vector<1x1x16xf32>,
          %get3A_705 = vector.shape_cast %get3A_704 : vector<1x1x16xf32> to vector<16xf32>
          %get3A_706 = arith.constant 21 : i32
          %get3A_707 = arith.index_cast %get3A_706 : i32 to index
          %get3A_708 = arith.index_cast %select_n3A : i32 to index
          %get3A_709 = arith.index_cast %mul3A_179 : i32 to index
          %get3A_710 = tpu.vector_load %arg10[%get3A_707, %get3A_708, %get3A_709] {strides = array<i32>} : memref<24x8x224xf32, #tpu.memory_space<vmem>>, vector<1x1x16xf32>,
          %get3A_711 = vector.shape_cast %get3A_710 : vector<1x1x16xf32> to vector<16xf32>
          %get3A_712 = arith.constant 21 : i32
          %get3A_713 = arith.index_cast %get3A_712 : i32 to index
          %get3A_714 = arith.constant 0 : index
          %get3A_715 = tpu.vector_load %arg13[%get3A_713, %get3A_714] {strides = array<i32>} : memref<24x16xf32, #tpu.memory_space<vmem>>, vector<1x16xf32>,
          %get3A_716 = vector.shape_cast %get3A_715 : vector<1x16xf32> to vector<16xf32>
          %sub3A_717 = arith.subf %get3A_711, %get3A_716 : vector<16xf32>
          %mul3A_718 = arith.mulf %get3A_705, %sub3A_717 : vector<16xf32>
          %add3A_719 = arith.addf %add3A_695, %mul3A_718 : vector<16xf32>
          %mul3A_720 = arith.mulf %get3A_705, %get3A_705 : vector<16xf32>
          %add3A_721 = arith.addf %add3A_697, %mul3A_720 : vector<16xf32>
          %mul3A_722 = arith.mulf %sub3A_717, %sub3A_717 : vector<16xf32>
          %add3A_723 = arith.addf %add3A_699, %mul3A_722 : vector<16xf32>
          %get3A_724 = arith.constant 22 : i32
          %get3A_725 = arith.index_cast %get3A_724 : i32 to index
          %get3A_726 = arith.index_cast %select_n3A : i32 to index
          %get3A_727 = arith.index_cast %mul3A_179 : i32 to index
          %get3A_728 = tpu.vector_load %arg9[%get3A_725, %get3A_726, %get3A_727] {strides = array<i32>} : memref<24x8x224xf32, #tpu.memory_space<vmem>>, vector<1x1x16xf32>,
          %get3A_729 = vector.shape_cast %get3A_728 : vector<1x1x16xf32> to vector<16xf32>
          %get3A_730 = arith.constant 22 : i32
          %get3A_731 = arith.index_cast %get3A_730 : i32 to index
          %get3A_732 = arith.index_cast %select_n3A : i32 to index
          %get3A_733 = arith.index_cast %mul3A_179 : i32 to index
          %get3A_734 = tpu.vector_load %arg10[%get3A_731, %get3A_732, %get3A_733] {strides = array<i32>} : memref<24x8x224xf32, #tpu.memory_space<vmem>>, vector<1x1x16xf32>,
          %get3A_735 = vector.shape_cast %get3A_734 : vector<1x1x16xf32> to vector<16xf32>
          %get3A_736 = arith.constant 22 : i32
          %get3A_737 = arith.index_cast %get3A_736 : i32 to index
          %get3A_738 = arith.constant 0 : index
          %get3A_739 = tpu.vector_load %arg13[%get3A_737, %get3A_738] {strides = array<i32>} : memref<24x16xf32, #tpu.memory_space<vmem>>, vector<1x16xf32>,
          %get3A_740 = vector.shape_cast %get3A_739 : vector<1x16xf32> to vector<16xf32>
          %sub3A_741 = arith.subf %get3A_735, %get3A_740 : vector<16xf32>
          %mul3A_742 = arith.mulf %get3A_729, %sub3A_741 : vector<16xf32>
          %add3A_743 = arith.addf %add3A_719, %mul3A_742 : vector<16xf32>
          %mul3A_744 = arith.mulf %get3A_729, %get3A_729 : vector<16xf32>
          %add3A_745 = arith.addf %add3A_721, %mul3A_744 : vector<16xf32>
          %mul3A_746 = arith.mulf %sub3A_741, %sub3A_741 : vector<16xf32>
          %add3A_747 = arith.addf %add3A_723, %mul3A_746 : vector<16xf32>
          %get3A_748 = arith.constant 23 : i32
          %get3A_749 = arith.index_cast %get3A_748 : i32 to index
          %get3A_750 = arith.index_cast %select_n3A : i32 to index
          %get3A_751 = arith.index_cast %mul3A_179 : i32 to index
          %get3A_752 = tpu.vector_load %arg9[%get3A_749, %get3A_750, %get3A_751] {strides = array<i32>} : memref<24x8x224xf32, #tpu.memory_space<vmem>>, vector<1x1x16xf32>,
          %get3A_753 = vector.shape_cast %get3A_752 : vector<1x1x16xf32> to vector<16xf32>
          %get3A_754 = arith.constant 23 : i32
          %get3A_755 = arith.index_cast %get3A_754 : i32 to index
          %get3A_756 = arith.index_cast %select_n3A : i32 to index
          %get3A_757 = arith.index_cast %mul3A_179 : i32 to index
          %get3A_758 = tpu.vector_load %arg10[%get3A_755, %get3A_756, %get3A_757] {strides = array<i32>} : memref<24x8x224xf32, #tpu.memory_space<vmem>>, vector<1x1x16xf32>,
          %get3A_759 = vector.shape_cast %get3A_758 : vector<1x1x16xf32> to vector<16xf32>
          %get3A_760 = arith.constant 23 : i32
          %get3A_761 = arith.index_cast %get3A_760 : i32 to index
          %get3A_762 = arith.constant 0 : index
          %get3A_763 = tpu.vector_load %arg13[%get3A_761, %get3A_762] {strides = array<i32>} : memref<24x16xf32, #tpu.memory_space<vmem>>, vector<1x16xf32>,
          %get3A_764 = vector.shape_cast %get3A_763 : vector<1x16xf32> to vector<16xf32>
          %sub3A_765 = arith.subf %get3A_759, %get3A_764 : vector<16xf32>
          %mul3A_766 = arith.mulf %get3A_753, %sub3A_765 : vector<16xf32>
          %add3A_767 = arith.addf %add3A_743, %mul3A_766 : vector<16xf32>
          %mul3A_768 = arith.mulf %get3A_753, %get3A_753 : vector<16xf32>
          %add3A_769 = arith.addf %add3A_745, %mul3A_768 : vector<16xf32>
          %mul3A_770 = arith.mulf %sub3A_765, %sub3A_765 : vector<16xf32>
          %add3A_771 = arith.addf %add3A_747, %mul3A_770 : vector<16xf32>
          %swap3A_772 = arith.index_cast %select_n3A : i32 to index
          %swap3A_773 = arith.index_cast %mul3A_179 : i32 to index
          %swap3A_774 = tpu.vector_load %arg14[%swap3A_772, %swap3A_773] {strides = array<i32>} : memref<8x224xf32, #tpu.memory_space<vmem>>, vector<1x16xf32>,
          %swap3A_775 = vector.shape_cast %swap3A_774 : vector<1x16xf32> to vector<16xf32>
          %swap3A_776 = vector.shape_cast %add3A_767 : vector<16xf32> to vector<1x16xf32>
          tpu.vector_store %arg14[%swap3A_772, %swap3A_773], %swap3A_776 {strides = array<i32>} : memref<8x224xf32, #tpu.memory_space<vmem>>, vector<1x16xf32>,
          %swap3A_777 = arith.index_cast %select_n3A : i32 to index
          %swap3A_778 = arith.index_cast %mul3A_179 : i32 to index
          %swap3A_779 = tpu.vector_load %arg15[%swap3A_777, %swap3A_778] {strides = array<i32>} : memref<8x224xf32, #tpu.memory_space<vmem>>, vector<1x16xf32>,
          %swap3A_780 = vector.shape_cast %swap3A_779 : vector<1x16xf32> to vector<16xf32>
          %swap3A_781 = vector.shape_cast %add3A_769 : vector<16xf32> to vector<1x16xf32>
          tpu.vector_store %arg15[%swap3A_777, %swap3A_778], %swap3A_781 {strides = array<i32>} : memref<8x224xf32, #tpu.memory_space<vmem>>, vector<1x16xf32>,
          %swap3A_782 = arith.index_cast %select_n3A : i32 to index
          %swap3A_783 = arith.index_cast %mul3A_179 : i32 to index
          %swap3A_784 = tpu.vector_load %arg16[%swap3A_782, %swap3A_783] {strides = array<i32>} : memref<8x224xf32, #tpu.memory_space<vmem>>, vector<1x16xf32>,
          %swap3A_785 = vector.shape_cast %swap3A_784 : vector<1x16xf32> to vector<16xf32>
          %swap3A_786 = vector.shape_cast %add3A_771 : vector<16xf32> to vector<1x16xf32>
          tpu.vector_store %arg16[%swap3A_782, %swap3A_783], %swap3A_786 {strides = array<i32>} : memref<8x224xf32, #tpu.memory_space<vmem>>, vector<1x16xf32>,
          %scan3A_787 = arith.constant 0 : i32
          scf.yield %scan3A_787 : i32
        }
        %scan3A_142 = arith.constant 112 : i32
        %scan3A_143 = arith.constant 0 : i32
        scf.yield %scan3A_143 : i32
      }
      %scan3A_44 = arith.constant 8 : i32
      %broadcast_in_dim3A_45 = arith.constant 0.000000e+00 : f32
      %broadcast_in_dim3A_46 = vector.broadcast %broadcast_in_dim3A_45 : f32 to vector<16xf32>
      %scan3A_47 = arith.constant 0 : i32
      %scan3A_48 = arith.constant 112 : i32
      %scan3A_49 = arith.addi %scan3A_47, %scan3A_48 : i32
      %scan3A_50 = arith.constant 1 : i32
      %scan3A_51:2 = scf.for %scan3A_125 = %scan3A_47 to %scan3A_49 step %scan3A_50 iter_args(%scan3A_126 = %broadcast_in_dim3A_46, %scan3A_127 = %broadcast_in_dim3A_46) -> (vector<16xf32>, vector<16xf32>)  : i32 {
        %jit3A = arith.constant 14 : i32
        %div3A = arith.divsi %scan3A_125, %jit3A : i32
        %sign3A = arith.constant 0 : i32
        %sign3A_128 = arith.cmpi sgt, %scan3A_125, %sign3A : i32
        %sign3A_129 = arith.extui %sign3A_128 : i1 to i32
        %sign3A_130 = arith.constant 0 : i32
        %sign3A_131 = arith.cmpi slt, %scan3A_125, %sign3A_130 : i32
        %sign3A_132 = arith.extui %sign3A_131 : i1 to i32
        %sign3A_133 = arith.subi %sign3A_129, %sign3A_132 : i32
        %sign3A_134 = arith.constant 0 : i32
        %sign3A_135 = arith.cmpi sgt, %jit3A, %sign3A_134 : i32
        %sign3A_136 = arith.extui %sign3A_135 : i1 to i32
        %sign3A_137 = arith.constant 0 : i32
        %sign3A_138 = arith.cmpi slt, %jit3A, %sign3A_137 : i32
        %sign3A_139 = arith.extui %sign3A_138 : i1 to i32
        %sign3A_140 = arith.subi %sign3A_136, %sign3A_139 : i32
        %ne3A = arith.cmpi ne, %sign3A_133, %sign3A_140 : i32
        %rem3A = arith.remsi %scan3A_125, %jit3A : i32
        %ne3A_141 = arith.constant 0 : i32
        %ne3A_142 = arith.cmpi ne, %rem3A, %ne3A_141 : i32
        %and3A = arith.andi %ne3A, %ne3A_142 : i1
        %sub3A = arith.constant 1 : i32
        %sub3A_143 = arith.subi %div3A, %sub3A : i32
        %select_n3A = arith.select %and3A, %sub3A_143, %div3A : i32
        %jit3A_144 = arith.constant 14 : i32
        %eq3A = arith.constant 0 : i32
        %eq3A_145 = arith.cmpi eq, %jit3A_144, %eq3A : i32
        %jit3A_146 = arith.constant 1 : i32
        %select_n3A_147 = arith.select %eq3A_145, %jit3A_146, %jit3A_144 : i32
        %rem3A_148 = arith.remsi %scan3A_125, %select_n3A_147 : i32
        %ne3A_149 = arith.constant 0 : i32
        %ne3A_150 = arith.cmpi ne, %rem3A_148, %ne3A_149 : i32
        %lt3A_151 = arith.constant 0 : i32
        %lt3A_152 = arith.cmpi slt, %rem3A_148, %lt3A_151 : i32
        %lt3A_153 = arith.constant 0 : i32
        %lt3A_154 = arith.cmpi slt, %select_n3A_147, %lt3A_153 : i32
        %ne3A_155 = arith.xori %lt3A_152, %lt3A_154 : i1
        %and3A_156 = arith.andi %ne3A_155, %ne3A_150 : i1
        %add3A_157 = arith.addi %rem3A_148, %select_n3A_147 : i32
        %select_n3A_158 = arith.select %and3A_156, %add3A_157, %rem3A_148 : i32
        %mul3A_159 = arith.constant 16 : i32
        %mul3A_160 = arith.muli %select_n3A_158, %mul3A_159 : i32
        %get3A = arith.index_cast %select_n3A : i32 to index
        %get3A_161 = arith.index_cast %mul3A_160 : i32 to index
        %get3A_162 = tpu.vector_load %arg14[%get3A, %get3A_161] {strides = array<i32>} : memref<8x224xf32, #tpu.memory_space<vmem>>, vector<1x16xf32>,
        %get3A_163 = vector.shape_cast %get3A_162 : vector<1x16xf32> to vector<16xf32>
        %get3A_164 = arith.index_cast %select_n3A : i32 to index
        %get3A_165 = arith.index_cast %mul3A_160 : i32 to index
        %get3A_166 = tpu.vector_load %arg15[%get3A_164, %get3A_165] {strides = array<i32>} : memref<8x224xf32, #tpu.memory_space<vmem>>, vector<1x16xf32>,
        %get3A_167 = vector.shape_cast %get3A_166 : vector<1x16xf32> to vector<16xf32>
        %get3A_168 = arith.index_cast %select_n3A : i32 to index
        %get3A_169 = arith.index_cast %mul3A_160 : i32 to index
        %get3A_170 = tpu.vector_load %arg16[%get3A_168, %get3A_169] {strides = array<i32>} : memref<8x224xf32, #tpu.memory_space<vmem>>, vector<1x16xf32>,
        %get3A_171 = vector.shape_cast %get3A_170 : vector<1x16xf32> to vector<16xf32>
        %max3A = arith.constant 1.000000e-16 : f32
        %max3A_172 = vector.broadcast %max3A : f32 to vector<16xf32>
        %max3A_173 = arith.maximumf %get3A_167, %max3A_172 : vector<16xf32>
        %bitcast_convert_type3A = tpu.bitcast %max3A_173 : vector<16xf32> -> vector<16xi32>
        %shift_right_arithmetic3A = arith.constant 1 : i32
        %shift_right_arithmetic3A_174 = vector.broadcast %shift_right_arithmetic3A : i32 to vector<16xi32>
        %shift_right_arithmetic3A_175 = arith.shrsi %bitcast_convert_type3A, %shift_right_arithmetic3A_174 : vector<16xi32>
        %sub3A_176 = arith.constant 1597463007 : i32
        %sub3A_177 = vector.broadcast %sub3A_176 : i32 to vector<16xi32>
        %sub3A_178 = arith.subi %sub3A_177, %shift_right_arithmetic3A_175 : vector<16xi32>
        %bitcast_convert_type3A_179 = tpu.bitcast %sub3A_178 : vector<16xi32> -> vector<16xf32>
        %mul3A_180 = arith.constant 5.000000e-01 : f32
        %mul3A_181 = vector.broadcast %mul3A_180 : f32 to vector<16xf32>
        %mul3A_182 = arith.mulf %mul3A_181, %max3A_173 : vector<16xf32>
        %mul3A_183 = arith.mulf %mul3A_182, %bitcast_convert_type3A_179 : vector<16xf32>
        %mul3A_184 = arith.mulf %mul3A_183, %bitcast_convert_type3A_179 : vector<16xf32>
        %sub3A_185 = arith.constant 1.500000e+00 : f32
        %sub3A_186 = vector.broadcast %sub3A_185 : f32 to vector<16xf32>
        %sub3A_187 = arith.subf %sub3A_186, %mul3A_184 : vector<16xf32>
        %mul3A_188 = arith.mulf %bitcast_convert_type3A_179, %sub3A_187 : vector<16xf32>
        %mul3A_189 = arith.constant 5.000000e-01 : f32
        %mul3A_190 = vector.broadcast %mul3A_189 : f32 to vector<16xf32>
        %mul3A_191 = arith.mulf %mul3A_190, %max3A_173 : vector<16xf32>
        %mul3A_192 = arith.mulf %mul3A_191, %mul3A_188 : vector<16xf32>
        %mul3A_193 = arith.mulf %mul3A_192, %mul3A_188 : vector<16xf32>
        %sub3A_194 = arith.constant 1.500000e+00 : f32
        %sub3A_195 = vector.broadcast %sub3A_194 : f32 to vector<16xf32>
        %sub3A_196 = arith.subf %sub3A_195, %mul3A_193 : vector<16xf32>
        %mul3A_197 = arith.mulf %mul3A_188, %sub3A_196 : vector<16xf32>
        %mul3A_198 = arith.constant 5.000000e-01 : f32
        %mul3A_199 = vector.broadcast %mul3A_198 : f32 to vector<16xf32>
        %mul3A_200 = arith.mulf %mul3A_199, %max3A_173 : vector<16xf32>
        %mul3A_201 = arith.mulf %mul3A_200, %mul3A_197 : vector<16xf32>
        %mul3A_202 = arith.mulf %mul3A_201, %mul3A_197 : vector<16xf32>
        %sub3A_203 = arith.constant 1.500000e+00 : f32
        %sub3A_204 = vector.broadcast %sub3A_203 : f32 to vector<16xf32>
        %sub3A_205 = arith.subf %sub3A_204, %mul3A_202 : vector<16xf32>
        %mul3A_206 = arith.mulf %mul3A_197, %sub3A_205 : vector<16xf32>
        %max3A_207 = arith.constant 1.000000e-16 : f32
        %max3A_208 = vector.broadcast %max3A_207 : f32 to vector<16xf32>
        %max3A_209 = arith.maximumf %get3A_171, %max3A_208 : vector<16xf32>
        %bitcast_convert_type3A_210 = tpu.bitcast %max3A_209 : vector<16xf32> -> vector<16xi32>
        %shift_right_arithmetic3A_211 = arith.constant 1 : i32
        %shift_right_arithmetic3A_212 = vector.broadcast %shift_right_arithmetic3A_211 : i32 to vector<16xi32>
        %shift_right_arithmetic3A_213 = arith.shrsi %bitcast_convert_type3A_210, %shift_right_arithmetic3A_212 : vector<16xi32>
        %sub3A_214 = arith.constant 1597463007 : i32
        %sub3A_215 = vector.broadcast %sub3A_214 : i32 to vector<16xi32>
        %sub3A_216 = arith.subi %sub3A_215, %shift_right_arithmetic3A_213 : vector<16xi32>
        %bitcast_convert_type3A_217 = tpu.bitcast %sub3A_216 : vector<16xi32> -> vector<16xf32>
        %mul3A_218 = arith.constant 5.000000e-01 : f32
        %mul3A_219 = vector.broadcast %mul3A_218 : f32 to vector<16xf32>
        %mul3A_220 = arith.mulf %mul3A_219, %max3A_209 : vector<16xf32>
        %mul3A_221 = arith.mulf %mul3A_220, %bitcast_convert_type3A_217 : vector<16xf32>
        %mul3A_222 = arith.mulf %mul3A_221, %bitcast_convert_type3A_217 : vector<16xf32>
        %sub3A_223 = arith.constant 1.500000e+00 : f32
        %sub3A_224 = vector.broadcast %sub3A_223 : f32 to vector<16xf32>
        %sub3A_225 = arith.subf %sub3A_224, %mul3A_222 : vector<16xf32>
        %mul3A_226 = arith.mulf %bitcast_convert_type3A_217, %sub3A_225 : vector<16xf32>
        %mul3A_227 = arith.constant 5.000000e-01 : f32
        %mul3A_228 = vector.broadcast %mul3A_227 : f32 to vector<16xf32>
        %mul3A_229 = arith.mulf %mul3A_228, %max3A_209 : vector<16xf32>
        %mul3A_230 = arith.mulf %mul3A_229, %mul3A_226 : vector<16xf32>
        %mul3A_231 = arith.mulf %mul3A_230, %mul3A_226 : vector<16xf32>
        %sub3A_232 = arith.constant 1.500000e+00 : f32
        %sub3A_233 = vector.broadcast %sub3A_232 : f32 to vector<16xf32>
        %sub3A_234 = arith.subf %sub3A_233, %mul3A_231 : vector<16xf32>
        %mul3A_235 = arith.mulf %mul3A_226, %sub3A_234 : vector<16xf32>
        %mul3A_236 = arith.constant 5.000000e-01 : f32
        %mul3A_237 = vector.broadcast %mul3A_236 : f32 to vector<16xf32>
        %mul3A_238 = arith.mulf %mul3A_237, %max3A_209 : vector<16xf32>
        %mul3A_239 = arith.mulf %mul3A_238, %mul3A_235 : vector<16xf32>
        %mul3A_240 = arith.mulf %mul3A_239, %mul3A_235 : vector<16xf32>
        %sub3A_241 = arith.constant 1.500000e+00 : f32
        %sub3A_242 = vector.broadcast %sub3A_241 : f32 to vector<16xf32>
        %sub3A_243 = arith.subf %sub3A_242, %mul3A_240 : vector<16xf32>
        %mul3A_244 = arith.mulf %mul3A_235, %sub3A_243 : vector<16xf32>
        %mul3A_245 = arith.mulf %mul3A_206, %mul3A_244 : vector<16xf32>
        %mul3A_246 = arith.mulf %get3A_163, %mul3A_245 : vector<16xf32>
        %sub3A_247 = arith.constant 1.000000e+00 : f32
        %sub3A_248 = vector.broadcast %sub3A_247 : f32 to vector<16xf32>
        %sub3A_249 = arith.subf %sub3A_248, %mul3A_246 : vector<16xf32>
        %get3A_250 = arith.index_cast %select_n3A : i32 to index
        %get3A_251 = arith.index_cast %mul3A_160 : i32 to index
        %get3A_252 = tpu.vector_load %arg11[%get3A_250, %get3A_251] {strides = array<i32>} : memref<8x224xf32, #tpu.memory_space<vmem>>, vector<1x16xf32>,
        %get3A_253 = vector.shape_cast %get3A_252 : vector<1x16xf32> to vector<16xf32>
        %get3A_254 = arith.index_cast %select_n3A : i32 to index
        %get3A_255 = arith.index_cast %mul3A_160 : i32 to index
        %get3A_256 = tpu.vector_load %arg12[%get3A_254, %get3A_255] {strides = array<i32>} : memref<8x224xf32, #tpu.memory_space<vmem>>, vector<1x16xf32>,
        %get3A_257 = vector.shape_cast %get3A_256 : vector<1x16xf32> to vector<16xf32>
        %ne3A_258 = arith.constant 0.000000e+00 : f32
        %ne3A_259 = vector.broadcast %ne3A_258 : f32 to vector<16xf32>
        %ne3A_260 = arith.cmpf one, %get3A_253, %ne3A_259 : vector<16xf32>
        %eq3A_261 = arith.constant 0.000000e+00 : f32
        %eq3A_262 = vector.broadcast %eq3A_261 : f32 to vector<16xf32>
        %eq3A_263 = arith.cmpf oeq, %get3A_257, %eq3A_262 : vector<16xf32>
        %and3A_264 = arith.andi %ne3A_260, %eq3A_263 : vector<16xi1>
        %jit3A_265 = arith.constant 1.000000e+00 : f32
        %jit3A_266 = arith.constant 0.000000e+00 : f32
        %broadcast_in_dim3A_267 = vector.broadcast %jit3A_265 : f32 to vector<16xf32>
        %broadcast_in_dim3A_268 = vector.broadcast %jit3A_266 : f32 to vector<16xf32>
        %select_n3A_269 = arith.select %and3A_264, %broadcast_in_dim3A_267, %broadcast_in_dim3A_268 : vector<16xi1>, vector<16xf32>
        %mul3A_270 = arith.mulf %sub3A_249, %select_n3A_269 : vector<16xf32>
        %add3A_271 = arith.addf %scan3A_126, %mul3A_270 : vector<16xf32>
        %add3A_272 = arith.addf %scan3A_127, %select_n3A_269 : vector<16xf32>
        scf.yield %add3A_271, %add3A_272 : vector<16xf32>, vector<16xf32>
      }
      %scan3A_52 = arith.constant 112 : i32
      %swap3A_53 = arith.constant 1 : i32
      %swap3A_54 = arith.index_cast %swap3A_53 : i32 to index
      %swap3A_55 = arith.constant 0 : index
      %swap3A_56 = tpu.vector_load %arg17[%swap3A_54, %swap3A_55] {strides = array<i32>} : memref<4x16xf32, #tpu.memory_space<vmem>>, vector<1x16xf32>,
      %swap3A_57 = vector.shape_cast %swap3A_56 : vector<1x16xf32> to vector<16xf32>
      %swap3A_58 = vector.shape_cast %scan3A_51#0 : vector<16xf32> to vector<1x16xf32>
      tpu.vector_store %arg17[%swap3A_54, %swap3A_55], %swap3A_58 {strides = array<i32>} : memref<4x16xf32, #tpu.memory_space<vmem>>, vector<1x16xf32>,
      %swap3A_59 = arith.constant 1 : i32
      %swap3A_60 = arith.index_cast %swap3A_59 : i32 to index
      %swap3A_61 = arith.constant 0 : index
      %swap3A_62 = tpu.vector_load %arg18[%swap3A_60, %swap3A_61] {strides = array<i32>} : memref<4x16xf32, #tpu.memory_space<vmem>>, vector<1x16xf32>,
      %swap3A_63 = vector.shape_cast %swap3A_62 : vector<1x16xf32> to vector<16xf32>
      %swap3A_64 = vector.shape_cast %scan3A_51#1 : vector<16xf32> to vector<1x16xf32>
      tpu.vector_store %arg18[%swap3A_60, %swap3A_61], %swap3A_64 {strides = array<i32>} : memref<4x16xf32, #tpu.memory_space<vmem>>, vector<1x16xf32>,
      %run_scoped3A_65 = arith.constant 2 : i32
      %run_scoped3A_66 = arith.constant 0 : i32
      "tpu.region"() ({
        %run_scoped3A_125 = tpu.sem_alloc : memref<!tpu.dma_semaphore, #tpu.memory_space<semaphore_mem>>
        %dma_start3A = arith.constant 0 : i32
        %dma_start3A_126 = tpu.memref_slice %arg4[%run_scoped3A_65, %run_scoped3A_66, %mul3A_2, %dma_start3A] : memref<4x1x224x224xf32, #tpu.memory_space<hbm>> -> memref<1x1x8x224xf32, #tpu.memory_space<hbm>>
        %dma_start3A_127 = tpu.memref_squeeze %dma_start3A_126 : memref<1x1x8x224xf32, #tpu.memory_space<hbm>> -> memref<8x224xf32, #tpu.memory_space<hbm>>
        %dma_start3A_128 = arith.constant 0 : i32
        %dma_start3A_129 = tpu.memref_slice %arg4[%run_scoped3A_65, %run_scoped3A_66, %mul3A_2, %dma_start3A_128] : memref<4x1x224x224xf32, #tpu.memory_space<hbm>> -> memref<1x1x8x224xf32, #tpu.memory_space<hbm>>
        %dma_start3A_130 = tpu.memref_squeeze %dma_start3A_129 : memref<1x1x8x224xf32, #tpu.memory_space<hbm>> -> memref<8x224xf32, #tpu.memory_space<hbm>>
        tpu.enqueue_dma source(%dma_start3A_130 : memref<8x224xf32, #tpu.memory_space<hbm>>) target(%arg11 : memref<8x224xf32, #tpu.memory_space<vmem>>) target_semaphore(%run_scoped3A_125 : memref<!tpu.dma_semaphore, #tpu.memory_space<semaphore_mem>>)
        %dma_wait3A = arith.constant 0 : i32
        %dma_wait3A_131 = tpu.memref_slice %arg4[%run_scoped3A_65, %run_scoped3A_66, %mul3A_2, %dma_wait3A] : memref<4x1x224x224xf32, #tpu.memory_space<hbm>> -> memref<1x1x8x224xf32, #tpu.memory_space<hbm>>
        %dma_wait3A_132 = tpu.memref_squeeze %dma_wait3A_131 : memref<1x1x8x224xf32, #tpu.memory_space<hbm>> -> memref<8x224xf32, #tpu.memory_space<hbm>>
        %dma_wait3A_133 = arith.constant 0 : i32
        %dma_wait3A_134 = tpu.memref_slice %arg4[%run_scoped3A_65, %run_scoped3A_66, %mul3A_2, %dma_wait3A_133] : memref<4x1x224x224xf32, #tpu.memory_space<hbm>> -> memref<1x1x8x224xf32, #tpu.memory_space<hbm>>
        %dma_wait3A_135 = tpu.memref_squeeze %dma_wait3A_134 : memref<1x1x8x224xf32, #tpu.memory_space<hbm>> -> memref<8x224xf32, #tpu.memory_space<hbm>>
        tpu.wait_dma2 semaphore(%run_scoped3A_125 : memref<!tpu.dma_semaphore, #tpu.memory_space<semaphore_mem>>) src(%dma_wait3A_135 : memref<8x224xf32, #tpu.memory_space<hbm>>) dst(%arg11 : memref<8x224xf32, #tpu.memory_space<vmem>>)
        tpu.yield
      }) : () -> ()
      %run_scoped3A_67 = arith.constant 2 : i32
      "tpu.region"() ({
        %run_scoped3A_125 = tpu.sem_alloc : memref<!tpu.dma_semaphore, #tpu.memory_space<semaphore_mem>>
        %dma_start3A = arith.constant 0 : i32
        %dma_start3A_126 = tpu.memref_slice %arg5[%run_scoped3A_67, %mul3A_2, %dma_start3A] : memref<4x224x224xf32, #tpu.memory_space<hbm>> -> memref<1x8x224xf32, #tpu.memory_space<hbm>>
        %dma_start3A_127 = tpu.memref_squeeze %dma_start3A_126 : memref<1x8x224xf32, #tpu.memory_space<hbm>> -> memref<8x224xf32, #tpu.memory_space<hbm>>
        %dma_start3A_128 = arith.constant 0 : i32
        %dma_start3A_129 = tpu.memref_slice %arg5[%run_scoped3A_67, %mul3A_2, %dma_start3A_128] : memref<4x224x224xf32, #tpu.memory_space<hbm>> -> memref<1x8x224xf32, #tpu.memory_space<hbm>>
        %dma_start3A_130 = tpu.memref_squeeze %dma_start3A_129 : memref<1x8x224xf32, #tpu.memory_space<hbm>> -> memref<8x224xf32, #tpu.memory_space<hbm>>
        tpu.enqueue_dma source(%dma_start3A_130 : memref<8x224xf32, #tpu.memory_space<hbm>>) target(%arg12 : memref<8x224xf32, #tpu.memory_space<vmem>>) target_semaphore(%run_scoped3A_125 : memref<!tpu.dma_semaphore, #tpu.memory_space<semaphore_mem>>)
        %dma_wait3A = arith.constant 0 : i32
        %dma_wait3A_131 = tpu.memref_slice %arg5[%run_scoped3A_67, %mul3A_2, %dma_wait3A] : memref<4x224x224xf32, #tpu.memory_space<hbm>> -> memref<1x8x224xf32, #tpu.memory_space<hbm>>
        %dma_wait3A_132 = tpu.memref_squeeze %dma_wait3A_131 : memref<1x8x224xf32, #tpu.memory_space<hbm>> -> memref<8x224xf32, #tpu.memory_space<hbm>>
        %dma_wait3A_133 = arith.constant 0 : i32
        %dma_wait3A_134 = tpu.memref_slice %arg5[%run_scoped3A_67, %mul3A_2, %dma_wait3A_133] : memref<4x224x224xf32, #tpu.memory_space<hbm>> -> memref<1x8x224xf32, #tpu.memory_space<hbm>>
        %dma_wait3A_135 = tpu.memref_squeeze %dma_wait3A_134 : memref<1x8x224xf32, #tpu.memory_space<hbm>> -> memref<8x224xf32, #tpu.memory_space<hbm>>
        tpu.wait_dma2 semaphore(%run_scoped3A_125 : memref<!tpu.dma_semaphore, #tpu.memory_space<semaphore_mem>>) src(%dma_wait3A_135 : memref<8x224xf32, #tpu.memory_space<hbm>>) dst(%arg12 : memref<8x224xf32, #tpu.memory_space<vmem>>)
        tpu.yield
      }) : () -> ()
      %scan3A_68 = arith.constant 0 : i32
      %scan3A_69 = arith.constant 0 : i32
      %scan3A_70 = arith.constant 8 : i32
      %scan3A_71 = arith.addi %scan3A_69, %scan3A_70 : i32
      %scan3A_72 = arith.constant 1 : i32
      %scan3A_73 = scf.for %scan3A_125 = %scan3A_69 to %scan3A_71 step %scan3A_72 iter_args(%scan3A_126 = %scan3A_68) -> (i32)  : i32 {
        %mul3A_127 = arith.constant 24 : i32
        %mul3A_128 = arith.muli %scan3A_125, %mul3A_127 : i32
        %run_scoped3A_129 = arith.constant 2 : i32
        "tpu.region"() ({
          %run_scoped3A_144 = tpu.sem_alloc : memref<!tpu.dma_semaphore, #tpu.memory_space<semaphore_mem>>
          %dma_start3A = arith.constant 0 : i32
          %dma_start3A_145 = tpu.memref_slice %arg2[%run_scoped3A_129, %mul3A_128, %mul3A_2, %dma_start3A] : memref<4x192x224x224xf32, #tpu.memory_space<hbm>> -> memref<1x24x8x224xf32, #tpu.memory_space<hbm>>
          %dma_start3A_146 = tpu.memref_squeeze %dma_start3A_145 : memref<1x24x8x224xf32, #tpu.memory_space<hbm>> -> memref<24x8x224xf32, #tpu.memory_space<hbm>>
          %dma_start3A_147 = arith.constant 0 : i32
          %dma_start3A_148 = tpu.memref_slice %arg2[%run_scoped3A_129, %mul3A_128, %mul3A_2, %dma_start3A_147] : memref<4x192x224x224xf32, #tpu.memory_space<hbm>> -> memref<1x24x8x224xf32, #tpu.memory_space<hbm>>
          %dma_start3A_149 = tpu.memref_squeeze %dma_start3A_148 : memref<1x24x8x224xf32, #tpu.memory_space<hbm>> -> memref<24x8x224xf32, #tpu.memory_space<hbm>>
          tpu.enqueue_dma source(%dma_start3A_149 : memref<24x8x224xf32, #tpu.memory_space<hbm>>) target(%arg9 : memref<24x8x224xf32, #tpu.memory_space<vmem>>) target_semaphore(%run_scoped3A_144 : memref<!tpu.dma_semaphore, #tpu.memory_space<semaphore_mem>>)
          %dma_wait3A = arith.constant 0 : i32
          %dma_wait3A_150 = tpu.memref_slice %arg2[%run_scoped3A_129, %mul3A_128, %mul3A_2, %dma_wait3A] : memref<4x192x224x224xf32, #tpu.memory_space<hbm>> -> memref<1x24x8x224xf32, #tpu.memory_space<hbm>>
          %dma_wait3A_151 = tpu.memref_squeeze %dma_wait3A_150 : memref<1x24x8x224xf32, #tpu.memory_space<hbm>> -> memref<24x8x224xf32, #tpu.memory_space<hbm>>
          %dma_wait3A_152 = arith.constant 0 : i32
          %dma_wait3A_153 = tpu.memref_slice %arg2[%run_scoped3A_129, %mul3A_128, %mul3A_2, %dma_wait3A_152] : memref<4x192x224x224xf32, #tpu.memory_space<hbm>> -> memref<1x24x8x224xf32, #tpu.memory_space<hbm>>
          %dma_wait3A_154 = tpu.memref_squeeze %dma_wait3A_153 : memref<1x24x8x224xf32, #tpu.memory_space<hbm>> -> memref<24x8x224xf32, #tpu.memory_space<hbm>>
          tpu.wait_dma2 semaphore(%run_scoped3A_144 : memref<!tpu.dma_semaphore, #tpu.memory_space<semaphore_mem>>) src(%dma_wait3A_154 : memref<24x8x224xf32, #tpu.memory_space<hbm>>) dst(%arg9 : memref<24x8x224xf32, #tpu.memory_space<vmem>>)
          tpu.yield
        }) : () -> ()
        %mul3A_130 = arith.constant 24 : i32
        %mul3A_131 = arith.muli %scan3A_125, %mul3A_130 : i32
        %run_scoped3A_132 = arith.constant 2 : i32
        "tpu.region"() ({
          %run_scoped3A_144 = tpu.sem_alloc : memref<!tpu.dma_semaphore, #tpu.memory_space<semaphore_mem>>
          %dma_start3A = arith.constant 0 : i32
          %dma_start3A_145 = tpu.memref_slice %arg3[%run_scoped3A_132, %mul3A_131, %mul3A_2, %dma_start3A] : memref<4x192x224x224xf32, #tpu.memory_space<hbm>> -> memref<1x24x8x224xf32, #tpu.memory_space<hbm>>
          %dma_start3A_146 = tpu.memref_squeeze %dma_start3A_145 : memref<1x24x8x224xf32, #tpu.memory_space<hbm>> -> memref<24x8x224xf32, #tpu.memory_space<hbm>>
          %dma_start3A_147 = arith.constant 0 : i32
          %dma_start3A_148 = tpu.memref_slice %arg3[%run_scoped3A_132, %mul3A_131, %mul3A_2, %dma_start3A_147] : memref<4x192x224x224xf32, #tpu.memory_space<hbm>> -> memref<1x24x8x224xf32, #tpu.memory_space<hbm>>
          %dma_start3A_149 = tpu.memref_squeeze %dma_start3A_148 : memref<1x24x8x224xf32, #tpu.memory_space<hbm>> -> memref<24x8x224xf32, #tpu.memory_space<hbm>>
          tpu.enqueue_dma source(%dma_start3A_149 : memref<24x8x224xf32, #tpu.memory_space<hbm>>) target(%arg10 : memref<24x8x224xf32, #tpu.memory_space<vmem>>) target_semaphore(%run_scoped3A_144 : memref<!tpu.dma_semaphore, #tpu.memory_space<semaphore_mem>>)
          %dma_wait3A = arith.constant 0 : i32
          %dma_wait3A_150 = tpu.memref_slice %arg3[%run_scoped3A_132, %mul3A_131, %mul3A_2, %dma_wait3A] : memref<4x192x224x224xf32, #tpu.memory_space<hbm>> -> memref<1x24x8x224xf32, #tpu.memory_space<hbm>>
          %dma_wait3A_151 = tpu.memref_squeeze %dma_wait3A_150 : memref<1x24x8x224xf32, #tpu.memory_space<hbm>> -> memref<24x8x224xf32, #tpu.memory_space<hbm>>
          %dma_wait3A_152 = arith.constant 0 : i32
          %dma_wait3A_153 = tpu.memref_slice %arg3[%run_scoped3A_132, %mul3A_131, %mul3A_2, %dma_wait3A_152] : memref<4x192x224x224xf32, #tpu.memory_space<hbm>> -> memref<1x24x8x224xf32, #tpu.memory_space<hbm>>
          %dma_wait3A_154 = tpu.memref_squeeze %dma_wait3A_153 : memref<1x24x8x224xf32, #tpu.memory_space<hbm>> -> memref<24x8x224xf32, #tpu.memory_space<hbm>>
          tpu.wait_dma2 semaphore(%run_scoped3A_144 : memref<!tpu.dma_semaphore, #tpu.memory_space<semaphore_mem>>) src(%dma_wait3A_154 : memref<24x8x224xf32, #tpu.memory_space<hbm>>) dst(%arg10 : memref<24x8x224xf32, #tpu.memory_space<vmem>>)
          tpu.yield
        }) : () -> ()
        %mul3A_133 = arith.constant 24 : i32
        %mul3A_134 = arith.muli %scan3A_125, %mul3A_133 : i32
        "tpu.region"() ({
          %run_scoped3A_144 = tpu.sem_alloc : memref<!tpu.dma_semaphore, #tpu.memory_space<semaphore_mem>>
          %dma_start3A = arith.constant 0 : i32
          %dma_start3A_145 = tpu.memref_slice %arg6[%mul3A_134, %dma_start3A] : memref<192x16xf32, #tpu.memory_space<hbm>> -> memref<24x16xf32, #tpu.memory_space<hbm>>
          %dma_start3A_146 = arith.constant 0 : i32
          %dma_start3A_147 = tpu.memref_slice %arg6[%mul3A_134, %dma_start3A_146] : memref<192x16xf32, #tpu.memory_space<hbm>> -> memref<24x16xf32, #tpu.memory_space<hbm>>
          tpu.enqueue_dma source(%dma_start3A_147 : memref<24x16xf32, #tpu.memory_space<hbm>>) target(%arg13 : memref<24x16xf32, #tpu.memory_space<vmem>>) target_semaphore(%run_scoped3A_144 : memref<!tpu.dma_semaphore, #tpu.memory_space<semaphore_mem>>)
          %dma_wait3A = arith.constant 0 : i32
          %dma_wait3A_148 = tpu.memref_slice %arg6[%mul3A_134, %dma_wait3A] : memref<192x16xf32, #tpu.memory_space<hbm>> -> memref<24x16xf32, #tpu.memory_space<hbm>>
          %dma_wait3A_149 = arith.constant 0 : i32
          %dma_wait3A_150 = tpu.memref_slice %arg6[%mul3A_134, %dma_wait3A_149] : memref<192x16xf32, #tpu.memory_space<hbm>> -> memref<24x16xf32, #tpu.memory_space<hbm>>
          tpu.wait_dma2 semaphore(%run_scoped3A_144 : memref<!tpu.dma_semaphore, #tpu.memory_space<semaphore_mem>>) src(%dma_wait3A_150 : memref<24x16xf32, #tpu.memory_space<hbm>>) dst(%arg13 : memref<24x16xf32, #tpu.memory_space<vmem>>)
          tpu.yield
        }) : () -> ()
        %eq3A = arith.constant 0 : i32
        %eq3A_135 = arith.cmpi eq, %scan3A_125, %eq3A : i32
        %scan3A_136 = arith.constant 0 : i32
        %scan3A_137 = arith.constant 0 : i32
        %scan3A_138 = arith.constant 112 : i32
        %scan3A_139 = arith.addi %scan3A_137, %scan3A_138 : i32
        %scan3A_140 = arith.constant 1 : i32
        %scan3A_141 = scf.for %scan3A_144 = %scan3A_137 to %scan3A_139 step %scan3A_140 iter_args(%scan3A_145 = %scan3A_136) -> (i32)  : i32 {
          %jit3A = arith.constant 14 : i32
          %div3A = arith.divsi %scan3A_144, %jit3A : i32
          %sign3A = arith.constant 0 : i32
          %sign3A_146 = arith.cmpi sgt, %scan3A_144, %sign3A : i32
          %sign3A_147 = arith.extui %sign3A_146 : i1 to i32
          %sign3A_148 = arith.constant 0 : i32
          %sign3A_149 = arith.cmpi slt, %scan3A_144, %sign3A_148 : i32
          %sign3A_150 = arith.extui %sign3A_149 : i1 to i32
          %sign3A_151 = arith.subi %sign3A_147, %sign3A_150 : i32
          %sign3A_152 = arith.constant 0 : i32
          %sign3A_153 = arith.cmpi sgt, %jit3A, %sign3A_152 : i32
          %sign3A_154 = arith.extui %sign3A_153 : i1 to i32
          %sign3A_155 = arith.constant 0 : i32
          %sign3A_156 = arith.cmpi slt, %jit3A, %sign3A_155 : i32
          %sign3A_157 = arith.extui %sign3A_156 : i1 to i32
          %sign3A_158 = arith.subi %sign3A_154, %sign3A_157 : i32
          %ne3A = arith.cmpi ne, %sign3A_151, %sign3A_158 : i32
          %rem3A = arith.remsi %scan3A_144, %jit3A : i32
          %ne3A_159 = arith.constant 0 : i32
          %ne3A_160 = arith.cmpi ne, %rem3A, %ne3A_159 : i32
          %and3A = arith.andi %ne3A, %ne3A_160 : i1
          %sub3A = arith.constant 1 : i32
          %sub3A_161 = arith.subi %div3A, %sub3A : i32
          %select_n3A = arith.select %and3A, %sub3A_161, %div3A : i32
          %jit3A_162 = arith.constant 14 : i32
          %eq3A_163 = arith.constant 0 : i32
          %eq3A_164 = arith.cmpi eq, %jit3A_162, %eq3A_163 : i32
          %jit3A_165 = arith.constant 1 : i32
          %select_n3A_166 = arith.select %eq3A_164, %jit3A_165, %jit3A_162 : i32
          %rem3A_167 = arith.remsi %scan3A_144, %select_n3A_166 : i32
          %ne3A_168 = arith.constant 0 : i32
          %ne3A_169 = arith.cmpi ne, %rem3A_167, %ne3A_168 : i32
          %lt3A_170 = arith.constant 0 : i32
          %lt3A_171 = arith.cmpi slt, %rem3A_167, %lt3A_170 : i32
          %lt3A_172 = arith.constant 0 : i32
          %lt3A_173 = arith.cmpi slt, %select_n3A_166, %lt3A_172 : i32
          %ne3A_174 = arith.xori %lt3A_171, %lt3A_173 : i1
          %and3A_175 = arith.andi %ne3A_174, %ne3A_169 : i1
          %add3A_176 = arith.addi %rem3A_167, %select_n3A_166 : i32
          %select_n3A_177 = arith.select %and3A_175, %add3A_176, %rem3A_167 : i32
          %mul3A_178 = arith.constant 16 : i32
          %mul3A_179 = arith.muli %select_n3A_177, %mul3A_178 : i32
          %broadcast_in_dim3A_180 = arith.constant 0.000000e+00 : f32
          %broadcast_in_dim3A_181 = vector.broadcast %broadcast_in_dim3A_180 : f32 to vector<16xf32>
          %get3A = arith.index_cast %select_n3A : i32 to index
          %get3A_182 = arith.index_cast %mul3A_179 : i32 to index
          %get3A_183 = tpu.vector_load %arg14[%get3A, %get3A_182] {strides = array<i32>} : memref<8x224xf32, #tpu.memory_space<vmem>>, vector<1x16xf32>,
          %get3A_184 = vector.shape_cast %get3A_183 : vector<1x16xf32> to vector<16xf32>
          %select_n3A_185 = arith.select %eq3A_135, %broadcast_in_dim3A_181, %get3A_184 : vector<16xf32>
          %get3A_186 = arith.index_cast %select_n3A : i32 to index
          %get3A_187 = arith.index_cast %mul3A_179 : i32 to index
          %get3A_188 = tpu.vector_load %arg15[%get3A_186, %get3A_187] {strides = array<i32>} : memref<8x224xf32, #tpu.memory_space<vmem>>, vector<1x16xf32>,
          %get3A_189 = vector.shape_cast %get3A_188 : vector<1x16xf32> to vector<16xf32>
          %select_n3A_190 = arith.select %eq3A_135, %broadcast_in_dim3A_181, %get3A_189 : vector<16xf32>
          %get3A_191 = arith.index_cast %select_n3A : i32 to index
          %get3A_192 = arith.index_cast %mul3A_179 : i32 to index
          %get3A_193 = tpu.vector_load %arg16[%get3A_191, %get3A_192] {strides = array<i32>} : memref<8x224xf32, #tpu.memory_space<vmem>>, vector<1x16xf32>,
          %get3A_194 = vector.shape_cast %get3A_193 : vector<1x16xf32> to vector<16xf32>
          %select_n3A_195 = arith.select %eq3A_135, %broadcast_in_dim3A_181, %get3A_194 : vector<16xf32>
          %get3A_196 = arith.constant 0 : i32
          %get3A_197 = arith.index_cast %get3A_196 : i32 to index
          %get3A_198 = arith.index_cast %select_n3A : i32 to index
          %get3A_199 = arith.index_cast %mul3A_179 : i32 to index
          %get3A_200 = tpu.vector_load %arg9[%get3A_197, %get3A_198, %get3A_199] {strides = array<i32>} : memref<24x8x224xf32, #tpu.memory_space<vmem>>, vector<1x1x16xf32>,
          %get3A_201 = vector.shape_cast %get3A_200 : vector<1x1x16xf32> to vector<16xf32>
          %get3A_202 = arith.constant 0 : i32
          %get3A_203 = arith.index_cast %get3A_202 : i32 to index
          %get3A_204 = arith.index_cast %select_n3A : i32 to index
          %get3A_205 = arith.index_cast %mul3A_179 : i32 to index
          %get3A_206 = tpu.vector_load %arg10[%get3A_203, %get3A_204, %get3A_205] {strides = array<i32>} : memref<24x8x224xf32, #tpu.memory_space<vmem>>, vector<1x1x16xf32>,
          %get3A_207 = vector.shape_cast %get3A_206 : vector<1x1x16xf32> to vector<16xf32>
          %get3A_208 = arith.constant 0 : i32
          %get3A_209 = arith.index_cast %get3A_208 : i32 to index
          %get3A_210 = arith.constant 0 : index
          %get3A_211 = tpu.vector_load %arg13[%get3A_209, %get3A_210] {strides = array<i32>} : memref<24x16xf32, #tpu.memory_space<vmem>>, vector<1x16xf32>,
          %get3A_212 = vector.shape_cast %get3A_211 : vector<1x16xf32> to vector<16xf32>
          %sub3A_213 = arith.subf %get3A_207, %get3A_212 : vector<16xf32>
          %mul3A_214 = arith.mulf %get3A_201, %sub3A_213 : vector<16xf32>
          %add3A_215 = arith.addf %select_n3A_185, %mul3A_214 : vector<16xf32>
          %mul3A_216 = arith.mulf %get3A_201, %get3A_201 : vector<16xf32>
          %add3A_217 = arith.addf %select_n3A_190, %mul3A_216 : vector<16xf32>
          %mul3A_218 = arith.mulf %sub3A_213, %sub3A_213 : vector<16xf32>
          %add3A_219 = arith.addf %select_n3A_195, %mul3A_218 : vector<16xf32>
          %get3A_220 = arith.constant 1 : i32
          %get3A_221 = arith.index_cast %get3A_220 : i32 to index
          %get3A_222 = arith.index_cast %select_n3A : i32 to index
          %get3A_223 = arith.index_cast %mul3A_179 : i32 to index
          %get3A_224 = tpu.vector_load %arg9[%get3A_221, %get3A_222, %get3A_223] {strides = array<i32>} : memref<24x8x224xf32, #tpu.memory_space<vmem>>, vector<1x1x16xf32>,
          %get3A_225 = vector.shape_cast %get3A_224 : vector<1x1x16xf32> to vector<16xf32>
          %get3A_226 = arith.constant 1 : i32
          %get3A_227 = arith.index_cast %get3A_226 : i32 to index
          %get3A_228 = arith.index_cast %select_n3A : i32 to index
          %get3A_229 = arith.index_cast %mul3A_179 : i32 to index
          %get3A_230 = tpu.vector_load %arg10[%get3A_227, %get3A_228, %get3A_229] {strides = array<i32>} : memref<24x8x224xf32, #tpu.memory_space<vmem>>, vector<1x1x16xf32>,
          %get3A_231 = vector.shape_cast %get3A_230 : vector<1x1x16xf32> to vector<16xf32>
          %get3A_232 = arith.constant 1 : i32
          %get3A_233 = arith.index_cast %get3A_232 : i32 to index
          %get3A_234 = arith.constant 0 : index
          %get3A_235 = tpu.vector_load %arg13[%get3A_233, %get3A_234] {strides = array<i32>} : memref<24x16xf32, #tpu.memory_space<vmem>>, vector<1x16xf32>,
          %get3A_236 = vector.shape_cast %get3A_235 : vector<1x16xf32> to vector<16xf32>
          %sub3A_237 = arith.subf %get3A_231, %get3A_236 : vector<16xf32>
          %mul3A_238 = arith.mulf %get3A_225, %sub3A_237 : vector<16xf32>
          %add3A_239 = arith.addf %add3A_215, %mul3A_238 : vector<16xf32>
          %mul3A_240 = arith.mulf %get3A_225, %get3A_225 : vector<16xf32>
          %add3A_241 = arith.addf %add3A_217, %mul3A_240 : vector<16xf32>
          %mul3A_242 = arith.mulf %sub3A_237, %sub3A_237 : vector<16xf32>
          %add3A_243 = arith.addf %add3A_219, %mul3A_242 : vector<16xf32>
          %get3A_244 = arith.constant 2 : i32
          %get3A_245 = arith.index_cast %get3A_244 : i32 to index
          %get3A_246 = arith.index_cast %select_n3A : i32 to index
          %get3A_247 = arith.index_cast %mul3A_179 : i32 to index
          %get3A_248 = tpu.vector_load %arg9[%get3A_245, %get3A_246, %get3A_247] {strides = array<i32>} : memref<24x8x224xf32, #tpu.memory_space<vmem>>, vector<1x1x16xf32>,
          %get3A_249 = vector.shape_cast %get3A_248 : vector<1x1x16xf32> to vector<16xf32>
          %get3A_250 = arith.constant 2 : i32
          %get3A_251 = arith.index_cast %get3A_250 : i32 to index
          %get3A_252 = arith.index_cast %select_n3A : i32 to index
          %get3A_253 = arith.index_cast %mul3A_179 : i32 to index
          %get3A_254 = tpu.vector_load %arg10[%get3A_251, %get3A_252, %get3A_253] {strides = array<i32>} : memref<24x8x224xf32, #tpu.memory_space<vmem>>, vector<1x1x16xf32>,
          %get3A_255 = vector.shape_cast %get3A_254 : vector<1x1x16xf32> to vector<16xf32>
          %get3A_256 = arith.constant 2 : i32
          %get3A_257 = arith.index_cast %get3A_256 : i32 to index
          %get3A_258 = arith.constant 0 : index
          %get3A_259 = tpu.vector_load %arg13[%get3A_257, %get3A_258] {strides = array<i32>} : memref<24x16xf32, #tpu.memory_space<vmem>>, vector<1x16xf32>,
          %get3A_260 = vector.shape_cast %get3A_259 : vector<1x16xf32> to vector<16xf32>
          %sub3A_261 = arith.subf %get3A_255, %get3A_260 : vector<16xf32>
          %mul3A_262 = arith.mulf %get3A_249, %sub3A_261 : vector<16xf32>
          %add3A_263 = arith.addf %add3A_239, %mul3A_262 : vector<16xf32>
          %mul3A_264 = arith.mulf %get3A_249, %get3A_249 : vector<16xf32>
          %add3A_265 = arith.addf %add3A_241, %mul3A_264 : vector<16xf32>
          %mul3A_266 = arith.mulf %sub3A_261, %sub3A_261 : vector<16xf32>
          %add3A_267 = arith.addf %add3A_243, %mul3A_266 : vector<16xf32>
          %get3A_268 = arith.constant 3 : i32
          %get3A_269 = arith.index_cast %get3A_268 : i32 to index
          %get3A_270 = arith.index_cast %select_n3A : i32 to index
          %get3A_271 = arith.index_cast %mul3A_179 : i32 to index
          %get3A_272 = tpu.vector_load %arg9[%get3A_269, %get3A_270, %get3A_271] {strides = array<i32>} : memref<24x8x224xf32, #tpu.memory_space<vmem>>, vector<1x1x16xf32>,
          %get3A_273 = vector.shape_cast %get3A_272 : vector<1x1x16xf32> to vector<16xf32>
          %get3A_274 = arith.constant 3 : i32
          %get3A_275 = arith.index_cast %get3A_274 : i32 to index
          %get3A_276 = arith.index_cast %select_n3A : i32 to index
          %get3A_277 = arith.index_cast %mul3A_179 : i32 to index
          %get3A_278 = tpu.vector_load %arg10[%get3A_275, %get3A_276, %get3A_277] {strides = array<i32>} : memref<24x8x224xf32, #tpu.memory_space<vmem>>, vector<1x1x16xf32>,
          %get3A_279 = vector.shape_cast %get3A_278 : vector<1x1x16xf32> to vector<16xf32>
          %get3A_280 = arith.constant 3 : i32
          %get3A_281 = arith.index_cast %get3A_280 : i32 to index
          %get3A_282 = arith.constant 0 : index
          %get3A_283 = tpu.vector_load %arg13[%get3A_281, %get3A_282] {strides = array<i32>} : memref<24x16xf32, #tpu.memory_space<vmem>>, vector<1x16xf32>,
          %get3A_284 = vector.shape_cast %get3A_283 : vector<1x16xf32> to vector<16xf32>
          %sub3A_285 = arith.subf %get3A_279, %get3A_284 : vector<16xf32>
          %mul3A_286 = arith.mulf %get3A_273, %sub3A_285 : vector<16xf32>
          %add3A_287 = arith.addf %add3A_263, %mul3A_286 : vector<16xf32>
          %mul3A_288 = arith.mulf %get3A_273, %get3A_273 : vector<16xf32>
          %add3A_289 = arith.addf %add3A_265, %mul3A_288 : vector<16xf32>
          %mul3A_290 = arith.mulf %sub3A_285, %sub3A_285 : vector<16xf32>
          %add3A_291 = arith.addf %add3A_267, %mul3A_290 : vector<16xf32>
          %get3A_292 = arith.constant 4 : i32
          %get3A_293 = arith.index_cast %get3A_292 : i32 to index
          %get3A_294 = arith.index_cast %select_n3A : i32 to index
          %get3A_295 = arith.index_cast %mul3A_179 : i32 to index
          %get3A_296 = tpu.vector_load %arg9[%get3A_293, %get3A_294, %get3A_295] {strides = array<i32>} : memref<24x8x224xf32, #tpu.memory_space<vmem>>, vector<1x1x16xf32>,
          %get3A_297 = vector.shape_cast %get3A_296 : vector<1x1x16xf32> to vector<16xf32>
          %get3A_298 = arith.constant 4 : i32
          %get3A_299 = arith.index_cast %get3A_298 : i32 to index
          %get3A_300 = arith.index_cast %select_n3A : i32 to index
          %get3A_301 = arith.index_cast %mul3A_179 : i32 to index
          %get3A_302 = tpu.vector_load %arg10[%get3A_299, %get3A_300, %get3A_301] {strides = array<i32>} : memref<24x8x224xf32, #tpu.memory_space<vmem>>, vector<1x1x16xf32>,
          %get3A_303 = vector.shape_cast %get3A_302 : vector<1x1x16xf32> to vector<16xf32>
          %get3A_304 = arith.constant 4 : i32
          %get3A_305 = arith.index_cast %get3A_304 : i32 to index
          %get3A_306 = arith.constant 0 : index
          %get3A_307 = tpu.vector_load %arg13[%get3A_305, %get3A_306] {strides = array<i32>} : memref<24x16xf32, #tpu.memory_space<vmem>>, vector<1x16xf32>,
          %get3A_308 = vector.shape_cast %get3A_307 : vector<1x16xf32> to vector<16xf32>
          %sub3A_309 = arith.subf %get3A_303, %get3A_308 : vector<16xf32>
          %mul3A_310 = arith.mulf %get3A_297, %sub3A_309 : vector<16xf32>
          %add3A_311 = arith.addf %add3A_287, %mul3A_310 : vector<16xf32>
          %mul3A_312 = arith.mulf %get3A_297, %get3A_297 : vector<16xf32>
          %add3A_313 = arith.addf %add3A_289, %mul3A_312 : vector<16xf32>
          %mul3A_314 = arith.mulf %sub3A_309, %sub3A_309 : vector<16xf32>
          %add3A_315 = arith.addf %add3A_291, %mul3A_314 : vector<16xf32>
          %get3A_316 = arith.constant 5 : i32
          %get3A_317 = arith.index_cast %get3A_316 : i32 to index
          %get3A_318 = arith.index_cast %select_n3A : i32 to index
          %get3A_319 = arith.index_cast %mul3A_179 : i32 to index
          %get3A_320 = tpu.vector_load %arg9[%get3A_317, %get3A_318, %get3A_319] {strides = array<i32>} : memref<24x8x224xf32, #tpu.memory_space<vmem>>, vector<1x1x16xf32>,
          %get3A_321 = vector.shape_cast %get3A_320 : vector<1x1x16xf32> to vector<16xf32>
          %get3A_322 = arith.constant 5 : i32
          %get3A_323 = arith.index_cast %get3A_322 : i32 to index
          %get3A_324 = arith.index_cast %select_n3A : i32 to index
          %get3A_325 = arith.index_cast %mul3A_179 : i32 to index
          %get3A_326 = tpu.vector_load %arg10[%get3A_323, %get3A_324, %get3A_325] {strides = array<i32>} : memref<24x8x224xf32, #tpu.memory_space<vmem>>, vector<1x1x16xf32>,
          %get3A_327 = vector.shape_cast %get3A_326 : vector<1x1x16xf32> to vector<16xf32>
          %get3A_328 = arith.constant 5 : i32
          %get3A_329 = arith.index_cast %get3A_328 : i32 to index
          %get3A_330 = arith.constant 0 : index
          %get3A_331 = tpu.vector_load %arg13[%get3A_329, %get3A_330] {strides = array<i32>} : memref<24x16xf32, #tpu.memory_space<vmem>>, vector<1x16xf32>,
          %get3A_332 = vector.shape_cast %get3A_331 : vector<1x16xf32> to vector<16xf32>
          %sub3A_333 = arith.subf %get3A_327, %get3A_332 : vector<16xf32>
          %mul3A_334 = arith.mulf %get3A_321, %sub3A_333 : vector<16xf32>
          %add3A_335 = arith.addf %add3A_311, %mul3A_334 : vector<16xf32>
          %mul3A_336 = arith.mulf %get3A_321, %get3A_321 : vector<16xf32>
          %add3A_337 = arith.addf %add3A_313, %mul3A_336 : vector<16xf32>
          %mul3A_338 = arith.mulf %sub3A_333, %sub3A_333 : vector<16xf32>
          %add3A_339 = arith.addf %add3A_315, %mul3A_338 : vector<16xf32>
          %get3A_340 = arith.constant 6 : i32
          %get3A_341 = arith.index_cast %get3A_340 : i32 to index
          %get3A_342 = arith.index_cast %select_n3A : i32 to index
          %get3A_343 = arith.index_cast %mul3A_179 : i32 to index
          %get3A_344 = tpu.vector_load %arg9[%get3A_341, %get3A_342, %get3A_343] {strides = array<i32>} : memref<24x8x224xf32, #tpu.memory_space<vmem>>, vector<1x1x16xf32>,
          %get3A_345 = vector.shape_cast %get3A_344 : vector<1x1x16xf32> to vector<16xf32>
          %get3A_346 = arith.constant 6 : i32
          %get3A_347 = arith.index_cast %get3A_346 : i32 to index
          %get3A_348 = arith.index_cast %select_n3A : i32 to index
          %get3A_349 = arith.index_cast %mul3A_179 : i32 to index
          %get3A_350 = tpu.vector_load %arg10[%get3A_347, %get3A_348, %get3A_349] {strides = array<i32>} : memref<24x8x224xf32, #tpu.memory_space<vmem>>, vector<1x1x16xf32>,
          %get3A_351 = vector.shape_cast %get3A_350 : vector<1x1x16xf32> to vector<16xf32>
          %get3A_352 = arith.constant 6 : i32
          %get3A_353 = arith.index_cast %get3A_352 : i32 to index
          %get3A_354 = arith.constant 0 : index
          %get3A_355 = tpu.vector_load %arg13[%get3A_353, %get3A_354] {strides = array<i32>} : memref<24x16xf32, #tpu.memory_space<vmem>>, vector<1x16xf32>,
          %get3A_356 = vector.shape_cast %get3A_355 : vector<1x16xf32> to vector<16xf32>
          %sub3A_357 = arith.subf %get3A_351, %get3A_356 : vector<16xf32>
          %mul3A_358 = arith.mulf %get3A_345, %sub3A_357 : vector<16xf32>
          %add3A_359 = arith.addf %add3A_335, %mul3A_358 : vector<16xf32>
          %mul3A_360 = arith.mulf %get3A_345, %get3A_345 : vector<16xf32>
          %add3A_361 = arith.addf %add3A_337, %mul3A_360 : vector<16xf32>
          %mul3A_362 = arith.mulf %sub3A_357, %sub3A_357 : vector<16xf32>
          %add3A_363 = arith.addf %add3A_339, %mul3A_362 : vector<16xf32>
          %get3A_364 = arith.constant 7 : i32
          %get3A_365 = arith.index_cast %get3A_364 : i32 to index
          %get3A_366 = arith.index_cast %select_n3A : i32 to index
          %get3A_367 = arith.index_cast %mul3A_179 : i32 to index
          %get3A_368 = tpu.vector_load %arg9[%get3A_365, %get3A_366, %get3A_367] {strides = array<i32>} : memref<24x8x224xf32, #tpu.memory_space<vmem>>, vector<1x1x16xf32>,
          %get3A_369 = vector.shape_cast %get3A_368 : vector<1x1x16xf32> to vector<16xf32>
          %get3A_370 = arith.constant 7 : i32
          %get3A_371 = arith.index_cast %get3A_370 : i32 to index
          %get3A_372 = arith.index_cast %select_n3A : i32 to index
          %get3A_373 = arith.index_cast %mul3A_179 : i32 to index
          %get3A_374 = tpu.vector_load %arg10[%get3A_371, %get3A_372, %get3A_373] {strides = array<i32>} : memref<24x8x224xf32, #tpu.memory_space<vmem>>, vector<1x1x16xf32>,
          %get3A_375 = vector.shape_cast %get3A_374 : vector<1x1x16xf32> to vector<16xf32>
          %get3A_376 = arith.constant 7 : i32
          %get3A_377 = arith.index_cast %get3A_376 : i32 to index
          %get3A_378 = arith.constant 0 : index
          %get3A_379 = tpu.vector_load %arg13[%get3A_377, %get3A_378] {strides = array<i32>} : memref<24x16xf32, #tpu.memory_space<vmem>>, vector<1x16xf32>,
          %get3A_380 = vector.shape_cast %get3A_379 : vector<1x16xf32> to vector<16xf32>
          %sub3A_381 = arith.subf %get3A_375, %get3A_380 : vector<16xf32>
          %mul3A_382 = arith.mulf %get3A_369, %sub3A_381 : vector<16xf32>
          %add3A_383 = arith.addf %add3A_359, %mul3A_382 : vector<16xf32>
          %mul3A_384 = arith.mulf %get3A_369, %get3A_369 : vector<16xf32>
          %add3A_385 = arith.addf %add3A_361, %mul3A_384 : vector<16xf32>
          %mul3A_386 = arith.mulf %sub3A_381, %sub3A_381 : vector<16xf32>
          %add3A_387 = arith.addf %add3A_363, %mul3A_386 : vector<16xf32>
          %get3A_388 = arith.constant 8 : i32
          %get3A_389 = arith.index_cast %get3A_388 : i32 to index
          %get3A_390 = arith.index_cast %select_n3A : i32 to index
          %get3A_391 = arith.index_cast %mul3A_179 : i32 to index
          %get3A_392 = tpu.vector_load %arg9[%get3A_389, %get3A_390, %get3A_391] {strides = array<i32>} : memref<24x8x224xf32, #tpu.memory_space<vmem>>, vector<1x1x16xf32>,
          %get3A_393 = vector.shape_cast %get3A_392 : vector<1x1x16xf32> to vector<16xf32>
          %get3A_394 = arith.constant 8 : i32
          %get3A_395 = arith.index_cast %get3A_394 : i32 to index
          %get3A_396 = arith.index_cast %select_n3A : i32 to index
          %get3A_397 = arith.index_cast %mul3A_179 : i32 to index
          %get3A_398 = tpu.vector_load %arg10[%get3A_395, %get3A_396, %get3A_397] {strides = array<i32>} : memref<24x8x224xf32, #tpu.memory_space<vmem>>, vector<1x1x16xf32>,
          %get3A_399 = vector.shape_cast %get3A_398 : vector<1x1x16xf32> to vector<16xf32>
          %get3A_400 = arith.constant 8 : i32
          %get3A_401 = arith.index_cast %get3A_400 : i32 to index
          %get3A_402 = arith.constant 0 : index
          %get3A_403 = tpu.vector_load %arg13[%get3A_401, %get3A_402] {strides = array<i32>} : memref<24x16xf32, #tpu.memory_space<vmem>>, vector<1x16xf32>,
          %get3A_404 = vector.shape_cast %get3A_403 : vector<1x16xf32> to vector<16xf32>
          %sub3A_405 = arith.subf %get3A_399, %get3A_404 : vector<16xf32>
          %mul3A_406 = arith.mulf %get3A_393, %sub3A_405 : vector<16xf32>
          %add3A_407 = arith.addf %add3A_383, %mul3A_406 : vector<16xf32>
          %mul3A_408 = arith.mulf %get3A_393, %get3A_393 : vector<16xf32>
          %add3A_409 = arith.addf %add3A_385, %mul3A_408 : vector<16xf32>
          %mul3A_410 = arith.mulf %sub3A_405, %sub3A_405 : vector<16xf32>
          %add3A_411 = arith.addf %add3A_387, %mul3A_410 : vector<16xf32>
          %get3A_412 = arith.constant 9 : i32
          %get3A_413 = arith.index_cast %get3A_412 : i32 to index
          %get3A_414 = arith.index_cast %select_n3A : i32 to index
          %get3A_415 = arith.index_cast %mul3A_179 : i32 to index
          %get3A_416 = tpu.vector_load %arg9[%get3A_413, %get3A_414, %get3A_415] {strides = array<i32>} : memref<24x8x224xf32, #tpu.memory_space<vmem>>, vector<1x1x16xf32>,
          %get3A_417 = vector.shape_cast %get3A_416 : vector<1x1x16xf32> to vector<16xf32>
          %get3A_418 = arith.constant 9 : i32
          %get3A_419 = arith.index_cast %get3A_418 : i32 to index
          %get3A_420 = arith.index_cast %select_n3A : i32 to index
          %get3A_421 = arith.index_cast %mul3A_179 : i32 to index
          %get3A_422 = tpu.vector_load %arg10[%get3A_419, %get3A_420, %get3A_421] {strides = array<i32>} : memref<24x8x224xf32, #tpu.memory_space<vmem>>, vector<1x1x16xf32>,
          %get3A_423 = vector.shape_cast %get3A_422 : vector<1x1x16xf32> to vector<16xf32>
          %get3A_424 = arith.constant 9 : i32
          %get3A_425 = arith.index_cast %get3A_424 : i32 to index
          %get3A_426 = arith.constant 0 : index
          %get3A_427 = tpu.vector_load %arg13[%get3A_425, %get3A_426] {strides = array<i32>} : memref<24x16xf32, #tpu.memory_space<vmem>>, vector<1x16xf32>,
          %get3A_428 = vector.shape_cast %get3A_427 : vector<1x16xf32> to vector<16xf32>
          %sub3A_429 = arith.subf %get3A_423, %get3A_428 : vector<16xf32>
          %mul3A_430 = arith.mulf %get3A_417, %sub3A_429 : vector<16xf32>
          %add3A_431 = arith.addf %add3A_407, %mul3A_430 : vector<16xf32>
          %mul3A_432 = arith.mulf %get3A_417, %get3A_417 : vector<16xf32>
          %add3A_433 = arith.addf %add3A_409, %mul3A_432 : vector<16xf32>
          %mul3A_434 = arith.mulf %sub3A_429, %sub3A_429 : vector<16xf32>
          %add3A_435 = arith.addf %add3A_411, %mul3A_434 : vector<16xf32>
          %get3A_436 = arith.constant 10 : i32
          %get3A_437 = arith.index_cast %get3A_436 : i32 to index
          %get3A_438 = arith.index_cast %select_n3A : i32 to index
          %get3A_439 = arith.index_cast %mul3A_179 : i32 to index
          %get3A_440 = tpu.vector_load %arg9[%get3A_437, %get3A_438, %get3A_439] {strides = array<i32>} : memref<24x8x224xf32, #tpu.memory_space<vmem>>, vector<1x1x16xf32>,
          %get3A_441 = vector.shape_cast %get3A_440 : vector<1x1x16xf32> to vector<16xf32>
          %get3A_442 = arith.constant 10 : i32
          %get3A_443 = arith.index_cast %get3A_442 : i32 to index
          %get3A_444 = arith.index_cast %select_n3A : i32 to index
          %get3A_445 = arith.index_cast %mul3A_179 : i32 to index
          %get3A_446 = tpu.vector_load %arg10[%get3A_443, %get3A_444, %get3A_445] {strides = array<i32>} : memref<24x8x224xf32, #tpu.memory_space<vmem>>, vector<1x1x16xf32>,
          %get3A_447 = vector.shape_cast %get3A_446 : vector<1x1x16xf32> to vector<16xf32>
          %get3A_448 = arith.constant 10 : i32
          %get3A_449 = arith.index_cast %get3A_448 : i32 to index
          %get3A_450 = arith.constant 0 : index
          %get3A_451 = tpu.vector_load %arg13[%get3A_449, %get3A_450] {strides = array<i32>} : memref<24x16xf32, #tpu.memory_space<vmem>>, vector<1x16xf32>,
          %get3A_452 = vector.shape_cast %get3A_451 : vector<1x16xf32> to vector<16xf32>
          %sub3A_453 = arith.subf %get3A_447, %get3A_452 : vector<16xf32>
          %mul3A_454 = arith.mulf %get3A_441, %sub3A_453 : vector<16xf32>
          %add3A_455 = arith.addf %add3A_431, %mul3A_454 : vector<16xf32>
          %mul3A_456 = arith.mulf %get3A_441, %get3A_441 : vector<16xf32>
          %add3A_457 = arith.addf %add3A_433, %mul3A_456 : vector<16xf32>
          %mul3A_458 = arith.mulf %sub3A_453, %sub3A_453 : vector<16xf32>
          %add3A_459 = arith.addf %add3A_435, %mul3A_458 : vector<16xf32>
          %get3A_460 = arith.constant 11 : i32
          %get3A_461 = arith.index_cast %get3A_460 : i32 to index
          %get3A_462 = arith.index_cast %select_n3A : i32 to index
          %get3A_463 = arith.index_cast %mul3A_179 : i32 to index
          %get3A_464 = tpu.vector_load %arg9[%get3A_461, %get3A_462, %get3A_463] {strides = array<i32>} : memref<24x8x224xf32, #tpu.memory_space<vmem>>, vector<1x1x16xf32>,
          %get3A_465 = vector.shape_cast %get3A_464 : vector<1x1x16xf32> to vector<16xf32>
          %get3A_466 = arith.constant 11 : i32
          %get3A_467 = arith.index_cast %get3A_466 : i32 to index
          %get3A_468 = arith.index_cast %select_n3A : i32 to index
          %get3A_469 = arith.index_cast %mul3A_179 : i32 to index
          %get3A_470 = tpu.vector_load %arg10[%get3A_467, %get3A_468, %get3A_469] {strides = array<i32>} : memref<24x8x224xf32, #tpu.memory_space<vmem>>, vector<1x1x16xf32>,
          %get3A_471 = vector.shape_cast %get3A_470 : vector<1x1x16xf32> to vector<16xf32>
          %get3A_472 = arith.constant 11 : i32
          %get3A_473 = arith.index_cast %get3A_472 : i32 to index
          %get3A_474 = arith.constant 0 : index
          %get3A_475 = tpu.vector_load %arg13[%get3A_473, %get3A_474] {strides = array<i32>} : memref<24x16xf32, #tpu.memory_space<vmem>>, vector<1x16xf32>,
          %get3A_476 = vector.shape_cast %get3A_475 : vector<1x16xf32> to vector<16xf32>
          %sub3A_477 = arith.subf %get3A_471, %get3A_476 : vector<16xf32>
          %mul3A_478 = arith.mulf %get3A_465, %sub3A_477 : vector<16xf32>
          %add3A_479 = arith.addf %add3A_455, %mul3A_478 : vector<16xf32>
          %mul3A_480 = arith.mulf %get3A_465, %get3A_465 : vector<16xf32>
          %add3A_481 = arith.addf %add3A_457, %mul3A_480 : vector<16xf32>
          %mul3A_482 = arith.mulf %sub3A_477, %sub3A_477 : vector<16xf32>
          %add3A_483 = arith.addf %add3A_459, %mul3A_482 : vector<16xf32>
          %get3A_484 = arith.constant 12 : i32
          %get3A_485 = arith.index_cast %get3A_484 : i32 to index
          %get3A_486 = arith.index_cast %select_n3A : i32 to index
          %get3A_487 = arith.index_cast %mul3A_179 : i32 to index
          %get3A_488 = tpu.vector_load %arg9[%get3A_485, %get3A_486, %get3A_487] {strides = array<i32>} : memref<24x8x224xf32, #tpu.memory_space<vmem>>, vector<1x1x16xf32>,
          %get3A_489 = vector.shape_cast %get3A_488 : vector<1x1x16xf32> to vector<16xf32>
          %get3A_490 = arith.constant 12 : i32
          %get3A_491 = arith.index_cast %get3A_490 : i32 to index
          %get3A_492 = arith.index_cast %select_n3A : i32 to index
          %get3A_493 = arith.index_cast %mul3A_179 : i32 to index
          %get3A_494 = tpu.vector_load %arg10[%get3A_491, %get3A_492, %get3A_493] {strides = array<i32>} : memref<24x8x224xf32, #tpu.memory_space<vmem>>, vector<1x1x16xf32>,
          %get3A_495 = vector.shape_cast %get3A_494 : vector<1x1x16xf32> to vector<16xf32>
          %get3A_496 = arith.constant 12 : i32
          %get3A_497 = arith.index_cast %get3A_496 : i32 to index
          %get3A_498 = arith.constant 0 : index
          %get3A_499 = tpu.vector_load %arg13[%get3A_497, %get3A_498] {strides = array<i32>} : memref<24x16xf32, #tpu.memory_space<vmem>>, vector<1x16xf32>,
          %get3A_500 = vector.shape_cast %get3A_499 : vector<1x16xf32> to vector<16xf32>
          %sub3A_501 = arith.subf %get3A_495, %get3A_500 : vector<16xf32>
          %mul3A_502 = arith.mulf %get3A_489, %sub3A_501 : vector<16xf32>
          %add3A_503 = arith.addf %add3A_479, %mul3A_502 : vector<16xf32>
          %mul3A_504 = arith.mulf %get3A_489, %get3A_489 : vector<16xf32>
          %add3A_505 = arith.addf %add3A_481, %mul3A_504 : vector<16xf32>
          %mul3A_506 = arith.mulf %sub3A_501, %sub3A_501 : vector<16xf32>
          %add3A_507 = arith.addf %add3A_483, %mul3A_506 : vector<16xf32>
          %get3A_508 = arith.constant 13 : i32
          %get3A_509 = arith.index_cast %get3A_508 : i32 to index
          %get3A_510 = arith.index_cast %select_n3A : i32 to index
          %get3A_511 = arith.index_cast %mul3A_179 : i32 to index
          %get3A_512 = tpu.vector_load %arg9[%get3A_509, %get3A_510, %get3A_511] {strides = array<i32>} : memref<24x8x224xf32, #tpu.memory_space<vmem>>, vector<1x1x16xf32>,
          %get3A_513 = vector.shape_cast %get3A_512 : vector<1x1x16xf32> to vector<16xf32>
          %get3A_514 = arith.constant 13 : i32
          %get3A_515 = arith.index_cast %get3A_514 : i32 to index
          %get3A_516 = arith.index_cast %select_n3A : i32 to index
          %get3A_517 = arith.index_cast %mul3A_179 : i32 to index
          %get3A_518 = tpu.vector_load %arg10[%get3A_515, %get3A_516, %get3A_517] {strides = array<i32>} : memref<24x8x224xf32, #tpu.memory_space<vmem>>, vector<1x1x16xf32>,
          %get3A_519 = vector.shape_cast %get3A_518 : vector<1x1x16xf32> to vector<16xf32>
          %get3A_520 = arith.constant 13 : i32
          %get3A_521 = arith.index_cast %get3A_520 : i32 to index
          %get3A_522 = arith.constant 0 : index
          %get3A_523 = tpu.vector_load %arg13[%get3A_521, %get3A_522] {strides = array<i32>} : memref<24x16xf32, #tpu.memory_space<vmem>>, vector<1x16xf32>,
          %get3A_524 = vector.shape_cast %get3A_523 : vector<1x16xf32> to vector<16xf32>
          %sub3A_525 = arith.subf %get3A_519, %get3A_524 : vector<16xf32>
          %mul3A_526 = arith.mulf %get3A_513, %sub3A_525 : vector<16xf32>
          %add3A_527 = arith.addf %add3A_503, %mul3A_526 : vector<16xf32>
          %mul3A_528 = arith.mulf %get3A_513, %get3A_513 : vector<16xf32>
          %add3A_529 = arith.addf %add3A_505, %mul3A_528 : vector<16xf32>
          %mul3A_530 = arith.mulf %sub3A_525, %sub3A_525 : vector<16xf32>
          %add3A_531 = arith.addf %add3A_507, %mul3A_530 : vector<16xf32>
          %get3A_532 = arith.constant 14 : i32
          %get3A_533 = arith.index_cast %get3A_532 : i32 to index
          %get3A_534 = arith.index_cast %select_n3A : i32 to index
          %get3A_535 = arith.index_cast %mul3A_179 : i32 to index
          %get3A_536 = tpu.vector_load %arg9[%get3A_533, %get3A_534, %get3A_535] {strides = array<i32>} : memref<24x8x224xf32, #tpu.memory_space<vmem>>, vector<1x1x16xf32>,
          %get3A_537 = vector.shape_cast %get3A_536 : vector<1x1x16xf32> to vector<16xf32>
          %get3A_538 = arith.constant 14 : i32
          %get3A_539 = arith.index_cast %get3A_538 : i32 to index
          %get3A_540 = arith.index_cast %select_n3A : i32 to index
          %get3A_541 = arith.index_cast %mul3A_179 : i32 to index
          %get3A_542 = tpu.vector_load %arg10[%get3A_539, %get3A_540, %get3A_541] {strides = array<i32>} : memref<24x8x224xf32, #tpu.memory_space<vmem>>, vector<1x1x16xf32>,
          %get3A_543 = vector.shape_cast %get3A_542 : vector<1x1x16xf32> to vector<16xf32>
          %get3A_544 = arith.constant 14 : i32
          %get3A_545 = arith.index_cast %get3A_544 : i32 to index
          %get3A_546 = arith.constant 0 : index
          %get3A_547 = tpu.vector_load %arg13[%get3A_545, %get3A_546] {strides = array<i32>} : memref<24x16xf32, #tpu.memory_space<vmem>>, vector<1x16xf32>,
          %get3A_548 = vector.shape_cast %get3A_547 : vector<1x16xf32> to vector<16xf32>
          %sub3A_549 = arith.subf %get3A_543, %get3A_548 : vector<16xf32>
          %mul3A_550 = arith.mulf %get3A_537, %sub3A_549 : vector<16xf32>
          %add3A_551 = arith.addf %add3A_527, %mul3A_550 : vector<16xf32>
          %mul3A_552 = arith.mulf %get3A_537, %get3A_537 : vector<16xf32>
          %add3A_553 = arith.addf %add3A_529, %mul3A_552 : vector<16xf32>
          %mul3A_554 = arith.mulf %sub3A_549, %sub3A_549 : vector<16xf32>
          %add3A_555 = arith.addf %add3A_531, %mul3A_554 : vector<16xf32>
          %get3A_556 = arith.constant 15 : i32
          %get3A_557 = arith.index_cast %get3A_556 : i32 to index
          %get3A_558 = arith.index_cast %select_n3A : i32 to index
          %get3A_559 = arith.index_cast %mul3A_179 : i32 to index
          %get3A_560 = tpu.vector_load %arg9[%get3A_557, %get3A_558, %get3A_559] {strides = array<i32>} : memref<24x8x224xf32, #tpu.memory_space<vmem>>, vector<1x1x16xf32>,
          %get3A_561 = vector.shape_cast %get3A_560 : vector<1x1x16xf32> to vector<16xf32>
          %get3A_562 = arith.constant 15 : i32
          %get3A_563 = arith.index_cast %get3A_562 : i32 to index
          %get3A_564 = arith.index_cast %select_n3A : i32 to index
          %get3A_565 = arith.index_cast %mul3A_179 : i32 to index
          %get3A_566 = tpu.vector_load %arg10[%get3A_563, %get3A_564, %get3A_565] {strides = array<i32>} : memref<24x8x224xf32, #tpu.memory_space<vmem>>, vector<1x1x16xf32>,
          %get3A_567 = vector.shape_cast %get3A_566 : vector<1x1x16xf32> to vector<16xf32>
          %get3A_568 = arith.constant 15 : i32
          %get3A_569 = arith.index_cast %get3A_568 : i32 to index
          %get3A_570 = arith.constant 0 : index
          %get3A_571 = tpu.vector_load %arg13[%get3A_569, %get3A_570] {strides = array<i32>} : memref<24x16xf32, #tpu.memory_space<vmem>>, vector<1x16xf32>,
          %get3A_572 = vector.shape_cast %get3A_571 : vector<1x16xf32> to vector<16xf32>
          %sub3A_573 = arith.subf %get3A_567, %get3A_572 : vector<16xf32>
          %mul3A_574 = arith.mulf %get3A_561, %sub3A_573 : vector<16xf32>
          %add3A_575 = arith.addf %add3A_551, %mul3A_574 : vector<16xf32>
          %mul3A_576 = arith.mulf %get3A_561, %get3A_561 : vector<16xf32>
          %add3A_577 = arith.addf %add3A_553, %mul3A_576 : vector<16xf32>
          %mul3A_578 = arith.mulf %sub3A_573, %sub3A_573 : vector<16xf32>
          %add3A_579 = arith.addf %add3A_555, %mul3A_578 : vector<16xf32>
          %get3A_580 = arith.constant 16 : i32
          %get3A_581 = arith.index_cast %get3A_580 : i32 to index
          %get3A_582 = arith.index_cast %select_n3A : i32 to index
          %get3A_583 = arith.index_cast %mul3A_179 : i32 to index
          %get3A_584 = tpu.vector_load %arg9[%get3A_581, %get3A_582, %get3A_583] {strides = array<i32>} : memref<24x8x224xf32, #tpu.memory_space<vmem>>, vector<1x1x16xf32>,
          %get3A_585 = vector.shape_cast %get3A_584 : vector<1x1x16xf32> to vector<16xf32>
          %get3A_586 = arith.constant 16 : i32
          %get3A_587 = arith.index_cast %get3A_586 : i32 to index
          %get3A_588 = arith.index_cast %select_n3A : i32 to index
          %get3A_589 = arith.index_cast %mul3A_179 : i32 to index
          %get3A_590 = tpu.vector_load %arg10[%get3A_587, %get3A_588, %get3A_589] {strides = array<i32>} : memref<24x8x224xf32, #tpu.memory_space<vmem>>, vector<1x1x16xf32>,
          %get3A_591 = vector.shape_cast %get3A_590 : vector<1x1x16xf32> to vector<16xf32>
          %get3A_592 = arith.constant 16 : i32
          %get3A_593 = arith.index_cast %get3A_592 : i32 to index
          %get3A_594 = arith.constant 0 : index
          %get3A_595 = tpu.vector_load %arg13[%get3A_593, %get3A_594] {strides = array<i32>} : memref<24x16xf32, #tpu.memory_space<vmem>>, vector<1x16xf32>,
          %get3A_596 = vector.shape_cast %get3A_595 : vector<1x16xf32> to vector<16xf32>
          %sub3A_597 = arith.subf %get3A_591, %get3A_596 : vector<16xf32>
          %mul3A_598 = arith.mulf %get3A_585, %sub3A_597 : vector<16xf32>
          %add3A_599 = arith.addf %add3A_575, %mul3A_598 : vector<16xf32>
          %mul3A_600 = arith.mulf %get3A_585, %get3A_585 : vector<16xf32>
          %add3A_601 = arith.addf %add3A_577, %mul3A_600 : vector<16xf32>
          %mul3A_602 = arith.mulf %sub3A_597, %sub3A_597 : vector<16xf32>
          %add3A_603 = arith.addf %add3A_579, %mul3A_602 : vector<16xf32>
          %get3A_604 = arith.constant 17 : i32
          %get3A_605 = arith.index_cast %get3A_604 : i32 to index
          %get3A_606 = arith.index_cast %select_n3A : i32 to index
          %get3A_607 = arith.index_cast %mul3A_179 : i32 to index
          %get3A_608 = tpu.vector_load %arg9[%get3A_605, %get3A_606, %get3A_607] {strides = array<i32>} : memref<24x8x224xf32, #tpu.memory_space<vmem>>, vector<1x1x16xf32>,
          %get3A_609 = vector.shape_cast %get3A_608 : vector<1x1x16xf32> to vector<16xf32>
          %get3A_610 = arith.constant 17 : i32
          %get3A_611 = arith.index_cast %get3A_610 : i32 to index
          %get3A_612 = arith.index_cast %select_n3A : i32 to index
          %get3A_613 = arith.index_cast %mul3A_179 : i32 to index
          %get3A_614 = tpu.vector_load %arg10[%get3A_611, %get3A_612, %get3A_613] {strides = array<i32>} : memref<24x8x224xf32, #tpu.memory_space<vmem>>, vector<1x1x16xf32>,
          %get3A_615 = vector.shape_cast %get3A_614 : vector<1x1x16xf32> to vector<16xf32>
          %get3A_616 = arith.constant 17 : i32
          %get3A_617 = arith.index_cast %get3A_616 : i32 to index
          %get3A_618 = arith.constant 0 : index
          %get3A_619 = tpu.vector_load %arg13[%get3A_617, %get3A_618] {strides = array<i32>} : memref<24x16xf32, #tpu.memory_space<vmem>>, vector<1x16xf32>,
          %get3A_620 = vector.shape_cast %get3A_619 : vector<1x16xf32> to vector<16xf32>
          %sub3A_621 = arith.subf %get3A_615, %get3A_620 : vector<16xf32>
          %mul3A_622 = arith.mulf %get3A_609, %sub3A_621 : vector<16xf32>
          %add3A_623 = arith.addf %add3A_599, %mul3A_622 : vector<16xf32>
          %mul3A_624 = arith.mulf %get3A_609, %get3A_609 : vector<16xf32>
          %add3A_625 = arith.addf %add3A_601, %mul3A_624 : vector<16xf32>
          %mul3A_626 = arith.mulf %sub3A_621, %sub3A_621 : vector<16xf32>
          %add3A_627 = arith.addf %add3A_603, %mul3A_626 : vector<16xf32>
          %get3A_628 = arith.constant 18 : i32
          %get3A_629 = arith.index_cast %get3A_628 : i32 to index
          %get3A_630 = arith.index_cast %select_n3A : i32 to index
          %get3A_631 = arith.index_cast %mul3A_179 : i32 to index
          %get3A_632 = tpu.vector_load %arg9[%get3A_629, %get3A_630, %get3A_631] {strides = array<i32>} : memref<24x8x224xf32, #tpu.memory_space<vmem>>, vector<1x1x16xf32>,
          %get3A_633 = vector.shape_cast %get3A_632 : vector<1x1x16xf32> to vector<16xf32>
          %get3A_634 = arith.constant 18 : i32
          %get3A_635 = arith.index_cast %get3A_634 : i32 to index
          %get3A_636 = arith.index_cast %select_n3A : i32 to index
          %get3A_637 = arith.index_cast %mul3A_179 : i32 to index
          %get3A_638 = tpu.vector_load %arg10[%get3A_635, %get3A_636, %get3A_637] {strides = array<i32>} : memref<24x8x224xf32, #tpu.memory_space<vmem>>, vector<1x1x16xf32>,
          %get3A_639 = vector.shape_cast %get3A_638 : vector<1x1x16xf32> to vector<16xf32>
          %get3A_640 = arith.constant 18 : i32
          %get3A_641 = arith.index_cast %get3A_640 : i32 to index
          %get3A_642 = arith.constant 0 : index
          %get3A_643 = tpu.vector_load %arg13[%get3A_641, %get3A_642] {strides = array<i32>} : memref<24x16xf32, #tpu.memory_space<vmem>>, vector<1x16xf32>,
          %get3A_644 = vector.shape_cast %get3A_643 : vector<1x16xf32> to vector<16xf32>
          %sub3A_645 = arith.subf %get3A_639, %get3A_644 : vector<16xf32>
          %mul3A_646 = arith.mulf %get3A_633, %sub3A_645 : vector<16xf32>
          %add3A_647 = arith.addf %add3A_623, %mul3A_646 : vector<16xf32>
          %mul3A_648 = arith.mulf %get3A_633, %get3A_633 : vector<16xf32>
          %add3A_649 = arith.addf %add3A_625, %mul3A_648 : vector<16xf32>
          %mul3A_650 = arith.mulf %sub3A_645, %sub3A_645 : vector<16xf32>
          %add3A_651 = arith.addf %add3A_627, %mul3A_650 : vector<16xf32>
          %get3A_652 = arith.constant 19 : i32
          %get3A_653 = arith.index_cast %get3A_652 : i32 to index
          %get3A_654 = arith.index_cast %select_n3A : i32 to index
          %get3A_655 = arith.index_cast %mul3A_179 : i32 to index
          %get3A_656 = tpu.vector_load %arg9[%get3A_653, %get3A_654, %get3A_655] {strides = array<i32>} : memref<24x8x224xf32, #tpu.memory_space<vmem>>, vector<1x1x16xf32>,
          %get3A_657 = vector.shape_cast %get3A_656 : vector<1x1x16xf32> to vector<16xf32>
          %get3A_658 = arith.constant 19 : i32
          %get3A_659 = arith.index_cast %get3A_658 : i32 to index
          %get3A_660 = arith.index_cast %select_n3A : i32 to index
          %get3A_661 = arith.index_cast %mul3A_179 : i32 to index
          %get3A_662 = tpu.vector_load %arg10[%get3A_659, %get3A_660, %get3A_661] {strides = array<i32>} : memref<24x8x224xf32, #tpu.memory_space<vmem>>, vector<1x1x16xf32>,
          %get3A_663 = vector.shape_cast %get3A_662 : vector<1x1x16xf32> to vector<16xf32>
          %get3A_664 = arith.constant 19 : i32
          %get3A_665 = arith.index_cast %get3A_664 : i32 to index
          %get3A_666 = arith.constant 0 : index
          %get3A_667 = tpu.vector_load %arg13[%get3A_665, %get3A_666] {strides = array<i32>} : memref<24x16xf32, #tpu.memory_space<vmem>>, vector<1x16xf32>,
          %get3A_668 = vector.shape_cast %get3A_667 : vector<1x16xf32> to vector<16xf32>
          %sub3A_669 = arith.subf %get3A_663, %get3A_668 : vector<16xf32>
          %mul3A_670 = arith.mulf %get3A_657, %sub3A_669 : vector<16xf32>
          %add3A_671 = arith.addf %add3A_647, %mul3A_670 : vector<16xf32>
          %mul3A_672 = arith.mulf %get3A_657, %get3A_657 : vector<16xf32>
          %add3A_673 = arith.addf %add3A_649, %mul3A_672 : vector<16xf32>
          %mul3A_674 = arith.mulf %sub3A_669, %sub3A_669 : vector<16xf32>
          %add3A_675 = arith.addf %add3A_651, %mul3A_674 : vector<16xf32>
          %get3A_676 = arith.constant 20 : i32
          %get3A_677 = arith.index_cast %get3A_676 : i32 to index
          %get3A_678 = arith.index_cast %select_n3A : i32 to index
          %get3A_679 = arith.index_cast %mul3A_179 : i32 to index
          %get3A_680 = tpu.vector_load %arg9[%get3A_677, %get3A_678, %get3A_679] {strides = array<i32>} : memref<24x8x224xf32, #tpu.memory_space<vmem>>, vector<1x1x16xf32>,
          %get3A_681 = vector.shape_cast %get3A_680 : vector<1x1x16xf32> to vector<16xf32>
          %get3A_682 = arith.constant 20 : i32
          %get3A_683 = arith.index_cast %get3A_682 : i32 to index
          %get3A_684 = arith.index_cast %select_n3A : i32 to index
          %get3A_685 = arith.index_cast %mul3A_179 : i32 to index
          %get3A_686 = tpu.vector_load %arg10[%get3A_683, %get3A_684, %get3A_685] {strides = array<i32>} : memref<24x8x224xf32, #tpu.memory_space<vmem>>, vector<1x1x16xf32>,
          %get3A_687 = vector.shape_cast %get3A_686 : vector<1x1x16xf32> to vector<16xf32>
          %get3A_688 = arith.constant 20 : i32
          %get3A_689 = arith.index_cast %get3A_688 : i32 to index
          %get3A_690 = arith.constant 0 : index
          %get3A_691 = tpu.vector_load %arg13[%get3A_689, %get3A_690] {strides = array<i32>} : memref<24x16xf32, #tpu.memory_space<vmem>>, vector<1x16xf32>,
          %get3A_692 = vector.shape_cast %get3A_691 : vector<1x16xf32> to vector<16xf32>
          %sub3A_693 = arith.subf %get3A_687, %get3A_692 : vector<16xf32>
          %mul3A_694 = arith.mulf %get3A_681, %sub3A_693 : vector<16xf32>
          %add3A_695 = arith.addf %add3A_671, %mul3A_694 : vector<16xf32>
          %mul3A_696 = arith.mulf %get3A_681, %get3A_681 : vector<16xf32>
          %add3A_697 = arith.addf %add3A_673, %mul3A_696 : vector<16xf32>
          %mul3A_698 = arith.mulf %sub3A_693, %sub3A_693 : vector<16xf32>
          %add3A_699 = arith.addf %add3A_675, %mul3A_698 : vector<16xf32>
          %get3A_700 = arith.constant 21 : i32
          %get3A_701 = arith.index_cast %get3A_700 : i32 to index
          %get3A_702 = arith.index_cast %select_n3A : i32 to index
          %get3A_703 = arith.index_cast %mul3A_179 : i32 to index
          %get3A_704 = tpu.vector_load %arg9[%get3A_701, %get3A_702, %get3A_703] {strides = array<i32>} : memref<24x8x224xf32, #tpu.memory_space<vmem>>, vector<1x1x16xf32>,
          %get3A_705 = vector.shape_cast %get3A_704 : vector<1x1x16xf32> to vector<16xf32>
          %get3A_706 = arith.constant 21 : i32
          %get3A_707 = arith.index_cast %get3A_706 : i32 to index
          %get3A_708 = arith.index_cast %select_n3A : i32 to index
          %get3A_709 = arith.index_cast %mul3A_179 : i32 to index
          %get3A_710 = tpu.vector_load %arg10[%get3A_707, %get3A_708, %get3A_709] {strides = array<i32>} : memref<24x8x224xf32, #tpu.memory_space<vmem>>, vector<1x1x16xf32>,
          %get3A_711 = vector.shape_cast %get3A_710 : vector<1x1x16xf32> to vector<16xf32>
          %get3A_712 = arith.constant 21 : i32
          %get3A_713 = arith.index_cast %get3A_712 : i32 to index
          %get3A_714 = arith.constant 0 : index
          %get3A_715 = tpu.vector_load %arg13[%get3A_713, %get3A_714] {strides = array<i32>} : memref<24x16xf32, #tpu.memory_space<vmem>>, vector<1x16xf32>,
          %get3A_716 = vector.shape_cast %get3A_715 : vector<1x16xf32> to vector<16xf32>
          %sub3A_717 = arith.subf %get3A_711, %get3A_716 : vector<16xf32>
          %mul3A_718 = arith.mulf %get3A_705, %sub3A_717 : vector<16xf32>
          %add3A_719 = arith.addf %add3A_695, %mul3A_718 : vector<16xf32>
          %mul3A_720 = arith.mulf %get3A_705, %get3A_705 : vector<16xf32>
          %add3A_721 = arith.addf %add3A_697, %mul3A_720 : vector<16xf32>
          %mul3A_722 = arith.mulf %sub3A_717, %sub3A_717 : vector<16xf32>
          %add3A_723 = arith.addf %add3A_699, %mul3A_722 : vector<16xf32>
          %get3A_724 = arith.constant 22 : i32
          %get3A_725 = arith.index_cast %get3A_724 : i32 to index
          %get3A_726 = arith.index_cast %select_n3A : i32 to index
          %get3A_727 = arith.index_cast %mul3A_179 : i32 to index
          %get3A_728 = tpu.vector_load %arg9[%get3A_725, %get3A_726, %get3A_727] {strides = array<i32>} : memref<24x8x224xf32, #tpu.memory_space<vmem>>, vector<1x1x16xf32>,
          %get3A_729 = vector.shape_cast %get3A_728 : vector<1x1x16xf32> to vector<16xf32>
          %get3A_730 = arith.constant 22 : i32
          %get3A_731 = arith.index_cast %get3A_730 : i32 to index
          %get3A_732 = arith.index_cast %select_n3A : i32 to index
          %get3A_733 = arith.index_cast %mul3A_179 : i32 to index
          %get3A_734 = tpu.vector_load %arg10[%get3A_731, %get3A_732, %get3A_733] {strides = array<i32>} : memref<24x8x224xf32, #tpu.memory_space<vmem>>, vector<1x1x16xf32>,
          %get3A_735 = vector.shape_cast %get3A_734 : vector<1x1x16xf32> to vector<16xf32>
          %get3A_736 = arith.constant 22 : i32
          %get3A_737 = arith.index_cast %get3A_736 : i32 to index
          %get3A_738 = arith.constant 0 : index
          %get3A_739 = tpu.vector_load %arg13[%get3A_737, %get3A_738] {strides = array<i32>} : memref<24x16xf32, #tpu.memory_space<vmem>>, vector<1x16xf32>,
          %get3A_740 = vector.shape_cast %get3A_739 : vector<1x16xf32> to vector<16xf32>
          %sub3A_741 = arith.subf %get3A_735, %get3A_740 : vector<16xf32>
          %mul3A_742 = arith.mulf %get3A_729, %sub3A_741 : vector<16xf32>
          %add3A_743 = arith.addf %add3A_719, %mul3A_742 : vector<16xf32>
          %mul3A_744 = arith.mulf %get3A_729, %get3A_729 : vector<16xf32>
          %add3A_745 = arith.addf %add3A_721, %mul3A_744 : vector<16xf32>
          %mul3A_746 = arith.mulf %sub3A_741, %sub3A_741 : vector<16xf32>
          %add3A_747 = arith.addf %add3A_723, %mul3A_746 : vector<16xf32>
          %get3A_748 = arith.constant 23 : i32
          %get3A_749 = arith.index_cast %get3A_748 : i32 to index
          %get3A_750 = arith.index_cast %select_n3A : i32 to index
          %get3A_751 = arith.index_cast %mul3A_179 : i32 to index
          %get3A_752 = tpu.vector_load %arg9[%get3A_749, %get3A_750, %get3A_751] {strides = array<i32>} : memref<24x8x224xf32, #tpu.memory_space<vmem>>, vector<1x1x16xf32>,
          %get3A_753 = vector.shape_cast %get3A_752 : vector<1x1x16xf32> to vector<16xf32>
          %get3A_754 = arith.constant 23 : i32
          %get3A_755 = arith.index_cast %get3A_754 : i32 to index
          %get3A_756 = arith.index_cast %select_n3A : i32 to index
          %get3A_757 = arith.index_cast %mul3A_179 : i32 to index
          %get3A_758 = tpu.vector_load %arg10[%get3A_755, %get3A_756, %get3A_757] {strides = array<i32>} : memref<24x8x224xf32, #tpu.memory_space<vmem>>, vector<1x1x16xf32>,
          %get3A_759 = vector.shape_cast %get3A_758 : vector<1x1x16xf32> to vector<16xf32>
          %get3A_760 = arith.constant 23 : i32
          %get3A_761 = arith.index_cast %get3A_760 : i32 to index
          %get3A_762 = arith.constant 0 : index
          %get3A_763 = tpu.vector_load %arg13[%get3A_761, %get3A_762] {strides = array<i32>} : memref<24x16xf32, #tpu.memory_space<vmem>>, vector<1x16xf32>,
          %get3A_764 = vector.shape_cast %get3A_763 : vector<1x16xf32> to vector<16xf32>
          %sub3A_765 = arith.subf %get3A_759, %get3A_764 : vector<16xf32>
          %mul3A_766 = arith.mulf %get3A_753, %sub3A_765 : vector<16xf32>
          %add3A_767 = arith.addf %add3A_743, %mul3A_766 : vector<16xf32>
          %mul3A_768 = arith.mulf %get3A_753, %get3A_753 : vector<16xf32>
          %add3A_769 = arith.addf %add3A_745, %mul3A_768 : vector<16xf32>
          %mul3A_770 = arith.mulf %sub3A_765, %sub3A_765 : vector<16xf32>
          %add3A_771 = arith.addf %add3A_747, %mul3A_770 : vector<16xf32>
          %swap3A_772 = arith.index_cast %select_n3A : i32 to index
          %swap3A_773 = arith.index_cast %mul3A_179 : i32 to index
          %swap3A_774 = tpu.vector_load %arg14[%swap3A_772, %swap3A_773] {strides = array<i32>} : memref<8x224xf32, #tpu.memory_space<vmem>>, vector<1x16xf32>,
          %swap3A_775 = vector.shape_cast %swap3A_774 : vector<1x16xf32> to vector<16xf32>
          %swap3A_776 = vector.shape_cast %add3A_767 : vector<16xf32> to vector<1x16xf32>
          tpu.vector_store %arg14[%swap3A_772, %swap3A_773], %swap3A_776 {strides = array<i32>} : memref<8x224xf32, #tpu.memory_space<vmem>>, vector<1x16xf32>,
          %swap3A_777 = arith.index_cast %select_n3A : i32 to index
          %swap3A_778 = arith.index_cast %mul3A_179 : i32 to index
          %swap3A_779 = tpu.vector_load %arg15[%swap3A_777, %swap3A_778] {strides = array<i32>} : memref<8x224xf32, #tpu.memory_space<vmem>>, vector<1x16xf32>,
          %swap3A_780 = vector.shape_cast %swap3A_779 : vector<1x16xf32> to vector<16xf32>
          %swap3A_781 = vector.shape_cast %add3A_769 : vector<16xf32> to vector<1x16xf32>
          tpu.vector_store %arg15[%swap3A_777, %swap3A_778], %swap3A_781 {strides = array<i32>} : memref<8x224xf32, #tpu.memory_space<vmem>>, vector<1x16xf32>,
          %swap3A_782 = arith.index_cast %select_n3A : i32 to index
          %swap3A_783 = arith.index_cast %mul3A_179 : i32 to index
          %swap3A_784 = tpu.vector_load %arg16[%swap3A_782, %swap3A_783] {strides = array<i32>} : memref<8x224xf32, #tpu.memory_space<vmem>>, vector<1x16xf32>,
          %swap3A_785 = vector.shape_cast %swap3A_784 : vector<1x16xf32> to vector<16xf32>
          %swap3A_786 = vector.shape_cast %add3A_771 : vector<16xf32> to vector<1x16xf32>
          tpu.vector_store %arg16[%swap3A_782, %swap3A_783], %swap3A_786 {strides = array<i32>} : memref<8x224xf32, #tpu.memory_space<vmem>>, vector<1x16xf32>,
          %scan3A_787 = arith.constant 0 : i32
          scf.yield %scan3A_787 : i32
        }
        %scan3A_142 = arith.constant 112 : i32
        %scan3A_143 = arith.constant 0 : i32
        scf.yield %scan3A_143 : i32
      }
      %scan3A_74 = arith.constant 8 : i32
      %broadcast_in_dim3A_75 = arith.constant 0.000000e+00 : f32
      %broadcast_in_dim3A_76 = vector.broadcast %broadcast_in_dim3A_75 : f32 to vector<16xf32>
      %scan3A_77 = arith.constant 0 : i32
      %scan3A_78 = arith.constant 112 : i32
      %scan3A_79 = arith.addi %scan3A_77, %scan3A_78 : i32
      %scan3A_80 = arith.constant 1 : i32
      %scan3A_81:2 = scf.for %scan3A_125 = %scan3A_77 to %scan3A_79 step %scan3A_80 iter_args(%scan3A_126 = %broadcast_in_dim3A_76, %scan3A_127 = %broadcast_in_dim3A_76) -> (vector<16xf32>, vector<16xf32>)  : i32 {
        %jit3A = arith.constant 14 : i32
        %div3A = arith.divsi %scan3A_125, %jit3A : i32
        %sign3A = arith.constant 0 : i32
        %sign3A_128 = arith.cmpi sgt, %scan3A_125, %sign3A : i32
        %sign3A_129 = arith.extui %sign3A_128 : i1 to i32
        %sign3A_130 = arith.constant 0 : i32
        %sign3A_131 = arith.cmpi slt, %scan3A_125, %sign3A_130 : i32
        %sign3A_132 = arith.extui %sign3A_131 : i1 to i32
        %sign3A_133 = arith.subi %sign3A_129, %sign3A_132 : i32
        %sign3A_134 = arith.constant 0 : i32
        %sign3A_135 = arith.cmpi sgt, %jit3A, %sign3A_134 : i32
        %sign3A_136 = arith.extui %sign3A_135 : i1 to i32
        %sign3A_137 = arith.constant 0 : i32
        %sign3A_138 = arith.cmpi slt, %jit3A, %sign3A_137 : i32
        %sign3A_139 = arith.extui %sign3A_138 : i1 to i32
        %sign3A_140 = arith.subi %sign3A_136, %sign3A_139 : i32
        %ne3A = arith.cmpi ne, %sign3A_133, %sign3A_140 : i32
        %rem3A = arith.remsi %scan3A_125, %jit3A : i32
        %ne3A_141 = arith.constant 0 : i32
        %ne3A_142 = arith.cmpi ne, %rem3A, %ne3A_141 : i32
        %and3A = arith.andi %ne3A, %ne3A_142 : i1
        %sub3A = arith.constant 1 : i32
        %sub3A_143 = arith.subi %div3A, %sub3A : i32
        %select_n3A = arith.select %and3A, %sub3A_143, %div3A : i32
        %jit3A_144 = arith.constant 14 : i32
        %eq3A = arith.constant 0 : i32
        %eq3A_145 = arith.cmpi eq, %jit3A_144, %eq3A : i32
        %jit3A_146 = arith.constant 1 : i32
        %select_n3A_147 = arith.select %eq3A_145, %jit3A_146, %jit3A_144 : i32
        %rem3A_148 = arith.remsi %scan3A_125, %select_n3A_147 : i32
        %ne3A_149 = arith.constant 0 : i32
        %ne3A_150 = arith.cmpi ne, %rem3A_148, %ne3A_149 : i32
        %lt3A_151 = arith.constant 0 : i32
        %lt3A_152 = arith.cmpi slt, %rem3A_148, %lt3A_151 : i32
        %lt3A_153 = arith.constant 0 : i32
        %lt3A_154 = arith.cmpi slt, %select_n3A_147, %lt3A_153 : i32
        %ne3A_155 = arith.xori %lt3A_152, %lt3A_154 : i1
        %and3A_156 = arith.andi %ne3A_155, %ne3A_150 : i1
        %add3A_157 = arith.addi %rem3A_148, %select_n3A_147 : i32
        %select_n3A_158 = arith.select %and3A_156, %add3A_157, %rem3A_148 : i32
        %mul3A_159 = arith.constant 16 : i32
        %mul3A_160 = arith.muli %select_n3A_158, %mul3A_159 : i32
        %get3A = arith.index_cast %select_n3A : i32 to index
        %get3A_161 = arith.index_cast %mul3A_160 : i32 to index
        %get3A_162 = tpu.vector_load %arg14[%get3A, %get3A_161] {strides = array<i32>} : memref<8x224xf32, #tpu.memory_space<vmem>>, vector<1x16xf32>,
        %get3A_163 = vector.shape_cast %get3A_162 : vector<1x16xf32> to vector<16xf32>
        %get3A_164 = arith.index_cast %select_n3A : i32 to index
        %get3A_165 = arith.index_cast %mul3A_160 : i32 to index
        %get3A_166 = tpu.vector_load %arg15[%get3A_164, %get3A_165] {strides = array<i32>} : memref<8x224xf32, #tpu.memory_space<vmem>>, vector<1x16xf32>,
        %get3A_167 = vector.shape_cast %get3A_166 : vector<1x16xf32> to vector<16xf32>
        %get3A_168 = arith.index_cast %select_n3A : i32 to index
        %get3A_169 = arith.index_cast %mul3A_160 : i32 to index
        %get3A_170 = tpu.vector_load %arg16[%get3A_168, %get3A_169] {strides = array<i32>} : memref<8x224xf32, #tpu.memory_space<vmem>>, vector<1x16xf32>,
        %get3A_171 = vector.shape_cast %get3A_170 : vector<1x16xf32> to vector<16xf32>
        %max3A = arith.constant 1.000000e-16 : f32
        %max3A_172 = vector.broadcast %max3A : f32 to vector<16xf32>
        %max3A_173 = arith.maximumf %get3A_167, %max3A_172 : vector<16xf32>
        %bitcast_convert_type3A = tpu.bitcast %max3A_173 : vector<16xf32> -> vector<16xi32>
        %shift_right_arithmetic3A = arith.constant 1 : i32
        %shift_right_arithmetic3A_174 = vector.broadcast %shift_right_arithmetic3A : i32 to vector<16xi32>
        %shift_right_arithmetic3A_175 = arith.shrsi %bitcast_convert_type3A, %shift_right_arithmetic3A_174 : vector<16xi32>
        %sub3A_176 = arith.constant 1597463007 : i32
        %sub3A_177 = vector.broadcast %sub3A_176 : i32 to vector<16xi32>
        %sub3A_178 = arith.subi %sub3A_177, %shift_right_arithmetic3A_175 : vector<16xi32>
        %bitcast_convert_type3A_179 = tpu.bitcast %sub3A_178 : vector<16xi32> -> vector<16xf32>
        %mul3A_180 = arith.constant 5.000000e-01 : f32
        %mul3A_181 = vector.broadcast %mul3A_180 : f32 to vector<16xf32>
        %mul3A_182 = arith.mulf %mul3A_181, %max3A_173 : vector<16xf32>
        %mul3A_183 = arith.mulf %mul3A_182, %bitcast_convert_type3A_179 : vector<16xf32>
        %mul3A_184 = arith.mulf %mul3A_183, %bitcast_convert_type3A_179 : vector<16xf32>
        %sub3A_185 = arith.constant 1.500000e+00 : f32
        %sub3A_186 = vector.broadcast %sub3A_185 : f32 to vector<16xf32>
        %sub3A_187 = arith.subf %sub3A_186, %mul3A_184 : vector<16xf32>
        %mul3A_188 = arith.mulf %bitcast_convert_type3A_179, %sub3A_187 : vector<16xf32>
        %mul3A_189 = arith.constant 5.000000e-01 : f32
        %mul3A_190 = vector.broadcast %mul3A_189 : f32 to vector<16xf32>
        %mul3A_191 = arith.mulf %mul3A_190, %max3A_173 : vector<16xf32>
        %mul3A_192 = arith.mulf %mul3A_191, %mul3A_188 : vector<16xf32>
        %mul3A_193 = arith.mulf %mul3A_192, %mul3A_188 : vector<16xf32>
        %sub3A_194 = arith.constant 1.500000e+00 : f32
        %sub3A_195 = vector.broadcast %sub3A_194 : f32 to vector<16xf32>
        %sub3A_196 = arith.subf %sub3A_195, %mul3A_193 : vector<16xf32>
        %mul3A_197 = arith.mulf %mul3A_188, %sub3A_196 : vector<16xf32>
        %mul3A_198 = arith.constant 5.000000e-01 : f32
        %mul3A_199 = vector.broadcast %mul3A_198 : f32 to vector<16xf32>
        %mul3A_200 = arith.mulf %mul3A_199, %max3A_173 : vector<16xf32>
        %mul3A_201 = arith.mulf %mul3A_200, %mul3A_197 : vector<16xf32>
        %mul3A_202 = arith.mulf %mul3A_201, %mul3A_197 : vector<16xf32>
        %sub3A_203 = arith.constant 1.500000e+00 : f32
        %sub3A_204 = vector.broadcast %sub3A_203 : f32 to vector<16xf32>
        %sub3A_205 = arith.subf %sub3A_204, %mul3A_202 : vector<16xf32>
        %mul3A_206 = arith.mulf %mul3A_197, %sub3A_205 : vector<16xf32>
        %max3A_207 = arith.constant 1.000000e-16 : f32
        %max3A_208 = vector.broadcast %max3A_207 : f32 to vector<16xf32>
        %max3A_209 = arith.maximumf %get3A_171, %max3A_208 : vector<16xf32>
        %bitcast_convert_type3A_210 = tpu.bitcast %max3A_209 : vector<16xf32> -> vector<16xi32>
        %shift_right_arithmetic3A_211 = arith.constant 1 : i32
        %shift_right_arithmetic3A_212 = vector.broadcast %shift_right_arithmetic3A_211 : i32 to vector<16xi32>
        %shift_right_arithmetic3A_213 = arith.shrsi %bitcast_convert_type3A_210, %shift_right_arithmetic3A_212 : vector<16xi32>
        %sub3A_214 = arith.constant 1597463007 : i32
        %sub3A_215 = vector.broadcast %sub3A_214 : i32 to vector<16xi32>
        %sub3A_216 = arith.subi %sub3A_215, %shift_right_arithmetic3A_213 : vector<16xi32>
        %bitcast_convert_type3A_217 = tpu.bitcast %sub3A_216 : vector<16xi32> -> vector<16xf32>
        %mul3A_218 = arith.constant 5.000000e-01 : f32
        %mul3A_219 = vector.broadcast %mul3A_218 : f32 to vector<16xf32>
        %mul3A_220 = arith.mulf %mul3A_219, %max3A_209 : vector<16xf32>
        %mul3A_221 = arith.mulf %mul3A_220, %bitcast_convert_type3A_217 : vector<16xf32>
        %mul3A_222 = arith.mulf %mul3A_221, %bitcast_convert_type3A_217 : vector<16xf32>
        %sub3A_223 = arith.constant 1.500000e+00 : f32
        %sub3A_224 = vector.broadcast %sub3A_223 : f32 to vector<16xf32>
        %sub3A_225 = arith.subf %sub3A_224, %mul3A_222 : vector<16xf32>
        %mul3A_226 = arith.mulf %bitcast_convert_type3A_217, %sub3A_225 : vector<16xf32>
        %mul3A_227 = arith.constant 5.000000e-01 : f32
        %mul3A_228 = vector.broadcast %mul3A_227 : f32 to vector<16xf32>
        %mul3A_229 = arith.mulf %mul3A_228, %max3A_209 : vector<16xf32>
        %mul3A_230 = arith.mulf %mul3A_229, %mul3A_226 : vector<16xf32>
        %mul3A_231 = arith.mulf %mul3A_230, %mul3A_226 : vector<16xf32>
        %sub3A_232 = arith.constant 1.500000e+00 : f32
        %sub3A_233 = vector.broadcast %sub3A_232 : f32 to vector<16xf32>
        %sub3A_234 = arith.subf %sub3A_233, %mul3A_231 : vector<16xf32>
        %mul3A_235 = arith.mulf %mul3A_226, %sub3A_234 : vector<16xf32>
        %mul3A_236 = arith.constant 5.000000e-01 : f32
        %mul3A_237 = vector.broadcast %mul3A_236 : f32 to vector<16xf32>
        %mul3A_238 = arith.mulf %mul3A_237, %max3A_209 : vector<16xf32>
        %mul3A_239 = arith.mulf %mul3A_238, %mul3A_235 : vector<16xf32>
        %mul3A_240 = arith.mulf %mul3A_239, %mul3A_235 : vector<16xf32>
        %sub3A_241 = arith.constant 1.500000e+00 : f32
        %sub3A_242 = vector.broadcast %sub3A_241 : f32 to vector<16xf32>
        %sub3A_243 = arith.subf %sub3A_242, %mul3A_240 : vector<16xf32>
        %mul3A_244 = arith.mulf %mul3A_235, %sub3A_243 : vector<16xf32>
        %mul3A_245 = arith.mulf %mul3A_206, %mul3A_244 : vector<16xf32>
        %mul3A_246 = arith.mulf %get3A_163, %mul3A_245 : vector<16xf32>
        %sub3A_247 = arith.constant 1.000000e+00 : f32
        %sub3A_248 = vector.broadcast %sub3A_247 : f32 to vector<16xf32>
        %sub3A_249 = arith.subf %sub3A_248, %mul3A_246 : vector<16xf32>
        %get3A_250 = arith.index_cast %select_n3A : i32 to index
        %get3A_251 = arith.index_cast %mul3A_160 : i32 to index
        %get3A_252 = tpu.vector_load %arg11[%get3A_250, %get3A_251] {strides = array<i32>} : memref<8x224xf32, #tpu.memory_space<vmem>>, vector<1x16xf32>,
        %get3A_253 = vector.shape_cast %get3A_252 : vector<1x16xf32> to vector<16xf32>
        %get3A_254 = arith.index_cast %select_n3A : i32 to index
        %get3A_255 = arith.index_cast %mul3A_160 : i32 to index
        %get3A_256 = tpu.vector_load %arg12[%get3A_254, %get3A_255] {strides = array<i32>} : memref<8x224xf32, #tpu.memory_space<vmem>>, vector<1x16xf32>,
        %get3A_257 = vector.shape_cast %get3A_256 : vector<1x16xf32> to vector<16xf32>
        %ne3A_258 = arith.constant 0.000000e+00 : f32
        %ne3A_259 = vector.broadcast %ne3A_258 : f32 to vector<16xf32>
        %ne3A_260 = arith.cmpf one, %get3A_253, %ne3A_259 : vector<16xf32>
        %eq3A_261 = arith.constant 0.000000e+00 : f32
        %eq3A_262 = vector.broadcast %eq3A_261 : f32 to vector<16xf32>
        %eq3A_263 = arith.cmpf oeq, %get3A_257, %eq3A_262 : vector<16xf32>
        %and3A_264 = arith.andi %ne3A_260, %eq3A_263 : vector<16xi1>
        %jit3A_265 = arith.constant 1.000000e+00 : f32
        %jit3A_266 = arith.constant 0.000000e+00 : f32
        %broadcast_in_dim3A_267 = vector.broadcast %jit3A_265 : f32 to vector<16xf32>
        %broadcast_in_dim3A_268 = vector.broadcast %jit3A_266 : f32 to vector<16xf32>
        %select_n3A_269 = arith.select %and3A_264, %broadcast_in_dim3A_267, %broadcast_in_dim3A_268 : vector<16xi1>, vector<16xf32>
        %mul3A_270 = arith.mulf %sub3A_249, %select_n3A_269 : vector<16xf32>
        %add3A_271 = arith.addf %scan3A_126, %mul3A_270 : vector<16xf32>
        %add3A_272 = arith.addf %scan3A_127, %select_n3A_269 : vector<16xf32>
        scf.yield %add3A_271, %add3A_272 : vector<16xf32>, vector<16xf32>
      }
      %scan3A_82 = arith.constant 112 : i32
      %swap3A_83 = arith.constant 2 : i32
      %swap3A_84 = arith.index_cast %swap3A_83 : i32 to index
      %swap3A_85 = arith.constant 0 : index
      %swap3A_86 = tpu.vector_load %arg17[%swap3A_84, %swap3A_85] {strides = array<i32>} : memref<4x16xf32, #tpu.memory_space<vmem>>, vector<1x16xf32>,
      %swap3A_87 = vector.shape_cast %swap3A_86 : vector<1x16xf32> to vector<16xf32>
      %swap3A_88 = vector.shape_cast %scan3A_81#0 : vector<16xf32> to vector<1x16xf32>
      tpu.vector_store %arg17[%swap3A_84, %swap3A_85], %swap3A_88 {strides = array<i32>} : memref<4x16xf32, #tpu.memory_space<vmem>>, vector<1x16xf32>,
      %swap3A_89 = arith.constant 2 : i32
      %swap3A_90 = arith.index_cast %swap3A_89 : i32 to index
      %swap3A_91 = arith.constant 0 : index
      %swap3A_92 = tpu.vector_load %arg18[%swap3A_90, %swap3A_91] {strides = array<i32>} : memref<4x16xf32, #tpu.memory_space<vmem>>, vector<1x16xf32>,
      %swap3A_93 = vector.shape_cast %swap3A_92 : vector<1x16xf32> to vector<16xf32>
      %swap3A_94 = vector.shape_cast %scan3A_81#1 : vector<16xf32> to vector<1x16xf32>
      tpu.vector_store %arg18[%swap3A_90, %swap3A_91], %swap3A_94 {strides = array<i32>} : memref<4x16xf32, #tpu.memory_space<vmem>>, vector<1x16xf32>,
      %run_scoped3A_95 = arith.constant 3 : i32
      %run_scoped3A_96 = arith.constant 0 : i32
      "tpu.region"() ({
        %run_scoped3A_125 = tpu.sem_alloc : memref<!tpu.dma_semaphore, #tpu.memory_space<semaphore_mem>>
        %dma_start3A = arith.constant 0 : i32
        %dma_start3A_126 = tpu.memref_slice %arg4[%run_scoped3A_95, %run_scoped3A_96, %mul3A_2, %dma_start3A] : memref<4x1x224x224xf32, #tpu.memory_space<hbm>> -> memref<1x1x8x224xf32, #tpu.memory_space<hbm>>
        %dma_start3A_127 = tpu.memref_squeeze %dma_start3A_126 : memref<1x1x8x224xf32, #tpu.memory_space<hbm>> -> memref<8x224xf32, #tpu.memory_space<hbm>>
        %dma_start3A_128 = arith.constant 0 : i32
        %dma_start3A_129 = tpu.memref_slice %arg4[%run_scoped3A_95, %run_scoped3A_96, %mul3A_2, %dma_start3A_128] : memref<4x1x224x224xf32, #tpu.memory_space<hbm>> -> memref<1x1x8x224xf32, #tpu.memory_space<hbm>>
        %dma_start3A_130 = tpu.memref_squeeze %dma_start3A_129 : memref<1x1x8x224xf32, #tpu.memory_space<hbm>> -> memref<8x224xf32, #tpu.memory_space<hbm>>
        tpu.enqueue_dma source(%dma_start3A_130 : memref<8x224xf32, #tpu.memory_space<hbm>>) target(%arg11 : memref<8x224xf32, #tpu.memory_space<vmem>>) target_semaphore(%run_scoped3A_125 : memref<!tpu.dma_semaphore, #tpu.memory_space<semaphore_mem>>)
        %dma_wait3A = arith.constant 0 : i32
        %dma_wait3A_131 = tpu.memref_slice %arg4[%run_scoped3A_95, %run_scoped3A_96, %mul3A_2, %dma_wait3A] : memref<4x1x224x224xf32, #tpu.memory_space<hbm>> -> memref<1x1x8x224xf32, #tpu.memory_space<hbm>>
        %dma_wait3A_132 = tpu.memref_squeeze %dma_wait3A_131 : memref<1x1x8x224xf32, #tpu.memory_space<hbm>> -> memref<8x224xf32, #tpu.memory_space<hbm>>
        %dma_wait3A_133 = arith.constant 0 : i32
        %dma_wait3A_134 = tpu.memref_slice %arg4[%run_scoped3A_95, %run_scoped3A_96, %mul3A_2, %dma_wait3A_133] : memref<4x1x224x224xf32, #tpu.memory_space<hbm>> -> memref<1x1x8x224xf32, #tpu.memory_space<hbm>>
        %dma_wait3A_135 = tpu.memref_squeeze %dma_wait3A_134 : memref<1x1x8x224xf32, #tpu.memory_space<hbm>> -> memref<8x224xf32, #tpu.memory_space<hbm>>
        tpu.wait_dma2 semaphore(%run_scoped3A_125 : memref<!tpu.dma_semaphore, #tpu.memory_space<semaphore_mem>>) src(%dma_wait3A_135 : memref<8x224xf32, #tpu.memory_space<hbm>>) dst(%arg11 : memref<8x224xf32, #tpu.memory_space<vmem>>)
        tpu.yield
      }) : () -> ()
      %run_scoped3A_97 = arith.constant 3 : i32
      "tpu.region"() ({
        %run_scoped3A_125 = tpu.sem_alloc : memref<!tpu.dma_semaphore, #tpu.memory_space<semaphore_mem>>
        %dma_start3A = arith.constant 0 : i32
        %dma_start3A_126 = tpu.memref_slice %arg5[%run_scoped3A_97, %mul3A_2, %dma_start3A] : memref<4x224x224xf32, #tpu.memory_space<hbm>> -> memref<1x8x224xf32, #tpu.memory_space<hbm>>
        %dma_start3A_127 = tpu.memref_squeeze %dma_start3A_126 : memref<1x8x224xf32, #tpu.memory_space<hbm>> -> memref<8x224xf32, #tpu.memory_space<hbm>>
        %dma_start3A_128 = arith.constant 0 : i32
        %dma_start3A_129 = tpu.memref_slice %arg5[%run_scoped3A_97, %mul3A_2, %dma_start3A_128] : memref<4x224x224xf32, #tpu.memory_space<hbm>> -> memref<1x8x224xf32, #tpu.memory_space<hbm>>
        %dma_start3A_130 = tpu.memref_squeeze %dma_start3A_129 : memref<1x8x224xf32, #tpu.memory_space<hbm>> -> memref<8x224xf32, #tpu.memory_space<hbm>>
        tpu.enqueue_dma source(%dma_start3A_130 : memref<8x224xf32, #tpu.memory_space<hbm>>) target(%arg12 : memref<8x224xf32, #tpu.memory_space<vmem>>) target_semaphore(%run_scoped3A_125 : memref<!tpu.dma_semaphore, #tpu.memory_space<semaphore_mem>>)
        %dma_wait3A = arith.constant 0 : i32
        %dma_wait3A_131 = tpu.memref_slice %arg5[%run_scoped3A_97, %mul3A_2, %dma_wait3A] : memref<4x224x224xf32, #tpu.memory_space<hbm>> -> memref<1x8x224xf32, #tpu.memory_space<hbm>>
        %dma_wait3A_132 = tpu.memref_squeeze %dma_wait3A_131 : memref<1x8x224xf32, #tpu.memory_space<hbm>> -> memref<8x224xf32, #tpu.memory_space<hbm>>
        %dma_wait3A_133 = arith.constant 0 : i32
        %dma_wait3A_134 = tpu.memref_slice %arg5[%run_scoped3A_97, %mul3A_2, %dma_wait3A_133] : memref<4x224x224xf32, #tpu.memory_space<hbm>> -> memref<1x8x224xf32, #tpu.memory_space<hbm>>
        %dma_wait3A_135 = tpu.memref_squeeze %dma_wait3A_134 : memref<1x8x224xf32, #tpu.memory_space<hbm>> -> memref<8x224xf32, #tpu.memory_space<hbm>>
        tpu.wait_dma2 semaphore(%run_scoped3A_125 : memref<!tpu.dma_semaphore, #tpu.memory_space<semaphore_mem>>) src(%dma_wait3A_135 : memref<8x224xf32, #tpu.memory_space<hbm>>) dst(%arg12 : memref<8x224xf32, #tpu.memory_space<vmem>>)
        tpu.yield
      }) : () -> ()
      %scan3A_98 = arith.constant 0 : i32
      %scan3A_99 = arith.constant 0 : i32
      %scan3A_100 = arith.constant 8 : i32
      %scan3A_101 = arith.addi %scan3A_99, %scan3A_100 : i32
      %scan3A_102 = arith.constant 1 : i32
      %scan3A_103 = scf.for %scan3A_125 = %scan3A_99 to %scan3A_101 step %scan3A_102 iter_args(%scan3A_126 = %scan3A_98) -> (i32)  : i32 {
        %mul3A_127 = arith.constant 24 : i32
        %mul3A_128 = arith.muli %scan3A_125, %mul3A_127 : i32
        %run_scoped3A_129 = arith.constant 3 : i32
        "tpu.region"() ({
          %run_scoped3A_144 = tpu.sem_alloc : memref<!tpu.dma_semaphore, #tpu.memory_space<semaphore_mem>>
          %dma_start3A = arith.constant 0 : i32
          %dma_start3A_145 = tpu.memref_slice %arg2[%run_scoped3A_129, %mul3A_128, %mul3A_2, %dma_start3A] : memref<4x192x224x224xf32, #tpu.memory_space<hbm>> -> memref<1x24x8x224xf32, #tpu.memory_space<hbm>>
          %dma_start3A_146 = tpu.memref_squeeze %dma_start3A_145 : memref<1x24x8x224xf32, #tpu.memory_space<hbm>> -> memref<24x8x224xf32, #tpu.memory_space<hbm>>
          %dma_start3A_147 = arith.constant 0 : i32
          %dma_start3A_148 = tpu.memref_slice %arg2[%run_scoped3A_129, %mul3A_128, %mul3A_2, %dma_start3A_147] : memref<4x192x224x224xf32, #tpu.memory_space<hbm>> -> memref<1x24x8x224xf32, #tpu.memory_space<hbm>>
          %dma_start3A_149 = tpu.memref_squeeze %dma_start3A_148 : memref<1x24x8x224xf32, #tpu.memory_space<hbm>> -> memref<24x8x224xf32, #tpu.memory_space<hbm>>
          tpu.enqueue_dma source(%dma_start3A_149 : memref<24x8x224xf32, #tpu.memory_space<hbm>>) target(%arg9 : memref<24x8x224xf32, #tpu.memory_space<vmem>>) target_semaphore(%run_scoped3A_144 : memref<!tpu.dma_semaphore, #tpu.memory_space<semaphore_mem>>)
          %dma_wait3A = arith.constant 0 : i32
          %dma_wait3A_150 = tpu.memref_slice %arg2[%run_scoped3A_129, %mul3A_128, %mul3A_2, %dma_wait3A] : memref<4x192x224x224xf32, #tpu.memory_space<hbm>> -> memref<1x24x8x224xf32, #tpu.memory_space<hbm>>
          %dma_wait3A_151 = tpu.memref_squeeze %dma_wait3A_150 : memref<1x24x8x224xf32, #tpu.memory_space<hbm>> -> memref<24x8x224xf32, #tpu.memory_space<hbm>>
          %dma_wait3A_152 = arith.constant 0 : i32
          %dma_wait3A_153 = tpu.memref_slice %arg2[%run_scoped3A_129, %mul3A_128, %mul3A_2, %dma_wait3A_152] : memref<4x192x224x224xf32, #tpu.memory_space<hbm>> -> memref<1x24x8x224xf32, #tpu.memory_space<hbm>>
          %dma_wait3A_154 = tpu.memref_squeeze %dma_wait3A_153 : memref<1x24x8x224xf32, #tpu.memory_space<hbm>> -> memref<24x8x224xf32, #tpu.memory_space<hbm>>
          tpu.wait_dma2 semaphore(%run_scoped3A_144 : memref<!tpu.dma_semaphore, #tpu.memory_space<semaphore_mem>>) src(%dma_wait3A_154 : memref<24x8x224xf32, #tpu.memory_space<hbm>>) dst(%arg9 : memref<24x8x224xf32, #tpu.memory_space<vmem>>)
          tpu.yield
        }) : () -> ()
        %mul3A_130 = arith.constant 24 : i32
        %mul3A_131 = arith.muli %scan3A_125, %mul3A_130 : i32
        %run_scoped3A_132 = arith.constant 3 : i32
        "tpu.region"() ({
          %run_scoped3A_144 = tpu.sem_alloc : memref<!tpu.dma_semaphore, #tpu.memory_space<semaphore_mem>>
          %dma_start3A = arith.constant 0 : i32
          %dma_start3A_145 = tpu.memref_slice %arg3[%run_scoped3A_132, %mul3A_131, %mul3A_2, %dma_start3A] : memref<4x192x224x224xf32, #tpu.memory_space<hbm>> -> memref<1x24x8x224xf32, #tpu.memory_space<hbm>>
          %dma_start3A_146 = tpu.memref_squeeze %dma_start3A_145 : memref<1x24x8x224xf32, #tpu.memory_space<hbm>> -> memref<24x8x224xf32, #tpu.memory_space<hbm>>
          %dma_start3A_147 = arith.constant 0 : i32
          %dma_start3A_148 = tpu.memref_slice %arg3[%run_scoped3A_132, %mul3A_131, %mul3A_2, %dma_start3A_147] : memref<4x192x224x224xf32, #tpu.memory_space<hbm>> -> memref<1x24x8x224xf32, #tpu.memory_space<hbm>>
          %dma_start3A_149 = tpu.memref_squeeze %dma_start3A_148 : memref<1x24x8x224xf32, #tpu.memory_space<hbm>> -> memref<24x8x224xf32, #tpu.memory_space<hbm>>
          tpu.enqueue_dma source(%dma_start3A_149 : memref<24x8x224xf32, #tpu.memory_space<hbm>>) target(%arg10 : memref<24x8x224xf32, #tpu.memory_space<vmem>>) target_semaphore(%run_scoped3A_144 : memref<!tpu.dma_semaphore, #tpu.memory_space<semaphore_mem>>)
          %dma_wait3A = arith.constant 0 : i32
          %dma_wait3A_150 = tpu.memref_slice %arg3[%run_scoped3A_132, %mul3A_131, %mul3A_2, %dma_wait3A] : memref<4x192x224x224xf32, #tpu.memory_space<hbm>> -> memref<1x24x8x224xf32, #tpu.memory_space<hbm>>
          %dma_wait3A_151 = tpu.memref_squeeze %dma_wait3A_150 : memref<1x24x8x224xf32, #tpu.memory_space<hbm>> -> memref<24x8x224xf32, #tpu.memory_space<hbm>>
          %dma_wait3A_152 = arith.constant 0 : i32
          %dma_wait3A_153 = tpu.memref_slice %arg3[%run_scoped3A_132, %mul3A_131, %mul3A_2, %dma_wait3A_152] : memref<4x192x224x224xf32, #tpu.memory_space<hbm>> -> memref<1x24x8x224xf32, #tpu.memory_space<hbm>>
          %dma_wait3A_154 = tpu.memref_squeeze %dma_wait3A_153 : memref<1x24x8x224xf32, #tpu.memory_space<hbm>> -> memref<24x8x224xf32, #tpu.memory_space<hbm>>
          tpu.wait_dma2 semaphore(%run_scoped3A_144 : memref<!tpu.dma_semaphore, #tpu.memory_space<semaphore_mem>>) src(%dma_wait3A_154 : memref<24x8x224xf32, #tpu.memory_space<hbm>>) dst(%arg10 : memref<24x8x224xf32, #tpu.memory_space<vmem>>)
          tpu.yield
        }) : () -> ()
        %mul3A_133 = arith.constant 24 : i32
        %mul3A_134 = arith.muli %scan3A_125, %mul3A_133 : i32
        "tpu.region"() ({
          %run_scoped3A_144 = tpu.sem_alloc : memref<!tpu.dma_semaphore, #tpu.memory_space<semaphore_mem>>
          %dma_start3A = arith.constant 0 : i32
          %dma_start3A_145 = tpu.memref_slice %arg6[%mul3A_134, %dma_start3A] : memref<192x16xf32, #tpu.memory_space<hbm>> -> memref<24x16xf32, #tpu.memory_space<hbm>>
          %dma_start3A_146 = arith.constant 0 : i32
          %dma_start3A_147 = tpu.memref_slice %arg6[%mul3A_134, %dma_start3A_146] : memref<192x16xf32, #tpu.memory_space<hbm>> -> memref<24x16xf32, #tpu.memory_space<hbm>>
          tpu.enqueue_dma source(%dma_start3A_147 : memref<24x16xf32, #tpu.memory_space<hbm>>) target(%arg13 : memref<24x16xf32, #tpu.memory_space<vmem>>) target_semaphore(%run_scoped3A_144 : memref<!tpu.dma_semaphore, #tpu.memory_space<semaphore_mem>>)
          %dma_wait3A = arith.constant 0 : i32
          %dma_wait3A_148 = tpu.memref_slice %arg6[%mul3A_134, %dma_wait3A] : memref<192x16xf32, #tpu.memory_space<hbm>> -> memref<24x16xf32, #tpu.memory_space<hbm>>
          %dma_wait3A_149 = arith.constant 0 : i32
          %dma_wait3A_150 = tpu.memref_slice %arg6[%mul3A_134, %dma_wait3A_149] : memref<192x16xf32, #tpu.memory_space<hbm>> -> memref<24x16xf32, #tpu.memory_space<hbm>>
          tpu.wait_dma2 semaphore(%run_scoped3A_144 : memref<!tpu.dma_semaphore, #tpu.memory_space<semaphore_mem>>) src(%dma_wait3A_150 : memref<24x16xf32, #tpu.memory_space<hbm>>) dst(%arg13 : memref<24x16xf32, #tpu.memory_space<vmem>>)
          tpu.yield
        }) : () -> ()
        %eq3A = arith.constant 0 : i32
        %eq3A_135 = arith.cmpi eq, %scan3A_125, %eq3A : i32
        %scan3A_136 = arith.constant 0 : i32
        %scan3A_137 = arith.constant 0 : i32
        %scan3A_138 = arith.constant 112 : i32
        %scan3A_139 = arith.addi %scan3A_137, %scan3A_138 : i32
        %scan3A_140 = arith.constant 1 : i32
        %scan3A_141 = scf.for %scan3A_144 = %scan3A_137 to %scan3A_139 step %scan3A_140 iter_args(%scan3A_145 = %scan3A_136) -> (i32)  : i32 {
          %jit3A = arith.constant 14 : i32
          %div3A = arith.divsi %scan3A_144, %jit3A : i32
          %sign3A = arith.constant 0 : i32
          %sign3A_146 = arith.cmpi sgt, %scan3A_144, %sign3A : i32
          %sign3A_147 = arith.extui %sign3A_146 : i1 to i32
          %sign3A_148 = arith.constant 0 : i32
          %sign3A_149 = arith.cmpi slt, %scan3A_144, %sign3A_148 : i32
          %sign3A_150 = arith.extui %sign3A_149 : i1 to i32
          %sign3A_151 = arith.subi %sign3A_147, %sign3A_150 : i32
          %sign3A_152 = arith.constant 0 : i32
          %sign3A_153 = arith.cmpi sgt, %jit3A, %sign3A_152 : i32
          %sign3A_154 = arith.extui %sign3A_153 : i1 to i32
          %sign3A_155 = arith.constant 0 : i32
          %sign3A_156 = arith.cmpi slt, %jit3A, %sign3A_155 : i32
          %sign3A_157 = arith.extui %sign3A_156 : i1 to i32
          %sign3A_158 = arith.subi %sign3A_154, %sign3A_157 : i32
          %ne3A = arith.cmpi ne, %sign3A_151, %sign3A_158 : i32
          %rem3A = arith.remsi %scan3A_144, %jit3A : i32
          %ne3A_159 = arith.constant 0 : i32
          %ne3A_160 = arith.cmpi ne, %rem3A, %ne3A_159 : i32
          %and3A = arith.andi %ne3A, %ne3A_160 : i1
          %sub3A = arith.constant 1 : i32
          %sub3A_161 = arith.subi %div3A, %sub3A : i32
          %select_n3A = arith.select %and3A, %sub3A_161, %div3A : i32
          %jit3A_162 = arith.constant 14 : i32
          %eq3A_163 = arith.constant 0 : i32
          %eq3A_164 = arith.cmpi eq, %jit3A_162, %eq3A_163 : i32
          %jit3A_165 = arith.constant 1 : i32
          %select_n3A_166 = arith.select %eq3A_164, %jit3A_165, %jit3A_162 : i32
          %rem3A_167 = arith.remsi %scan3A_144, %select_n3A_166 : i32
          %ne3A_168 = arith.constant 0 : i32
          %ne3A_169 = arith.cmpi ne, %rem3A_167, %ne3A_168 : i32
          %lt3A_170 = arith.constant 0 : i32
          %lt3A_171 = arith.cmpi slt, %rem3A_167, %lt3A_170 : i32
          %lt3A_172 = arith.constant 0 : i32
          %lt3A_173 = arith.cmpi slt, %select_n3A_166, %lt3A_172 : i32
          %ne3A_174 = arith.xori %lt3A_171, %lt3A_173 : i1
          %and3A_175 = arith.andi %ne3A_174, %ne3A_169 : i1
          %add3A_176 = arith.addi %rem3A_167, %select_n3A_166 : i32
          %select_n3A_177 = arith.select %and3A_175, %add3A_176, %rem3A_167 : i32
          %mul3A_178 = arith.constant 16 : i32
          %mul3A_179 = arith.muli %select_n3A_177, %mul3A_178 : i32
          %broadcast_in_dim3A_180 = arith.constant 0.000000e+00 : f32
          %broadcast_in_dim3A_181 = vector.broadcast %broadcast_in_dim3A_180 : f32 to vector<16xf32>
          %get3A = arith.index_cast %select_n3A : i32 to index
          %get3A_182 = arith.index_cast %mul3A_179 : i32 to index
          %get3A_183 = tpu.vector_load %arg14[%get3A, %get3A_182] {strides = array<i32>} : memref<8x224xf32, #tpu.memory_space<vmem>>, vector<1x16xf32>,
          %get3A_184 = vector.shape_cast %get3A_183 : vector<1x16xf32> to vector<16xf32>
          %select_n3A_185 = arith.select %eq3A_135, %broadcast_in_dim3A_181, %get3A_184 : vector<16xf32>
          %get3A_186 = arith.index_cast %select_n3A : i32 to index
          %get3A_187 = arith.index_cast %mul3A_179 : i32 to index
          %get3A_188 = tpu.vector_load %arg15[%get3A_186, %get3A_187] {strides = array<i32>} : memref<8x224xf32, #tpu.memory_space<vmem>>, vector<1x16xf32>,
          %get3A_189 = vector.shape_cast %get3A_188 : vector<1x16xf32> to vector<16xf32>
          %select_n3A_190 = arith.select %eq3A_135, %broadcast_in_dim3A_181, %get3A_189 : vector<16xf32>
          %get3A_191 = arith.index_cast %select_n3A : i32 to index
          %get3A_192 = arith.index_cast %mul3A_179 : i32 to index
          %get3A_193 = tpu.vector_load %arg16[%get3A_191, %get3A_192] {strides = array<i32>} : memref<8x224xf32, #tpu.memory_space<vmem>>, vector<1x16xf32>,
          %get3A_194 = vector.shape_cast %get3A_193 : vector<1x16xf32> to vector<16xf32>
          %select_n3A_195 = arith.select %eq3A_135, %broadcast_in_dim3A_181, %get3A_194 : vector<16xf32>
          %get3A_196 = arith.constant 0 : i32
          %get3A_197 = arith.index_cast %get3A_196 : i32 to index
          %get3A_198 = arith.index_cast %select_n3A : i32 to index
          %get3A_199 = arith.index_cast %mul3A_179 : i32 to index
          %get3A_200 = tpu.vector_load %arg9[%get3A_197, %get3A_198, %get3A_199] {strides = array<i32>} : memref<24x8x224xf32, #tpu.memory_space<vmem>>, vector<1x1x16xf32>,
          %get3A_201 = vector.shape_cast %get3A_200 : vector<1x1x16xf32> to vector<16xf32>
          %get3A_202 = arith.constant 0 : i32
          %get3A_203 = arith.index_cast %get3A_202 : i32 to index
          %get3A_204 = arith.index_cast %select_n3A : i32 to index
          %get3A_205 = arith.index_cast %mul3A_179 : i32 to index
          %get3A_206 = tpu.vector_load %arg10[%get3A_203, %get3A_204, %get3A_205] {strides = array<i32>} : memref<24x8x224xf32, #tpu.memory_space<vmem>>, vector<1x1x16xf32>,
          %get3A_207 = vector.shape_cast %get3A_206 : vector<1x1x16xf32> to vector<16xf32>
          %get3A_208 = arith.constant 0 : i32
          %get3A_209 = arith.index_cast %get3A_208 : i32 to index
          %get3A_210 = arith.constant 0 : index
          %get3A_211 = tpu.vector_load %arg13[%get3A_209, %get3A_210] {strides = array<i32>} : memref<24x16xf32, #tpu.memory_space<vmem>>, vector<1x16xf32>,
          %get3A_212 = vector.shape_cast %get3A_211 : vector<1x16xf32> to vector<16xf32>
          %sub3A_213 = arith.subf %get3A_207, %get3A_212 : vector<16xf32>
          %mul3A_214 = arith.mulf %get3A_201, %sub3A_213 : vector<16xf32>
          %add3A_215 = arith.addf %select_n3A_185, %mul3A_214 : vector<16xf32>
          %mul3A_216 = arith.mulf %get3A_201, %get3A_201 : vector<16xf32>
          %add3A_217 = arith.addf %select_n3A_190, %mul3A_216 : vector<16xf32>
          %mul3A_218 = arith.mulf %sub3A_213, %sub3A_213 : vector<16xf32>
          %add3A_219 = arith.addf %select_n3A_195, %mul3A_218 : vector<16xf32>
          %get3A_220 = arith.constant 1 : i32
          %get3A_221 = arith.index_cast %get3A_220 : i32 to index
          %get3A_222 = arith.index_cast %select_n3A : i32 to index
          %get3A_223 = arith.index_cast %mul3A_179 : i32 to index
          %get3A_224 = tpu.vector_load %arg9[%get3A_221, %get3A_222, %get3A_223] {strides = array<i32>} : memref<24x8x224xf32, #tpu.memory_space<vmem>>, vector<1x1x16xf32>,
          %get3A_225 = vector.shape_cast %get3A_224 : vector<1x1x16xf32> to vector<16xf32>
          %get3A_226 = arith.constant 1 : i32
          %get3A_227 = arith.index_cast %get3A_226 : i32 to index
          %get3A_228 = arith.index_cast %select_n3A : i32 to index
          %get3A_229 = arith.index_cast %mul3A_179 : i32 to index
          %get3A_230 = tpu.vector_load %arg10[%get3A_227, %get3A_228, %get3A_229] {strides = array<i32>} : memref<24x8x224xf32, #tpu.memory_space<vmem>>, vector<1x1x16xf32>,
          %get3A_231 = vector.shape_cast %get3A_230 : vector<1x1x16xf32> to vector<16xf32>
          %get3A_232 = arith.constant 1 : i32
          %get3A_233 = arith.index_cast %get3A_232 : i32 to index
          %get3A_234 = arith.constant 0 : index
          %get3A_235 = tpu.vector_load %arg13[%get3A_233, %get3A_234] {strides = array<i32>} : memref<24x16xf32, #tpu.memory_space<vmem>>, vector<1x16xf32>,
          %get3A_236 = vector.shape_cast %get3A_235 : vector<1x16xf32> to vector<16xf32>
          %sub3A_237 = arith.subf %get3A_231, %get3A_236 : vector<16xf32>
          %mul3A_238 = arith.mulf %get3A_225, %sub3A_237 : vector<16xf32>
          %add3A_239 = arith.addf %add3A_215, %mul3A_238 : vector<16xf32>
          %mul3A_240 = arith.mulf %get3A_225, %get3A_225 : vector<16xf32>
          %add3A_241 = arith.addf %add3A_217, %mul3A_240 : vector<16xf32>
          %mul3A_242 = arith.mulf %sub3A_237, %sub3A_237 : vector<16xf32>
          %add3A_243 = arith.addf %add3A_219, %mul3A_242 : vector<16xf32>
          %get3A_244 = arith.constant 2 : i32
          %get3A_245 = arith.index_cast %get3A_244 : i32 to index
          %get3A_246 = arith.index_cast %select_n3A : i32 to index
          %get3A_247 = arith.index_cast %mul3A_179 : i32 to index
          %get3A_248 = tpu.vector_load %arg9[%get3A_245, %get3A_246, %get3A_247] {strides = array<i32>} : memref<24x8x224xf32, #tpu.memory_space<vmem>>, vector<1x1x16xf32>,
          %get3A_249 = vector.shape_cast %get3A_248 : vector<1x1x16xf32> to vector<16xf32>
          %get3A_250 = arith.constant 2 : i32
          %get3A_251 = arith.index_cast %get3A_250 : i32 to index
          %get3A_252 = arith.index_cast %select_n3A : i32 to index
          %get3A_253 = arith.index_cast %mul3A_179 : i32 to index
          %get3A_254 = tpu.vector_load %arg10[%get3A_251, %get3A_252, %get3A_253] {strides = array<i32>} : memref<24x8x224xf32, #tpu.memory_space<vmem>>, vector<1x1x16xf32>,
          %get3A_255 = vector.shape_cast %get3A_254 : vector<1x1x16xf32> to vector<16xf32>
          %get3A_256 = arith.constant 2 : i32
          %get3A_257 = arith.index_cast %get3A_256 : i32 to index
          %get3A_258 = arith.constant 0 : index
          %get3A_259 = tpu.vector_load %arg13[%get3A_257, %get3A_258] {strides = array<i32>} : memref<24x16xf32, #tpu.memory_space<vmem>>, vector<1x16xf32>,
          %get3A_260 = vector.shape_cast %get3A_259 : vector<1x16xf32> to vector<16xf32>
          %sub3A_261 = arith.subf %get3A_255, %get3A_260 : vector<16xf32>
          %mul3A_262 = arith.mulf %get3A_249, %sub3A_261 : vector<16xf32>
          %add3A_263 = arith.addf %add3A_239, %mul3A_262 : vector<16xf32>
          %mul3A_264 = arith.mulf %get3A_249, %get3A_249 : vector<16xf32>
          %add3A_265 = arith.addf %add3A_241, %mul3A_264 : vector<16xf32>
          %mul3A_266 = arith.mulf %sub3A_261, %sub3A_261 : vector<16xf32>
          %add3A_267 = arith.addf %add3A_243, %mul3A_266 : vector<16xf32>
          %get3A_268 = arith.constant 3 : i32
          %get3A_269 = arith.index_cast %get3A_268 : i32 to index
          %get3A_270 = arith.index_cast %select_n3A : i32 to index
          %get3A_271 = arith.index_cast %mul3A_179 : i32 to index
          %get3A_272 = tpu.vector_load %arg9[%get3A_269, %get3A_270, %get3A_271] {strides = array<i32>} : memref<24x8x224xf32, #tpu.memory_space<vmem>>, vector<1x1x16xf32>,
          %get3A_273 = vector.shape_cast %get3A_272 : vector<1x1x16xf32> to vector<16xf32>
          %get3A_274 = arith.constant 3 : i32
          %get3A_275 = arith.index_cast %get3A_274 : i32 to index
          %get3A_276 = arith.index_cast %select_n3A : i32 to index
          %get3A_277 = arith.index_cast %mul3A_179 : i32 to index
          %get3A_278 = tpu.vector_load %arg10[%get3A_275, %get3A_276, %get3A_277] {strides = array<i32>} : memref<24x8x224xf32, #tpu.memory_space<vmem>>, vector<1x1x16xf32>,
          %get3A_279 = vector.shape_cast %get3A_278 : vector<1x1x16xf32> to vector<16xf32>
          %get3A_280 = arith.constant 3 : i32
          %get3A_281 = arith.index_cast %get3A_280 : i32 to index
          %get3A_282 = arith.constant 0 : index
          %get3A_283 = tpu.vector_load %arg13[%get3A_281, %get3A_282] {strides = array<i32>} : memref<24x16xf32, #tpu.memory_space<vmem>>, vector<1x16xf32>,
          %get3A_284 = vector.shape_cast %get3A_283 : vector<1x16xf32> to vector<16xf32>
          %sub3A_285 = arith.subf %get3A_279, %get3A_284 : vector<16xf32>
          %mul3A_286 = arith.mulf %get3A_273, %sub3A_285 : vector<16xf32>
          %add3A_287 = arith.addf %add3A_263, %mul3A_286 : vector<16xf32>
          %mul3A_288 = arith.mulf %get3A_273, %get3A_273 : vector<16xf32>
          %add3A_289 = arith.addf %add3A_265, %mul3A_288 : vector<16xf32>
          %mul3A_290 = arith.mulf %sub3A_285, %sub3A_285 : vector<16xf32>
          %add3A_291 = arith.addf %add3A_267, %mul3A_290 : vector<16xf32>
          %get3A_292 = arith.constant 4 : i32
          %get3A_293 = arith.index_cast %get3A_292 : i32 to index
          %get3A_294 = arith.index_cast %select_n3A : i32 to index
          %get3A_295 = arith.index_cast %mul3A_179 : i32 to index
          %get3A_296 = tpu.vector_load %arg9[%get3A_293, %get3A_294, %get3A_295] {strides = array<i32>} : memref<24x8x224xf32, #tpu.memory_space<vmem>>, vector<1x1x16xf32>,
          %get3A_297 = vector.shape_cast %get3A_296 : vector<1x1x16xf32> to vector<16xf32>
          %get3A_298 = arith.constant 4 : i32
          %get3A_299 = arith.index_cast %get3A_298 : i32 to index
          %get3A_300 = arith.index_cast %select_n3A : i32 to index
          %get3A_301 = arith.index_cast %mul3A_179 : i32 to index
          %get3A_302 = tpu.vector_load %arg10[%get3A_299, %get3A_300, %get3A_301] {strides = array<i32>} : memref<24x8x224xf32, #tpu.memory_space<vmem>>, vector<1x1x16xf32>,
          %get3A_303 = vector.shape_cast %get3A_302 : vector<1x1x16xf32> to vector<16xf32>
          %get3A_304 = arith.constant 4 : i32
          %get3A_305 = arith.index_cast %get3A_304 : i32 to index
          %get3A_306 = arith.constant 0 : index
          %get3A_307 = tpu.vector_load %arg13[%get3A_305, %get3A_306] {strides = array<i32>} : memref<24x16xf32, #tpu.memory_space<vmem>>, vector<1x16xf32>,
          %get3A_308 = vector.shape_cast %get3A_307 : vector<1x16xf32> to vector<16xf32>
          %sub3A_309 = arith.subf %get3A_303, %get3A_308 : vector<16xf32>
          %mul3A_310 = arith.mulf %get3A_297, %sub3A_309 : vector<16xf32>
          %add3A_311 = arith.addf %add3A_287, %mul3A_310 : vector<16xf32>
          %mul3A_312 = arith.mulf %get3A_297, %get3A_297 : vector<16xf32>
          %add3A_313 = arith.addf %add3A_289, %mul3A_312 : vector<16xf32>
          %mul3A_314 = arith.mulf %sub3A_309, %sub3A_309 : vector<16xf32>
          %add3A_315 = arith.addf %add3A_291, %mul3A_314 : vector<16xf32>
          %get3A_316 = arith.constant 5 : i32
          %get3A_317 = arith.index_cast %get3A_316 : i32 to index
          %get3A_318 = arith.index_cast %select_n3A : i32 to index
          %get3A_319 = arith.index_cast %mul3A_179 : i32 to index
          %get3A_320 = tpu.vector_load %arg9[%get3A_317, %get3A_318, %get3A_319] {strides = array<i32>} : memref<24x8x224xf32, #tpu.memory_space<vmem>>, vector<1x1x16xf32>,
          %get3A_321 = vector.shape_cast %get3A_320 : vector<1x1x16xf32> to vector<16xf32>
          %get3A_322 = arith.constant 5 : i32
          %get3A_323 = arith.index_cast %get3A_322 : i32 to index
          %get3A_324 = arith.index_cast %select_n3A : i32 to index
          %get3A_325 = arith.index_cast %mul3A_179 : i32 to index
          %get3A_326 = tpu.vector_load %arg10[%get3A_323, %get3A_324, %get3A_325] {strides = array<i32>} : memref<24x8x224xf32, #tpu.memory_space<vmem>>, vector<1x1x16xf32>,
          %get3A_327 = vector.shape_cast %get3A_326 : vector<1x1x16xf32> to vector<16xf32>
          %get3A_328 = arith.constant 5 : i32
          %get3A_329 = arith.index_cast %get3A_328 : i32 to index
          %get3A_330 = arith.constant 0 : index
          %get3A_331 = tpu.vector_load %arg13[%get3A_329, %get3A_330] {strides = array<i32>} : memref<24x16xf32, #tpu.memory_space<vmem>>, vector<1x16xf32>,
          %get3A_332 = vector.shape_cast %get3A_331 : vector<1x16xf32> to vector<16xf32>
          %sub3A_333 = arith.subf %get3A_327, %get3A_332 : vector<16xf32>
          %mul3A_334 = arith.mulf %get3A_321, %sub3A_333 : vector<16xf32>
          %add3A_335 = arith.addf %add3A_311, %mul3A_334 : vector<16xf32>
          %mul3A_336 = arith.mulf %get3A_321, %get3A_321 : vector<16xf32>
          %add3A_337 = arith.addf %add3A_313, %mul3A_336 : vector<16xf32>
          %mul3A_338 = arith.mulf %sub3A_333, %sub3A_333 : vector<16xf32>
          %add3A_339 = arith.addf %add3A_315, %mul3A_338 : vector<16xf32>
          %get3A_340 = arith.constant 6 : i32
          %get3A_341 = arith.index_cast %get3A_340 : i32 to index
          %get3A_342 = arith.index_cast %select_n3A : i32 to index
          %get3A_343 = arith.index_cast %mul3A_179 : i32 to index
          %get3A_344 = tpu.vector_load %arg9[%get3A_341, %get3A_342, %get3A_343] {strides = array<i32>} : memref<24x8x224xf32, #tpu.memory_space<vmem>>, vector<1x1x16xf32>,
          %get3A_345 = vector.shape_cast %get3A_344 : vector<1x1x16xf32> to vector<16xf32>
          %get3A_346 = arith.constant 6 : i32
          %get3A_347 = arith.index_cast %get3A_346 : i32 to index
          %get3A_348 = arith.index_cast %select_n3A : i32 to index
          %get3A_349 = arith.index_cast %mul3A_179 : i32 to index
          %get3A_350 = tpu.vector_load %arg10[%get3A_347, %get3A_348, %get3A_349] {strides = array<i32>} : memref<24x8x224xf32, #tpu.memory_space<vmem>>, vector<1x1x16xf32>,
          %get3A_351 = vector.shape_cast %get3A_350 : vector<1x1x16xf32> to vector<16xf32>
          %get3A_352 = arith.constant 6 : i32
          %get3A_353 = arith.index_cast %get3A_352 : i32 to index
          %get3A_354 = arith.constant 0 : index
          %get3A_355 = tpu.vector_load %arg13[%get3A_353, %get3A_354] {strides = array<i32>} : memref<24x16xf32, #tpu.memory_space<vmem>>, vector<1x16xf32>,
          %get3A_356 = vector.shape_cast %get3A_355 : vector<1x16xf32> to vector<16xf32>
          %sub3A_357 = arith.subf %get3A_351, %get3A_356 : vector<16xf32>
          %mul3A_358 = arith.mulf %get3A_345, %sub3A_357 : vector<16xf32>
          %add3A_359 = arith.addf %add3A_335, %mul3A_358 : vector<16xf32>
          %mul3A_360 = arith.mulf %get3A_345, %get3A_345 : vector<16xf32>
          %add3A_361 = arith.addf %add3A_337, %mul3A_360 : vector<16xf32>
          %mul3A_362 = arith.mulf %sub3A_357, %sub3A_357 : vector<16xf32>
          %add3A_363 = arith.addf %add3A_339, %mul3A_362 : vector<16xf32>
          %get3A_364 = arith.constant 7 : i32
          %get3A_365 = arith.index_cast %get3A_364 : i32 to index
          %get3A_366 = arith.index_cast %select_n3A : i32 to index
          %get3A_367 = arith.index_cast %mul3A_179 : i32 to index
          %get3A_368 = tpu.vector_load %arg9[%get3A_365, %get3A_366, %get3A_367] {strides = array<i32>} : memref<24x8x224xf32, #tpu.memory_space<vmem>>, vector<1x1x16xf32>,
          %get3A_369 = vector.shape_cast %get3A_368 : vector<1x1x16xf32> to vector<16xf32>
          %get3A_370 = arith.constant 7 : i32
          %get3A_371 = arith.index_cast %get3A_370 : i32 to index
          %get3A_372 = arith.index_cast %select_n3A : i32 to index
          %get3A_373 = arith.index_cast %mul3A_179 : i32 to index
          %get3A_374 = tpu.vector_load %arg10[%get3A_371, %get3A_372, %get3A_373] {strides = array<i32>} : memref<24x8x224xf32, #tpu.memory_space<vmem>>, vector<1x1x16xf32>,
          %get3A_375 = vector.shape_cast %get3A_374 : vector<1x1x16xf32> to vector<16xf32>
          %get3A_376 = arith.constant 7 : i32
          %get3A_377 = arith.index_cast %get3A_376 : i32 to index
          %get3A_378 = arith.constant 0 : index
          %get3A_379 = tpu.vector_load %arg13[%get3A_377, %get3A_378] {strides = array<i32>} : memref<24x16xf32, #tpu.memory_space<vmem>>, vector<1x16xf32>,
          %get3A_380 = vector.shape_cast %get3A_379 : vector<1x16xf32> to vector<16xf32>
          %sub3A_381 = arith.subf %get3A_375, %get3A_380 : vector<16xf32>
          %mul3A_382 = arith.mulf %get3A_369, %sub3A_381 : vector<16xf32>
          %add3A_383 = arith.addf %add3A_359, %mul3A_382 : vector<16xf32>
          %mul3A_384 = arith.mulf %get3A_369, %get3A_369 : vector<16xf32>
          %add3A_385 = arith.addf %add3A_361, %mul3A_384 : vector<16xf32>
          %mul3A_386 = arith.mulf %sub3A_381, %sub3A_381 : vector<16xf32>
          %add3A_387 = arith.addf %add3A_363, %mul3A_386 : vector<16xf32>
          %get3A_388 = arith.constant 8 : i32
          %get3A_389 = arith.index_cast %get3A_388 : i32 to index
          %get3A_390 = arith.index_cast %select_n3A : i32 to index
          %get3A_391 = arith.index_cast %mul3A_179 : i32 to index
          %get3A_392 = tpu.vector_load %arg9[%get3A_389, %get3A_390, %get3A_391] {strides = array<i32>} : memref<24x8x224xf32, #tpu.memory_space<vmem>>, vector<1x1x16xf32>,
          %get3A_393 = vector.shape_cast %get3A_392 : vector<1x1x16xf32> to vector<16xf32>
          %get3A_394 = arith.constant 8 : i32
          %get3A_395 = arith.index_cast %get3A_394 : i32 to index
          %get3A_396 = arith.index_cast %select_n3A : i32 to index
          %get3A_397 = arith.index_cast %mul3A_179 : i32 to index
          %get3A_398 = tpu.vector_load %arg10[%get3A_395, %get3A_396, %get3A_397] {strides = array<i32>} : memref<24x8x224xf32, #tpu.memory_space<vmem>>, vector<1x1x16xf32>,
          %get3A_399 = vector.shape_cast %get3A_398 : vector<1x1x16xf32> to vector<16xf32>
          %get3A_400 = arith.constant 8 : i32
          %get3A_401 = arith.index_cast %get3A_400 : i32 to index
          %get3A_402 = arith.constant 0 : index
          %get3A_403 = tpu.vector_load %arg13[%get3A_401, %get3A_402] {strides = array<i32>} : memref<24x16xf32, #tpu.memory_space<vmem>>, vector<1x16xf32>,
          %get3A_404 = vector.shape_cast %get3A_403 : vector<1x16xf32> to vector<16xf32>
          %sub3A_405 = arith.subf %get3A_399, %get3A_404 : vector<16xf32>
          %mul3A_406 = arith.mulf %get3A_393, %sub3A_405 : vector<16xf32>
          %add3A_407 = arith.addf %add3A_383, %mul3A_406 : vector<16xf32>
          %mul3A_408 = arith.mulf %get3A_393, %get3A_393 : vector<16xf32>
          %add3A_409 = arith.addf %add3A_385, %mul3A_408 : vector<16xf32>
          %mul3A_410 = arith.mulf %sub3A_405, %sub3A_405 : vector<16xf32>
          %add3A_411 = arith.addf %add3A_387, %mul3A_410 : vector<16xf32>
          %get3A_412 = arith.constant 9 : i32
          %get3A_413 = arith.index_cast %get3A_412 : i32 to index
          %get3A_414 = arith.index_cast %select_n3A : i32 to index
          %get3A_415 = arith.index_cast %mul3A_179 : i32 to index
          %get3A_416 = tpu.vector_load %arg9[%get3A_413, %get3A_414, %get3A_415] {strides = array<i32>} : memref<24x8x224xf32, #tpu.memory_space<vmem>>, vector<1x1x16xf32>,
          %get3A_417 = vector.shape_cast %get3A_416 : vector<1x1x16xf32> to vector<16xf32>
          %get3A_418 = arith.constant 9 : i32
          %get3A_419 = arith.index_cast %get3A_418 : i32 to index
          %get3A_420 = arith.index_cast %select_n3A : i32 to index
          %get3A_421 = arith.index_cast %mul3A_179 : i32 to index
          %get3A_422 = tpu.vector_load %arg10[%get3A_419, %get3A_420, %get3A_421] {strides = array<i32>} : memref<24x8x224xf32, #tpu.memory_space<vmem>>, vector<1x1x16xf32>,
          %get3A_423 = vector.shape_cast %get3A_422 : vector<1x1x16xf32> to vector<16xf32>
          %get3A_424 = arith.constant 9 : i32
          %get3A_425 = arith.index_cast %get3A_424 : i32 to index
          %get3A_426 = arith.constant 0 : index
          %get3A_427 = tpu.vector_load %arg13[%get3A_425, %get3A_426] {strides = array<i32>} : memref<24x16xf32, #tpu.memory_space<vmem>>, vector<1x16xf32>,
          %get3A_428 = vector.shape_cast %get3A_427 : vector<1x16xf32> to vector<16xf32>
          %sub3A_429 = arith.subf %get3A_423, %get3A_428 : vector<16xf32>
          %mul3A_430 = arith.mulf %get3A_417, %sub3A_429 : vector<16xf32>
          %add3A_431 = arith.addf %add3A_407, %mul3A_430 : vector<16xf32>
          %mul3A_432 = arith.mulf %get3A_417, %get3A_417 : vector<16xf32>
          %add3A_433 = arith.addf %add3A_409, %mul3A_432 : vector<16xf32>
          %mul3A_434 = arith.mulf %sub3A_429, %sub3A_429 : vector<16xf32>
          %add3A_435 = arith.addf %add3A_411, %mul3A_434 : vector<16xf32>
          %get3A_436 = arith.constant 10 : i32
          %get3A_437 = arith.index_cast %get3A_436 : i32 to index
          %get3A_438 = arith.index_cast %select_n3A : i32 to index
          %get3A_439 = arith.index_cast %mul3A_179 : i32 to index
          %get3A_440 = tpu.vector_load %arg9[%get3A_437, %get3A_438, %get3A_439] {strides = array<i32>} : memref<24x8x224xf32, #tpu.memory_space<vmem>>, vector<1x1x16xf32>,
          %get3A_441 = vector.shape_cast %get3A_440 : vector<1x1x16xf32> to vector<16xf32>
          %get3A_442 = arith.constant 10 : i32
          %get3A_443 = arith.index_cast %get3A_442 : i32 to index
          %get3A_444 = arith.index_cast %select_n3A : i32 to index
          %get3A_445 = arith.index_cast %mul3A_179 : i32 to index
          %get3A_446 = tpu.vector_load %arg10[%get3A_443, %get3A_444, %get3A_445] {strides = array<i32>} : memref<24x8x224xf32, #tpu.memory_space<vmem>>, vector<1x1x16xf32>,
          %get3A_447 = vector.shape_cast %get3A_446 : vector<1x1x16xf32> to vector<16xf32>
          %get3A_448 = arith.constant 10 : i32
          %get3A_449 = arith.index_cast %get3A_448 : i32 to index
          %get3A_450 = arith.constant 0 : index
          %get3A_451 = tpu.vector_load %arg13[%get3A_449, %get3A_450] {strides = array<i32>} : memref<24x16xf32, #tpu.memory_space<vmem>>, vector<1x16xf32>,
          %get3A_452 = vector.shape_cast %get3A_451 : vector<1x16xf32> to vector<16xf32>
          %sub3A_453 = arith.subf %get3A_447, %get3A_452 : vector<16xf32>
          %mul3A_454 = arith.mulf %get3A_441, %sub3A_453 : vector<16xf32>
          %add3A_455 = arith.addf %add3A_431, %mul3A_454 : vector<16xf32>
          %mul3A_456 = arith.mulf %get3A_441, %get3A_441 : vector<16xf32>
          %add3A_457 = arith.addf %add3A_433, %mul3A_456 : vector<16xf32>
          %mul3A_458 = arith.mulf %sub3A_453, %sub3A_453 : vector<16xf32>
          %add3A_459 = arith.addf %add3A_435, %mul3A_458 : vector<16xf32>
          %get3A_460 = arith.constant 11 : i32
          %get3A_461 = arith.index_cast %get3A_460 : i32 to index
          %get3A_462 = arith.index_cast %select_n3A : i32 to index
          %get3A_463 = arith.index_cast %mul3A_179 : i32 to index
          %get3A_464 = tpu.vector_load %arg9[%get3A_461, %get3A_462, %get3A_463] {strides = array<i32>} : memref<24x8x224xf32, #tpu.memory_space<vmem>>, vector<1x1x16xf32>,
          %get3A_465 = vector.shape_cast %get3A_464 : vector<1x1x16xf32> to vector<16xf32>
          %get3A_466 = arith.constant 11 : i32
          %get3A_467 = arith.index_cast %get3A_466 : i32 to index
          %get3A_468 = arith.index_cast %select_n3A : i32 to index
          %get3A_469 = arith.index_cast %mul3A_179 : i32 to index
          %get3A_470 = tpu.vector_load %arg10[%get3A_467, %get3A_468, %get3A_469] {strides = array<i32>} : memref<24x8x224xf32, #tpu.memory_space<vmem>>, vector<1x1x16xf32>,
          %get3A_471 = vector.shape_cast %get3A_470 : vector<1x1x16xf32> to vector<16xf32>
          %get3A_472 = arith.constant 11 : i32
          %get3A_473 = arith.index_cast %get3A_472 : i32 to index
          %get3A_474 = arith.constant 0 : index
          %get3A_475 = tpu.vector_load %arg13[%get3A_473, %get3A_474] {strides = array<i32>} : memref<24x16xf32, #tpu.memory_space<vmem>>, vector<1x16xf32>,
          %get3A_476 = vector.shape_cast %get3A_475 : vector<1x16xf32> to vector<16xf32>
          %sub3A_477 = arith.subf %get3A_471, %get3A_476 : vector<16xf32>
          %mul3A_478 = arith.mulf %get3A_465, %sub3A_477 : vector<16xf32>
          %add3A_479 = arith.addf %add3A_455, %mul3A_478 : vector<16xf32>
          %mul3A_480 = arith.mulf %get3A_465, %get3A_465 : vector<16xf32>
          %add3A_481 = arith.addf %add3A_457, %mul3A_480 : vector<16xf32>
          %mul3A_482 = arith.mulf %sub3A_477, %sub3A_477 : vector<16xf32>
          %add3A_483 = arith.addf %add3A_459, %mul3A_482 : vector<16xf32>
          %get3A_484 = arith.constant 12 : i32
          %get3A_485 = arith.index_cast %get3A_484 : i32 to index
          %get3A_486 = arith.index_cast %select_n3A : i32 to index
          %get3A_487 = arith.index_cast %mul3A_179 : i32 to index
          %get3A_488 = tpu.vector_load %arg9[%get3A_485, %get3A_486, %get3A_487] {strides = array<i32>} : memref<24x8x224xf32, #tpu.memory_space<vmem>>, vector<1x1x16xf32>,
          %get3A_489 = vector.shape_cast %get3A_488 : vector<1x1x16xf32> to vector<16xf32>
          %get3A_490 = arith.constant 12 : i32
          %get3A_491 = arith.index_cast %get3A_490 : i32 to index
          %get3A_492 = arith.index_cast %select_n3A : i32 to index
          %get3A_493 = arith.index_cast %mul3A_179 : i32 to index
          %get3A_494 = tpu.vector_load %arg10[%get3A_491, %get3A_492, %get3A_493] {strides = array<i32>} : memref<24x8x224xf32, #tpu.memory_space<vmem>>, vector<1x1x16xf32>,
          %get3A_495 = vector.shape_cast %get3A_494 : vector<1x1x16xf32> to vector<16xf32>
          %get3A_496 = arith.constant 12 : i32
          %get3A_497 = arith.index_cast %get3A_496 : i32 to index
          %get3A_498 = arith.constant 0 : index
          %get3A_499 = tpu.vector_load %arg13[%get3A_497, %get3A_498] {strides = array<i32>} : memref<24x16xf32, #tpu.memory_space<vmem>>, vector<1x16xf32>,
          %get3A_500 = vector.shape_cast %get3A_499 : vector<1x16xf32> to vector<16xf32>
          %sub3A_501 = arith.subf %get3A_495, %get3A_500 : vector<16xf32>
          %mul3A_502 = arith.mulf %get3A_489, %sub3A_501 : vector<16xf32>
          %add3A_503 = arith.addf %add3A_479, %mul3A_502 : vector<16xf32>
          %mul3A_504 = arith.mulf %get3A_489, %get3A_489 : vector<16xf32>
          %add3A_505 = arith.addf %add3A_481, %mul3A_504 : vector<16xf32>
          %mul3A_506 = arith.mulf %sub3A_501, %sub3A_501 : vector<16xf32>
          %add3A_507 = arith.addf %add3A_483, %mul3A_506 : vector<16xf32>
          %get3A_508 = arith.constant 13 : i32
          %get3A_509 = arith.index_cast %get3A_508 : i32 to index
          %get3A_510 = arith.index_cast %select_n3A : i32 to index
          %get3A_511 = arith.index_cast %mul3A_179 : i32 to index
          %get3A_512 = tpu.vector_load %arg9[%get3A_509, %get3A_510, %get3A_511] {strides = array<i32>} : memref<24x8x224xf32, #tpu.memory_space<vmem>>, vector<1x1x16xf32>,
          %get3A_513 = vector.shape_cast %get3A_512 : vector<1x1x16xf32> to vector<16xf32>
          %get3A_514 = arith.constant 13 : i32
          %get3A_515 = arith.index_cast %get3A_514 : i32 to index
          %get3A_516 = arith.index_cast %select_n3A : i32 to index
          %get3A_517 = arith.index_cast %mul3A_179 : i32 to index
          %get3A_518 = tpu.vector_load %arg10[%get3A_515, %get3A_516, %get3A_517] {strides = array<i32>} : memref<24x8x224xf32, #tpu.memory_space<vmem>>, vector<1x1x16xf32>,
          %get3A_519 = vector.shape_cast %get3A_518 : vector<1x1x16xf32> to vector<16xf32>
          %get3A_520 = arith.constant 13 : i32
          %get3A_521 = arith.index_cast %get3A_520 : i32 to index
          %get3A_522 = arith.constant 0 : index
          %get3A_523 = tpu.vector_load %arg13[%get3A_521, %get3A_522] {strides = array<i32>} : memref<24x16xf32, #tpu.memory_space<vmem>>, vector<1x16xf32>,
          %get3A_524 = vector.shape_cast %get3A_523 : vector<1x16xf32> to vector<16xf32>
          %sub3A_525 = arith.subf %get3A_519, %get3A_524 : vector<16xf32>
          %mul3A_526 = arith.mulf %get3A_513, %sub3A_525 : vector<16xf32>
          %add3A_527 = arith.addf %add3A_503, %mul3A_526 : vector<16xf32>
          %mul3A_528 = arith.mulf %get3A_513, %get3A_513 : vector<16xf32>
          %add3A_529 = arith.addf %add3A_505, %mul3A_528 : vector<16xf32>
          %mul3A_530 = arith.mulf %sub3A_525, %sub3A_525 : vector<16xf32>
          %add3A_531 = arith.addf %add3A_507, %mul3A_530 : vector<16xf32>
          %get3A_532 = arith.constant 14 : i32
          %get3A_533 = arith.index_cast %get3A_532 : i32 to index
          %get3A_534 = arith.index_cast %select_n3A : i32 to index
          %get3A_535 = arith.index_cast %mul3A_179 : i32 to index
          %get3A_536 = tpu.vector_load %arg9[%get3A_533, %get3A_534, %get3A_535] {strides = array<i32>} : memref<24x8x224xf32, #tpu.memory_space<vmem>>, vector<1x1x16xf32>,
          %get3A_537 = vector.shape_cast %get3A_536 : vector<1x1x16xf32> to vector<16xf32>
          %get3A_538 = arith.constant 14 : i32
          %get3A_539 = arith.index_cast %get3A_538 : i32 to index
          %get3A_540 = arith.index_cast %select_n3A : i32 to index
          %get3A_541 = arith.index_cast %mul3A_179 : i32 to index
          %get3A_542 = tpu.vector_load %arg10[%get3A_539, %get3A_540, %get3A_541] {strides = array<i32>} : memref<24x8x224xf32, #tpu.memory_space<vmem>>, vector<1x1x16xf32>,
          %get3A_543 = vector.shape_cast %get3A_542 : vector<1x1x16xf32> to vector<16xf32>
          %get3A_544 = arith.constant 14 : i32
          %get3A_545 = arith.index_cast %get3A_544 : i32 to index
          %get3A_546 = arith.constant 0 : index
          %get3A_547 = tpu.vector_load %arg13[%get3A_545, %get3A_546] {strides = array<i32>} : memref<24x16xf32, #tpu.memory_space<vmem>>, vector<1x16xf32>,
          %get3A_548 = vector.shape_cast %get3A_547 : vector<1x16xf32> to vector<16xf32>
          %sub3A_549 = arith.subf %get3A_543, %get3A_548 : vector<16xf32>
          %mul3A_550 = arith.mulf %get3A_537, %sub3A_549 : vector<16xf32>
          %add3A_551 = arith.addf %add3A_527, %mul3A_550 : vector<16xf32>
          %mul3A_552 = arith.mulf %get3A_537, %get3A_537 : vector<16xf32>
          %add3A_553 = arith.addf %add3A_529, %mul3A_552 : vector<16xf32>
          %mul3A_554 = arith.mulf %sub3A_549, %sub3A_549 : vector<16xf32>
          %add3A_555 = arith.addf %add3A_531, %mul3A_554 : vector<16xf32>
          %get3A_556 = arith.constant 15 : i32
          %get3A_557 = arith.index_cast %get3A_556 : i32 to index
          %get3A_558 = arith.index_cast %select_n3A : i32 to index
          %get3A_559 = arith.index_cast %mul3A_179 : i32 to index
          %get3A_560 = tpu.vector_load %arg9[%get3A_557, %get3A_558, %get3A_559] {strides = array<i32>} : memref<24x8x224xf32, #tpu.memory_space<vmem>>, vector<1x1x16xf32>,
          %get3A_561 = vector.shape_cast %get3A_560 : vector<1x1x16xf32> to vector<16xf32>
          %get3A_562 = arith.constant 15 : i32
          %get3A_563 = arith.index_cast %get3A_562 : i32 to index
          %get3A_564 = arith.index_cast %select_n3A : i32 to index
          %get3A_565 = arith.index_cast %mul3A_179 : i32 to index
          %get3A_566 = tpu.vector_load %arg10[%get3A_563, %get3A_564, %get3A_565] {strides = array<i32>} : memref<24x8x224xf32, #tpu.memory_space<vmem>>, vector<1x1x16xf32>,
          %get3A_567 = vector.shape_cast %get3A_566 : vector<1x1x16xf32> to vector<16xf32>
          %get3A_568 = arith.constant 15 : i32
          %get3A_569 = arith.index_cast %get3A_568 : i32 to index
          %get3A_570 = arith.constant 0 : index
          %get3A_571 = tpu.vector_load %arg13[%get3A_569, %get3A_570] {strides = array<i32>} : memref<24x16xf32, #tpu.memory_space<vmem>>, vector<1x16xf32>,
          %get3A_572 = vector.shape_cast %get3A_571 : vector<1x16xf32> to vector<16xf32>
          %sub3A_573 = arith.subf %get3A_567, %get3A_572 : vector<16xf32>
          %mul3A_574 = arith.mulf %get3A_561, %sub3A_573 : vector<16xf32>
          %add3A_575 = arith.addf %add3A_551, %mul3A_574 : vector<16xf32>
          %mul3A_576 = arith.mulf %get3A_561, %get3A_561 : vector<16xf32>
          %add3A_577 = arith.addf %add3A_553, %mul3A_576 : vector<16xf32>
          %mul3A_578 = arith.mulf %sub3A_573, %sub3A_573 : vector<16xf32>
          %add3A_579 = arith.addf %add3A_555, %mul3A_578 : vector<16xf32>
          %get3A_580 = arith.constant 16 : i32
          %get3A_581 = arith.index_cast %get3A_580 : i32 to index
          %get3A_582 = arith.index_cast %select_n3A : i32 to index
          %get3A_583 = arith.index_cast %mul3A_179 : i32 to index
          %get3A_584 = tpu.vector_load %arg9[%get3A_581, %get3A_582, %get3A_583] {strides = array<i32>} : memref<24x8x224xf32, #tpu.memory_space<vmem>>, vector<1x1x16xf32>,
          %get3A_585 = vector.shape_cast %get3A_584 : vector<1x1x16xf32> to vector<16xf32>
          %get3A_586 = arith.constant 16 : i32
          %get3A_587 = arith.index_cast %get3A_586 : i32 to index
          %get3A_588 = arith.index_cast %select_n3A : i32 to index
          %get3A_589 = arith.index_cast %mul3A_179 : i32 to index
          %get3A_590 = tpu.vector_load %arg10[%get3A_587, %get3A_588, %get3A_589] {strides = array<i32>} : memref<24x8x224xf32, #tpu.memory_space<vmem>>, vector<1x1x16xf32>,
          %get3A_591 = vector.shape_cast %get3A_590 : vector<1x1x16xf32> to vector<16xf32>
          %get3A_592 = arith.constant 16 : i32
          %get3A_593 = arith.index_cast %get3A_592 : i32 to index
          %get3A_594 = arith.constant 0 : index
          %get3A_595 = tpu.vector_load %arg13[%get3A_593, %get3A_594] {strides = array<i32>} : memref<24x16xf32, #tpu.memory_space<vmem>>, vector<1x16xf32>,
          %get3A_596 = vector.shape_cast %get3A_595 : vector<1x16xf32> to vector<16xf32>
          %sub3A_597 = arith.subf %get3A_591, %get3A_596 : vector<16xf32>
          %mul3A_598 = arith.mulf %get3A_585, %sub3A_597 : vector<16xf32>
          %add3A_599 = arith.addf %add3A_575, %mul3A_598 : vector<16xf32>
          %mul3A_600 = arith.mulf %get3A_585, %get3A_585 : vector<16xf32>
          %add3A_601 = arith.addf %add3A_577, %mul3A_600 : vector<16xf32>
          %mul3A_602 = arith.mulf %sub3A_597, %sub3A_597 : vector<16xf32>
          %add3A_603 = arith.addf %add3A_579, %mul3A_602 : vector<16xf32>
          %get3A_604 = arith.constant 17 : i32
          %get3A_605 = arith.index_cast %get3A_604 : i32 to index
          %get3A_606 = arith.index_cast %select_n3A : i32 to index
          %get3A_607 = arith.index_cast %mul3A_179 : i32 to index
          %get3A_608 = tpu.vector_load %arg9[%get3A_605, %get3A_606, %get3A_607] {strides = array<i32>} : memref<24x8x224xf32, #tpu.memory_space<vmem>>, vector<1x1x16xf32>,
          %get3A_609 = vector.shape_cast %get3A_608 : vector<1x1x16xf32> to vector<16xf32>
          %get3A_610 = arith.constant 17 : i32
          %get3A_611 = arith.index_cast %get3A_610 : i32 to index
          %get3A_612 = arith.index_cast %select_n3A : i32 to index
          %get3A_613 = arith.index_cast %mul3A_179 : i32 to index
          %get3A_614 = tpu.vector_load %arg10[%get3A_611, %get3A_612, %get3A_613] {strides = array<i32>} : memref<24x8x224xf32, #tpu.memory_space<vmem>>, vector<1x1x16xf32>,
          %get3A_615 = vector.shape_cast %get3A_614 : vector<1x1x16xf32> to vector<16xf32>
          %get3A_616 = arith.constant 17 : i32
          %get3A_617 = arith.index_cast %get3A_616 : i32 to index
          %get3A_618 = arith.constant 0 : index
          %get3A_619 = tpu.vector_load %arg13[%get3A_617, %get3A_618] {strides = array<i32>} : memref<24x16xf32, #tpu.memory_space<vmem>>, vector<1x16xf32>,
          %get3A_620 = vector.shape_cast %get3A_619 : vector<1x16xf32> to vector<16xf32>
          %sub3A_621 = arith.subf %get3A_615, %get3A_620 : vector<16xf32>
          %mul3A_622 = arith.mulf %get3A_609, %sub3A_621 : vector<16xf32>
          %add3A_623 = arith.addf %add3A_599, %mul3A_622 : vector<16xf32>
          %mul3A_624 = arith.mulf %get3A_609, %get3A_609 : vector<16xf32>
          %add3A_625 = arith.addf %add3A_601, %mul3A_624 : vector<16xf32>
          %mul3A_626 = arith.mulf %sub3A_621, %sub3A_621 : vector<16xf32>
          %add3A_627 = arith.addf %add3A_603, %mul3A_626 : vector<16xf32>
          %get3A_628 = arith.constant 18 : i32
          %get3A_629 = arith.index_cast %get3A_628 : i32 to index
          %get3A_630 = arith.index_cast %select_n3A : i32 to index
          %get3A_631 = arith.index_cast %mul3A_179 : i32 to index
          %get3A_632 = tpu.vector_load %arg9[%get3A_629, %get3A_630, %get3A_631] {strides = array<i32>} : memref<24x8x224xf32, #tpu.memory_space<vmem>>, vector<1x1x16xf32>,
          %get3A_633 = vector.shape_cast %get3A_632 : vector<1x1x16xf32> to vector<16xf32>
          %get3A_634 = arith.constant 18 : i32
          %get3A_635 = arith.index_cast %get3A_634 : i32 to index
          %get3A_636 = arith.index_cast %select_n3A : i32 to index
          %get3A_637 = arith.index_cast %mul3A_179 : i32 to index
          %get3A_638 = tpu.vector_load %arg10[%get3A_635, %get3A_636, %get3A_637] {strides = array<i32>} : memref<24x8x224xf32, #tpu.memory_space<vmem>>, vector<1x1x16xf32>,
          %get3A_639 = vector.shape_cast %get3A_638 : vector<1x1x16xf32> to vector<16xf32>
          %get3A_640 = arith.constant 18 : i32
          %get3A_641 = arith.index_cast %get3A_640 : i32 to index
          %get3A_642 = arith.constant 0 : index
          %get3A_643 = tpu.vector_load %arg13[%get3A_641, %get3A_642] {strides = array<i32>} : memref<24x16xf32, #tpu.memory_space<vmem>>, vector<1x16xf32>,
          %get3A_644 = vector.shape_cast %get3A_643 : vector<1x16xf32> to vector<16xf32>
          %sub3A_645 = arith.subf %get3A_639, %get3A_644 : vector<16xf32>
          %mul3A_646 = arith.mulf %get3A_633, %sub3A_645 : vector<16xf32>
          %add3A_647 = arith.addf %add3A_623, %mul3A_646 : vector<16xf32>
          %mul3A_648 = arith.mulf %get3A_633, %get3A_633 : vector<16xf32>
          %add3A_649 = arith.addf %add3A_625, %mul3A_648 : vector<16xf32>
          %mul3A_650 = arith.mulf %sub3A_645, %sub3A_645 : vector<16xf32>
          %add3A_651 = arith.addf %add3A_627, %mul3A_650 : vector<16xf32>
          %get3A_652 = arith.constant 19 : i32
          %get3A_653 = arith.index_cast %get3A_652 : i32 to index
          %get3A_654 = arith.index_cast %select_n3A : i32 to index
          %get3A_655 = arith.index_cast %mul3A_179 : i32 to index
          %get3A_656 = tpu.vector_load %arg9[%get3A_653, %get3A_654, %get3A_655] {strides = array<i32>} : memref<24x8x224xf32, #tpu.memory_space<vmem>>, vector<1x1x16xf32>,
          %get3A_657 = vector.shape_cast %get3A_656 : vector<1x1x16xf32> to vector<16xf32>
          %get3A_658 = arith.constant 19 : i32
          %get3A_659 = arith.index_cast %get3A_658 : i32 to index
          %get3A_660 = arith.index_cast %select_n3A : i32 to index
          %get3A_661 = arith.index_cast %mul3A_179 : i32 to index
          %get3A_662 = tpu.vector_load %arg10[%get3A_659, %get3A_660, %get3A_661] {strides = array<i32>} : memref<24x8x224xf32, #tpu.memory_space<vmem>>, vector<1x1x16xf32>,
          %get3A_663 = vector.shape_cast %get3A_662 : vector<1x1x16xf32> to vector<16xf32>
          %get3A_664 = arith.constant 19 : i32
          %get3A_665 = arith.index_cast %get3A_664 : i32 to index
          %get3A_666 = arith.constant 0 : index
          %get3A_667 = tpu.vector_load %arg13[%get3A_665, %get3A_666] {strides = array<i32>} : memref<24x16xf32, #tpu.memory_space<vmem>>, vector<1x16xf32>,
          %get3A_668 = vector.shape_cast %get3A_667 : vector<1x16xf32> to vector<16xf32>
          %sub3A_669 = arith.subf %get3A_663, %get3A_668 : vector<16xf32>
          %mul3A_670 = arith.mulf %get3A_657, %sub3A_669 : vector<16xf32>
          %add3A_671 = arith.addf %add3A_647, %mul3A_670 : vector<16xf32>
          %mul3A_672 = arith.mulf %get3A_657, %get3A_657 : vector<16xf32>
          %add3A_673 = arith.addf %add3A_649, %mul3A_672 : vector<16xf32>
          %mul3A_674 = arith.mulf %sub3A_669, %sub3A_669 : vector<16xf32>
          %add3A_675 = arith.addf %add3A_651, %mul3A_674 : vector<16xf32>
          %get3A_676 = arith.constant 20 : i32
          %get3A_677 = arith.index_cast %get3A_676 : i32 to index
          %get3A_678 = arith.index_cast %select_n3A : i32 to index
          %get3A_679 = arith.index_cast %mul3A_179 : i32 to index
          %get3A_680 = tpu.vector_load %arg9[%get3A_677, %get3A_678, %get3A_679] {strides = array<i32>} : memref<24x8x224xf32, #tpu.memory_space<vmem>>, vector<1x1x16xf32>,
          %get3A_681 = vector.shape_cast %get3A_680 : vector<1x1x16xf32> to vector<16xf32>
          %get3A_682 = arith.constant 20 : i32
          %get3A_683 = arith.index_cast %get3A_682 : i32 to index
          %get3A_684 = arith.index_cast %select_n3A : i32 to index
          %get3A_685 = arith.index_cast %mul3A_179 : i32 to index
          %get3A_686 = tpu.vector_load %arg10[%get3A_683, %get3A_684, %get3A_685] {strides = array<i32>} : memref<24x8x224xf32, #tpu.memory_space<vmem>>, vector<1x1x16xf32>,
          %get3A_687 = vector.shape_cast %get3A_686 : vector<1x1x16xf32> to vector<16xf32>
          %get3A_688 = arith.constant 20 : i32
          %get3A_689 = arith.index_cast %get3A_688 : i32 to index
          %get3A_690 = arith.constant 0 : index
          %get3A_691 = tpu.vector_load %arg13[%get3A_689, %get3A_690] {strides = array<i32>} : memref<24x16xf32, #tpu.memory_space<vmem>>, vector<1x16xf32>,
          %get3A_692 = vector.shape_cast %get3A_691 : vector<1x16xf32> to vector<16xf32>
          %sub3A_693 = arith.subf %get3A_687, %get3A_692 : vector<16xf32>
          %mul3A_694 = arith.mulf %get3A_681, %sub3A_693 : vector<16xf32>
          %add3A_695 = arith.addf %add3A_671, %mul3A_694 : vector<16xf32>
          %mul3A_696 = arith.mulf %get3A_681, %get3A_681 : vector<16xf32>
          %add3A_697 = arith.addf %add3A_673, %mul3A_696 : vector<16xf32>
          %mul3A_698 = arith.mulf %sub3A_693, %sub3A_693 : vector<16xf32>
          %add3A_699 = arith.addf %add3A_675, %mul3A_698 : vector<16xf32>
          %get3A_700 = arith.constant 21 : i32
          %get3A_701 = arith.index_cast %get3A_700 : i32 to index
          %get3A_702 = arith.index_cast %select_n3A : i32 to index
          %get3A_703 = arith.index_cast %mul3A_179 : i32 to index
          %get3A_704 = tpu.vector_load %arg9[%get3A_701, %get3A_702, %get3A_703] {strides = array<i32>} : memref<24x8x224xf32, #tpu.memory_space<vmem>>, vector<1x1x16xf32>,
          %get3A_705 = vector.shape_cast %get3A_704 : vector<1x1x16xf32> to vector<16xf32>
          %get3A_706 = arith.constant 21 : i32
          %get3A_707 = arith.index_cast %get3A_706 : i32 to index
          %get3A_708 = arith.index_cast %select_n3A : i32 to index
          %get3A_709 = arith.index_cast %mul3A_179 : i32 to index
          %get3A_710 = tpu.vector_load %arg10[%get3A_707, %get3A_708, %get3A_709] {strides = array<i32>} : memref<24x8x224xf32, #tpu.memory_space<vmem>>, vector<1x1x16xf32>,
          %get3A_711 = vector.shape_cast %get3A_710 : vector<1x1x16xf32> to vector<16xf32>
          %get3A_712 = arith.constant 21 : i32
          %get3A_713 = arith.index_cast %get3A_712 : i32 to index
          %get3A_714 = arith.constant 0 : index
          %get3A_715 = tpu.vector_load %arg13[%get3A_713, %get3A_714] {strides = array<i32>} : memref<24x16xf32, #tpu.memory_space<vmem>>, vector<1x16xf32>,
          %get3A_716 = vector.shape_cast %get3A_715 : vector<1x16xf32> to vector<16xf32>
          %sub3A_717 = arith.subf %get3A_711, %get3A_716 : vector<16xf32>
          %mul3A_718 = arith.mulf %get3A_705, %sub3A_717 : vector<16xf32>
          %add3A_719 = arith.addf %add3A_695, %mul3A_718 : vector<16xf32>
          %mul3A_720 = arith.mulf %get3A_705, %get3A_705 : vector<16xf32>
          %add3A_721 = arith.addf %add3A_697, %mul3A_720 : vector<16xf32>
          %mul3A_722 = arith.mulf %sub3A_717, %sub3A_717 : vector<16xf32>
          %add3A_723 = arith.addf %add3A_699, %mul3A_722 : vector<16xf32>
          %get3A_724 = arith.constant 22 : i32
          %get3A_725 = arith.index_cast %get3A_724 : i32 to index
          %get3A_726 = arith.index_cast %select_n3A : i32 to index
          %get3A_727 = arith.index_cast %mul3A_179 : i32 to index
          %get3A_728 = tpu.vector_load %arg9[%get3A_725, %get3A_726, %get3A_727] {strides = array<i32>} : memref<24x8x224xf32, #tpu.memory_space<vmem>>, vector<1x1x16xf32>,
          %get3A_729 = vector.shape_cast %get3A_728 : vector<1x1x16xf32> to vector<16xf32>
          %get3A_730 = arith.constant 22 : i32
          %get3A_731 = arith.index_cast %get3A_730 : i32 to index
          %get3A_732 = arith.index_cast %select_n3A : i32 to index
          %get3A_733 = arith.index_cast %mul3A_179 : i32 to index
          %get3A_734 = tpu.vector_load %arg10[%get3A_731, %get3A_732, %get3A_733] {strides = array<i32>} : memref<24x8x224xf32, #tpu.memory_space<vmem>>, vector<1x1x16xf32>,
          %get3A_735 = vector.shape_cast %get3A_734 : vector<1x1x16xf32> to vector<16xf32>
          %get3A_736 = arith.constant 22 : i32
          %get3A_737 = arith.index_cast %get3A_736 : i32 to index
          %get3A_738 = arith.constant 0 : index
          %get3A_739 = tpu.vector_load %arg13[%get3A_737, %get3A_738] {strides = array<i32>} : memref<24x16xf32, #tpu.memory_space<vmem>>, vector<1x16xf32>,
          %get3A_740 = vector.shape_cast %get3A_739 : vector<1x16xf32> to vector<16xf32>
          %sub3A_741 = arith.subf %get3A_735, %get3A_740 : vector<16xf32>
          %mul3A_742 = arith.mulf %get3A_729, %sub3A_741 : vector<16xf32>
          %add3A_743 = arith.addf %add3A_719, %mul3A_742 : vector<16xf32>
          %mul3A_744 = arith.mulf %get3A_729, %get3A_729 : vector<16xf32>
          %add3A_745 = arith.addf %add3A_721, %mul3A_744 : vector<16xf32>
          %mul3A_746 = arith.mulf %sub3A_741, %sub3A_741 : vector<16xf32>
          %add3A_747 = arith.addf %add3A_723, %mul3A_746 : vector<16xf32>
          %get3A_748 = arith.constant 23 : i32
          %get3A_749 = arith.index_cast %get3A_748 : i32 to index
          %get3A_750 = arith.index_cast %select_n3A : i32 to index
          %get3A_751 = arith.index_cast %mul3A_179 : i32 to index
          %get3A_752 = tpu.vector_load %arg9[%get3A_749, %get3A_750, %get3A_751] {strides = array<i32>} : memref<24x8x224xf32, #tpu.memory_space<vmem>>, vector<1x1x16xf32>,
          %get3A_753 = vector.shape_cast %get3A_752 : vector<1x1x16xf32> to vector<16xf32>
          %get3A_754 = arith.constant 23 : i32
          %get3A_755 = arith.index_cast %get3A_754 : i32 to index
          %get3A_756 = arith.index_cast %select_n3A : i32 to index
          %get3A_757 = arith.index_cast %mul3A_179 : i32 to index
          %get3A_758 = tpu.vector_load %arg10[%get3A_755, %get3A_756, %get3A_757] {strides = array<i32>} : memref<24x8x224xf32, #tpu.memory_space<vmem>>, vector<1x1x16xf32>,
          %get3A_759 = vector.shape_cast %get3A_758 : vector<1x1x16xf32> to vector<16xf32>
          %get3A_760 = arith.constant 23 : i32
          %get3A_761 = arith.index_cast %get3A_760 : i32 to index
          %get3A_762 = arith.constant 0 : index
          %get3A_763 = tpu.vector_load %arg13[%get3A_761, %get3A_762] {strides = array<i32>} : memref<24x16xf32, #tpu.memory_space<vmem>>, vector<1x16xf32>,
          %get3A_764 = vector.shape_cast %get3A_763 : vector<1x16xf32> to vector<16xf32>
          %sub3A_765 = arith.subf %get3A_759, %get3A_764 : vector<16xf32>
          %mul3A_766 = arith.mulf %get3A_753, %sub3A_765 : vector<16xf32>
          %add3A_767 = arith.addf %add3A_743, %mul3A_766 : vector<16xf32>
          %mul3A_768 = arith.mulf %get3A_753, %get3A_753 : vector<16xf32>
          %add3A_769 = arith.addf %add3A_745, %mul3A_768 : vector<16xf32>
          %mul3A_770 = arith.mulf %sub3A_765, %sub3A_765 : vector<16xf32>
          %add3A_771 = arith.addf %add3A_747, %mul3A_770 : vector<16xf32>
          %swap3A_772 = arith.index_cast %select_n3A : i32 to index
          %swap3A_773 = arith.index_cast %mul3A_179 : i32 to index
          %swap3A_774 = tpu.vector_load %arg14[%swap3A_772, %swap3A_773] {strides = array<i32>} : memref<8x224xf32, #tpu.memory_space<vmem>>, vector<1x16xf32>,
          %swap3A_775 = vector.shape_cast %swap3A_774 : vector<1x16xf32> to vector<16xf32>
          %swap3A_776 = vector.shape_cast %add3A_767 : vector<16xf32> to vector<1x16xf32>
          tpu.vector_store %arg14[%swap3A_772, %swap3A_773], %swap3A_776 {strides = array<i32>} : memref<8x224xf32, #tpu.memory_space<vmem>>, vector<1x16xf32>,
          %swap3A_777 = arith.index_cast %select_n3A : i32 to index
          %swap3A_778 = arith.index_cast %mul3A_179 : i32 to index
          %swap3A_779 = tpu.vector_load %arg15[%swap3A_777, %swap3A_778] {strides = array<i32>} : memref<8x224xf32, #tpu.memory_space<vmem>>, vector<1x16xf32>,
          %swap3A_780 = vector.shape_cast %swap3A_779 : vector<1x16xf32> to vector<16xf32>
          %swap3A_781 = vector.shape_cast %add3A_769 : vector<16xf32> to vector<1x16xf32>
          tpu.vector_store %arg15[%swap3A_777, %swap3A_778], %swap3A_781 {strides = array<i32>} : memref<8x224xf32, #tpu.memory_space<vmem>>, vector<1x16xf32>,
          %swap3A_782 = arith.index_cast %select_n3A : i32 to index
          %swap3A_783 = arith.index_cast %mul3A_179 : i32 to index
          %swap3A_784 = tpu.vector_load %arg16[%swap3A_782, %swap3A_783] {strides = array<i32>} : memref<8x224xf32, #tpu.memory_space<vmem>>, vector<1x16xf32>,
          %swap3A_785 = vector.shape_cast %swap3A_784 : vector<1x16xf32> to vector<16xf32>
          %swap3A_786 = vector.shape_cast %add3A_771 : vector<16xf32> to vector<1x16xf32>
          tpu.vector_store %arg16[%swap3A_782, %swap3A_783], %swap3A_786 {strides = array<i32>} : memref<8x224xf32, #tpu.memory_space<vmem>>, vector<1x16xf32>,
          %scan3A_787 = arith.constant 0 : i32
          scf.yield %scan3A_787 : i32
        }
        %scan3A_142 = arith.constant 112 : i32
        %scan3A_143 = arith.constant 0 : i32
        scf.yield %scan3A_143 : i32
      }
      %scan3A_104 = arith.constant 8 : i32
      %broadcast_in_dim3A_105 = arith.constant 0.000000e+00 : f32
      %broadcast_in_dim3A_106 = vector.broadcast %broadcast_in_dim3A_105 : f32 to vector<16xf32>
      %scan3A_107 = arith.constant 0 : i32
      %scan3A_108 = arith.constant 112 : i32
      %scan3A_109 = arith.addi %scan3A_107, %scan3A_108 : i32
      %scan3A_110 = arith.constant 1 : i32
      %scan3A_111:2 = scf.for %scan3A_125 = %scan3A_107 to %scan3A_109 step %scan3A_110 iter_args(%scan3A_126 = %broadcast_in_dim3A_106, %scan3A_127 = %broadcast_in_dim3A_106) -> (vector<16xf32>, vector<16xf32>)  : i32 {
        %jit3A = arith.constant 14 : i32
        %div3A = arith.divsi %scan3A_125, %jit3A : i32
        %sign3A = arith.constant 0 : i32
        %sign3A_128 = arith.cmpi sgt, %scan3A_125, %sign3A : i32
        %sign3A_129 = arith.extui %sign3A_128 : i1 to i32
        %sign3A_130 = arith.constant 0 : i32
        %sign3A_131 = arith.cmpi slt, %scan3A_125, %sign3A_130 : i32
        %sign3A_132 = arith.extui %sign3A_131 : i1 to i32
        %sign3A_133 = arith.subi %sign3A_129, %sign3A_132 : i32
        %sign3A_134 = arith.constant 0 : i32
        %sign3A_135 = arith.cmpi sgt, %jit3A, %sign3A_134 : i32
        %sign3A_136 = arith.extui %sign3A_135 : i1 to i32
        %sign3A_137 = arith.constant 0 : i32
        %sign3A_138 = arith.cmpi slt, %jit3A, %sign3A_137 : i32
        %sign3A_139 = arith.extui %sign3A_138 : i1 to i32
        %sign3A_140 = arith.subi %sign3A_136, %sign3A_139 : i32
        %ne3A = arith.cmpi ne, %sign3A_133, %sign3A_140 : i32
        %rem3A = arith.remsi %scan3A_125, %jit3A : i32
        %ne3A_141 = arith.constant 0 : i32
        %ne3A_142 = arith.cmpi ne, %rem3A, %ne3A_141 : i32
        %and3A = arith.andi %ne3A, %ne3A_142 : i1
        %sub3A = arith.constant 1 : i32
        %sub3A_143 = arith.subi %div3A, %sub3A : i32
        %select_n3A = arith.select %and3A, %sub3A_143, %div3A : i32
        %jit3A_144 = arith.constant 14 : i32
        %eq3A = arith.constant 0 : i32
        %eq3A_145 = arith.cmpi eq, %jit3A_144, %eq3A : i32
        %jit3A_146 = arith.constant 1 : i32
        %select_n3A_147 = arith.select %eq3A_145, %jit3A_146, %jit3A_144 : i32
        %rem3A_148 = arith.remsi %scan3A_125, %select_n3A_147 : i32
        %ne3A_149 = arith.constant 0 : i32
        %ne3A_150 = arith.cmpi ne, %rem3A_148, %ne3A_149 : i32
        %lt3A_151 = arith.constant 0 : i32
        %lt3A_152 = arith.cmpi slt, %rem3A_148, %lt3A_151 : i32
        %lt3A_153 = arith.constant 0 : i32
        %lt3A_154 = arith.cmpi slt, %select_n3A_147, %lt3A_153 : i32
        %ne3A_155 = arith.xori %lt3A_152, %lt3A_154 : i1
        %and3A_156 = arith.andi %ne3A_155, %ne3A_150 : i1
        %add3A_157 = arith.addi %rem3A_148, %select_n3A_147 : i32
        %select_n3A_158 = arith.select %and3A_156, %add3A_157, %rem3A_148 : i32
        %mul3A_159 = arith.constant 16 : i32
        %mul3A_160 = arith.muli %select_n3A_158, %mul3A_159 : i32
        %get3A = arith.index_cast %select_n3A : i32 to index
        %get3A_161 = arith.index_cast %mul3A_160 : i32 to index
        %get3A_162 = tpu.vector_load %arg14[%get3A, %get3A_161] {strides = array<i32>} : memref<8x224xf32, #tpu.memory_space<vmem>>, vector<1x16xf32>,
        %get3A_163 = vector.shape_cast %get3A_162 : vector<1x16xf32> to vector<16xf32>
        %get3A_164 = arith.index_cast %select_n3A : i32 to index
        %get3A_165 = arith.index_cast %mul3A_160 : i32 to index
        %get3A_166 = tpu.vector_load %arg15[%get3A_164, %get3A_165] {strides = array<i32>} : memref<8x224xf32, #tpu.memory_space<vmem>>, vector<1x16xf32>,
        %get3A_167 = vector.shape_cast %get3A_166 : vector<1x16xf32> to vector<16xf32>
        %get3A_168 = arith.index_cast %select_n3A : i32 to index
        %get3A_169 = arith.index_cast %mul3A_160 : i32 to index
        %get3A_170 = tpu.vector_load %arg16[%get3A_168, %get3A_169] {strides = array<i32>} : memref<8x224xf32, #tpu.memory_space<vmem>>, vector<1x16xf32>,
        %get3A_171 = vector.shape_cast %get3A_170 : vector<1x16xf32> to vector<16xf32>
        %max3A = arith.constant 1.000000e-16 : f32
        %max3A_172 = vector.broadcast %max3A : f32 to vector<16xf32>
        %max3A_173 = arith.maximumf %get3A_167, %max3A_172 : vector<16xf32>
        %bitcast_convert_type3A = tpu.bitcast %max3A_173 : vector<16xf32> -> vector<16xi32>
        %shift_right_arithmetic3A = arith.constant 1 : i32
        %shift_right_arithmetic3A_174 = vector.broadcast %shift_right_arithmetic3A : i32 to vector<16xi32>
        %shift_right_arithmetic3A_175 = arith.shrsi %bitcast_convert_type3A, %shift_right_arithmetic3A_174 : vector<16xi32>
        %sub3A_176 = arith.constant 1597463007 : i32
        %sub3A_177 = vector.broadcast %sub3A_176 : i32 to vector<16xi32>
        %sub3A_178 = arith.subi %sub3A_177, %shift_right_arithmetic3A_175 : vector<16xi32>
        %bitcast_convert_type3A_179 = tpu.bitcast %sub3A_178 : vector<16xi32> -> vector<16xf32>
        %mul3A_180 = arith.constant 5.000000e-01 : f32
        %mul3A_181 = vector.broadcast %mul3A_180 : f32 to vector<16xf32>
        %mul3A_182 = arith.mulf %mul3A_181, %max3A_173 : vector<16xf32>
        %mul3A_183 = arith.mulf %mul3A_182, %bitcast_convert_type3A_179 : vector<16xf32>
        %mul3A_184 = arith.mulf %mul3A_183, %bitcast_convert_type3A_179 : vector<16xf32>
        %sub3A_185 = arith.constant 1.500000e+00 : f32
        %sub3A_186 = vector.broadcast %sub3A_185 : f32 to vector<16xf32>
        %sub3A_187 = arith.subf %sub3A_186, %mul3A_184 : vector<16xf32>
        %mul3A_188 = arith.mulf %bitcast_convert_type3A_179, %sub3A_187 : vector<16xf32>
        %mul3A_189 = arith.constant 5.000000e-01 : f32
        %mul3A_190 = vector.broadcast %mul3A_189 : f32 to vector<16xf32>
        %mul3A_191 = arith.mulf %mul3A_190, %max3A_173 : vector<16xf32>
        %mul3A_192 = arith.mulf %mul3A_191, %mul3A_188 : vector<16xf32>
        %mul3A_193 = arith.mulf %mul3A_192, %mul3A_188 : vector<16xf32>
        %sub3A_194 = arith.constant 1.500000e+00 : f32
        %sub3A_195 = vector.broadcast %sub3A_194 : f32 to vector<16xf32>
        %sub3A_196 = arith.subf %sub3A_195, %mul3A_193 : vector<16xf32>
        %mul3A_197 = arith.mulf %mul3A_188, %sub3A_196 : vector<16xf32>
        %mul3A_198 = arith.constant 5.000000e-01 : f32
        %mul3A_199 = vector.broadcast %mul3A_198 : f32 to vector<16xf32>
        %mul3A_200 = arith.mulf %mul3A_199, %max3A_173 : vector<16xf32>
        %mul3A_201 = arith.mulf %mul3A_200, %mul3A_197 : vector<16xf32>
        %mul3A_202 = arith.mulf %mul3A_201, %mul3A_197 : vector<16xf32>
        %sub3A_203 = arith.constant 1.500000e+00 : f32
        %sub3A_204 = vector.broadcast %sub3A_203 : f32 to vector<16xf32>
        %sub3A_205 = arith.subf %sub3A_204, %mul3A_202 : vector<16xf32>
        %mul3A_206 = arith.mulf %mul3A_197, %sub3A_205 : vector<16xf32>
        %max3A_207 = arith.constant 1.000000e-16 : f32
        %max3A_208 = vector.broadcast %max3A_207 : f32 to vector<16xf32>
        %max3A_209 = arith.maximumf %get3A_171, %max3A_208 : vector<16xf32>
        %bitcast_convert_type3A_210 = tpu.bitcast %max3A_209 : vector<16xf32> -> vector<16xi32>
        %shift_right_arithmetic3A_211 = arith.constant 1 : i32
        %shift_right_arithmetic3A_212 = vector.broadcast %shift_right_arithmetic3A_211 : i32 to vector<16xi32>
        %shift_right_arithmetic3A_213 = arith.shrsi %bitcast_convert_type3A_210, %shift_right_arithmetic3A_212 : vector<16xi32>
        %sub3A_214 = arith.constant 1597463007 : i32
        %sub3A_215 = vector.broadcast %sub3A_214 : i32 to vector<16xi32>
        %sub3A_216 = arith.subi %sub3A_215, %shift_right_arithmetic3A_213 : vector<16xi32>
        %bitcast_convert_type3A_217 = tpu.bitcast %sub3A_216 : vector<16xi32> -> vector<16xf32>
        %mul3A_218 = arith.constant 5.000000e-01 : f32
        %mul3A_219 = vector.broadcast %mul3A_218 : f32 to vector<16xf32>
        %mul3A_220 = arith.mulf %mul3A_219, %max3A_209 : vector<16xf32>
        %mul3A_221 = arith.mulf %mul3A_220, %bitcast_convert_type3A_217 : vector<16xf32>
        %mul3A_222 = arith.mulf %mul3A_221, %bitcast_convert_type3A_217 : vector<16xf32>
        %sub3A_223 = arith.constant 1.500000e+00 : f32
        %sub3A_224 = vector.broadcast %sub3A_223 : f32 to vector<16xf32>
        %sub3A_225 = arith.subf %sub3A_224, %mul3A_222 : vector<16xf32>
        %mul3A_226 = arith.mulf %bitcast_convert_type3A_217, %sub3A_225 : vector<16xf32>
        %mul3A_227 = arith.constant 5.000000e-01 : f32
        %mul3A_228 = vector.broadcast %mul3A_227 : f32 to vector<16xf32>
        %mul3A_229 = arith.mulf %mul3A_228, %max3A_209 : vector<16xf32>
        %mul3A_230 = arith.mulf %mul3A_229, %mul3A_226 : vector<16xf32>
        %mul3A_231 = arith.mulf %mul3A_230, %mul3A_226 : vector<16xf32>
        %sub3A_232 = arith.constant 1.500000e+00 : f32
        %sub3A_233 = vector.broadcast %sub3A_232 : f32 to vector<16xf32>
        %sub3A_234 = arith.subf %sub3A_233, %mul3A_231 : vector<16xf32>
        %mul3A_235 = arith.mulf %mul3A_226, %sub3A_234 : vector<16xf32>
        %mul3A_236 = arith.constant 5.000000e-01 : f32
        %mul3A_237 = vector.broadcast %mul3A_236 : f32 to vector<16xf32>
        %mul3A_238 = arith.mulf %mul3A_237, %max3A_209 : vector<16xf32>
        %mul3A_239 = arith.mulf %mul3A_238, %mul3A_235 : vector<16xf32>
        %mul3A_240 = arith.mulf %mul3A_239, %mul3A_235 : vector<16xf32>
        %sub3A_241 = arith.constant 1.500000e+00 : f32
        %sub3A_242 = vector.broadcast %sub3A_241 : f32 to vector<16xf32>
        %sub3A_243 = arith.subf %sub3A_242, %mul3A_240 : vector<16xf32>
        %mul3A_244 = arith.mulf %mul3A_235, %sub3A_243 : vector<16xf32>
        %mul3A_245 = arith.mulf %mul3A_206, %mul3A_244 : vector<16xf32>
        %mul3A_246 = arith.mulf %get3A_163, %mul3A_245 : vector<16xf32>
        %sub3A_247 = arith.constant 1.000000e+00 : f32
        %sub3A_248 = vector.broadcast %sub3A_247 : f32 to vector<16xf32>
        %sub3A_249 = arith.subf %sub3A_248, %mul3A_246 : vector<16xf32>
        %get3A_250 = arith.index_cast %select_n3A : i32 to index
        %get3A_251 = arith.index_cast %mul3A_160 : i32 to index
        %get3A_252 = tpu.vector_load %arg11[%get3A_250, %get3A_251] {strides = array<i32>} : memref<8x224xf32, #tpu.memory_space<vmem>>, vector<1x16xf32>,
        %get3A_253 = vector.shape_cast %get3A_252 : vector<1x16xf32> to vector<16xf32>
        %get3A_254 = arith.index_cast %select_n3A : i32 to index
        %get3A_255 = arith.index_cast %mul3A_160 : i32 to index
        %get3A_256 = tpu.vector_load %arg12[%get3A_254, %get3A_255] {strides = array<i32>} : memref<8x224xf32, #tpu.memory_space<vmem>>, vector<1x16xf32>,
        %get3A_257 = vector.shape_cast %get3A_256 : vector<1x16xf32> to vector<16xf32>
        %ne3A_258 = arith.constant 0.000000e+00 : f32
        %ne3A_259 = vector.broadcast %ne3A_258 : f32 to vector<16xf32>
        %ne3A_260 = arith.cmpf one, %get3A_253, %ne3A_259 : vector<16xf32>
        %eq3A_261 = arith.constant 0.000000e+00 : f32
        %eq3A_262 = vector.broadcast %eq3A_261 : f32 to vector<16xf32>
        %eq3A_263 = arith.cmpf oeq, %get3A_257, %eq3A_262 : vector<16xf32>
        %and3A_264 = arith.andi %ne3A_260, %eq3A_263 : vector<16xi1>
        %jit3A_265 = arith.constant 1.000000e+00 : f32
        %jit3A_266 = arith.constant 0.000000e+00 : f32
        %broadcast_in_dim3A_267 = vector.broadcast %jit3A_265 : f32 to vector<16xf32>
        %broadcast_in_dim3A_268 = vector.broadcast %jit3A_266 : f32 to vector<16xf32>
        %select_n3A_269 = arith.select %and3A_264, %broadcast_in_dim3A_267, %broadcast_in_dim3A_268 : vector<16xi1>, vector<16xf32>
        %mul3A_270 = arith.mulf %sub3A_249, %select_n3A_269 : vector<16xf32>
        %add3A_271 = arith.addf %scan3A_126, %mul3A_270 : vector<16xf32>
        %add3A_272 = arith.addf %scan3A_127, %select_n3A_269 : vector<16xf32>
        scf.yield %add3A_271, %add3A_272 : vector<16xf32>, vector<16xf32>
      }
      %scan3A_112 = arith.constant 112 : i32
      %swap3A_113 = arith.constant 3 : i32
      %swap3A_114 = arith.index_cast %swap3A_113 : i32 to index
      %swap3A_115 = arith.constant 0 : index
      %swap3A_116 = tpu.vector_load %arg17[%swap3A_114, %swap3A_115] {strides = array<i32>} : memref<4x16xf32, #tpu.memory_space<vmem>>, vector<1x16xf32>,
      %swap3A_117 = vector.shape_cast %swap3A_116 : vector<1x16xf32> to vector<16xf32>
      %swap3A_118 = vector.shape_cast %scan3A_111#0 : vector<16xf32> to vector<1x16xf32>
      tpu.vector_store %arg17[%swap3A_114, %swap3A_115], %swap3A_118 {strides = array<i32>} : memref<4x16xf32, #tpu.memory_space<vmem>>, vector<1x16xf32>,
      %swap3A_119 = arith.constant 3 : i32
      %swap3A_120 = arith.index_cast %swap3A_119 : i32 to index
      %swap3A_121 = arith.constant 0 : index
      %swap3A_122 = tpu.vector_load %arg18[%swap3A_120, %swap3A_121] {strides = array<i32>} : memref<4x16xf32, #tpu.memory_space<vmem>>, vector<1x16xf32>,
      %swap3A_123 = vector.shape_cast %swap3A_122 : vector<1x16xf32> to vector<16xf32>
      %swap3A_124 = vector.shape_cast %scan3A_111#1 : vector<16xf32> to vector<1x16xf32>
      tpu.vector_store %arg18[%swap3A_120, %swap3A_121], %swap3A_124 {strides = array<i32>} : memref<4x16xf32, #tpu.memory_space<vmem>>, vector<1x16xf32>,
      "tpu.region"() ({
        %run_scoped3A_125 = tpu.sem_alloc : memref<!tpu.dma_semaphore, #tpu.memory_space<semaphore_mem>>
        %dma_start3A = arith.constant 0 : i32
        %dma_start3A_126 = arith.constant 0 : i32
        %dma_start3A_127 = tpu.memref_slice %arg7[%add3A, %dma_start3A, %dma_start3A_126] : memref<32x4x16xf32, #tpu.memory_space<hbm>> -> memref<1x4x16xf32, #tpu.memory_space<hbm>>
        %dma_start3A_128 = tpu.memref_squeeze %dma_start3A_127 : memref<1x4x16xf32, #tpu.memory_space<hbm>> -> memref<4x16xf32, #tpu.memory_space<hbm>>
        %dma_start3A_129 = arith.constant 0 : i32
        %dma_start3A_130 = arith.constant 0 : i32
        %dma_start3A_131 = tpu.memref_slice %arg7[%add3A, %dma_start3A_129, %dma_start3A_130] : memref<32x4x16xf32, #tpu.memory_space<hbm>> -> memref<1x4x16xf32, #tpu.memory_space<hbm>>
        %dma_start3A_132 = tpu.memref_squeeze %dma_start3A_131 : memref<1x4x16xf32, #tpu.memory_space<hbm>> -> memref<4x16xf32, #tpu.memory_space<hbm>>
        tpu.enqueue_dma source(%arg17 : memref<4x16xf32, #tpu.memory_space<vmem>>) target(%dma_start3A_132 : memref<4x16xf32, #tpu.memory_space<hbm>>) target_semaphore(%run_scoped3A_125 : memref<!tpu.dma_semaphore, #tpu.memory_space<semaphore_mem>>)
        %dma_wait3A = arith.constant 0 : i32
        %dma_wait3A_133 = arith.constant 0 : i32
        %dma_wait3A_134 = tpu.memref_slice %arg7[%add3A, %dma_wait3A, %dma_wait3A_133] : memref<32x4x16xf32, #tpu.memory_space<hbm>> -> memref<1x4x16xf32, #tpu.memory_space<hbm>>
        %dma_wait3A_135 = tpu.memref_squeeze %dma_wait3A_134 : memref<1x4x16xf32, #tpu.memory_space<hbm>> -> memref<4x16xf32, #tpu.memory_space<hbm>>
        %dma_wait3A_136 = arith.constant 0 : i32
        %dma_wait3A_137 = arith.constant 0 : i32
        %dma_wait3A_138 = tpu.memref_slice %arg7[%add3A, %dma_wait3A_136, %dma_wait3A_137] : memref<32x4x16xf32, #tpu.memory_space<hbm>> -> memref<1x4x16xf32, #tpu.memory_space<hbm>>
        %dma_wait3A_139 = tpu.memref_squeeze %dma_wait3A_138 : memref<1x4x16xf32, #tpu.memory_space<hbm>> -> memref<4x16xf32, #tpu.memory_space<hbm>>
        tpu.wait_dma2 semaphore(%run_scoped3A_125 : memref<!tpu.dma_semaphore, #tpu.memory_space<semaphore_mem>>) src(%arg17 : memref<4x16xf32, #tpu.memory_space<vmem>>) dst(%dma_wait3A_139 : memref<4x16xf32, #tpu.memory_space<hbm>>)
        tpu.yield
      }) : () -> ()
      "tpu.region"() ({
        %run_scoped3A_125 = tpu.sem_alloc : memref<!tpu.dma_semaphore, #tpu.memory_space<semaphore_mem>>
        %dma_start3A = arith.constant 0 : i32
        %dma_start3A_126 = arith.constant 0 : i32
        %dma_start3A_127 = tpu.memref_slice %arg8[%add3A, %dma_start3A, %dma_start3A_126] : memref<32x4x16xf32, #tpu.memory_space<hbm>> -> memref<1x4x16xf32, #tpu.memory_space<hbm>>
        %dma_start3A_128 = tpu.memref_squeeze %dma_start3A_127 : memref<1x4x16xf32, #tpu.memory_space<hbm>> -> memref<4x16xf32, #tpu.memory_space<hbm>>
        %dma_start3A_129 = arith.constant 0 : i32
        %dma_start3A_130 = arith.constant 0 : i32
        %dma_start3A_131 = tpu.memref_slice %arg8[%add3A, %dma_start3A_129, %dma_start3A_130] : memref<32x4x16xf32, #tpu.memory_space<hbm>> -> memref<1x4x16xf32, #tpu.memory_space<hbm>>
        %dma_start3A_132 = tpu.memref_squeeze %dma_start3A_131 : memref<1x4x16xf32, #tpu.memory_space<hbm>> -> memref<4x16xf32, #tpu.memory_space<hbm>>
        tpu.enqueue_dma source(%arg18 : memref<4x16xf32, #tpu.memory_space<vmem>>) target(%dma_start3A_132 : memref<4x16xf32, #tpu.memory_space<hbm>>) target_semaphore(%run_scoped3A_125 : memref<!tpu.dma_semaphore, #tpu.memory_space<semaphore_mem>>)
        %dma_wait3A = arith.constant 0 : i32
        %dma_wait3A_133 = arith.constant 0 : i32
        %dma_wait3A_134 = tpu.memref_slice %arg8[%add3A, %dma_wait3A, %dma_wait3A_133] : memref<32x4x16xf32, #tpu.memory_space<hbm>> -> memref<1x4x16xf32, #tpu.memory_space<hbm>>
        %dma_wait3A_135 = tpu.memref_squeeze %dma_wait3A_134 : memref<1x4x16xf32, #tpu.memory_space<hbm>> -> memref<4x16xf32, #tpu.memory_space<hbm>>
        %dma_wait3A_136 = arith.constant 0 : i32
        %dma_wait3A_137 = arith.constant 0 : i32
        %dma_wait3A_138 = tpu.memref_slice %arg8[%add3A, %dma_wait3A_136, %dma_wait3A_137] : memref<32x4x16xf32, #tpu.memory_space<hbm>> -> memref<1x4x16xf32, #tpu.memory_space<hbm>>
        %dma_wait3A_139 = tpu.memref_squeeze %dma_wait3A_138 : memref<1x4x16xf32, #tpu.memory_space<hbm>> -> memref<4x16xf32, #tpu.memory_space<hbm>>
        tpu.wait_dma2 semaphore(%run_scoped3A_125 : memref<!tpu.dma_semaphore, #tpu.memory_space<semaphore_mem>>) src(%arg18 : memref<4x16xf32, #tpu.memory_space<vmem>>) dst(%dma_wait3A_139 : memref<4x16xf32, #tpu.memory_space<hbm>>)
        tpu.yield
      }) : () -> ()
    } else {
    }
    %ge3A = arith.constant 28 : i32
    %ge3A_5 = arith.cmpi sge, %add3A, %ge3A : i32
    %convert_element_type3A_6 = arith.extui %ge3A_5 : i1 to i32
    %cond3A_7 = arith.constant 0 : i32
    %cond3A_8 = arith.cmpi ne, %convert_element_type3A_6, %cond3A_7 : i32
    scf.if %cond3A_8 {
      %broadcast_in_dim3A = arith.constant 0.000000e+00 : f32
      %broadcast_in_dim3A_9 = vector.broadcast %broadcast_in_dim3A : f32 to vector<4x16xf32>
      %swap3A = arith.constant 0 : index
      %swap3A_10 = arith.constant 0 : index
      %swap3A_11 = tpu.vector_load %arg17[%swap3A, %swap3A_10] {strides = array<i32>} : memref<4x16xf32, #tpu.memory_space<vmem>>, vector<4x16xf32>,
      %swap3A_12 = vector.shape_cast %swap3A_11 : vector<4x16xf32> to vector<4x16xf32>
      %swap3A_13 = vector.shape_cast %broadcast_in_dim3A_9 : vector<4x16xf32> to vector<4x16xf32>
      tpu.vector_store %arg17[%swap3A, %swap3A_10], %swap3A_13 {strides = array<i32>} : memref<4x16xf32, #tpu.memory_space<vmem>>, vector<4x16xf32>,
      %broadcast_in_dim3A_14 = arith.constant 0.000000e+00 : f32
      %broadcast_in_dim3A_15 = vector.broadcast %broadcast_in_dim3A_14 : f32 to vector<4x16xf32>
      %swap3A_16 = arith.constant 0 : index
      %swap3A_17 = arith.constant 0 : index
      %swap3A_18 = tpu.vector_load %arg18[%swap3A_16, %swap3A_17] {strides = array<i32>} : memref<4x16xf32, #tpu.memory_space<vmem>>, vector<4x16xf32>,
      %swap3A_19 = vector.shape_cast %swap3A_18 : vector<4x16xf32> to vector<4x16xf32>
      %swap3A_20 = vector.shape_cast %broadcast_in_dim3A_15 : vector<4x16xf32> to vector<4x16xf32>
      tpu.vector_store %arg18[%swap3A_16, %swap3A_17], %swap3A_20 {strides = array<i32>} : memref<4x16xf32, #tpu.memory_space<vmem>>, vector<4x16xf32>,
      "tpu.region"() ({
        %run_scoped3A = tpu.sem_alloc : memref<!tpu.dma_semaphore, #tpu.memory_space<semaphore_mem>>
        %dma_start3A = arith.constant 0 : i32
        %dma_start3A_21 = arith.constant 0 : i32
        %dma_start3A_22 = tpu.memref_slice %arg7[%add3A, %dma_start3A, %dma_start3A_21] : memref<32x4x16xf32, #tpu.memory_space<hbm>> -> memref<1x4x16xf32, #tpu.memory_space<hbm>>
        %dma_start3A_23 = tpu.memref_squeeze %dma_start3A_22 : memref<1x4x16xf32, #tpu.memory_space<hbm>> -> memref<4x16xf32, #tpu.memory_space<hbm>>
        %dma_start3A_24 = arith.constant 0 : i32
        %dma_start3A_25 = arith.constant 0 : i32
        %dma_start3A_26 = tpu.memref_slice %arg7[%add3A, %dma_start3A_24, %dma_start3A_25] : memref<32x4x16xf32, #tpu.memory_space<hbm>> -> memref<1x4x16xf32, #tpu.memory_space<hbm>>
        %dma_start3A_27 = tpu.memref_squeeze %dma_start3A_26 : memref<1x4x16xf32, #tpu.memory_space<hbm>> -> memref<4x16xf32, #tpu.memory_space<hbm>>
        tpu.enqueue_dma source(%arg17 : memref<4x16xf32, #tpu.memory_space<vmem>>) target(%dma_start3A_27 : memref<4x16xf32, #tpu.memory_space<hbm>>) target_semaphore(%run_scoped3A : memref<!tpu.dma_semaphore, #tpu.memory_space<semaphore_mem>>)
        %dma_wait3A = arith.constant 0 : i32
        %dma_wait3A_28 = arith.constant 0 : i32
        %dma_wait3A_29 = tpu.memref_slice %arg7[%add3A, %dma_wait3A, %dma_wait3A_28] : memref<32x4x16xf32, #tpu.memory_space<hbm>> -> memref<1x4x16xf32, #tpu.memory_space<hbm>>
        %dma_wait3A_30 = tpu.memref_squeeze %dma_wait3A_29 : memref<1x4x16xf32, #tpu.memory_space<hbm>> -> memref<4x16xf32, #tpu.memory_space<hbm>>
        %dma_wait3A_31 = arith.constant 0 : i32
        %dma_wait3A_32 = arith.constant 0 : i32
        %dma_wait3A_33 = tpu.memref_slice %arg7[%add3A, %dma_wait3A_31, %dma_wait3A_32] : memref<32x4x16xf32, #tpu.memory_space<hbm>> -> memref<1x4x16xf32, #tpu.memory_space<hbm>>
        %dma_wait3A_34 = tpu.memref_squeeze %dma_wait3A_33 : memref<1x4x16xf32, #tpu.memory_space<hbm>> -> memref<4x16xf32, #tpu.memory_space<hbm>>
        tpu.wait_dma2 semaphore(%run_scoped3A : memref<!tpu.dma_semaphore, #tpu.memory_space<semaphore_mem>>) src(%arg17 : memref<4x16xf32, #tpu.memory_space<vmem>>) dst(%dma_wait3A_34 : memref<4x16xf32, #tpu.memory_space<hbm>>)
        tpu.yield
      }) : () -> ()
      "tpu.region"() ({
        %run_scoped3A = tpu.sem_alloc : memref<!tpu.dma_semaphore, #tpu.memory_space<semaphore_mem>>
        %dma_start3A = arith.constant 0 : i32
        %dma_start3A_21 = arith.constant 0 : i32
        %dma_start3A_22 = tpu.memref_slice %arg8[%add3A, %dma_start3A, %dma_start3A_21] : memref<32x4x16xf32, #tpu.memory_space<hbm>> -> memref<1x4x16xf32, #tpu.memory_space<hbm>>
        %dma_start3A_23 = tpu.memref_squeeze %dma_start3A_22 : memref<1x4x16xf32, #tpu.memory_space<hbm>> -> memref<4x16xf32, #tpu.memory_space<hbm>>
        %dma_start3A_24 = arith.constant 0 : i32
        %dma_start3A_25 = arith.constant 0 : i32
        %dma_start3A_26 = tpu.memref_slice %arg8[%add3A, %dma_start3A_24, %dma_start3A_25] : memref<32x4x16xf32, #tpu.memory_space<hbm>> -> memref<1x4x16xf32, #tpu.memory_space<hbm>>
        %dma_start3A_27 = tpu.memref_squeeze %dma_start3A_26 : memref<1x4x16xf32, #tpu.memory_space<hbm>> -> memref<4x16xf32, #tpu.memory_space<hbm>>
        tpu.enqueue_dma source(%arg18 : memref<4x16xf32, #tpu.memory_space<vmem>>) target(%dma_start3A_27 : memref<4x16xf32, #tpu.memory_space<hbm>>) target_semaphore(%run_scoped3A : memref<!tpu.dma_semaphore, #tpu.memory_space<semaphore_mem>>)
        %dma_wait3A = arith.constant 0 : i32
        %dma_wait3A_28 = arith.constant 0 : i32
        %dma_wait3A_29 = tpu.memref_slice %arg8[%add3A, %dma_wait3A, %dma_wait3A_28] : memref<32x4x16xf32, #tpu.memory_space<hbm>> -> memref<1x4x16xf32, #tpu.memory_space<hbm>>
        %dma_wait3A_30 = tpu.memref_squeeze %dma_wait3A_29 : memref<1x4x16xf32, #tpu.memory_space<hbm>> -> memref<4x16xf32, #tpu.memory_space<hbm>>
        %dma_wait3A_31 = arith.constant 0 : i32
        %dma_wait3A_32 = arith.constant 0 : i32
        %dma_wait3A_33 = tpu.memref_slice %arg8[%add3A, %dma_wait3A_31, %dma_wait3A_32] : memref<32x4x16xf32, #tpu.memory_space<hbm>> -> memref<1x4x16xf32, #tpu.memory_space<hbm>>
        %dma_wait3A_34 = tpu.memref_squeeze %dma_wait3A_33 : memref<1x4x16xf32, #tpu.memory_space<hbm>> -> memref<4x16xf32, #tpu.memory_space<hbm>>
        tpu.wait_dma2 semaphore(%run_scoped3A : memref<!tpu.dma_semaphore, #tpu.memory_space<semaphore_mem>>) src(%arg18 : memref<4x16xf32, #tpu.memory_space<vmem>>) dst(%dma_wait3A_34 : memref<4x16xf32, #tpu.memory_space<hbm>>)
        tpu.yield
      }) : () -> ()
    } else {
    }
    return
  }
}

module attributes {stable_mosaic.version = 14 : i64} {
  func.func @_finalize_kernel(%arg0: memref<32x4x16xf32, #tpu.memory_space<vmem>>, %arg1: memref<32x4x16xf32, #tpu.memory_space<vmem>>, %arg2: memref<1x1xf32, #tpu.memory_space<vmem>>) attributes {dimension_semantics = [], scalar_prefetch = 0 : i64, scratch_operands = 0 : i64, tpu.core_type = #tpu.core_type<tc>} {
    %get3A = arith.constant 0 : index
    %get3A_0 = arith.constant 0 : index
    %get3A_1 = arith.constant 0 : index
    %get3A_2 = vector.load %arg0[%get3A, %get3A_0, %get3A_1] : memref<32x4x16xf32, #tpu.memory_space<vmem>>, vector<32x4x16xf32>
    %reduce_sum3A = arith.constant dense<0.000000e+00> : vector<4x16xf32>
    %reduce_sum3A_3 = vector.multi_reduction <add>, %get3A_2, %reduce_sum3A [0] : vector<32x4x16xf32> to vector<4x16xf32>
    %reduce_sum3A_4 = arith.constant dense<0.000000e+00> : vector<4xf32>
    %reduce_sum3A_5 = vector.multi_reduction <add>, %reduce_sum3A_3, %reduce_sum3A_4 [1] : vector<4x16xf32> to vector<4xf32>
    %broadcast_in_dim3A = vector.shape_cast %reduce_sum3A_5 : vector<4xf32> to vector<4x1xf32>
    %get3A_6 = arith.constant 0 : index
    %get3A_7 = arith.constant 0 : index
    %get3A_8 = arith.constant 0 : index
    %get3A_9 = vector.load %arg1[%get3A_6, %get3A_7, %get3A_8] : memref<32x4x16xf32, #tpu.memory_space<vmem>>, vector<32x4x16xf32>
    %reduce_sum3A_10 = arith.constant dense<0.000000e+00> : vector<4x16xf32>
    %reduce_sum3A_11 = vector.multi_reduction <add>, %get3A_9, %reduce_sum3A_10 [0] : vector<32x4x16xf32> to vector<4x16xf32>
    %reduce_sum3A_12 = arith.constant dense<0.000000e+00> : vector<4xf32>
    %reduce_sum3A_13 = vector.multi_reduction <add>, %reduce_sum3A_11, %reduce_sum3A_12 [1] : vector<4x16xf32> to vector<4xf32>
    %broadcast_in_dim3A_14 = vector.shape_cast %reduce_sum3A_13 : vector<4xf32> to vector<4x1xf32>
    %jit3A = arith.constant 1.000000e+00 : f32
    %max3A = vector.broadcast %jit3A : f32 to vector<4x1xf32>
    %max3A_15 = arith.maximumf %max3A, %broadcast_in_dim3A_14 : vector<4x1xf32>
    %div3A = arith.divf %broadcast_in_dim3A, %max3A_15 : vector<4x1xf32>
    %gt3A = arith.constant 0.000000e+00 : f32
    %gt3A_16 = vector.broadcast %gt3A : f32 to vector<4x1xf32>
    %gt3A_17 = arith.cmpf ogt, %broadcast_in_dim3A_14, %gt3A_16 : vector<4x1xf32>
    %convert_element_type3A = arith.extui %gt3A_17 : vector<4x1xi1> to vector<4x1xi32>
    %convert_element_type3A_18 = arith.sitofp %convert_element_type3A : vector<4x1xi32> to vector<4x1xf32>
    %mul3A = arith.mulf %div3A, %convert_element_type3A_18 : vector<4x1xf32>
    %reduce_sum3A_19 = vector.shape_cast %mul3A : vector<4x1xf32> to vector<1x4x1xf32>
    %reduce_sum3A_20 = arith.constant dense<0.000000e+00> : vector<1xf32>
    %reduce_sum3A_21 = vector.multi_reduction <add>, %reduce_sum3A_19, %reduce_sum3A_20 [1, 2] : vector<1x4x1xf32> to vector<1xf32>
    %reduce_sum3A_22 = vector.shape_cast %reduce_sum3A_21 : vector<1xf32> to vector<1x1x1xf32>
    %reduce_sum3A_23 = vector.extract %reduce_sum3A_22[0, 0, 0] : f32 from vector<1x1x1xf32>
    %broadcast_in_dim3A_24 = vector.broadcast %reduce_sum3A_23 : f32 to vector<1x1xf32>
    %reduce_sum3A_25 = vector.shape_cast %convert_element_type3A_18 : vector<4x1xf32> to vector<1x4x1xf32>
    %reduce_sum3A_26 = arith.constant dense<0.000000e+00> : vector<1xf32>
    %reduce_sum3A_27 = vector.multi_reduction <add>, %reduce_sum3A_25, %reduce_sum3A_26 [1, 2] : vector<1x4x1xf32> to vector<1xf32>
    %reduce_sum3A_28 = vector.shape_cast %reduce_sum3A_27 : vector<1xf32> to vector<1x1x1xf32>
    %reduce_sum3A_29 = vector.extract %reduce_sum3A_28[0, 0, 0] : f32 from vector<1x1x1xf32>
    %broadcast_in_dim3A_30 = vector.broadcast %reduce_sum3A_29 : f32 to vector<1x1xf32>
    %max3A_31 = arith.constant 1.000000e+00 : f32
    %max3A_32 = vector.broadcast %max3A_31 : f32 to vector<1x1xf32>
    %max3A_33 = arith.maximumf %broadcast_in_dim3A_30, %max3A_32 : vector<1x1xf32>
    %reduce_sum3A_34 = vector.shape_cast %broadcast_in_dim3A_14 : vector<4x1xf32> to vector<1x4x1xf32>
    %reduce_sum3A_35 = arith.constant dense<0.000000e+00> : vector<1xf32>
    %reduce_sum3A_36 = vector.multi_reduction <add>, %reduce_sum3A_34, %reduce_sum3A_35 [1, 2] : vector<1x4x1xf32> to vector<1xf32>
    %reduce_sum3A_37 = vector.shape_cast %reduce_sum3A_36 : vector<1xf32> to vector<1x1x1xf32>
    %reduce_sum3A_38 = vector.extract %reduce_sum3A_37[0, 0, 0] : f32 from vector<1x1x1xf32>
    %broadcast_in_dim3A_39 = vector.broadcast %reduce_sum3A_38 : f32 to vector<1x1xf32>
    %eq3A = arith.constant 0.000000e+00 : f32
    %eq3A_40 = vector.broadcast %eq3A : f32 to vector<1x1xf32>
    %eq3A_41 = arith.cmpf oeq, %broadcast_in_dim3A_39, %eq3A_40 : vector<1x1xf32>
    %div3A_42 = arith.divf %broadcast_in_dim3A_24, %max3A_33 : vector<1x1xf32>
    %jit3A_43 = arith.constant 0.000000e+00 : f32
    %broadcast_in_dim3A_44 = vector.broadcast %jit3A_43 : f32 to vector<1x1xf32>
    %select_n3A = arith.select %eq3A_41, %broadcast_in_dim3A_44, %div3A_42 : vector<1x1xi1>, vector<1x1xf32>
    %swap3A = arith.constant 0 : index
    %swap3A_45 = arith.constant 0 : index
    %swap3A_46 = vector.load %arg2[%swap3A, %swap3A_45] : memref<1x1xf32, #tpu.memory_space<vmem>>, vector<1x1xf32>
    tpu.vector_store %arg2[%swap3A, %swap3A_45], %select_n3A {strides = array<i32>} : memref<1x1xf32, #tpu.memory_space<vmem>>, vector<1x1xf32>,
    return
  }
}

</mosaic_0001>

<sc_bundles>
// kernel: kernel.4.cloned.1.call-start
scs
__scs_entry_jumppad:
0x0: {  	(pc) =	sbr.rel $0x88, $3  }
0x1: {  	(tag) =	ssettag $0x0;
	lr =	simm.s32 $0x1  }
0x2: {  	[smem:$0x3F9C] =	sst lr;
	_ =	strace $0xD0000000  }
0x3: {  	_ = 	snop  }
0x4: {  	_ = 	snop  }
0x5: {  	_ = 	snop  }
0x6: {  	_ = 	snop  }
0x7: {  	_ = 	snop  }
__scs_overlays_trampoline_lowered:
0x8: {  	[smem:$0x3FAB] =	sst s0  }
0x9: {  	[smem:$0x3FAC] =	sst s1  }
0xa: {  	[smem:$0x3FAD] =	sst s2  }
0xb: {  	[smem:$0x3FAE] =	sst s3  }
0xc: {  	[smem:$0x3FAF] =	sst s4  }
0xd: {  	[smem:$0x3FB0] =	sst s5  }
0xe: {  	[smem:$0x3FB1] =	sst s6  }
0xf: {  	[smem:$0x3FB2] =	sst s7  }
0x10: {  	[smem:$0x3FB3] =	sst s8  }
0x11: {  	[smem:$0x3FB4] =	sst s9;
	s0 =	simm.s32 @!p0 $0x0  }
0x12: {  	s1 =	sld [smem:$0x3F9A];
	s0 =	simm.s32 @p0 $0x1  }
0x13: {  	[smem:$0x3FB5] =	sst s0;
	s0 =	simm.s32 @!p1 $0x0  }
0x14: {  	s2 =	sld [smem:$0x3F99];
	s0 =	simm.s32 @p1 $0x1  }
0x15: {  	[smem:$0x3FB6] =	sst s0;
	s0 =	simm.s32 @!p2 $0x0  }
0x16: {  	s3 =	sld [smem:$0x3FDB];
	s0 =	simm.s32 @p2 $0x1  }
0x17: {  	s4 =	simm.s32 $0x1BF5;
	[smem:$0x3FB8] =	sst s0  }
0x18: {  	s0 =	sld [smem:$0x3F9B];
	_ =	swait.ge [sflag:s4], $0x0  }
0x19: {  	s7 =	sld [smem:$0x3F9C]  }
0x1a: {  	s8 =	sadd.s32 $0xFFFFE003, lr  }
0x1b: {  	s9 =	sadd.s32 $0xFFFFFEF7, lr;
	s5 =	simm.s32 $0xFFFFFFFF;
	p2 =	slt.u32 s8, $0xFFFFF086  }
0x1c: {  	p1 =	slt.u32 s9, $0xF7A;
	s5 =	simm.s32 @!p2 $0x0  }
0x1d: {  	s5 =	simm.s32 @p1 $0x1;
	p0 =	seq.s32 s7, s2  }
0x1e: {  	s7 =	smul.u32 @!p0 $0xF7A, s2;
	p2 =	seq.s32 @!p0 s5, $0x0  }
0x1f: {  	s9 =	smul.u32 $0xF7A, s1;
	s8 =	simm.s32 @!p0 $0x1BF5;
	p2 =	por !p2, p0  }
0x20: {  	[sflag:s8] =	ssyncset.s32 @!p0 $0xFFFFF086;
	s6 =	sadd.s32 @!p0 s3, s7;
	s7 =	simm.s32 @!p0 $0x108  }
0x21: {  	s3 =	sadd.s32 s3, s9;
	s6 =	sadd.s32 @!p0 $0x88, s6;
	s7 =	simm.s32 @p2 $0x1082  }
0x22: {  	[simem:s7], [sflag:s8] =	dma.local @!p0 [hbm:s6], $0xF7A  }
0x23: {  	s9 =	sor.u32 $0xD0000000, s2;
	s6 =	simm.s32 $0x108;
	_ =	swait.ge @!p0 [sflag:s8], $0x0  }
0x24: {  	s3 =	sadd.s32 $0x88, s3;
	s6 =	simm.s32 @!p1 $0x1082;
	[sflag:s4] =	ssyncset.s32 $0xFFFFF086  }
0x25: {  	[simem:s6], [sflag:s4] =	dma.local [hbm:s3], $0xF7A  }
0x26: {  	[smem:$0x3F9C] =	sst s1;
	(tag) =	ssettag s2;
	_ =	strace s9  }
0x27: {  	s1 =	sld [smem:$0x3FAC]  }
0x28: {  	s2 =	sld [smem:$0x3FAD]  }
0x29: {  	s4 =	sld [smem:$0x3FAF]  }
0x2a: {  	p0 =	seq.s32 s5, $0x0;
	s5 =	sld [smem:$0x3FB0]  }
0x2b: {  	s6 =	sld [smem:$0x3FB1]  }
0x2c: {  	s7 =	sld [smem:$0x3FB2]  }
0x2d: {  	s3 =	simm.s32 $0x108;
	s8 =	sld [smem:$0x3FB3]  }
0x2e: {  	s3 =	simm.s32 @!p0 $0x1082;
	s9 =	sld [smem:$0x3FB4]  }
0x2f: {  	lr =	sadd.s32 s0, s3;
	s0 =	sld [smem:$0x3FAB]  }
0x30: {  	s3 =	sld [smem:$0x3FAE]  }
0x31: {  	[smem:$0x3FB7] =	sst s10  }
0x32: {  	s10 =	sld [smem:$0x3FB5];
	_ =	sdelay $0x3  }
0x33: {  	p0 =	seq.s32 s10, $0x1;
	s10 =	sld [smem:$0x3FB7];
	_ =	sdelay $0x3  }
0x34: {  	[smem:$0x3FB7] =	sst s10  }
0x35: {  	s10 =	sld [smem:$0x3FB6];
	_ =	sdelay $0x3  }
0x36: {  	p1 =	seq.s32 s10, $0x1;
	s10 =	sld [smem:$0x3FB7];
	_ =	sdelay $0x3  }
0x37: {  	[smem:$0x3FB7] =	sst s10  }
0x38: {  	s10 =	sld [smem:$0x3FB8]  }
0x39: {  	_ = 	snop;
	(pc) =	sbr.ind lr, $3  }
0x3a: {  	_ = 	snop  }
0x3b: {  	_ = 	snop  }
0x3c: {  	p2 =	seq.s32 s10, $0x1;
	s10 =	sld [smem:$0x3FB7]  }
0x3d: {  	_ =	shalt  }
0x3e: {  	_ =	shalt  }
0x3f: {  	_ =	shalt  }
0x40: {  	_ =	shalt  }
0x41: {  	_ =	shalt  }
0x42: {  	_ =	shalt  }
0x43: {  	_ =	shalt  }
0x44: {  	_ =	shalt  }
0x45: {  	_ =	shalt  }
0x46: {  	_ =	shalt  }
0x47: {  	_ =	shalt  }
0x48: {  	_ =	shalt  }
0x49: {  	_ =	shalt  }
0x4a: {  	_ =	shalt  }
0x4b: {  	_ =	shalt  }
0x4c: {  	_ =	shalt  }
0x4d: {  	_ =	shalt  }
0x4e: {  	_ =	shalt  }
0x4f: {  	_ =	shalt  }
0x50: {  	_ =	shalt  }
0x51: {  	_ =	shalt  }
0x52: {  	_ =	shalt  }
0x53: {  	_ =	shalt  }
0x54: {  	_ =	shalt  }
0x55: {  	_ =	shalt  }
0x56: {  	_ =	shalt  }
0x57: {  	_ =	shalt  }
0x58: {  	_ =	shalt  }
0x59: {  	_ =	shalt  }
0x5a: {  	_ =	shalt  }
0x5b: {  	_ =	shalt  }
0x5c: {  	_ =	shalt  }
0x5d: {  	_ =	shalt  }
0x5e: {  	_ =	shalt  }
0x5f: {  	_ =	shalt  }
0x60: {  	_ =	shalt  }
0x61: {  	_ =	shalt  }
0x62: {  	_ =	shalt  }
0x63: {  	_ =	shalt  }
0x64: {  	_ =	shalt  }
0x65: {  	_ =	shalt  }
0x66: {  	_ =	shalt  }
0x67: {  	_ =	shalt  }
0x68: {  	_ =	shalt  }
0x69: {  	_ =	shalt  }
0x6a: {  	_ =	shalt  }
0x6b: {  	_ =	shalt  }
0x6c: {  	_ =	shalt  }
0x6d: {  	_ =	shalt  }
0x6e: {  	_ =	shalt  }
0x6f: {  	_ =	shalt  }
0x70: {  	_ =	shalt  }
0x71: {  	_ =	shalt  }
0x72: {  	_ =	shalt  }
0x73: {  	_ =	shalt  }
0x74: {  	_ =	shalt  }
0x75: {  	_ =	shalt  }
0x76: {  	_ =	shalt  }
0x77: {  	_ =	shalt  }
0x78: {  	_ =	shalt  }
0x79: {  	_ =	shalt  }
0x7a: {  	_ =	shalt  }
0x7b: {  	_ =	shalt  }
0x7c: {  	_ =	shalt  }
0x7d: {  	_ =	shalt  }
0x7e: {  	_ =	shalt  }
0x7f: {  	_ =	shalt  }
0x80: {  	_ =	shalt  }
0x81: {  	_ =	shalt  }
0x82: {  	_ =	shalt  }
0x83: {  	_ =	shalt  }
0x84: {  	_ =	shalt  }
0x85: {  	_ =	shalt  }
0x86: {  	_ =	shalt  }
0x87: {  	_ =	shalt  }
.Lfunc_end0:
.L_simem_size_0:
called_computation_lowered:
.L_overlay_start_0:
0x88: {  	s2 =	sld [smem:$0x3FD9]  }
0x89: {  	s3 =	sld [smem:$0x3FFE];
	_ =	sdelay $0x1  }
0x8a: {  	s1 =	srdreg.scid  }
0x8b: {  	s0 =	sand.u32 $0x1, s1  }
0x8c: {  	s17 =	sshll.u32 s0, $0xA;
	s2 =	sadd.s32 s3, s2  }
0x8d: {  	s2 =	sadd.s32 s2, s17  }
0x8e: {  	[smem:$0x3FC3] =	sst s2  }
0x8f: {  	_ = 	snop  }
0x90: {  	s2 =	sld [smem:$0x3FC9]  }
0x91: {  	s18 =	sld [smem:$0x3FC8]  }
0x92: {  	s4 =	sld [smem:$0x3FC6];
	(tm) =	ssettm $0x1  }
0x93: {  	s5 =	sld [smem:$0x3FFB];
	_ =	sdelay $0x3  }
0x94: {  	_ =	strace s5  }
0x95: {  	s5 =	sld [smem:$0x3FFC];
	_ =	sdelay $0x3  }
0x96: {  	_ =	strace s5  }
0x97: {  	s5 =	sld [smem:$0x3FFD];
	_ =	sdelay $0x3  }
0x98: {  	_ =	strace s5  }
0x99: {  	_ =	strace $0x8FFFFFFF  }
0x9a: {  	s19 =	sld [smem:$0x3FDB];
	_ =	sdelay $0x1  }
0x9b: {  	s6 =	simm.s32 $_scs_section_size  }
0x9c: {  	s7 =	simm.s32 $_size__tile_overlayer_lowered;
	s8 =	simm.s32 $_tile_overlayer_lowered  }
0x9d: {  	s22 =	simm.s32 $0x1BFF;
	s21 =	sshll.u32 s8, $0x1;
	s5 =	sadd.s32 s6, s19  }
0x9e: {  	s9 =	simm.s32 $0x0;
	s20 =	sshll.u32 s7, $0x1;
	s7 =	sadd.s32 s21, s5  }
0x9f: {  	[timem:s9], [sflag:s22] =	dma.local [hbm:s7], s20  }
0xa0: {  	_ =	swait.ge [sflag:s22], s20  }
0xa1: {  	s6 =	ssub.s32 $0x0, s20;
	[sflag:s22] =	ssyncset.done $0x0  }
0xa2: {  	[sflag:s22] =	ssyncadd.s32 s6;
	_ =	sdelay $0x1  }
0xa3: {  	s23 =	simm.s32 $0x1B8B  }
0xa4: {  	_ =	swait.ge [sflag:s23], $0x1  }
0xa5: {  	[sflag:s23] =	ssyncset.done $0x0  }
0xa6: {  	s25 =	simm.s32 $0x1B8E;
	s24 =	sld [smem:$0x3FFE];
	[sflag:s23] =	ssyncadd.s32 $0xFFFFFFFF  }
0xa7: {  	s26 =	simm.s32 $execute0_lowered;
	[smem:$0x3FD2] =	sst s25  }
0xa8: {  	s7 =	sshll.u32 s26, $0x1;
	_ =	strace $0x80000046;
	[dreg:$0x1] =	wrdreg $0xFFFFFFFF  }
0xa9: {  	s28 =	simm.s32 $_size_execute0_lowered;
	s5 =	sadd.s32 s5, s7;
	[dreg:$0x0] =	wrdreg $0x0  }
0xaa: {  	s7 =	sshll.u32 s28, $0x1;
	[dreg:$0x2] =	wrdreg s5  }
0xab: {  	[dreg:$0x3] =	wrdreg s7  }
0xac: {  	[dreg:$0x4] =	wrdreg $0xC0  }
0xad: {  	_ =	task [dreg:s9], $0x5FFFF  }
0xae: {  	[dreg:$0x1] =	wrdreg $0xFFFFFFFF  }
0xaf: {  	[dreg:$0x0] =	wrdreg $0x60  }
0xb0: {  	[dreg:$0x2] =	wrdreg s2  }
0xb1: {  	[dreg:$0x3] =	wrdreg s18  }
0xb2: {  	[dreg:$0x4] =	wrdreg s4  }
0xb3: {  	[dreg:$0x5] =	wrdreg s24  }
0xb4: {  	[dreg:$0x6] =	wrdreg $0x9  }
0xb5: {  	_ =	task.clear_ibuf [dreg:s9], $0x7FFFF;
	_ =	strace $0x90000046  }
0xb6: {  	s29 =	simm.s32 $0x9;
	_ =	strace $0x80000048  }
0xb7: {  	_ =	swait.ge [sflag:s29], $0x1  }
0xb8: {  	[sflag:s29] =	ssyncadd.s32 $0xFFFFFFFF  }
0xb9: {  	_ =	strace $0x90000048  }
0xba: {  	_ =	sfence  }
0xbb: {  	s30 =	sld [smem:$0x0];
	_ =	sdelay $0x2  }
0xbc: {  	s31 =	sshll.u32 s1, $0xD;
	s1 =	sshrl.u32 s1, $0x2  }
0xbd: {  	s3 =	sand.u32 $0x4000, s31;
	s1 =	sadd.s32 s1, s30  }
0xbe: {  	s0 =	sor.u32 s3, s0;
	s1 =	sshll.u32 s1, $0x11  }
0xbf: {  	s0 =	sor.u32 s1, s0  }
0xc0: {  	s0 =	sadd.s32 $0x8F2B, s0  }
0xc1: {  	[sflag:s0] =	ssyncadd.remote.s32 $0x1  }
0xc2: {  	_ =	sfence.sel $0xFFFF  }
0xc3: {  	[dreg:$0x0] =	wrdreg $0xFFFFFFFF;
	(pc) =	sbr.abs _section_cstart, $3  }
0xc4: {  	[dreg:$0x1] =	wrdreg $0xFFFFFFFF  }
0xc5: {  	_ =	task.clear_ibuf [dreg:s9], $0x2FFFF;
	_ =	strace $0x9FFFFFFF  }
0xc6: {  	(tm) =	ssettm $0x7FFFFFFF  }
0xc7: {  	_ =	shalt  }
tec
execute0_lowered:
.L_overlay_start_1:
0x0: {  	(tag) =	ssettag $0x1  }
0x1: {  	s1 =	rddreg [dreg:$0x0]  }
0x2: {  	s2 =	rddreg [dreg:$0x1]  }
0x3: {  	s0 =	rddreg [dreg:$0x2]  }
0x4: {  	s3 =	rddreg [dreg:$0x3]  }
0x5: {  	s4 =	simm.s32 $0x0;
	s5 =	srdreg.scid;
	s14 =	stileid.u32  }
0x6: {  	s28 =	simm.s32 $0x19000;
	s31 =	simm.s32 $0x0;
	[smem:$0x7FF] =	sst s4  }
0x7: {  	s5 =	sand.u32 $0x1, s5;
	s6 =	sshll.u32 s14, $0x1;
	s9 =	sadd.s32 $0xC00, s3  }
0x8: {  	p0 =	sgt.u32 s14, $0xD;
	_ =	strace $0x80000047;
	s8 =	sor.u32 s5, s6  }
0x9: {  	s20 =	ssub.s32 $0x2, s5;
	s5 =	sadd.s32 $0x7C00, s3;
	s7 =	sshll.u32 s8, $0x6  }
0xa: {  	s10 =	sshrl.u32 s20, $0x1;
	s6 =	sshll.u32 s8, $0xB;
	s11 =	sshll.u32 s8, $0x8  }
0xb: {  	s3 =	sadd.s32 s7, s3;
	s10 =	ssub.s32 s20, s10;
	s12 =	sshrl.u32 s6, $0x3  }
0xc: {  	s21 =	sadd.s32 s0, s11;
	s11 =	sadd.s32 s9, s11;
	s13 =	sor.u32 $0xA80000, s6  }
0xd: {  	s16 =	sor.u32 $0x1500000, s6;
	s19 =	sor.u32 $0x1F80000, s6;
	s7 =	sadd.s32 $0x8800, s3  }
0xe: {  	s8 =	sadd.s32 $0x9000, s3;
	[dreg:$0x5] =	wrdreg s21;
	s22 =	sadd.s32 $0x1C00, s12  }
0xf: {  	[dreg:$0x6] =	wrdreg s11;
	s24 =	sadd.s32 $0x3800, s12;
	s23 =	sadd.s32 s0, s22  }
0x10: {  	s29 =	sadd.s32 $0x5400, s12;
	s3 =	sadd.s32 s9, s22;
	[dreg:$0x7] =	wrdreg s23  }
0x11: {  	s20 =	smax.u32 s10, $0x1;
	s25 =	sadd.s32 s0, s24;
	[dreg:$0x8] =	wrdreg s3  }
.Ltmp0:
0x12: {  	s26 =	sadd.s32 s9, s24;
	[dreg:$0x9] =	wrdreg s25;
	(pc) =	sbr.rel .LBB2_1-.Ltmp0, $4  }
0x13: {  	s0 =	sadd.s32 s0, s29;
	s30 =	sadd.s32 s9, s29;
	[dreg:$0xa] =	wrdreg s26  }
0x14: {  	s22 =	simm.s32 $0x1;
	s24 =	simm.s32 $0x800;
	[dreg:$0xb] =	wrdreg s0  }
0x15: {  	[dreg:$0xc] =	wrdreg s30;
	s23 =	simm.s32 $0x18800;
	s25 =	simm.s32 $0xE000  }
0x16: {  	v0 =	vimm.f32 $0.0e+00;
	s26 =	simm.s32 $0xC000;
	s0 =	simm.s32 $0x1B400;
	s3 =	simm.s32 $0x1B600  }
.LBB2_27:
0x17: {  	[tilespmem:$0x1B400] =	vst v0  }
0x18: {  	[tilespmem:$0x1B480] =	vst v0  }
0x19: {  	[tilespmem:$0x1B500] =	vst v0  }
0x1a: {  	[tilespmem:$0x1B580] =	vst v0  }
0x1b: {  	[tilespmem:$0x1B600] =	vst v0  }
0x1c: {  	[tilespmem:$0x1B680] =	vst v0  }
0x1d: {  	[tilespmem:$0x1B700] =	vst v0  }
0x1e: {  	[tilespmem:$0x1B780] =	vst v0  }
.LBB2_28:
0x1f: {  	[hbm4b:s7+s4] =	stream.linear.scatter [tilespmem:s0], [sflag:$0x1], $0x200, $0x38;
	[tilespmem:$0x1B800] =	vst v63  }
0x20: {  	s31 =	sadd.s32 $0x1, s31;
	_ =	swait.ge [sflag:s22], $0x200  }
0x21: {  	p1 =	sne.s32 s31, s20;
	[sflag:s22] =	ssyncset.done $0x0  }
.Ltmp1:
0x22: {  	[sflag:s22] =	ssyncadd.s32 $0xFFFFFE00;
	(pc) =	sbr.rel @!p1 .LBB2_29-.Ltmp1, $4  }
0x23: {  	[hbm4b:s8+s4] =	stream.linear.scatter [tilespmem:s3], [sflag:$0x1], $0x200, $0x38;
	[tilespmem:$0x1B800] =	vst v63  }
0x24: {  	_ =	swait.ge [sflag:s22], $0x200  }
0x25: {  	[sflag:s22] =	ssyncset.done $0x0  }
0x26: {  	[sflag:s22] =	ssyncadd.s32 $0xFFFFFE00  }
.LBB2_1:
.Ltmp2:
0x27: {  	(pc) =	sbr.rel @p0 .LBB2_27-.Ltmp2, $1  }
0x28: {  	_ =	sdelay $0x3  }
0x29: {  	s0 =	simm.s32 $0x0;
	s3 =	rddreg [dreg:$0x5];
	s9 =	simm.s32 $0x18000  }
0x2a: {  	[tilespmem:s9], [sflag:$0x1] =	stream.linear.gather [hbm4b:s3+s0], $0x800, $0x38;
	[tilespmem:$0x1B800] =	vst v63  }
0x2b: {  	_ =	swait.ge [sflag:s22], $0x800  }
0x2c: {  	[sflag:s22] =	ssyncset.done $0x0  }
0x2d: {  	s30 =	rddreg [dreg:$0x6];
	[sflag:s22] =	ssyncadd.s32 $0xFFFFF800  }
0x2e: {  	[tilespmem:s23], [sflag:$0x1] =	stream.linear.gather [hbm4b:s30+s0], $0x800, $0x38;
	[tilespmem:$0x1B800] =	vst v63  }
0x2f: {  	_ =	swait.ge [sflag:s22], $0x800  }
0x30: {  	[sflag:s22] =	ssyncset.done $0x0  }
0x31: {  	s3 =	simm.s32 $0x0;
	[sflag:s22] =	ssyncadd.s32 $0xFFFFF800  }
.LBB2_3:
0x32: {  	s9 =	smul.u32 $0x150000, s3;
	_ =	sdelay $0x1  }
0x33: {  	s9 =	sor.u32 s6, s9  }
0x34: {  	s9 =	sshrl.u32 s9, $0x3  }
0x35: {  	s10 =	sadd.s32 s1, s9  }
0x36: {  	[tilespmem:s0], [sflag:$0x1] =	stream.strided.gather [hbm4b:s10+s24], $0xC000, s25, s24, $0x38;
	[tilespmem:$0x1B800] =	vst v63  }
0x37: {  	_ =	swait.ge [sflag:s22], $0xC000  }
0x38: {  	[sflag:s22] =	ssyncset.done $0x0  }
0x39: {  	s9 =	sadd.s32 s2, s9;
	[sflag:s22] =	ssyncadd.s32 $0xFFFF4000  }
0x3a: {  	[tilespmem:s26], [sflag:$0x1] =	stream.strided.gather [hbm4b:s9+s24], $0xC000, s25, s24, $0x38;
	[tilespmem:$0x1B800] =	vst v63  }
0x3b: {  	s17 =	smul.u32 $0x180, s3;
	_ =	swait.ge [sflag:s22], $0xC000  }
0x3c: {  	[sflag:s22] =	ssyncset.done $0x0  }
0x3d: {  	s9 =	sadd.s32 s5, s17;
	[sflag:s22] =	ssyncadd.s32 $0xFFFF4000  }
0x3e: {  	[tilespmem:s28], [sflag:$0x1] =	stream.linear.gather [hbm4b:s9+s0], $0xC00, $0x38;
	[tilespmem:$0x1B800] =	vst v63  }
0x3f: {  	_ =	swait.ge [sflag:s22], $0xC00  }
0x40: {  	[sflag:s22] =	ssyncset.done $0x0  }
0x41: {  	[sflag:s22] =	ssyncadd.s32 $0xFFFFF400  }
0x42: {  	v1 =	vld [tilespmem:$0x19800]  }
0x43: {  	s18 =	sand.u32 $0xFE, s0;
	v2 =	vld [tilespmem:$0x19780]  }
0x44: {  	s9 =	sshrl.u32 s18, $0x1;
	v3 =	vld [tilespmem:$0x19680]  }
0x45: {  	s9 =	smul.u32 $0x93, s9;
	v5 =	vld [tilespmem:$0x19480]  }
0x46: {  	v6 =	vld [tilespmem:$0x19600]  }
0x47: {  	s21 =	sshrl.u32 s9, $0xA;
	v7 =	vld [tilespmem:$0x19380]  }
0x48: {  	v8 =	vld [tilespmem:$0x19500];
	s10 =	smul.u32 $0xE, s21  }
0x49: {  	v9 =	vld [tilespmem:$0x19400]  }
0x4a: {  	v10 =	vld [tilespmem:$0x19300];
	s10 =	ssub.s32 $0x0, s10  }
0x4b: {  	s11 =	sshrl.u32 s9, $0x3;
	v12 =	vld [tilespmem:$0x19200];
	s12 =	sshll.u32 s10, $0x7  }
0x4c: {  	s9 =	sshrl.u32 s9, $0x2;
	s11 =	sand.u32 $0x380, s11;
	v13 =	vld [tilespmem:$0x19180];
	s12 =	sand.u32 $0x400, s12  }
0x4d: {  	s9 =	sand.u32 $0x800, s9;
	v14 =	vld [tilespmem:$0x19100];
	s10 =	sshll.u32 s10, $0x4;
	s14 =	sor.u32 s12, s11  }
0x4e: {  	v15 =	vld [tilespmem:$0x19000];
	s10 =	sand.u32 $0x70, s10;
	s12 =	sor.u32 s12, s9;
	s9 =	sor.u32 s9, s14  }
0x4f: {  	v16 =	vld [tilespmem:$0x19080];
	s11 =	sor.u32 s11, s12;
	s29 =	sor.u32 s10, s9  }
0x50: {  	s11 =	sor.u32 s10, s11;
	v17 =	vld [tilespmem:s29+$0x1000]  }
0x51: {  	v18 =	vld [tilespmem:s11+$0x800]  }
0x52: {  	v19 =	vld [tilespmem:s29+$0x1A400]  }
0x53: {  	v20 =	vld [tilespmem:s29+$0x0]  }
0x54: {  	v21 =	vld [tilespmem:s11+$0xC800]  }
0x55: {  	v22 =	vld [tilespmem:s29+$0x19C00]  }
0x56: {  	v23 =	vld [tilespmem:s29+$0xC000]  }
0x57: {  	v24 =	vld [tilespmem:s29+$0xD000]  }
0x58: {  	v27 =	vld [tilespmem:s11+$0x1800]  }
0x59: {  	v33 =	vld [tilespmem:s29+$0x1AC00]  }
0x5a: {  	v34 =	vld [tilespmem:s11+$0xD800]  }
0x5b: {  	p1 =	seq.s32 s3, $0x0;
	v25 =	vld [tilespmem:s29+$0x2000];
	v26 =	vmul.f32 v20, v20  }
0x5c: {  	v36 =	vld [tilespmem:s29+$0xE000];
	v19 =	vpsel p1, $0x0, v19;
	v16 =	vsub.f32 v21, v16;
	v28 =	vmul.f32 v18, v18  }
0x5d: {  	v11 =	vld [tilespmem:$0x19280];
	v15 =	vsub.f32 v23, v15;
	v14 =	vsub.f32 v24, v14;
	v35 =	vmul.f32 v17, v17  }
0x5e: {  	v29 =	vld [tilespmem:s29+$0x3000];
	v22 =	vpsel p1, $0x0, v22;
	v30 =	vmul.f32 v27, v27;
	v19 =	vadd.f32 v26, v19  }
0x5f: {  	v37 =	vld [tilespmem:s11+$0x2800];
	v21 =	vpsel p1, $0x0, v33;
	v13 =	vsub.f32 v34, v13;
	v20 =	vmul.f32 v15, v20  }
0x60: {  	v38 =	vld [tilespmem:s11+$0xE800];
	v39 =	vmul.f32 v25, v25;
	v15 =	vmul.f32 v15, v15;
	v19 =	vadd.f32 v28, v19  }
0x61: {  	v40 =	vld [tilespmem:s29+$0xF000];
	v12 =	vsub.f32 v36, v12;
	v18 =	vmul.f32 v16, v18;
	v20 =	vadd.f32 v20, v22  }
0x62: {  	v41 =	vld [tilespmem:s11+$0x3800];
	v16 =	vmul.f32 v16, v16;
	v15 =	vadd.f32 v15, v21;
	v19 =	vadd.f32 v35, v19  }
0x63: {  	v42 =	vld [tilespmem:s29+$0x4000];
	s10 =	sadd.s32 $0x4800, s11;
	v44 =	vmul.f32 v29, v29;
	v17 =	vmul.f32 v14, v17;
	v18 =	vadd.f32 v18, v20  }
0x64: {  	v51 =	vld [tilespmem:s10+$0xC000];
	v14 =	vmul.f32 v14, v14;
	v15 =	vadd.f32 v16, v15;
	v19 =	vadd.f32 v30, v19  }
0x65: {  	v50 =	vld [tilespmem:s29+$0x12000];
	v43 =	vmul.f32 v13, v27;
	v13 =	vmul.f32 v13, v13;
	v16 =	vadd.f32 v17, v18  }
0x66: {  	v20 =	vmul.f32 v37, v37;
	v17 =	vld [tilespmem:s29+$0x10000];
	v14 =	vadd.f32 v14, v15;
	v19 =	vadd.f32 v39, v19  }
0x67: {  	v52 =	vld [tilespmem:s29+$0x8000];
	v11 =	vsub.f32 v38, v11;
	v10 =	vsub.f32 v40, v10;
	v46 =	vmul.f32 v41, v41  }
0x68: {  	v48 =	vmul.f32 v42, v42;
	v13 =	vadd.f32 v13, v14;
	v14 =	vld [tilespmem:s29+$0x11000];
	v18 =	vadd.f32 v20, v19  }
0x69: {  	v5 =	vsub.f32 v51, v5;
	v15 =	vld [tilespmem:s11+$0x4800];
	v16 =	vadd.f32 v43, v16;
	v19 =	vmul.f32 v12, v25  }
0x6a: {  	v22 =	vsub.f32 v50, v6;
	v20 =	vld [tilespmem:s11+$0xF800];
	v12 =	vmul.f32 v12, v12;
	v18 =	vadd.f32 v44, v18  }
0x6b: {  	v45 =	vld [tilespmem:s29+$0x5000];
	v47 =	vmul.f32 v11, v37;
	v9 =	vsub.f32 v17, v9;
	v16 =	vadd.f32 v19, v16  }
0x6c: {  	v4 =	vld [tilespmem:$0x19700];
	v11 =	vmul.f32 v11, v11;
	v12 =	vadd.f32 v12, v13;
	v18 =	vadd.f32 v46, v18  }
0x6d: {  	v57 =	vmul.f32 v52, v52;
	v13 =	vld [tilespmem:s11+$0x5800];
	v8 =	vsub.f32 v14, v8;
	v16 =	vadd.f32 v47, v16  }
0x6e: {  	v49 =	vld [tilespmem:s29+$0x7000];
	v11 =	vadd.f32 v11, v12;
	v17 =	vadd.f32 v48, v18;
	v18 =	vmul.f32 v15, v15  }
0x6f: {  	s12 =	sadd.s32 $0x5800, s11;
	v19 =	vld [tilespmem:s29+$0x6000];
	v12 =	vmul.f32 v10, v29;
	v10 =	vmul.f32 v10, v10;
	v7 =	vsub.f32 v20, v7  }
0x70: {  	v54 =	vld [tilespmem:s12+$0xC000];
	v14 =	vmul.f32 v45, v45;
	v53 =	vmul.f32 v9, v42;
	v17 =	vadd.f32 v18, v17  }
0x71: {  	v12 =	vadd.f32 v12, v16;
	v16 =	vld [tilespmem:s11+$0x6800];
	v10 =	vadd.f32 v10, v11;
	v11 =	vmul.f32 v7, v41  }
0x72: {  	v7 =	vmul.f32 v7, v7;
	v18 =	vld [tilespmem:$0x19580];
	v14 =	vadd.f32 v14, v17;
	v17 =	vmul.f32 v13, v13  }
0x73: {  	v60 =	vld [tilespmem:$0x19980];
	v9 =	vmul.f32 v9, v9;
	v20 =	vmul.f32 v49, v49;
	v11 =	vadd.f32 v11, v12  }
0x74: {  	v12 =	vld [tilespmem:s11+$0x7800];
	v7 =	vadd.f32 v7, v10;
	v6 =	vadd.f32 v17, v14;
	v14 =	vmul.f32 v19, v19  }
0x75: {  	v10 =	vadd.f32 v53, v11;
	v11 =	vmul.f32 v5, v15;
	v15 =	vld [tilespmem:s29+$0x14000];
	v5 =	vmul.f32 v5, v5  }
0x76: {  	v7 =	vadd.f32 v9, v7;
	v17 =	vld [tilespmem:s29+$0x13000];
	v6 =	vadd.f32 v14, v6;
	v14 =	vmul.f32 v16, v16  }
0x77: {  	s14 =	sadd.s32 $0x6800, s11;
	v56 =	vmul.f32 v8, v45;
	v9 =	vsub.f32 v54, v18;
	v18 =	vld [tilespmem:s11+$0x8800];
	v10 =	vadd.f32 v11, v10  }
0x78: {  	v8 =	vmul.f32 v8, v8;
	v7 =	vadd.f32 v5, v7;
	v6 =	vadd.f32 v14, v6;
	v14 =	vld [tilespmem:s14+$0xC000]  }
0x79: {  	v55 =	vld [tilespmem:s29+$0x9000];
	s15 =	sadd.s32 $0x7800, s11;
	v19 =	vmul.f32 v22, v19;
	v13 =	vmul.f32 v9, v13;
	v10 =	vadd.f32 v56, v10  }
0x7a: {  	v7 =	vadd.f32 v8, v7;
	v8 =	vmul.f32 v9, v9;
	v6 =	vadd.f32 v20, v6;
	v20 =	vld [tilespmem:s15+$0xC000]  }
0x7b: {  	v5 =	vld [tilespmem:s29+$0xB000];
	v11 =	vmul.f32 v12, v12;
	v15 =	vsub.f32 v15, v1;
	v9 =	vsub.f32 v17, v4  }
0x7c: {  	v17 =	vld [tilespmem:s29+$0x15000];
	v10 =	vadd.f32 v13, v10;
	v13 =	vmul.f32 v22, v22;
	v7 =	vadd.f32 v8, v7  }
0x7d: {  	v8 =	vld [tilespmem:s11+$0x9800];
	v58 =	vmul.f32 v18, v18;
	v11 =	vadd.f32 v11, v6;
	v14 =	vsub.f32 v14, v3  }
0x7e: {  	v61 =	vmul.f32 v15, v52;
	v15 =	vmul.f32 v15, v15;
	v10 =	vadd.f32 v19, v10;
	v6 =	vld [tilespmem:s29+$0xA000]  }
0x7f: {  	s17 =	sadd.s32 $0x8800, s11;
	v11 =	vadd.f32 v57, v11;
	v16 =	vmul.f32 v14, v16;
	v2 =	vsub.f32 v20, v2;
	v20 =	vld [tilespmem:$0x19900]  }
0x80: {  	v19 =	vmul.f32 v55, v55;
	v7 =	vadd.f32 v13, v7;
	v13 =	vmul.f32 v14, v14;
	v14 =	vld [tilespmem:s17+$0xC000]  }
0x81: {  	v59 =	vmul.f32 v9, v49;
	v11 =	vadd.f32 v58, v11;
	v10 =	vadd.f32 v16, v10;
	v16 =	vld [tilespmem:$0x19880]  }
0x82: {  	v1 =	vld [tilespmem:s11+$0xA800];
	v9 =	vmul.f32 v9, v9;
	v12 =	vmul.f32 v2, v12;
	v7 =	vadd.f32 v13, v7  }
0x83: {  	s18 =	sadd.s32 $0x9800, s11;
	v4 =	vld [tilespmem:s29+$0x16000];
	v13 =	vmul.f32 v8, v8;
	v11 =	vadd.f32 v19, v11;
	v10 =	vadd.f32 v59, v10  }
0x84: {  	v2 =	vmul.f32 v2, v2;
	v19 =	vadd.f32 v9, v7;
	v9 =	vsub.f32 v17, v20;
	v20 =	vld [tilespmem:s18+$0xC000]  }
0x85: {  	v7 =	vld [tilespmem:s29+$0x17000];
	v10 =	vadd.f32 v12, v10;
	v12 =	vadd.f32 v13, v11;
	v13 =	vmul.f32 v6, v6  }
0x86: {  	v3 =	vmul.f32 v5, v5;
	v17 =	vadd.f32 v2, v19;
	v2 =	vld [tilespmem:s11+$0xB800];
	v16 =	vsub.f32 v14, v16  }
0x87: {  	v63 =	vmul.f32 v1, v1;
	v11 =	vld [tilespmem:$0x19A00];
	v14 =	vadd.f32 v61, v10;
	v62 =	vadd.f32 v13, v12  }
0x88: {  	s21 =	sadd.s32 $0xA800, s11;
	v17 =	vadd.f32 v15, v17;
	v10 =	vld [tilespmem:$0x19A80];
	v18 =	vmul.f32 v16, v18;
	v19 =	vmul.f32 v16, v16  }
0x89: {  	s30 =	simm.s32 $0x1;
	s9 =	sadd.s32 $0xB800, s11;
	v13 =	vmul.f32 v9, v55;
	v12 =	vld [tilespmem:s21+$0xC000];
	v16 =	vsub.f32 v20, v60;
	v15 =	vadd.f32 v63, v62  }
.LBB2_4:
0x8a: {  	p2 =	sne.s32 s30, $0x6F;
	v14 =	vadd.f32 v18, v14;
	v17 =	vadd.f32 v19, v17;
	v9 =	vmul.f32 v9, v9;
	s10 =	smov.u32 s30;
	s30 =	sadd.s32 $0x1, s30  }
0x8b: {  	v8 =	vmul.f32 v16, v8;
	v18 =	vld [tilespmem:$0x19B00];
	v3 =	vadd.f32 v3, v15;
	v15 =	vmul.f32 v2, v2  }
0x8c: {  	v16 =	vmul.f32 v16, v16;
	v9 =	vadd.f32 v9, v17;
	v4 =	vsub.f32 v4, v11;
	v11 =	vld [tilespmem:$0x19B80]  }
0x8d: {  	v13 =	vadd.f32 v13, v14;
	v14 =	vld [tilespmem:s9+$0xC000];
	v3 =	vadd.f32 v15, v3  }
0x8e: {  	v9 =	vadd.f32 v16, v9;
	v15 =	vmul.f32 v4, v4;
	v10 =	vsub.f32 v12, v10  }
0x8f: {  	v8 =	vadd.f32 v8, v13;
	v4 =	vmul.f32 v4, v6;
	[tilespmem:s29+$0x1A400] =	vst v3  }
0x90: {  	v3 =	vadd.f32 v15, v9;
	v6 =	vmul.f32 v10, v10;
	v7 =	vsub.f32 v7, v18  }
0x91: {  	v4 =	vadd.f32 v4, v8;
	v1 =	vmul.f32 v10, v1  }
0x92: {  	v3 =	vadd.f32 v6, v3;
	v6 =	vmul.f32 v7, v7;
	v8 =	vsub.f32 v14, v11  }
0x93: {  	v1 =	vadd.f32 v1, v4;
	v4 =	vmul.f32 v7, v5  }
0x94: {  	v3 =	vadd.f32 v6, v3;
	v5 =	vmul.f32 v8, v8  }
0x95: {  	v1 =	vadd.f32 v4, v1;
	v2 =	vmul.f32 v8, v2  }
0x96: {  	v3 =	vadd.f32 v5, v3  }
0x97: {  	v1 =	vadd.f32 v2, v1  }
0x98: {  	[tilespmem:s29+$0x1AC00] =	vst v3  }
0x99: {  	[tilespmem:s29+$0x19C00] =	vst v1;
	_ =	sdelay $0x1  }
0x9a: {  	v1 =	vld [tilespmem:$0x19800]  }
0x9b: {  	v2 =	vld [tilespmem:$0x19780]  }
0x9c: {  	v3 =	vld [tilespmem:$0x19680]  }
0x9d: {  	v4 =	vld [tilespmem:$0x19700]  }
0x9e: {  	s9 =	sand.u32 $0xFE, s10;
	v5 =	vld [tilespmem:$0x19580]  }
0x9f: {  	s9 =	sshrl.u32 s9, $0x1;
	v6 =	vld [tilespmem:$0x19480]  }
0xa0: {  	s9 =	smul.u32 $0x93, s9;
	v7 =	vld [tilespmem:$0x19600]  }
0xa1: {  	v8 =	vld [tilespmem:$0x19380]  }
0xa2: {  	s11 =	sshrl.u32 s9, $0xA;
	s12 =	sshrl.u32 s9, $0x2;
	s9 =	sshrl.u32 s9, $0x3;
	v9 =	vld [tilespmem:$0x19500]  }
0xa3: {  	s11 =	smul.u32 $0xE, s11;
	v10 =	vld [tilespmem:$0x19400]  }
0xa4: {  	v11 =	vld [tilespmem:$0x19300]  }
0xa5: {  	s10 =	ssub.s32 s10, s11;
	v12 =	vld [tilespmem:$0x19280]  }
0xa6: {  	s11 =	sshll.u32 s10, $0x4;
	s10 =	sshll.u32 s10, $0x7;
	v13 =	vld [tilespmem:$0x19200]  }
0xa7: {  	s12 =	sand.u32 $0x800, s12;
	s9 =	sand.u32 $0x380, s9;
	s10 =	sand.u32 $0x400, s10;
	v14 =	vld [tilespmem:$0x19180]  }
0xa8: {  	s14 =	sor.u32 s10, s9;
	s10 =	sor.u32 s10, s12;
	v15 =	vld [tilespmem:$0x19100]  }
0xa9: {  	s11 =	sand.u32 $0x70, s11;
	s12 =	sor.u32 s12, s14;
	s9 =	sor.u32 s9, s10;
	v16 =	vld [tilespmem:$0x19000]  }
0xaa: {  	s29 =	sor.u32 s11, s12;
	s10 =	sor.u32 s11, s9;
	v17 =	vld [tilespmem:$0x19080]  }
0xab: {  	s21 =	sadd.s32 $0x4800, s10;
	s18 =	sadd.s32 $0x5800, s10;
	s17 =	sadd.s32 $0x6800, s10;
	v18 =	vld [tilespmem:s29+$0x1000]  }
0xac: {  	s15 =	sadd.s32 $0x7800, s10;
	s14 =	sadd.s32 $0x8800, s10;
	s12 =	sadd.s32 $0x9800, s10;
	v19 =	vld [tilespmem:s10+$0x800]  }
0xad: {  	s11 =	sadd.s32 $0xA800, s10;
	s9 =	sadd.s32 $0xB800, s10;
	v20 =	vld [tilespmem:s29+$0x1A400]  }
0xae: {  	v21 =	vld [tilespmem:s29+$0x19C00]  }
0xaf: {  	v22 =	vld [tilespmem:s29+$0x0]  }
0xb0: {  	v23 =	vld [tilespmem:s10+$0xC800]  }
0xb1: {  	v24 =	vld [tilespmem:s29+$0xC000]  }
0xb2: {  	v25 =	vld [tilespmem:s29+$0xD000]  }
0xb3: {  	v21 =	vpsel p1, $0x0, v21;
	v26 =	vld [tilespmem:s29+$0x2000]  }
0xb4: {  	v20 =	vpsel p1, $0x0, v20;
	v27 =	vmul.f32 v22, v22;
	v28 =	vld [tilespmem:s10+$0x1800]  }
0xb5: {  	v29 =	vld [tilespmem:s29+$0x1AC00];
	v17 =	vsub.f32 v23, v17;
	v23 =	vmul.f32 v19, v19  }
0xb6: {  	v16 =	vsub.f32 v24, v16;
	v20 =	vadd.f32 v27, v20;
	v24 =	vld [tilespmem:s10+$0xD800]  }
0xb7: {  	v19 =	vmul.f32 v17, v19;
	v15 =	vsub.f32 v25, v15;
	v25 =	vmul.f32 v18, v18;
	v27 =	vld [tilespmem:s29+$0xE000]  }
0xb8: {  	v22 =	vmul.f32 v16, v22;
	v16 =	vmul.f32 v16, v16;
	v20 =	vadd.f32 v23, v20;
	v23 =	vld [tilespmem:s29+$0x3000]  }
0xb9: {  	v18 =	vmul.f32 v15, v18;
	v30 =	vmul.f32 v28, v28;
	v31 =	vld [tilespmem:s10+$0x2800]  }
0xba: {  	v17 =	vmul.f32 v17, v17;
	v21 =	vadd.f32 v22, v21;
	v20 =	vadd.f32 v25, v20;
	v22 =	vld [tilespmem:s10+$0xE800]  }
0xbb: {  	v15 =	vmul.f32 v15, v15;
	v25 =	vpsel p1, $0x0, v29;
	v14 =	vsub.f32 v24, v14;
	v24 =	vld [tilespmem:s29+$0x4000]  }
0xbc: {  	v20 =	vadd.f32 v30, v20;
	v13 =	vsub.f32 v27, v13;
	v27 =	vmul.f32 v26, v26;
	v29 =	vld [tilespmem:s29+$0xF000]  }
0xbd: {  	v16 =	vadd.f32 v16, v25;
	v19 =	vadd.f32 v19, v21;
	v21 =	vmul.f32 v14, v28;
	v25 =	vld [tilespmem:s10+$0x3800]  }
0xbe: {  	v28 =	vmul.f32 v23, v23;
	v20 =	vadd.f32 v27, v20;
	v27 =	vmul.f32 v31, v31;
	v30 =	vld [tilespmem:s29+$0x5000]  }
0xbf: {  	v16 =	vadd.f32 v17, v16;
	v14 =	vmul.f32 v14, v14;
	v17 =	vadd.f32 v18, v19;
	v18 =	vld [tilespmem:s29+$0x10000]  }
0xc0: {  	v19 =	vmul.f32 v13, v26;
	v12 =	vsub.f32 v22, v12;
	v20 =	vadd.f32 v27, v20;
	v22 =	vld [tilespmem:s29+$0x6000]  }
0xc1: {  	v15 =	vadd.f32 v15, v16;
	v11 =	vsub.f32 v29, v11;
	v16 =	vld [tilespmem:s10+$0x4800]  }
0xc2: {  	v13 =	vmul.f32 v13, v13;
	v20 =	vadd.f32 v28, v20;
	v26 =	vld [tilespmem:s10+$0xF800];
	v27 =	vmul.f32 v25, v25  }
0xc3: {  	v17 =	vadd.f32 v21, v17;
	v14 =	vadd.f32 v14, v15;
	v15 =	vmul.f32 v12, v31;
	v21 =	vld [tilespmem:s29+$0x11000]  }
0xc4: {  	v20 =	vadd.f32 v27, v20;
	v10 =	vsub.f32 v18, v10;
	v18 =	vmul.f32 v24, v24;
	v27 =	vld [tilespmem:s29+$0x7000]  }
0xc5: {  	v12 =	vmul.f32 v12, v12;
	v17 =	vadd.f32 v19, v17;
	v13 =	vadd.f32 v13, v14;
	v14 =	vld [tilespmem:s10+$0x5800]  }
0xc6: {  	v19 =	vmul.f32 v11, v11;
	v18 =	vadd.f32 v18, v20;
	v20 =	vmul.f32 v16, v16;
	v28 =	vld [tilespmem:s29+$0x12000]  }
0xc7: {  	v11 =	vmul.f32 v11, v23;
	v15 =	vadd.f32 v15, v17;
	v12 =	vadd.f32 v12, v13;
	v13 =	vld [tilespmem:s21+$0xC000]  }
0xc8: {  	v17 =	vadd.f32 v20, v18;
	v9 =	vsub.f32 v21, v9;
	v18 =	vmul.f32 v30, v30;
	v20 =	vld [tilespmem:s29+$0x8000]  }
0xc9: {  	v11 =	vadd.f32 v11, v15;
	v8 =	vsub.f32 v26, v8;
	v15 =	vld [tilespmem:s10+$0x6800];
	v21 =	vmul.f32 v27, v27  }
0xca: {  	v12 =	vadd.f32 v19, v12;
	v17 =	vadd.f32 v18, v17;
	v18 =	vmul.f32 v14, v14;
	v19 =	vld [tilespmem:s29+$0x13000]  }
0xcb: {  	v24 =	vmul.f32 v10, v24;
	v23 =	vmul.f32 v8, v25;
	v25 =	vld [tilespmem:s18+$0xC000];
	v7 =	vsub.f32 v28, v7  }
0xcc: {  	v8 =	vmul.f32 v8, v8;
	v17 =	vadd.f32 v18, v17;
	v18 =	vmul.f32 v22, v22;
	v26 =	vld [tilespmem:s29+$0x9000]  }
0xcd: {  	v10 =	vmul.f32 v10, v10;
	v11 =	vadd.f32 v23, v11;
	v6 =	vsub.f32 v13, v6;
	v13 =	vld [tilespmem:s10+$0x7800]  }
0xce: {  	v8 =	vadd.f32 v8, v12;
	v12 =	vadd.f32 v18, v17;
	v17 =	vmul.f32 v15, v15;
	v18 =	vld [tilespmem:s29+$0x14000]  }
0xcf: {  	v11 =	vadd.f32 v24, v11;
	v16 =	vmul.f32 v6, v16;
	v23 =	vmul.f32 v6, v6;
	v6 =	vld [tilespmem:s29+$0xA000]  }
0xd0: {  	v24 =	vmul.f32 v9, v30;
	v28 =	vld [tilespmem:s17+$0xC000];
	v12 =	vadd.f32 v17, v12;
	v17 =	vmul.f32 v20, v20  }
0xd1: {  	v8 =	vadd.f32 v10, v8;
	v9 =	vmul.f32 v9, v9;
	v10 =	vsub.f32 v25, v5;
	v25 =	vld [tilespmem:s10+$0x8800]  }
0xd2: {  	v11 =	vadd.f32 v16, v11;
	v12 =	vadd.f32 v21, v12;
	v16 =	vmul.f32 v13, v13;
	v21 =	vld [tilespmem:s29+$0x15000]  }
0xd3: {  	v8 =	vadd.f32 v23, v8;
	v14 =	vmul.f32 v10, v14;
	v5 =	vld [tilespmem:s29+$0xB000]  }
0xd4: {  	v22 =	vmul.f32 v7, v22;
	v11 =	vadd.f32 v24, v11;
	v23 =	vld [tilespmem:s15+$0xC000];
	v12 =	vadd.f32 v16, v12  }
0xd5: {  	v8 =	vadd.f32 v9, v8;
	v9 =	vmul.f32 v10, v10;
	v10 =	vsub.f32 v19, v4;
	v4 =	vld [tilespmem:s29+$0x16000]  }
0xd6: {  	v11 =	vadd.f32 v14, v11;
	v14 =	vmul.f32 v7, v7;
	v12 =	vadd.f32 v17, v12;
	v7 =	vld [tilespmem:s29+$0x17000]  }
0xd7: {  	v9 =	vadd.f32 v9, v8;
	v16 =	vsub.f32 v28, v3;
	v17 =	vmul.f32 v25, v25;
	v8 =	vld [tilespmem:s10+$0x9800]  }
0xd8: {  	v19 =	vmul.f32 v26, v26;
	v11 =	vadd.f32 v22, v11;
	v3 =	vmul.f32 v5, v5  }
0xd9: {  	v22 =	vmul.f32 v10, v27;
	v15 =	vmul.f32 v16, v15;
	v2 =	vsub.f32 v23, v2;
	v23 =	vld [tilespmem:$0x19900]  }
0xda: {  	v9 =	vadd.f32 v14, v9;
	v14 =	vmul.f32 v16, v16;
	v12 =	vadd.f32 v17, v12;
	v16 =	vld [tilespmem:s14+$0xC000]  }
0xdb: {  	v11 =	vadd.f32 v15, v11;
	v15 =	vsub.f32 v18, v1;
	v13 =	vmul.f32 v2, v13;
	v17 =	vld [tilespmem:$0x19880]  }
0xdc: {  	v10 =	vmul.f32 v10, v10;
	v9 =	vadd.f32 v14, v9;
	v12 =	vadd.f32 v19, v12;
	v1 =	vld [tilespmem:s10+$0xA800]  }
0xdd: {  	v11 =	vadd.f32 v22, v11;
	v2 =	vmul.f32 v2, v2;
	v14 =	vmul.f32 v8, v8;
	v22 =	vld [tilespmem:$0x19980]  }
0xde: {  	v10 =	vadd.f32 v10, v9;
	v18 =	vmul.f32 v15, v20;
	v9 =	vsub.f32 v21, v23;
	v20 =	vld [tilespmem:s12+$0xC000]  }
.Ltmp3:
0xdf: {  	v11 =	vadd.f32 v13, v11;
	v13 =	vmul.f32 v6, v6;
	v12 =	vadd.f32 v14, v12;
	(pc) =	sbr.rel @p2 .LBB2_4-.Ltmp3, $4  }
0xe0: {  	v15 =	vmul.f32 v15, v15;
	v10 =	vadd.f32 v2, v10;
	v16 =	vsub.f32 v16, v17;
	v2 =	vld [tilespmem:s10+$0xB800]  }
0xe1: {  	v14 =	vadd.f32 v18, v11;
	v21 =	vadd.f32 v13, v12;
	v11 =	vld [tilespmem:$0x19A00];
	v23 =	vmul.f32 v1, v1  }
0xe2: {  	v17 =	vadd.f32 v15, v10;
	v18 =	vmul.f32 v16, v25;
	v19 =	vmul.f32 v16, v16;
	v10 =	vld [tilespmem:$0x19A80]  }
0xe3: {  	v13 =	vmul.f32 v9, v26;
	v16 =	vsub.f32 v20, v22;
	v12 =	vld [tilespmem:s11+$0xC000];
	v15 =	vadd.f32 v23, v21  }
0xe4: {  	v17 =	vadd.f32 v19, v17;
	v9 =	vmul.f32 v9, v9  }
0xe5: {  	v14 =	vadd.f32 v18, v14;
	v50 =	vld [tilespmem:$0x19B00]  }
0xe6: {  	v52 =	vld [tilespmem:$0x19B80];
	v51 =	vmul.f32 v16, v16;
	v9 =	vadd.f32 v9, v17;
	v4 =	vsub.f32 v4, v11  }
0xe7: {  	v53 =	vld [tilespmem:s9+$0xC000];
	v8 =	vmul.f32 v16, v8;
	v13 =	vadd.f32 v13, v14  }
0xe8: {  	v9 =	vadd.f32 v51, v9;
	v54 =	vmul.f32 v4, v4;
	v10 =	vsub.f32 v12, v10  }
0xe9: {  	v8 =	vadd.f32 v8, v13;
	v4 =	vmul.f32 v4, v6  }
0xea: {  	v7 =	vsub.f32 v7, v50;
	v55 =	vadd.f32 v54, v9;
	v56 =	vmul.f32 v10, v10  }
0xeb: {  	v3 =	vadd.f32 v3, v15;
	v4 =	vadd.f32 v4, v8;
	v1 =	vmul.f32 v10, v1  }
0xec: {  	v58 =	vsub.f32 v53, v52;
	v57 =	vmul.f32 v7, v7;
	v6 =	vadd.f32 v56, v55  }
0xed: {  	s3 =	sadd.s32 $0x1, s3;
	v59 =	vmul.f32 v2, v2;
	v60 =	vmul.f32 v7, v5;
	v1 =	vadd.f32 v1, v4  }
0xee: {  	p1 =	sne.s32 s3, $0x8;
	v62 =	vmul.f32 v58, v58;
	v61 =	vadd.f32 v57, v6  }
.Ltmp4:
0xef: {  	v3 =	vadd.f32 v59, v3;
	v2 =	vmul.f32 v58, v2;
	v1 =	vadd.f32 v60, v1;
	(pc) =	sbr.rel @p1 .LBB2_3-.Ltmp4, $4  }
0xf0: {  	v63 =	vadd.f32 v62, v61  }
0xf1: {  	[tilespmem:s29+$0x1A400] =	vst v3;
	v1 =	vadd.f32 v2, v1  }
0xf2: {  	[tilespmem:s29+$0x1AC00] =	vst v63  }
0xf3: {  	[tilespmem:s29+$0x19C00] =	vst v1  }
0xf4: {  	s0 =	simm.s32 $0x0  }
0xf5: {  	s0 =	sand.u32 $0xFE, s0  }
0xf6: {  	s0 =	sshrl.u32 s0, $0x1  }
0xf7: {  	s0 =	smul.u32 $0x93, s0;
	_ =	sdelay $0x1  }
0xf8: {  	s3 =	sshrl.u32 s0, $0xA  }
0xf9: {  	s3 =	smul.u32 $0xE, s3;
	_ =	sdelay $0x1  }
0xfa: {  	s3 =	ssub.s32 $0x0, s3  }
0xfb: {  	s9 =	sshrl.u32 s0, $0x2;
	s10 =	sshll.u32 s3, $0x7  }
0xfc: {  	s0 =	sshrl.u32 s0, $0x3;
	s9 =	sand.u32 $0x800, s9;
	s10 =	sand.u32 $0x400, s10  }
0xfd: {  	s0 =	sand.u32 $0x380, s0;
	s3 =	sshll.u32 s3, $0x4;
	s9 =	sor.u32 s10, s9  }
0xfe: {  	s3 =	sand.u32 $0x70, s3;
	s0 =	sor.u32 s0, s9  }
0xff: {  	s10 =	sor.u32 s3, s0  }
0x100: {  	s11 =	simm.s32 $0x1;
	v2 =	vld [tilespmem:s10+$0x1AC00]  }
0x101: {  	s0 =	sand.u32 $0xFE, s11;
	v1 =	vld [tilespmem:s10+$0x1A400]  }
0x102: {  	s0 =	sshrl.u32 s0, $0x1  }
0x103: {  	s0 =	smul.u32 $0x93, s0;
	_ =	sdelay $0x1  }
0x104: {  	s12 =	sshrl.u32 s0, $0xA;
	v2 =	vmax.f32 v2, $1.000000020e-16  }
0x105: {  	s3 =	smul.u32 $0xE, s12;
	v1 =	vmax.f32 v1, $1.000000020e-16;
	v4 =	vshra.s32 v2, $0x1;
	v2 =	vmul.f32 $5.000000000e-01, v2  }
0x106: {  	v3 =	vshra.s32 v1, $0x1;
	v1 =	vmul.f32 $5.000000000e-01, v1;
	v4 =	vsub.s32 $0x5F3759DF, v4  }
0x107: {  	s3 =	ssub.s32 $0x1, s3;
	v3 =	vsub.s32 $0x5F3759DF, v3;
	v6 =	vmul.f32 v4, v2  }
0x108: {  	s14 =	simm.s32 $0x2;
	s11 =	sshrl.u32 s0, $0x2;
	s12 =	sshll.u32 s3, $0x7;
	v5 =	vmul.f32 v3, v1  }
0x109: {  	s0 =	sshrl.u32 s0, $0x3;
	s11 =	sand.u32 $0x800, s11;
	s12 =	sand.u32 $0x400, s12;
	v6 =	vmul.f32 v4, v6  }
0x10a: {  	s0 =	sand.u32 $0x380, s0;
	s3 =	sshll.u32 s3, $0x4;
	s11 =	sor.u32 s12, s11;
	v5 =	vmul.f32 v3, v5  }
0x10b: {  	s9 =	sand.u32 $0xFE, s14;
	s3 =	sand.u32 $0x70, s3;
	s0 =	sor.u32 s0, s11;
	v6 =	vsub.f32 $1.500000000e+00, v6  }
0x10c: {  	s15 =	sshrl.u32 s9, $0x1;
	s0 =	sor.u32 s3, s0;
	v5 =	vsub.f32 $1.500000000e+00, v5  }
0x10d: {  	s3 =	smul.u32 $0x93, s15;
	v7 =	vld [tilespmem:s0+$0x1A400];
	v6 =	vmul.f32 v4, v6  }
0x10e: {  	v5 =	vmul.f32 v3, v5;
	v3 =	vld [tilespmem:s0+$0x1AC00]  }
0x10f: {  	s17 =	sshrl.u32 s3, $0xA;
	v8 =	vmul.f32 v6, v2  }
0x110: {  	s9 =	smul.u32 $0xE, s17;
	v4 =	vmul.f32 v5, v1  }
0x111: {  	v8 =	vmul.f32 v8, v6  }
0x112: {  	s9 =	ssub.s32 $0x2, s9;
	v7 =	vmax.f32 v7, $1.000000020e-16;
	v4 =	vmul.f32 v4, v5  }
0x113: {  	s18 =	sshrl.u32 s3, $0x2;
	s21 =	sshll.u32 s9, $0x7;
	v10 =	vshra.s32 v7, $0x1;
	v9 =	vmax.f32 v3, $1.000000020e-16;
	v8 =	vsub.f32 $1.500000000e+00, v8  }
0x114: {  	s3 =	sshrl.u32 s3, $0x3;
	s11 =	sand.u32 $0x800, s18;
	s12 =	sand.u32 $0x400, s21;
	v3 =	vmul.f32 $5.000000000e-01, v7;
	v11 =	vsub.f32 $1.500000000e+00, v4;
	v7 =	vshra.s32 v9, $0x1  }
0x115: {  	s3 =	sand.u32 $0x380, s3;
	s9 =	sshll.u32 s9, $0x4;
	s11 =	sor.u32 s12, s11;
	v4 =	vmul.f32 $5.000000000e-01, v9;
	v9 =	vsub.s32 $0x5F3759DF, v10;
	v10 =	vld [tilespmem:s10+$0x18800];
	v8 =	vmul.f32 v8, v6  }
0x116: {  	s9 =	sand.u32 $0x70, s9;
	s3 =	sor.u32 s3, s11;
	v12 =	vsub.s32 $0x5F3759DF, v7;
	v5 =	vmul.f32 v11, v5;
	v11 =	vmul.f32 v9, v3;
	v6 =	vld [tilespmem:s10+$0x18000]  }
0x117: {  	s3 =	sor.u32 s9, s3;
	v7 =	vmul.f32 v12, v4;
	v2 =	vmul.f32 v8, v2  }
0x118: {  	v14 =	vld [tilespmem:s3+$0x1A400];
	v13 =	vmul.f32 v5, v1;
	v11 =	vmul.f32 v9, v11  }
0x119: {  	s9 =	simm.s32 $0x3;
	v15 =	vld [tilespmem:s3+$0x1AC00];
	v1 =	vimm.f32 $0.0e+00;
	v7 =	vmul.f32 v12, v7;
	v2 =	vmul.f32 v2, v8  }
0x11a: {  	s29 =	sand.u32 $0xFE, s9;
	vm0 =	veq.f32 v10, $0.0e+00;
	v13 =	vmul.f32 v13, v5;
	v10 =	vsub.f32 $1.500000000e+00, v11  }
0x11b: {  	s11 =	sshrl.u32 s29, $0x1;
	v11 =	vsub.f32 $1.500000000e+00, v7;
	vm1 =	vlt.f32 v6, $0.0e+00;
	v2 =	vsub.f32 $1.500000000e+00, v2  }
0x11c: {  	s11 =	smul.u32 $0x93, s11;
	vm2 =	vgt.f32 v6, $0.0e+00;
	v13 =	vsub.f32 $1.500000000e+00, v13;
	v7 =	vmul.f32 v9, v10  }
0x11d: {  	v14 =	vmax.f32 v14, $1.000000020e-16;
	v6 =	vmul.f32 v12, v11;
	v2 =	vmul.f32 v2, v8;
	v8 =	vld [tilespmem:s10+$0x19C00]  }
0x11e: {  	s30 =	sshrl.u32 s11, $0xA;
	v9 =	vmax.f32 v15, $1.000000020e-16;
	vm1 =	vmor vm2, vm1;
	v12 =	vmul.f32 v13, v5  }
0x11f: {  	s12 =	smul.u32 $0xE, s30;
	v10 =	vshra.s32 v14, $0x1;
	v13 =	vmul.f32 v7, v3;
	v11 =	vmul.f32 v6, v4  }
0x120: {  	s10 =	simm.s32 $0x4;
	v5 =	vmul.f32 $5.000000000e-01, v14;
	v12 =	vmul.f32 v2, v12;
	v2 =	vimm.f32 $0.0e+00  }
.LBB2_7:
0x121: {  	p1 =	sne.s32 s10, $0x6F;
	s12 =	ssub.s32 s9, s12;
	v14 =	vshra.s32 v9, $0x1;
	v13 =	vmul.f32 v13, v7;
	v11 =	vmul.f32 v11, v6;
	s9 =	smov.u32 s10  }
0x122: {  	s14 =	sshrl.u32 s11, $0x2;
	v9 =	vmul.f32 $5.000000000e-01, v9;
	vm0 =	vmand vm1, vm0;
	s15 =	sshll.u32 s12, $0x7;
	v8 =	vmul.f32 v12, v8  }
0x123: {  	s11 =	sshrl.u32 s11, $0x3;
	v10 =	vsub.s32 $0x5F3759DF, v10;
	s14 =	sand.u32 $0x800, s14;
	s15 =	sand.u32 $0x400, s15;
	v12 =	vsub.f32 $1.500000000e+00, v13;
	v11 =	vsub.f32 $1.500000000e+00, v11  }
0x124: {  	s12 =	sshll.u32 s12, $0x4;
	s11 =	sand.u32 $0x380, s11;
	v14 =	vsub.s32 $0x5F3759DF, v14;
	v13 =	vmul.f32 v10, v5;
	s14 =	sor.u32 s15, s14;
	v15 =	vld [tilespmem:s0+$0x18800];
	v8 =	vsub.f32 $1.000000000e+00, v8  }
0x125: {  	s12 =	sand.u32 $0x70, s12;
	s11 =	sor.u32 s11, s14;
	v12 =	vmul.f32 v12, v7;
	v11 =	vmul.f32 v11, v6;
	v6 =	vld [tilespmem:s0+$0x18000];
	v7 =	vsel vm0, $0x3F800000, v0  }
0x126: {  	v16 =	vmul.f32 v14, v9;
	s12 =	sor.u32 s12, s11;
	v8 =	vmul.f32 v8, v7;
	v1 =	vadd.f32 v7, v1  }
0x127: {  	v7 =	vld [tilespmem:s12+$0x1A400];
	v17 =	vmul.f32 v12, v3;
	v18 =	vmul.f32 v11, v4;
	v4 =	vmovc v9;
	v3 =	vmov v5  }
0x128: {  	s11 =	sand.u32 $0xFE, s10;
	v9 =	vmul.f32 v10, v13;
	v13 =	vmul.f32 v14, v16;
	v5 =	vld [tilespmem:s12+$0x1AC00];
	v2 =	vadd.f32 v8, v2  }
0x129: {  	s11 =	sshrl.u32 s11, $0x1;
	v8 =	vmul.f32 v17, v12;
	v16 =	vmul.f32 v18, v11;
	vm0 =	veq.f32 v15, $0.0e+00  }
0x12a: {  	s11 =	smul.u32 $0x93, s11;
	v9 =	vsub.f32 $1.500000000e+00, v9;
	v13 =	vsub.f32 $1.500000000e+00, v13;
	vm1 =	vlt.f32 v6, $0.0e+00  }
.Ltmp5:
0x12b: {  	vm2 =	vgt.f32 v6, $0.0e+00;
	v15 =	vsub.f32 $1.500000000e+00, v8;
	v16 =	vsub.f32 $1.500000000e+00, v16;
	(pc) =	sbr.rel @p1 .LBB2_7-.Ltmp5, $4  }
0x12c: {  	v6 =	vmul.f32 v14, v13;
	v17 =	vmax.f32 v7, $1.000000020e-16;
	v7 =	vmul.f32 v10, v9;
	v8 =	vld [tilespmem:s0+$0x19C00];
	s0 =	smov.u32 s3;
	s3 =	smov.u32 s12  }
0x12d: {  	s12 =	sshrl.u32 s11, $0xA;
	v9 =	vmax.f32 v5, $1.000000020e-16;
	v12 =	vmul.f32 v15, v12;
	v14 =	vmul.f32 v16, v11  }
0x12e: {  	vm1 =	vmor vm2, vm1;
	s12 =	smul.u32 $0xE, s12;
	v11 =	vmul.f32 v6, v4;
	v13 =	vmul.f32 v7, v3  }
0x12f: {  	s10 =	sadd.s32 $0x1, s10;
	v10 =	vshra.s32 v17, $0x1;
	v5 =	vmul.f32 $5.000000000e-01, v17;
	v12 =	vmul.f32 v14, v12  }
0x130: {  	s9 =	ssub.s32 s9, s12  }
0x131: {  	s10 =	sshrl.u32 s11, $0x2;
	s12 =	sshll.u32 s9, $0x7  }
0x132: {  	s18 =	sshrl.u32 s11, $0x3;
	s10 =	sand.u32 $0x800, s10;
	s12 =	sand.u32 $0x400, s12  }
0x133: {  	s9 =	sshll.u32 s9, $0x4;
	s11 =	sand.u32 $0x380, s18;
	s10 =	sor.u32 s12, s10  }
0x134: {  	s9 =	sand.u32 $0x70, s9;
	s10 =	sor.u32 s11, s10  }
0x135: {  	v13 =	vmul.f32 v13, v7;
	v11 =	vmul.f32 v11, v6;
	v15 =	vshra.s32 v9, $0x1;
	s9 =	sor.u32 s9, s10  }
0x136: {  	v34 =	vmul.f32 $5.000000000e-01, v9;
	v10 =	vsub.s32 $0x5F3759DF, v10;
	v8 =	vmul.f32 v12, v8;
	v14 =	vld [tilespmem:s9+$0x1A400]  }
0x137: {  	v15 =	vsub.s32 $0x5F3759DF, v15;
	v13 =	vsub.f32 $1.500000000e+00, v13;
	v11 =	vsub.f32 $1.500000000e+00, v11;
	v36 =	vld [tilespmem:s9+$0x1AC00]  }
0x138: {  	vm0 =	vmand vm1, vm0;
	v37 =	vmul.f32 v10, v5;
	v39 =	vmul.f32 v15, v34  }
0x139: {  	v8 =	vsub.f32 $1.000000000e+00, v8;
	v35 =	vmul.f32 v13, v7;
	v38 =	vmul.f32 v11, v6  }
0x13a: {  	v47 =	vsel vm0, $0x3F800000, v0;
	v13 =	vmul.f32 v10, v37;
	v11 =	vmul.f32 v15, v39  }
0x13b: {  	v8 =	vmul.f32 v8, v47;
	v3 =	vmul.f32 v35, v3;
	v14 =	vmax.f32 v14, $1.000000020e-16  }
0x13c: {  	v4 =	vmul.f32 v38, v4;
	v12 =	vmax.f32 v36, $1.000000020e-16;
	v16 =	vshra.s32 v14, $0x1  }
0x13d: {  	v14 =	vmul.f32 $5.000000000e-01, v14;
	v17 =	vshra.s32 v12, $0x1;
	v12 =	vmul.f32 $5.000000000e-01, v12  }
0x13e: {  	v13 =	vsub.f32 $1.500000000e+00, v13;
	v16 =	vsub.s32 $0x5F3759DF, v16;
	v17 =	vsub.s32 $0x5F3759DF, v17  }
0x13f: {  	v18 =	vmul.f32 v16, v14;
	v19 =	vmul.f32 v17, v12  }
0x140: {  	v11 =	vsub.f32 $1.500000000e+00, v11;
	v3 =	vmul.f32 v3, v35;
	v10 =	vmul.f32 v10, v13  }
0x141: {  	v18 =	vmul.f32 v16, v18;
	v40 =	vmul.f32 v17, v19  }
0x142: {  	v4 =	vmul.f32 v4, v38;
	v11 =	vmul.f32 v15, v11;
	v3 =	vsub.f32 $1.500000000e+00, v3  }
0x143: {  	v43 =	vmul.f32 v10, v5;
	v18 =	vsub.f32 $1.500000000e+00, v18;
	v41 =	vsub.f32 $1.500000000e+00, v40  }
0x144: {  	v15 =	vmul.f32 v11, v34;
	v3 =	vmul.f32 v3, v35  }
0x145: {  	v42 =	vmul.f32 v16, v18;
	v6 =	vmul.f32 v17, v41  }
0x146: {  	v4 =	vsub.f32 $1.500000000e+00, v4;
	v13 =	vmul.f32 v43, v10;
	v15 =	vmul.f32 v15, v11  }
0x147: {  	v44 =	vld [tilespmem:s0+$0x18800];
	v16 =	vmul.f32 v42, v14;
	v45 =	vmul.f32 v6, v12  }
0x148: {  	v46 =	vld [tilespmem:s0+$0x18000];
	v4 =	vmul.f32 v4, v38;
	v13 =	vsub.f32 $1.500000000e+00, v13;
	v15 =	vsub.f32 $1.500000000e+00, v15  }
0x149: {  	v16 =	vmul.f32 v16, v42;
	v18 =	vmul.f32 v45, v6  }
0x14a: {  	v54 =	vld [tilespmem:s3+$0x18000];
	v1 =	vadd.f32 v47, v1;
	v10 =	vmul.f32 v13, v10;
	v11 =	vmul.f32 v15, v11  }
0x14b: {  	v48 =	vld [tilespmem:s0+$0x19C00];
	v3 =	vmul.f32 v4, v3;
	v16 =	vsub.f32 $1.500000000e+00, v16;
	v49 =	vsub.f32 $1.500000000e+00, v18  }
0x14c: {  	vm8 =	veq.f32 v44, $0.0e+00;
	v50 =	vmul.f32 v10, v5;
	v9 =	vmul.f32 v11, v34  }
0x14d: {  	v56 =	vld [tilespmem:s3+$0x18800];
	vm9 =	vlt.f32 v46, $0.0e+00;
	v7 =	vmul.f32 v16, v42;
	v6 =	vmul.f32 v49, v6  }
0x14e: {  	vm2 =	vgt.f32 v46, $0.0e+00;
	v51 =	vmul.f32 v50, v10;
	v52 =	vmul.f32 v9, v11  }
0x14f: {  	vm10 =	vlt.f32 v54, $0.0e+00;
	v53 =	vmul.f32 v7, v14;
	v12 =	vmul.f32 v6, v12  }
0x150: {  	v3 =	vmul.f32 v3, v48;
	v4 =	vsub.f32 $1.500000000e+00, v51;
	v5 =	vsub.f32 $1.500000000e+00, v52  }
0x151: {  	vm11 =	vgt.f32 v54, $0.0e+00;
	v9 =	vmul.f32 v53, v7;
	v12 =	vmul.f32 v12, v6  }
0x152: {  	v55 =	vld [tilespmem:s3+$0x19C00];
	vm12 =	veq.f32 v56, $0.0e+00;
	v4 =	vmul.f32 v4, v10;
	v5 =	vmul.f32 v5, v11  }
0x153: {  	vm1 =	vmor vm2, vm9;
	v58 =	vld [tilespmem:s9+$0x18000];
	v9 =	vsub.f32 $1.500000000e+00, v9;
	v12 =	vsub.f32 $1.500000000e+00, v12  }
0x154: {  	v59 =	vld [tilespmem:s9+$0x19C00];
	vm0 =	vmand vm1, vm8;
	v3 =	vsub.f32 $1.000000000e+00, v3;
	v4 =	vmul.f32 v5, v4  }
0x155: {  	v60 =	vld [tilespmem:s9+$0x18800];
	v57 =	vsel vm0, $0x3F800000, v0;
	v7 =	vmul.f32 v9, v7;
	v6 =	vmul.f32 v12, v6  }
0x156: {  	v2 =	vadd.f32 v8, v2;
	vm0 =	vmor vm11, vm10;
	v3 =	vmul.f32 v3, v57  }
0x157: {  	vm0 =	vmand vm0, vm12;
	v4 =	vmul.f32 v4, v55;
	v6 =	vmul.f32 v6, v7  }
0x158: {  	v1 =	vadd.f32 v57, v1;
	vm13 =	vlt.f32 v58, $0.0e+00;
	vm14 =	vgt.f32 v58, $0.0e+00  }
0x159: {  	v2 =	vadd.f32 v3, v2;
	v3 =	vsub.f32 $1.000000000e+00, v4;
	v61 =	vmul.f32 v6, v59  }
0x15a: {  	v62 =	vsel vm0, $0x3F800000, v0;
	vm15 =	veq.f32 v60, $0.0e+00;
	vm1 =	vmor vm14, vm13  }
0x15b: {  	vm0 =	vmand vm1, vm15;
	v3 =	vmul.f32 v3, v62;
	v4 =	vsub.f32 $1.000000000e+00, v61  }
0x15c: {  	v1 =	vadd.f32 v62, v1;
	v63 =	vsel vm0, $0x3F800000, v0  }
0x15d: {  	v2 =	vadd.f32 v3, v2;
	v3 =	vmul.f32 v4, v63  }
0x15e: {  	v1 =	vadd.f32 v63, v1  }
0x15f: {  	v2 =	vadd.f32 v3, v2  }
0x160: {  	[tilespmem:$0x1B600] =	vst v1  }
0x161: {  	s0 =	simm.s32 $0x0;
	s21 =	rddreg [dreg:$0x7];
	s29 =	simm.s32 $0x18000;
	[tilespmem:$0x1B400] =	vst v2  }
0x162: {  	[tilespmem:s29], [sflag:$0x1] =	stream.linear.gather [hbm4b:s21+s0], $0x800, $0x38;
	[tilespmem:$0x1B800] =	vst v63  }
0x163: {  	_ =	swait.ge [sflag:s22], $0x800  }
0x164: {  	[sflag:s22] =	ssyncset.done $0x0  }
0x165: {  	s30 =	rddreg [dreg:$0x8];
	[sflag:s22] =	ssyncadd.s32 $0xFFFFF800  }
0x166: {  	[tilespmem:s23], [sflag:$0x1] =	stream.linear.gather [hbm4b:s30+s0], $0x800, $0x38;
	[tilespmem:$0x1B800] =	vst v63  }
0x167: {  	_ =	swait.ge [sflag:s22], $0x800  }
0x168: {  	[sflag:s22] =	ssyncset.done $0x0  }
0x169: {  	s3 =	simm.s32 $0x0;
	[sflag:s22] =	ssyncadd.s32 $0xFFFFF800  }
.LBB2_9:
0x16a: {  	s9 =	smul.u32 $0x150000, s3;
	_ =	sdelay $0x1  }
0x16b: {  	s9 =	sadd.s32 s9, s13  }
0x16c: {  	s9 =	sshrl.u32 s9, $0x3  }
0x16d: {  	s10 =	sadd.s32 s1, s9  }
0x16e: {  	[tilespmem:s0], [sflag:$0x1] =	stream.strided.gather [hbm4b:s10+s24], $0xC000, s25, s24, $0x38;
	[tilespmem:$0x1B800] =	vst v63  }
0x16f: {  	_ =	swait.ge [sflag:s22], $0xC000  }
0x170: {  	[sflag:s22] =	ssyncset.done $0x0  }
0x171: {  	s9 =	sadd.s32 s2, s9;
	[sflag:s22] =	ssyncadd.s32 $0xFFFF4000  }
0x172: {  	[tilespmem:s26], [sflag:$0x1] =	stream.strided.gather [hbm4b:s9+s24], $0xC000, s25, s24, $0x38;
	[tilespmem:$0x1B800] =	vst v63  }
0x173: {  	s17 =	smul.u32 $0x180, s3;
	_ =	swait.ge [sflag:s22], $0xC000  }
0x174: {  	[sflag:s22] =	ssyncset.done $0x0  }
0x175: {  	s9 =	sadd.s32 s5, s17;
	[sflag:s22] =	ssyncadd.s32 $0xFFFF4000  }
0x176: {  	[tilespmem:s28], [sflag:$0x1] =	stream.linear.gather [hbm4b:s9+s0], $0xC00, $0x38;
	[tilespmem:$0x1B800] =	vst v63  }
0x177: {  	_ =	swait.ge [sflag:s22], $0xC00  }
0x178: {  	[sflag:s22] =	ssyncset.done $0x0  }
0x179: {  	[sflag:s22] =	ssyncadd.s32 $0xFFFFF400  }
0x17a: {  	v1 =	vld [tilespmem:$0x19800]  }
0x17b: {  	s18 =	sand.u32 $0xFE, s0;
	v2 =	vld [tilespmem:$0x19780]  }
0x17c: {  	s9 =	sshrl.u32 s18, $0x1;
	v3 =	vld [tilespmem:$0x19680]  }
0x17d: {  	s9 =	smul.u32 $0x93, s9;
	v5 =	vld [tilespmem:$0x19480]  }
0x17e: {  	v6 =	vld [tilespmem:$0x19600]  }
0x17f: {  	s21 =	sshrl.u32 s9, $0xA;
	v7 =	vld [tilespmem:$0x19380]  }
0x180: {  	v8 =	vld [tilespmem:$0x19500];
	s10 =	smul.u32 $0xE, s21  }
0x181: {  	v9 =	vld [tilespmem:$0x19400]  }
0x182: {  	v10 =	vld [tilespmem:$0x19300];
	s10 =	ssub.s32 $0x0, s10  }
0x183: {  	s11 =	sshrl.u32 s9, $0x3;
	v12 =	vld [tilespmem:$0x19200];
	s12 =	sshll.u32 s10, $0x7  }
0x184: {  	s9 =	sshrl.u32 s9, $0x2;
	s11 =	sand.u32 $0x380, s11;
	v13 =	vld [tilespmem:$0x19180];
	s12 =	sand.u32 $0x400, s12  }
0x185: {  	s9 =	sand.u32 $0x800, s9;
	v14 =	vld [tilespmem:$0x19100];
	s10 =	sshll.u32 s10, $0x4;
	s14 =	sor.u32 s12, s11  }
0x186: {  	v15 =	vld [tilespmem:$0x19000];
	s10 =	sand.u32 $0x70, s10;
	s12 =	sor.u32 s12, s9;
	s9 =	sor.u32 s9, s14  }
0x187: {  	v16 =	vld [tilespmem:$0x19080];
	s11 =	sor.u32 s11, s12;
	s29 =	sor.u32 s10, s9  }
0x188: {  	s11 =	sor.u32 s10, s11;
	v17 =	vld [tilespmem:s29+$0x1000]  }
0x189: {  	v18 =	vld [tilespmem:s11+$0x800]  }
0x18a: {  	v19 =	vld [tilespmem:s29+$0x1A400]  }
0x18b: {  	v20 =	vld [tilespmem:s29+$0x0]  }
0x18c: {  	v21 =	vld [tilespmem:s11+$0xC800]  }
0x18d: {  	v22 =	vld [tilespmem:s29+$0x19C00]  }
0x18e: {  	v23 =	vld [tilespmem:s29+$0xC000]  }
0x18f: {  	v24 =	vld [tilespmem:s29+$0xD000]  }
0x190: {  	v27 =	vld [tilespmem:s11+$0x1800]  }
0x191: {  	v33 =	vld [tilespmem:s29+$0x1AC00]  }
0x192: {  	v34 =	vld [tilespmem:s11+$0xD800]  }
0x193: {  	p1 =	seq.s32 s3, $0x0;
	v25 =	vld [tilespmem:s29+$0x2000];
	v26 =	vmul.f32 v20, v20  }
0x194: {  	v36 =	vld [tilespmem:s29+$0xE000];
	v19 =	vpsel p1, $0x0, v19;
	v16 =	vsub.f32 v21, v16;
	v28 =	vmul.f32 v18, v18  }
0x195: {  	v11 =	vld [tilespmem:$0x19280];
	v15 =	vsub.f32 v23, v15;
	v14 =	vsub.f32 v24, v14;
	v35 =	vmul.f32 v17, v17  }
0x196: {  	v29 =	vld [tilespmem:s29+$0x3000];
	v22 =	vpsel p1, $0x0, v22;
	v30 =	vmul.f32 v27, v27;
	v19 =	vadd.f32 v26, v19  }
0x197: {  	v37 =	vld [tilespmem:s11+$0x2800];
	v21 =	vpsel p1, $0x0, v33;
	v13 =	vsub.f32 v34, v13;
	v20 =	vmul.f32 v15, v20  }
0x198: {  	v38 =	vld [tilespmem:s11+$0xE800];
	v39 =	vmul.f32 v25, v25;
	v15 =	vmul.f32 v15, v15;
	v19 =	vadd.f32 v28, v19  }
0x199: {  	v40 =	vld [tilespmem:s29+$0xF000];
	v12 =	vsub.f32 v36, v12;
	v18 =	vmul.f32 v16, v18;
	v20 =	vadd.f32 v20, v22  }
0x19a: {  	v41 =	vld [tilespmem:s11+$0x3800];
	v16 =	vmul.f32 v16, v16;
	v15 =	vadd.f32 v15, v21;
	v19 =	vadd.f32 v35, v19  }
0x19b: {  	v42 =	vld [tilespmem:s29+$0x4000];
	s10 =	sadd.s32 $0x4800, s11;
	v44 =	vmul.f32 v29, v29;
	v17 =	vmul.f32 v14, v17;
	v18 =	vadd.f32 v18, v20  }
0x19c: {  	v51 =	vld [tilespmem:s10+$0xC000];
	v14 =	vmul.f32 v14, v14;
	v15 =	vadd.f32 v16, v15;
	v19 =	vadd.f32 v30, v19  }
0x19d: {  	v50 =	vld [tilespmem:s29+$0x12000];
	v43 =	vmul.f32 v13, v27;
	v13 =	vmul.f32 v13, v13;
	v16 =	vadd.f32 v17, v18  }
0x19e: {  	v20 =	vmul.f32 v37, v37;
	v17 =	vld [tilespmem:s29+$0x10000];
	v14 =	vadd.f32 v14, v15;
	v19 =	vadd.f32 v39, v19  }
0x19f: {  	v52 =	vld [tilespmem:s29+$0x8000];
	v11 =	vsub.f32 v38, v11;
	v10 =	vsub.f32 v40, v10;
	v46 =	vmul.f32 v41, v41  }
0x1a0: {  	v48 =	vmul.f32 v42, v42;
	v13 =	vadd.f32 v13, v14;
	v14 =	vld [tilespmem:s29+$0x11000];
	v18 =	vadd.f32 v20, v19  }
0x1a1: {  	v5 =	vsub.f32 v51, v5;
	v15 =	vld [tilespmem:s11+$0x4800];
	v16 =	vadd.f32 v43, v16;
	v19 =	vmul.f32 v12, v25  }
0x1a2: {  	v22 =	vsub.f32 v50, v6;
	v20 =	vld [tilespmem:s11+$0xF800];
	v12 =	vmul.f32 v12, v12;
	v18 =	vadd.f32 v44, v18  }
0x1a3: {  	v45 =	vld [tilespmem:s29+$0x5000];
	v47 =	vmul.f32 v11, v37;
	v9 =	vsub.f32 v17, v9;
	v16 =	vadd.f32 v19, v16  }
0x1a4: {  	v4 =	vld [tilespmem:$0x19700];
	v11 =	vmul.f32 v11, v11;
	v12 =	vadd.f32 v12, v13;
	v18 =	vadd.f32 v46, v18  }
0x1a5: {  	v57 =	vmul.f32 v52, v52;
	v13 =	vld [tilespmem:s11+$0x5800];
	v8 =	vsub.f32 v14, v8;
	v16 =	vadd.f32 v47, v16  }
0x1a6: {  	v49 =	vld [tilespmem:s29+$0x7000];
	v11 =	vadd.f32 v11, v12;
	v17 =	vadd.f32 v48, v18;
	v18 =	vmul.f32 v15, v15  }
0x1a7: {  	s12 =	sadd.s32 $0x5800, s11;
	v19 =	vld [tilespmem:s29+$0x6000];
	v12 =	vmul.f32 v10, v29;
	v10 =	vmul.f32 v10, v10;
	v7 =	vsub.f32 v20, v7  }
0x1a8: {  	v54 =	vld [tilespmem:s12+$0xC000];
	v14 =	vmul.f32 v45, v45;
	v53 =	vmul.f32 v9, v42;
	v17 =	vadd.f32 v18, v17  }
0x1a9: {  	v12 =	vadd.f32 v12, v16;
	v16 =	vld [tilespmem:s11+$0x6800];
	v10 =	vadd.f32 v10, v11;
	v11 =	vmul.f32 v7, v41  }
0x1aa: {  	v7 =	vmul.f32 v7, v7;
	v18 =	vld [tilespmem:$0x19580];
	v14 =	vadd.f32 v14, v17;
	v17 =	vmul.f32 v13, v13  }
0x1ab: {  	v60 =	vld [tilespmem:$0x19980];
	v9 =	vmul.f32 v9, v9;
	v20 =	vmul.f32 v49, v49;
	v11 =	vadd.f32 v11, v12  }
0x1ac: {  	v12 =	vld [tilespmem:s11+$0x7800];
	v7 =	vadd.f32 v7, v10;
	v6 =	vadd.f32 v17, v14;
	v14 =	vmul.f32 v19, v19  }
0x1ad: {  	v10 =	vadd.f32 v53, v11;
	v11 =	vmul.f32 v5, v15;
	v15 =	vld [tilespmem:s29+$0x14000];
	v5 =	vmul.f32 v5, v5  }
0x1ae: {  	v7 =	vadd.f32 v9, v7;
	v17 =	vld [tilespmem:s29+$0x13000];
	v6 =	vadd.f32 v14, v6;
	v14 =	vmul.f32 v16, v16  }
0x1af: {  	s14 =	sadd.s32 $0x6800, s11;
	v56 =	vmul.f32 v8, v45;
	v9 =	vsub.f32 v54, v18;
	v18 =	vld [tilespmem:s11+$0x8800];
	v10 =	vadd.f32 v11, v10  }
0x1b0: {  	v8 =	vmul.f32 v8, v8;
	v7 =	vadd.f32 v5, v7;
	v6 =	vadd.f32 v14, v6;
	v14 =	vld [tilespmem:s14+$0xC000]  }
0x1b1: {  	v55 =	vld [tilespmem:s29+$0x9000];
	s15 =	sadd.s32 $0x7800, s11;
	v19 =	vmul.f32 v22, v19;
	v13 =	vmul.f32 v9, v13;
	v10 =	vadd.f32 v56, v10  }
0x1b2: {  	v7 =	vadd.f32 v8, v7;
	v8 =	vmul.f32 v9, v9;
	v6 =	vadd.f32 v20, v6;
	v20 =	vld [tilespmem:s15+$0xC000]  }
0x1b3: {  	v5 =	vld [tilespmem:s29+$0xB000];
	v11 =	vmul.f32 v12, v12;
	v15 =	vsub.f32 v15, v1;
	v9 =	vsub.f32 v17, v4  }
0x1b4: {  	v17 =	vld [tilespmem:s29+$0x15000];
	v10 =	vadd.f32 v13, v10;
	v13 =	vmul.f32 v22, v22;
	v7 =	vadd.f32 v8, v7  }
0x1b5: {  	v8 =	vld [tilespmem:s11+$0x9800];
	v58 =	vmul.f32 v18, v18;
	v11 =	vadd.f32 v11, v6;
	v14 =	vsub.f32 v14, v3  }
0x1b6: {  	v61 =	vmul.f32 v15, v52;
	v15 =	vmul.f32 v15, v15;
	v10 =	vadd.f32 v19, v10;
	v6 =	vld [tilespmem:s29+$0xA000]  }
0x1b7: {  	s17 =	sadd.s32 $0x8800, s11;
	v11 =	vadd.f32 v57, v11;
	v16 =	vmul.f32 v14, v16;
	v2 =	vsub.f32 v20, v2;
	v20 =	vld [tilespmem:$0x19900]  }
0x1b8: {  	v19 =	vmul.f32 v55, v55;
	v7 =	vadd.f32 v13, v7;
	v13 =	vmul.f32 v14, v14;
	v14 =	vld [tilespmem:s17+$0xC000]  }
0x1b9: {  	v59 =	vmul.f32 v9, v49;
	v11 =	vadd.f32 v58, v11;
	v10 =	vadd.f32 v16, v10;
	v16 =	vld [tilespmem:$0x19880]  }
0x1ba: {  	v1 =	vld [tilespmem:s11+$0xA800];
	v9 =	vmul.f32 v9, v9;
	v12 =	vmul.f32 v2, v12;
	v7 =	vadd.f32 v13, v7  }
0x1bb: {  	s18 =	sadd.s32 $0x9800, s11;
	v4 =	vld [tilespmem:s29+$0x16000];
	v13 =	vmul.f32 v8, v8;
	v11 =	vadd.f32 v19, v11;
	v10 =	vadd.f32 v59, v10  }
0x1bc: {  	v2 =	vmul.f32 v2, v2;
	v19 =	vadd.f32 v9, v7;
	v9 =	vsub.f32 v17, v20;
	v20 =	vld [tilespmem:s18+$0xC000]  }
0x1bd: {  	v7 =	vld [tilespmem:s29+$0x17000];
	v10 =	vadd.f32 v12, v10;
	v12 =	vadd.f32 v13, v11;
	v13 =	vmul.f32 v6, v6  }
0x1be: {  	v3 =	vmul.f32 v5, v5;
	v17 =	vadd.f32 v2, v19;
	v2 =	vld [tilespmem:s11+$0xB800];
	v16 =	vsub.f32 v14, v16  }
0x1bf: {  	v63 =	vmul.f32 v1, v1;
	v11 =	vld [tilespmem:$0x19A00];
	v14 =	vadd.f32 v61, v10;
	v62 =	vadd.f32 v13, v12  }
0x1c0: {  	s21 =	sadd.s32 $0xA800, s11;
	v17 =	vadd.f32 v15, v17;
	v10 =	vld [tilespmem:$0x19A80];
	v18 =	vmul.f32 v16, v18;
	v19 =	vmul.f32 v16, v16  }
0x1c1: {  	s30 =	simm.s32 $0x1;
	s9 =	sadd.s32 $0xB800, s11;
	v13 =	vmul.f32 v9, v55;
	v12 =	vld [tilespmem:s21+$0xC000];
	v16 =	vsub.f32 v20, v60;
	v15 =	vadd.f32 v63, v62  }
.LBB2_10:
0x1c2: {  	p2 =	sne.s32 s30, $0x6F;
	v14 =	vadd.f32 v18, v14;
	v17 =	vadd.f32 v19, v17;
	v9 =	vmul.f32 v9, v9;
	s10 =	smov.u32 s30;
	s30 =	sadd.s32 $0x1, s30  }
0x1c3: {  	v8 =	vmul.f32 v16, v8;
	v18 =	vld [tilespmem:$0x19B00];
	v3 =	vadd.f32 v3, v15;
	v15 =	vmul.f32 v2, v2  }
0x1c4: {  	v16 =	vmul.f32 v16, v16;
	v9 =	vadd.f32 v9, v17;
	v4 =	vsub.f32 v4, v11;
	v11 =	vld [tilespmem:$0x19B80]  }
0x1c5: {  	v13 =	vadd.f32 v13, v14;
	v14 =	vld [tilespmem:s9+$0xC000];
	v3 =	vadd.f32 v15, v3  }
0x1c6: {  	v9 =	vadd.f32 v16, v9;
	v15 =	vmul.f32 v4, v4;
	v10 =	vsub.f32 v12, v10  }
0x1c7: {  	v8 =	vadd.f32 v8, v13;
	v4 =	vmul.f32 v4, v6;
	[tilespmem:s29+$0x1A400] =	vst v3  }
0x1c8: {  	v3 =	vadd.f32 v15, v9;
	v6 =	vmul.f32 v10, v10;
	v7 =	vsub.f32 v7, v18  }
0x1c9: {  	v4 =	vadd.f32 v4, v8;
	v1 =	vmul.f32 v10, v1  }
0x1ca: {  	v3 =	vadd.f32 v6, v3;
	v6 =	vmul.f32 v7, v7;
	v8 =	vsub.f32 v14, v11  }
0x1cb: {  	v1 =	vadd.f32 v1, v4;
	v4 =	vmul.f32 v7, v5  }
0x1cc: {  	v3 =	vadd.f32 v6, v3;
	v5 =	vmul.f32 v8, v8  }
0x1cd: {  	v1 =	vadd.f32 v4, v1;
	v2 =	vmul.f32 v8, v2  }
0x1ce: {  	v3 =	vadd.f32 v5, v3  }
0x1cf: {  	v1 =	vadd.f32 v2, v1  }
0x1d0: {  	[tilespmem:s29+$0x1AC00] =	vst v3  }
0x1d1: {  	[tilespmem:s29+$0x19C00] =	vst v1;
	_ =	sdelay $0x1  }
0x1d2: {  	v1 =	vld [tilespmem:$0x19800]  }
0x1d3: {  	v2 =	vld [tilespmem:$0x19780]  }
0x1d4: {  	v3 =	vld [tilespmem:$0x19680]  }
0x1d5: {  	v4 =	vld [tilespmem:$0x19700]  }
0x1d6: {  	s9 =	sand.u32 $0xFE, s10;
	v5 =	vld [tilespmem:$0x19580]  }
0x1d7: {  	s9 =	sshrl.u32 s9, $0x1;
	v6 =	vld [tilespmem:$0x19480]  }
0x1d8: {  	s9 =	smul.u32 $0x93, s9;
	v7 =	vld [tilespmem:$0x19600]  }
0x1d9: {  	v8 =	vld [tilespmem:$0x19380]  }
0x1da: {  	s11 =	sshrl.u32 s9, $0xA;
	s12 =	sshrl.u32 s9, $0x2;
	s9 =	sshrl.u32 s9, $0x3;
	v9 =	vld [tilespmem:$0x19500]  }
0x1db: {  	s11 =	smul.u32 $0xE, s11;
	v10 =	vld [tilespmem:$0x19400]  }
0x1dc: {  	v11 =	vld [tilespmem:$0x19300]  }
0x1dd: {  	s10 =	ssub.s32 s10, s11;
	v12 =	vld [tilespmem:$0x19280]  }
0x1de: {  	s11 =	sshll.u32 s10, $0x4;
	s10 =	sshll.u32 s10, $0x7;
	v13 =	vld [tilespmem:$0x19200]  }
0x1df: {  	s12 =	sand.u32 $0x800, s12;
	s9 =	sand.u32 $0x380, s9;
	s10 =	sand.u32 $0x400, s10;
	v14 =	vld [tilespmem:$0x19180]  }
0x1e0: {  	s14 =	sor.u32 s10, s9;
	s10 =	sor.u32 s10, s12;
	v15 =	vld [tilespmem:$0x19100]  }
0x1e1: {  	s11 =	sand.u32 $0x70, s11;
	s12 =	sor.u32 s12, s14;
	s9 =	sor.u32 s9, s10;
	v16 =	vld [tilespmem:$0x19000]  }
0x1e2: {  	s29 =	sor.u32 s11, s12;
	s10 =	sor.u32 s11, s9;
	v17 =	vld [tilespmem:$0x19080]  }
0x1e3: {  	s21 =	sadd.s32 $0x4800, s10;
	s18 =	sadd.s32 $0x5800, s10;
	s17 =	sadd.s32 $0x6800, s10;
	v18 =	vld [tilespmem:s29+$0x1000]  }
0x1e4: {  	s15 =	sadd.s32 $0x7800, s10;
	s14 =	sadd.s32 $0x8800, s10;
	s12 =	sadd.s32 $0x9800, s10;
	v19 =	vld [tilespmem:s10+$0x800]  }
0x1e5: {  	s11 =	sadd.s32 $0xA800, s10;
	s9 =	sadd.s32 $0xB800, s10;
	v20 =	vld [tilespmem:s29+$0x1A400]  }
0x1e6: {  	v21 =	vld [tilespmem:s29+$0x19C00]  }
0x1e7: {  	v22 =	vld [tilespmem:s29+$0x0]  }
0x1e8: {  	v23 =	vld [tilespmem:s10+$0xC800]  }
0x1e9: {  	v24 =	vld [tilespmem:s29+$0xC000]  }
0x1ea: {  	v25 =	vld [tilespmem:s29+$0xD000]  }
0x1eb: {  	v21 =	vpsel p1, $0x0, v21;
	v26 =	vld [tilespmem:s29+$0x2000]  }
0x1ec: {  	v20 =	vpsel p1, $0x0, v20;
	v27 =	vmul.f32 v22, v22;
	v28 =	vld [tilespmem:s10+$0x1800]  }
0x1ed: {  	v29 =	vld [tilespmem:s29+$0x1AC00];
	v17 =	vsub.f32 v23, v17;
	v23 =	vmul.f32 v19, v19  }
0x1ee: {  	v16 =	vsub.f32 v24, v16;
	v20 =	vadd.f32 v27, v20;
	v24 =	vld [tilespmem:s10+$0xD800]  }
0x1ef: {  	v19 =	vmul.f32 v17, v19;
	v15 =	vsub.f32 v25, v15;
	v25 =	vmul.f32 v18, v18;
	v27 =	vld [tilespmem:s29+$0xE000]  }
0x1f0: {  	v22 =	vmul.f32 v16, v22;
	v16 =	vmul.f32 v16, v16;
	v20 =	vadd.f32 v23, v20;
	v23 =	vld [tilespmem:s29+$0x3000]  }
0x1f1: {  	v18 =	vmul.f32 v15, v18;
	v30 =	vmul.f32 v28, v28;
	v31 =	vld [tilespmem:s10+$0x2800]  }
0x1f2: {  	v17 =	vmul.f32 v17, v17;
	v21 =	vadd.f32 v22, v21;
	v20 =	vadd.f32 v25, v20;
	v22 =	vld [tilespmem:s10+$0xE800]  }
0x1f3: {  	v15 =	vmul.f32 v15, v15;
	v25 =	vpsel p1, $0x0, v29;
	v14 =	vsub.f32 v24, v14;
	v24 =	vld [tilespmem:s29+$0x4000]  }
0x1f4: {  	v20 =	vadd.f32 v30, v20;
	v13 =	vsub.f32 v27, v13;
	v27 =	vmul.f32 v26, v26;
	v29 =	vld [tilespmem:s29+$0xF000]  }
0x1f5: {  	v16 =	vadd.f32 v16, v25;
	v19 =	vadd.f32 v19, v21;
	v21 =	vmul.f32 v14, v28;
	v25 =	vld [tilespmem:s10+$0x3800]  }
0x1f6: {  	v28 =	vmul.f32 v23, v23;
	v20 =	vadd.f32 v27, v20;
	v27 =	vmul.f32 v31, v31;
	v30 =	vld [tilespmem:s29+$0x5000]  }
0x1f7: {  	v16 =	vadd.f32 v17, v16;
	v14 =	vmul.f32 v14, v14;
	v17 =	vadd.f32 v18, v19;
	v18 =	vld [tilespmem:s29+$0x10000]  }
0x1f8: {  	v19 =	vmul.f32 v13, v26;
	v12 =	vsub.f32 v22, v12;
	v20 =	vadd.f32 v27, v20;
	v22 =	vld [tilespmem:s29+$0x6000]  }
0x1f9: {  	v15 =	vadd.f32 v15, v16;
	v11 =	vsub.f32 v29, v11;
	v16 =	vld [tilespmem:s10+$0x4800]  }
0x1fa: {  	v13 =	vmul.f32 v13, v13;
	v20 =	vadd.f32 v28, v20;
	v26 =	vld [tilespmem:s10+$0xF800];
	v27 =	vmul.f32 v25, v25  }
0x1fb: {  	v17 =	vadd.f32 v21, v17;
	v14 =	vadd.f32 v14, v15;
	v15 =	vmul.f32 v12, v31;
	v21 =	vld [tilespmem:s29+$0x11000]  }
0x1fc: {  	v20 =	vadd.f32 v27, v20;
	v10 =	vsub.f32 v18, v10;
	v18 =	vmul.f32 v24, v24;
	v27 =	vld [tilespmem:s29+$0x7000]  }
0x1fd: {  	v12 =	vmul.f32 v12, v12;
	v17 =	vadd.f32 v19, v17;
	v13 =	vadd.f32 v13, v14;
	v14 =	vld [tilespmem:s10+$0x5800]  }
0x1fe: {  	v19 =	vmul.f32 v11, v11;
	v18 =	vadd.f32 v18, v20;
	v20 =	vmul.f32 v16, v16;
	v28 =	vld [tilespmem:s29+$0x12000]  }
0x1ff: {  	v11 =	vmul.f32 v11, v23;
	v15 =	vadd.f32 v15, v17;
	v12 =	vadd.f32 v12, v13;
	v13 =	vld [tilespmem:s21+$0xC000]  }
0x200: {  	v17 =	vadd.f32 v20, v18;
	v9 =	vsub.f32 v21, v9;
	v18 =	vmul.f32 v30, v30;
	v20 =	vld [tilespmem:s29+$0x8000]  }
0x201: {  	v11 =	vadd.f32 v11, v15;
	v8 =	vsub.f32 v26, v8;
	v15 =	vld [tilespmem:s10+$0x6800];
	v21 =	vmul.f32 v27, v27  }
0x202: {  	v12 =	vadd.f32 v19, v12;
	v17 =	vadd.f32 v18, v17;
	v18 =	vmul.f32 v14, v14;
	v19 =	vld [tilespmem:s29+$0x13000]  }
0x203: {  	v24 =	vmul.f32 v10, v24;
	v23 =	vmul.f32 v8, v25;
	v25 =	vld [tilespmem:s18+$0xC000];
	v7 =	vsub.f32 v28, v7  }
0x204: {  	v8 =	vmul.f32 v8, v8;
	v17 =	vadd.f32 v18, v17;
	v18 =	vmul.f32 v22, v22;
	v26 =	vld [tilespmem:s29+$0x9000]  }
0x205: {  	v10 =	vmul.f32 v10, v10;
	v11 =	vadd.f32 v23, v11;
	v6 =	vsub.f32 v13, v6;
	v13 =	vld [tilespmem:s10+$0x7800]  }
0x206: {  	v8 =	vadd.f32 v8, v12;
	v12 =	vadd.f32 v18, v17;
	v17 =	vmul.f32 v15, v15;
	v18 =	vld [tilespmem:s29+$0x14000]  }
0x207: {  	v11 =	vadd.f32 v24, v11;
	v16 =	vmul.f32 v6, v16;
	v23 =	vmul.f32 v6, v6;
	v6 =	vld [tilespmem:s29+$0xA000]  }
0x208: {  	v24 =	vmul.f32 v9, v30;
	v28 =	vld [tilespmem:s17+$0xC000];
	v12 =	vadd.f32 v17, v12;
	v17 =	vmul.f32 v20, v20  }
0x209: {  	v8 =	vadd.f32 v10, v8;
	v9 =	vmul.f32 v9, v9;
	v10 =	vsub.f32 v25, v5;
	v25 =	vld [tilespmem:s10+$0x8800]  }
0x20a: {  	v11 =	vadd.f32 v16, v11;
	v12 =	vadd.f32 v21, v12;
	v16 =	vmul.f32 v13, v13;
	v21 =	vld [tilespmem:s29+$0x15000]  }
0x20b: {  	v8 =	vadd.f32 v23, v8;
	v14 =	vmul.f32 v10, v14;
	v5 =	vld [tilespmem:s29+$0xB000]  }
0x20c: {  	v22 =	vmul.f32 v7, v22;
	v11 =	vadd.f32 v24, v11;
	v23 =	vld [tilespmem:s15+$0xC000];
	v12 =	vadd.f32 v16, v12  }
0x20d: {  	v8 =	vadd.f32 v9, v8;
	v9 =	vmul.f32 v10, v10;
	v10 =	vsub.f32 v19, v4;
	v4 =	vld [tilespmem:s29+$0x16000]  }
0x20e: {  	v11 =	vadd.f32 v14, v11;
	v14 =	vmul.f32 v7, v7;
	v12 =	vadd.f32 v17, v12;
	v7 =	vld [tilespmem:s29+$0x17000]  }
0x20f: {  	v9 =	vadd.f32 v9, v8;
	v16 =	vsub.f32 v28, v3;
	v17 =	vmul.f32 v25, v25;
	v8 =	vld [tilespmem:s10+$0x9800]  }
0x210: {  	v19 =	vmul.f32 v26, v26;
	v11 =	vadd.f32 v22, v11;
	v3 =	vmul.f32 v5, v5  }
0x211: {  	v22 =	vmul.f32 v10, v27;
	v15 =	vmul.f32 v16, v15;
	v2 =	vsub.f32 v23, v2;
	v23 =	vld [tilespmem:$0x19900]  }
0x212: {  	v9 =	vadd.f32 v14, v9;
	v14 =	vmul.f32 v16, v16;
	v12 =	vadd.f32 v17, v12;
	v16 =	vld [tilespmem:s14+$0xC000]  }
0x213: {  	v11 =	vadd.f32 v15, v11;
	v15 =	vsub.f32 v18, v1;
	v13 =	vmul.f32 v2, v13;
	v17 =	vld [tilespmem:$0x19880]  }
0x214: {  	v10 =	vmul.f32 v10, v10;
	v9 =	vadd.f32 v14, v9;
	v12 =	vadd.f32 v19, v12;
	v1 =	vld [tilespmem:s10+$0xA800]  }
0x215: {  	v11 =	vadd.f32 v22, v11;
	v2 =	vmul.f32 v2, v2;
	v14 =	vmul.f32 v8, v8;
	v22 =	vld [tilespmem:$0x19980]  }
0x216: {  	v10 =	vadd.f32 v10, v9;
	v18 =	vmul.f32 v15, v20;
	v9 =	vsub.f32 v21, v23;
	v20 =	vld [tilespmem:s12+$0xC000]  }
.Ltmp6:
0x217: {  	v11 =	vadd.f32 v13, v11;
	v13 =	vmul.f32 v6, v6;
	v12 =	vadd.f32 v14, v12;
	(pc) =	sbr.rel @p2 .LBB2_10-.Ltmp6, $4  }
0x218: {  	v15 =	vmul.f32 v15, v15;
	v10 =	vadd.f32 v2, v10;
	v16 =	vsub.f32 v16, v17;
	v2 =	vld [tilespmem:s10+$0xB800]  }
0x219: {  	v14 =	vadd.f32 v18, v11;
	v21 =	vadd.f32 v13, v12;
	v11 =	vld [tilespmem:$0x19A00];
	v23 =	vmul.f32 v1, v1  }
0x21a: {  	v17 =	vadd.f32 v15, v10;
	v18 =	vmul.f32 v16, v25;
	v19 =	vmul.f32 v16, v16;
	v10 =	vld [tilespmem:$0x19A80]  }
0x21b: {  	v13 =	vmul.f32 v9, v26;
	v16 =	vsub.f32 v20, v22;
	v12 =	vld [tilespmem:s11+$0xC000];
	v15 =	vadd.f32 v23, v21  }
0x21c: {  	v17 =	vadd.f32 v19, v17;
	v9 =	vmul.f32 v9, v9  }
0x21d: {  	v14 =	vadd.f32 v18, v14;
	v50 =	vld [tilespmem:$0x19B00]  }
0x21e: {  	v52 =	vld [tilespmem:$0x19B80];
	v51 =	vmul.f32 v16, v16;
	v9 =	vadd.f32 v9, v17;
	v4 =	vsub.f32 v4, v11  }
0x21f: {  	v53 =	vld [tilespmem:s9+$0xC000];
	v8 =	vmul.f32 v16, v8;
	v13 =	vadd.f32 v13, v14  }
0x220: {  	v9 =	vadd.f32 v51, v9;
	v54 =	vmul.f32 v4, v4;
	v10 =	vsub.f32 v12, v10  }
0x221: {  	v8 =	vadd.f32 v8, v13;
	v4 =	vmul.f32 v4, v6  }
0x222: {  	v7 =	vsub.f32 v7, v50;
	v55 =	vadd.f32 v54, v9;
	v56 =	vmul.f32 v10, v10  }
0x223: {  	v3 =	vadd.f32 v3, v15;
	v4 =	vadd.f32 v4, v8;
	v1 =	vmul.f32 v10, v1  }
0x224: {  	v58 =	vsub.f32 v53, v52;
	v57 =	vmul.f32 v7, v7;
	v6 =	vadd.f32 v56, v55  }
0x225: {  	s3 =	sadd.s32 $0x1, s3;
	v59 =	vmul.f32 v2, v2;
	v60 =	vmul.f32 v7, v5;
	v1 =	vadd.f32 v1, v4  }
0x226: {  	p1 =	sne.s32 s3, $0x8;
	v62 =	vmul.f32 v58, v58;
	v61 =	vadd.f32 v57, v6  }
.Ltmp7:
0x227: {  	v3 =	vadd.f32 v59, v3;
	v2 =	vmul.f32 v58, v2;
	v1 =	vadd.f32 v60, v1;
	(pc) =	sbr.rel @p1 .LBB2_9-.Ltmp7, $4  }
0x228: {  	v63 =	vadd.f32 v62, v61  }
0x229: {  	[tilespmem:s29+$0x1A400] =	vst v3;
	v1 =	vadd.f32 v2, v1  }
0x22a: {  	[tilespmem:s29+$0x1AC00] =	vst v63  }
0x22b: {  	[tilespmem:s29+$0x19C00] =	vst v1  }
0x22c: {  	s0 =	simm.s32 $0x0  }
0x22d: {  	s0 =	sand.u32 $0xFE, s0  }
0x22e: {  	s0 =	sshrl.u32 s0, $0x1  }
0x22f: {  	s0 =	smul.u32 $0x93, s0;
	_ =	sdelay $0x1  }
0x230: {  	s3 =	sshrl.u32 s0, $0xA  }
0x231: {  	s3 =	smul.u32 $0xE, s3;
	_ =	sdelay $0x1  }
0x232: {  	s3 =	ssub.s32 $0x0, s3  }
0x233: {  	s9 =	sshrl.u32 s0, $0x2;
	s10 =	sshll.u32 s3, $0x7  }
0x234: {  	s0 =	sshrl.u32 s0, $0x3;
	s9 =	sand.u32 $0x800, s9;
	s10 =	sand.u32 $0x400, s10  }
0x235: {  	s0 =	sand.u32 $0x380, s0;
	s3 =	sshll.u32 s3, $0x4;
	s9 =	sor.u32 s10, s9  }
0x236: {  	s3 =	sand.u32 $0x70, s3;
	s0 =	sor.u32 s0, s9  }
0x237: {  	s10 =	sor.u32 s3, s0  }
0x238: {  	s11 =	simm.s32 $0x1;
	v2 =	vld [tilespmem:s10+$0x1AC00]  }
0x239: {  	s0 =	sand.u32 $0xFE, s11;
	v1 =	vld [tilespmem:s10+$0x1A400]  }
0x23a: {  	s0 =	sshrl.u32 s0, $0x1  }
0x23b: {  	s0 =	smul.u32 $0x93, s0;
	_ =	sdelay $0x1  }
0x23c: {  	s12 =	sshrl.u32 s0, $0xA;
	v2 =	vmax.f32 v2, $1.000000020e-16  }
0x23d: {  	s3 =	smul.u32 $0xE, s12;
	v1 =	vmax.f32 v1, $1.000000020e-16;
	v4 =	vshra.s32 v2, $0x1;
	v2 =	vmul.f32 $5.000000000e-01, v2  }
0x23e: {  	v3 =	vshra.s32 v1, $0x1;
	v1 =	vmul.f32 $5.000000000e-01, v1;
	v4 =	vsub.s32 $0x5F3759DF, v4  }
0x23f: {  	s3 =	ssub.s32 $0x1, s3;
	v3 =	vsub.s32 $0x5F3759DF, v3;
	v6 =	vmul.f32 v4, v2  }
0x240: {  	s14 =	simm.s32 $0x2;
	s11 =	sshrl.u32 s0, $0x2;
	s12 =	sshll.u32 s3, $0x7;
	v5 =	vmul.f32 v3, v1  }
0x241: {  	s0 =	sshrl.u32 s0, $0x3;
	s11 =	sand.u32 $0x800, s11;
	s12 =	sand.u32 $0x400, s12;
	v6 =	vmul.f32 v4, v6  }
0x242: {  	s0 =	sand.u32 $0x380, s0;
	s3 =	sshll.u32 s3, $0x4;
	s11 =	sor.u32 s12, s11;
	v5 =	vmul.f32 v3, v5  }
0x243: {  	s9 =	sand.u32 $0xFE, s14;
	s3 =	sand.u32 $0x70, s3;
	s0 =	sor.u32 s0, s11;
	v6 =	vsub.f32 $1.500000000e+00, v6  }
0x244: {  	s15 =	sshrl.u32 s9, $0x1;
	s0 =	sor.u32 s3, s0;
	v5 =	vsub.f32 $1.500000000e+00, v5  }
0x245: {  	s3 =	smul.u32 $0x93, s15;
	v7 =	vld [tilespmem:s0+$0x1A400];
	v6 =	vmul.f32 v4, v6  }
0x246: {  	v5 =	vmul.f32 v3, v5;
	v3 =	vld [tilespmem:s0+$0x1AC00]  }
0x247: {  	s17 =	sshrl.u32 s3, $0xA;
	v8 =	vmul.f32 v6, v2  }
0x248: {  	s9 =	smul.u32 $0xE, s17;
	v4 =	vmul.f32 v5, v1  }
0x249: {  	v8 =	vmul.f32 v8, v6  }
0x24a: {  	s9 =	ssub.s32 $0x2, s9;
	v7 =	vmax.f32 v7, $1.000000020e-16;
	v4 =	vmul.f32 v4, v5  }
0x24b: {  	s18 =	sshrl.u32 s3, $0x2;
	s21 =	sshll.u32 s9, $0x7;
	v10 =	vshra.s32 v7, $0x1;
	v9 =	vmax.f32 v3, $1.000000020e-16;
	v8 =	vsub.f32 $1.500000000e+00, v8  }
0x24c: {  	s3 =	sshrl.u32 s3, $0x3;
	s11 =	sand.u32 $0x800, s18;
	s12 =	sand.u32 $0x400, s21;
	v3 =	vmul.f32 $5.000000000e-01, v7;
	v11 =	vsub.f32 $1.500000000e+00, v4;
	v7 =	vshra.s32 v9, $0x1  }
0x24d: {  	s3 =	sand.u32 $0x380, s3;
	s9 =	sshll.u32 s9, $0x4;
	s11 =	sor.u32 s12, s11;
	v4 =	vmul.f32 $5.000000000e-01, v9;
	v9 =	vsub.s32 $0x5F3759DF, v10;
	v10 =	vld [tilespmem:s10+$0x18800];
	v8 =	vmul.f32 v8, v6  }
0x24e: {  	s9 =	sand.u32 $0x70, s9;
	s3 =	sor.u32 s3, s11;
	v12 =	vsub.s32 $0x5F3759DF, v7;
	v5 =	vmul.f32 v11, v5;
	v11 =	vmul.f32 v9, v3;
	v6 =	vld [tilespmem:s10+$0x18000]  }
0x24f: {  	s3 =	sor.u32 s9, s3;
	v7 =	vmul.f32 v12, v4;
	v2 =	vmul.f32 v8, v2  }
0x250: {  	v14 =	vld [tilespmem:s3+$0x1A400];
	v13 =	vmul.f32 v5, v1;
	v11 =	vmul.f32 v9, v11  }
0x251: {  	s9 =	simm.s32 $0x3;
	v15 =	vld [tilespmem:s3+$0x1AC00];
	v1 =	vimm.f32 $0.0e+00;
	v7 =	vmul.f32 v12, v7;
	v2 =	vmul.f32 v2, v8  }
0x252: {  	s29 =	sand.u32 $0xFE, s9;
	vm0 =	veq.f32 v10, $0.0e+00;
	v13 =	vmul.f32 v13, v5;
	v10 =	vsub.f32 $1.500000000e+00, v11  }
0x253: {  	s11 =	sshrl.u32 s29, $0x1;
	v11 =	vsub.f32 $1.500000000e+00, v7;
	vm1 =	vlt.f32 v6, $0.0e+00;
	v2 =	vsub.f32 $1.500000000e+00, v2  }
0x254: {  	s11 =	smul.u32 $0x93, s11;
	vm2 =	vgt.f32 v6, $0.0e+00;
	v13 =	vsub.f32 $1.500000000e+00, v13;
	v7 =	vmul.f32 v9, v10  }
0x255: {  	v14 =	vmax.f32 v14, $1.000000020e-16;
	v6 =	vmul.f32 v12, v11;
	v2 =	vmul.f32 v2, v8;
	v8 =	vld [tilespmem:s10+$0x19C00]  }
0x256: {  	s30 =	sshrl.u32 s11, $0xA;
	v9 =	vmax.f32 v15, $1.000000020e-16;
	vm1 =	vmor vm2, vm1;
	v12 =	vmul.f32 v13, v5  }
0x257: {  	s12 =	smul.u32 $0xE, s30;
	v10 =	vshra.s32 v14, $0x1;
	v13 =	vmul.f32 v7, v3;
	v11 =	vmul.f32 v6, v4  }
0x258: {  	s10 =	simm.s32 $0x4;
	v5 =	vmul.f32 $5.000000000e-01, v14;
	v12 =	vmul.f32 v2, v12;
	v2 =	vimm.f32 $0.0e+00  }
.LBB2_13:
0x259: {  	p1 =	sne.s32 s10, $0x6F;
	s12 =	ssub.s32 s9, s12;
	v14 =	vshra.s32 v9, $0x1;
	v13 =	vmul.f32 v13, v7;
	v11 =	vmul.f32 v11, v6;
	s9 =	smov.u32 s10  }
0x25a: {  	s14 =	sshrl.u32 s11, $0x2;
	v9 =	vmul.f32 $5.000000000e-01, v9;
	vm0 =	vmand vm1, vm0;
	s15 =	sshll.u32 s12, $0x7;
	v8 =	vmul.f32 v12, v8  }
0x25b: {  	s11 =	sshrl.u32 s11, $0x3;
	v10 =	vsub.s32 $0x5F3759DF, v10;
	s14 =	sand.u32 $0x800, s14;
	s15 =	sand.u32 $0x400, s15;
	v12 =	vsub.f32 $1.500000000e+00, v13;
	v11 =	vsub.f32 $1.500000000e+00, v11  }
0x25c: {  	s12 =	sshll.u32 s12, $0x4;
	s11 =	sand.u32 $0x380, s11;
	v14 =	vsub.s32 $0x5F3759DF, v14;
	v13 =	vmul.f32 v10, v5;
	s14 =	sor.u32 s15, s14;
	v15 =	vld [tilespmem:s0+$0x18800];
	v8 =	vsub.f32 $1.000000000e+00, v8  }
0x25d: {  	s12 =	sand.u32 $0x70, s12;
	s11 =	sor.u32 s11, s14;
	v12 =	vmul.f32 v12, v7;
	v11 =	vmul.f32 v11, v6;
	v6 =	vld [tilespmem:s0+$0x18000];
	v7 =	vsel vm0, $0x3F800000, v0  }
0x25e: {  	v16 =	vmul.f32 v14, v9;
	s12 =	sor.u32 s12, s11;
	v8 =	vmul.f32 v8, v7;
	v1 =	vadd.f32 v7, v1  }
0x25f: {  	v7 =	vld [tilespmem:s12+$0x1A400];
	v17 =	vmul.f32 v12, v3;
	v18 =	vmul.f32 v11, v4;
	v4 =	vmovc v9;
	v3 =	vmov v5  }
0x260: {  	s11 =	sand.u32 $0xFE, s10;
	v9 =	vmul.f32 v10, v13;
	v13 =	vmul.f32 v14, v16;
	v5 =	vld [tilespmem:s12+$0x1AC00];
	v2 =	vadd.f32 v8, v2  }
0x261: {  	s11 =	sshrl.u32 s11, $0x1;
	v8 =	vmul.f32 v17, v12;
	v16 =	vmul.f32 v18, v11;
	vm0 =	veq.f32 v15, $0.0e+00  }
0x262: {  	s11 =	smul.u32 $0x93, s11;
	v9 =	vsub.f32 $1.500000000e+00, v9;
	v13 =	vsub.f32 $1.500000000e+00, v13;
	vm1 =	vlt.f32 v6, $0.0e+00  }
.Ltmp8:
0x263: {  	vm2 =	vgt.f32 v6, $0.0e+00;
	v15 =	vsub.f32 $1.500000000e+00, v8;
	v16 =	vsub.f32 $1.500000000e+00, v16;
	(pc) =	sbr.rel @p1 .LBB2_13-.Ltmp8, $4  }
0x264: {  	v6 =	vmul.f32 v14, v13;
	v17 =	vmax.f32 v7, $1.000000020e-16;
	v7 =	vmul.f32 v10, v9;
	v8 =	vld [tilespmem:s0+$0x19C00];
	s0 =	smov.u32 s3;
	s3 =	smov.u32 s12  }
0x265: {  	s12 =	sshrl.u32 s11, $0xA;
	v9 =	vmax.f32 v5, $1.000000020e-16;
	v12 =	vmul.f32 v15, v12;
	v14 =	vmul.f32 v16, v11  }
0x266: {  	vm1 =	vmor vm2, vm1;
	s12 =	smul.u32 $0xE, s12;
	v11 =	vmul.f32 v6, v4;
	v13 =	vmul.f32 v7, v3  }
0x267: {  	s10 =	sadd.s32 $0x1, s10;
	v10 =	vshra.s32 v17, $0x1;
	v5 =	vmul.f32 $5.000000000e-01, v17;
	v12 =	vmul.f32 v14, v12  }
0x268: {  	s9 =	ssub.s32 s9, s12  }
0x269: {  	s10 =	sshrl.u32 s11, $0x2;
	s12 =	sshll.u32 s9, $0x7  }
0x26a: {  	s18 =	sshrl.u32 s11, $0x3;
	s10 =	sand.u32 $0x800, s10;
	s12 =	sand.u32 $0x400, s12  }
0x26b: {  	s9 =	sshll.u32 s9, $0x4;
	s11 =	sand.u32 $0x380, s18;
	s10 =	sor.u32 s12, s10  }
0x26c: {  	s9 =	sand.u32 $0x70, s9;
	s10 =	sor.u32 s11, s10  }
0x26d: {  	v13 =	vmul.f32 v13, v7;
	v11 =	vmul.f32 v11, v6;
	v15 =	vshra.s32 v9, $0x1;
	s9 =	sor.u32 s9, s10  }
0x26e: {  	v34 =	vmul.f32 $5.000000000e-01, v9;
	v10 =	vsub.s32 $0x5F3759DF, v10;
	v8 =	vmul.f32 v12, v8;
	v14 =	vld [tilespmem:s9+$0x1A400]  }
0x26f: {  	v15 =	vsub.s32 $0x5F3759DF, v15;
	v13 =	vsub.f32 $1.500000000e+00, v13;
	v11 =	vsub.f32 $1.500000000e+00, v11;
	v36 =	vld [tilespmem:s9+$0x1AC00]  }
0x270: {  	vm0 =	vmand vm1, vm0;
	v37 =	vmul.f32 v10, v5;
	v39 =	vmul.f32 v15, v34  }
0x271: {  	v8 =	vsub.f32 $1.000000000e+00, v8;
	v35 =	vmul.f32 v13, v7;
	v38 =	vmul.f32 v11, v6  }
0x272: {  	v47 =	vsel vm0, $0x3F800000, v0;
	v13 =	vmul.f32 v10, v37;
	v11 =	vmul.f32 v15, v39  }
0x273: {  	v8 =	vmul.f32 v8, v47;
	v3 =	vmul.f32 v35, v3;
	v14 =	vmax.f32 v14, $1.000000020e-16  }
0x274: {  	v4 =	vmul.f32 v38, v4;
	v12 =	vmax.f32 v36, $1.000000020e-16;
	v16 =	vshra.s32 v14, $0x1  }
0x275: {  	v14 =	vmul.f32 $5.000000000e-01, v14;
	v17 =	vshra.s32 v12, $0x1;
	v12 =	vmul.f32 $5.000000000e-01, v12  }
0x276: {  	v13 =	vsub.f32 $1.500000000e+00, v13;
	v16 =	vsub.s32 $0x5F3759DF, v16;
	v17 =	vsub.s32 $0x5F3759DF, v17  }
0x277: {  	v18 =	vmul.f32 v16, v14;
	v19 =	vmul.f32 v17, v12  }
0x278: {  	v11 =	vsub.f32 $1.500000000e+00, v11;
	v3 =	vmul.f32 v3, v35;
	v10 =	vmul.f32 v10, v13  }
0x279: {  	v18 =	vmul.f32 v16, v18;
	v40 =	vmul.f32 v17, v19  }
0x27a: {  	v4 =	vmul.f32 v4, v38;
	v11 =	vmul.f32 v15, v11;
	v3 =	vsub.f32 $1.500000000e+00, v3  }
0x27b: {  	v43 =	vmul.f32 v10, v5;
	v18 =	vsub.f32 $1.500000000e+00, v18;
	v41 =	vsub.f32 $1.500000000e+00, v40  }
0x27c: {  	v15 =	vmul.f32 v11, v34;
	v3 =	vmul.f32 v3, v35  }
0x27d: {  	v42 =	vmul.f32 v16, v18;
	v6 =	vmul.f32 v17, v41  }
0x27e: {  	v4 =	vsub.f32 $1.500000000e+00, v4;
	v13 =	vmul.f32 v43, v10;
	v15 =	vmul.f32 v15, v11  }
0x27f: {  	v44 =	vld [tilespmem:s0+$0x18800];
	v16 =	vmul.f32 v42, v14;
	v45 =	vmul.f32 v6, v12  }
0x280: {  	v46 =	vld [tilespmem:s0+$0x18000];
	v4 =	vmul.f32 v4, v38;
	v13 =	vsub.f32 $1.500000000e+00, v13;
	v15 =	vsub.f32 $1.500000000e+00, v15  }
0x281: {  	v16 =	vmul.f32 v16, v42;
	v18 =	vmul.f32 v45, v6  }
0x282: {  	v54 =	vld [tilespmem:s3+$0x18000];
	v1 =	vadd.f32 v47, v1;
	v10 =	vmul.f32 v13, v10;
	v11 =	vmul.f32 v15, v11  }
0x283: {  	v48 =	vld [tilespmem:s0+$0x19C00];
	v3 =	vmul.f32 v4, v3;
	v16 =	vsub.f32 $1.500000000e+00, v16;
	v49 =	vsub.f32 $1.500000000e+00, v18  }
0x284: {  	vm8 =	veq.f32 v44, $0.0e+00;
	v50 =	vmul.f32 v10, v5;
	v9 =	vmul.f32 v11, v34  }
0x285: {  	v56 =	vld [tilespmem:s3+$0x18800];
	vm9 =	vlt.f32 v46, $0.0e+00;
	v7 =	vmul.f32 v16, v42;
	v6 =	vmul.f32 v49, v6  }
0x286: {  	vm2 =	vgt.f32 v46, $0.0e+00;
	v51 =	vmul.f32 v50, v10;
	v52 =	vmul.f32 v9, v11  }
0x287: {  	vm10 =	vlt.f32 v54, $0.0e+00;
	v53 =	vmul.f32 v7, v14;
	v12 =	vmul.f32 v6, v12  }
0x288: {  	v3 =	vmul.f32 v3, v48;
	v4 =	vsub.f32 $1.500000000e+00, v51;
	v5 =	vsub.f32 $1.500000000e+00, v52  }
0x289: {  	vm11 =	vgt.f32 v54, $0.0e+00;
	v9 =	vmul.f32 v53, v7;
	v12 =	vmul.f32 v12, v6  }
0x28a: {  	v55 =	vld [tilespmem:s3+$0x19C00];
	vm12 =	veq.f32 v56, $0.0e+00;
	v4 =	vmul.f32 v4, v10;
	v5 =	vmul.f32 v5, v11  }
0x28b: {  	vm1 =	vmor vm2, vm9;
	v58 =	vld [tilespmem:s9+$0x18000];
	v9 =	vsub.f32 $1.500000000e+00, v9;
	v12 =	vsub.f32 $1.500000000e+00, v12  }
0x28c: {  	v59 =	vld [tilespmem:s9+$0x19C00];
	vm0 =	vmand vm1, vm8;
	v3 =	vsub.f32 $1.000000000e+00, v3;
	v4 =	vmul.f32 v5, v4  }
0x28d: {  	v60 =	vld [tilespmem:s9+$0x18800];
	v57 =	vsel vm0, $0x3F800000, v0;
	v7 =	vmul.f32 v9, v7;
	v6 =	vmul.f32 v12, v6  }
0x28e: {  	v2 =	vadd.f32 v8, v2;
	vm0 =	vmor vm11, vm10;
	v3 =	vmul.f32 v3, v57  }
0x28f: {  	vm0 =	vmand vm0, vm12;
	v4 =	vmul.f32 v4, v55;
	v6 =	vmul.f32 v6, v7  }
0x290: {  	v1 =	vadd.f32 v57, v1;
	vm13 =	vlt.f32 v58, $0.0e+00;
	vm14 =	vgt.f32 v58, $0.0e+00  }
0x291: {  	v2 =	vadd.f32 v3, v2;
	v3 =	vsub.f32 $1.000000000e+00, v4;
	v61 =	vmul.f32 v6, v59  }
0x292: {  	v62 =	vsel vm0, $0x3F800000, v0;
	vm15 =	veq.f32 v60, $0.0e+00;
	vm1 =	vmor vm14, vm13  }
0x293: {  	vm0 =	vmand vm1, vm15;
	v3 =	vmul.f32 v3, v62;
	v4 =	vsub.f32 $1.000000000e+00, v61  }
0x294: {  	v1 =	vadd.f32 v62, v1;
	v63 =	vsel vm0, $0x3F800000, v0  }
0x295: {  	v2 =	vadd.f32 v3, v2;
	v3 =	vmul.f32 v4, v63  }
0x296: {  	v1 =	vadd.f32 v63, v1  }
0x297: {  	v2 =	vadd.f32 v3, v2  }
0x298: {  	[tilespmem:$0x1B680] =	vst v1  }
0x299: {  	s0 =	simm.s32 $0x0;
	s21 =	rddreg [dreg:$0x9];
	s29 =	simm.s32 $0x18000;
	[tilespmem:$0x1B480] =	vst v2  }
0x29a: {  	[tilespmem:s29], [sflag:$0x1] =	stream.linear.gather [hbm4b:s21+s0], $0x800, $0x38;
	[tilespmem:$0x1B800] =	vst v63  }
0x29b: {  	_ =	swait.ge [sflag:s22], $0x800  }
0x29c: {  	[sflag:s22] =	ssyncset.done $0x0  }
0x29d: {  	s30 =	rddreg [dreg:$0xa];
	[sflag:s22] =	ssyncadd.s32 $0xFFFFF800  }
0x29e: {  	[tilespmem:s23], [sflag:$0x1] =	stream.linear.gather [hbm4b:s30+s0], $0x800, $0x38;
	[tilespmem:$0x1B800] =	vst v63  }
0x29f: {  	_ =	swait.ge [sflag:s22], $0x800  }
0x2a0: {  	[sflag:s22] =	ssyncset.done $0x0  }
0x2a1: {  	s3 =	simm.s32 $0x0;
	[sflag:s22] =	ssyncadd.s32 $0xFFFFF800  }
.LBB2_15:
0x2a2: {  	s9 =	smul.u32 $0x150000, s3;
	_ =	sdelay $0x1  }
0x2a3: {  	s9 =	sadd.s32 s9, s16  }
0x2a4: {  	s9 =	sshrl.u32 s9, $0x3  }
0x2a5: {  	s10 =	sadd.s32 s1, s9  }
0x2a6: {  	[tilespmem:s0], [sflag:$0x1] =	stream.strided.gather [hbm4b:s10+s24], $0xC000, s25, s24, $0x38;
	[tilespmem:$0x1B800] =	vst v63  }
0x2a7: {  	_ =	swait.ge [sflag:s22], $0xC000  }
0x2a8: {  	[sflag:s22] =	ssyncset.done $0x0  }
0x2a9: {  	s9 =	sadd.s32 s2, s9;
	[sflag:s22] =	ssyncadd.s32 $0xFFFF4000  }
0x2aa: {  	[tilespmem:s26], [sflag:$0x1] =	stream.strided.gather [hbm4b:s9+s24], $0xC000, s25, s24, $0x38;
	[tilespmem:$0x1B800] =	vst v63  }
0x2ab: {  	s17 =	smul.u32 $0x180, s3;
	_ =	swait.ge [sflag:s22], $0xC000  }
0x2ac: {  	[sflag:s22] =	ssyncset.done $0x0  }
0x2ad: {  	s9 =	sadd.s32 s5, s17;
	[sflag:s22] =	ssyncadd.s32 $0xFFFF4000  }
0x2ae: {  	[tilespmem:s28], [sflag:$0x1] =	stream.linear.gather [hbm4b:s9+s0], $0xC00, $0x38;
	[tilespmem:$0x1B800] =	vst v63  }
0x2af: {  	_ =	swait.ge [sflag:s22], $0xC00  }
0x2b0: {  	[sflag:s22] =	ssyncset.done $0x0  }
0x2b1: {  	[sflag:s22] =	ssyncadd.s32 $0xFFFFF400  }
0x2b2: {  	v1 =	vld [tilespmem:$0x19800]  }
0x2b3: {  	s18 =	sand.u32 $0xFE, s0;
	v2 =	vld [tilespmem:$0x19780]  }
0x2b4: {  	s9 =	sshrl.u32 s18, $0x1;
	v3 =	vld [tilespmem:$0x19680]  }
0x2b5: {  	s9 =	smul.u32 $0x93, s9;
	v5 =	vld [tilespmem:$0x19480]  }
0x2b6: {  	v6 =	vld [tilespmem:$0x19600]  }
0x2b7: {  	s21 =	sshrl.u32 s9, $0xA;
	v7 =	vld [tilespmem:$0x19380]  }
0x2b8: {  	v8 =	vld [tilespmem:$0x19500];
	s10 =	smul.u32 $0xE, s21  }
0x2b9: {  	v9 =	vld [tilespmem:$0x19400]  }
0x2ba: {  	v10 =	vld [tilespmem:$0x19300];
	s10 =	ssub.s32 $0x0, s10  }
0x2bb: {  	s11 =	sshrl.u32 s9, $0x3;
	v12 =	vld [tilespmem:$0x19200];
	s12 =	sshll.u32 s10, $0x7  }
0x2bc: {  	s9 =	sshrl.u32 s9, $0x2;
	s11 =	sand.u32 $0x380, s11;
	v13 =	vld [tilespmem:$0x19180];
	s12 =	sand.u32 $0x400, s12  }
0x2bd: {  	s9 =	sand.u32 $0x800, s9;
	v14 =	vld [tilespmem:$0x19100];
	s10 =	sshll.u32 s10, $0x4;
	s14 =	sor.u32 s12, s11  }
0x2be: {  	v15 =	vld [tilespmem:$0x19000];
	s10 =	sand.u32 $0x70, s10;
	s12 =	sor.u32 s12, s9;
	s9 =	sor.u32 s9, s14  }
0x2bf: {  	v16 =	vld [tilespmem:$0x19080];
	s11 =	sor.u32 s11, s12;
	s29 =	sor.u32 s10, s9  }
0x2c0: {  	s11 =	sor.u32 s10, s11;
	v17 =	vld [tilespmem:s29+$0x1000]  }
0x2c1: {  	v18 =	vld [tilespmem:s11+$0x800]  }
0x2c2: {  	v19 =	vld [tilespmem:s29+$0x1A400]  }
0x2c3: {  	v20 =	vld [tilespmem:s29+$0x0]  }
0x2c4: {  	v21 =	vld [tilespmem:s11+$0xC800]  }
0x2c5: {  	v22 =	vld [tilespmem:s29+$0x19C00]  }
0x2c6: {  	v23 =	vld [tilespmem:s29+$0xC000]  }
0x2c7: {  	v24 =	vld [tilespmem:s29+$0xD000]  }
0x2c8: {  	v27 =	vld [tilespmem:s11+$0x1800]  }
0x2c9: {  	v33 =	vld [tilespmem:s29+$0x1AC00]  }
0x2ca: {  	v34 =	vld [tilespmem:s11+$0xD800]  }
0x2cb: {  	p1 =	seq.s32 s3, $0x0;
	v25 =	vld [tilespmem:s29+$0x2000];
	v26 =	vmul.f32 v20, v20  }
0x2cc: {  	v36 =	vld [tilespmem:s29+$0xE000];
	v19 =	vpsel p1, $0x0, v19;
	v16 =	vsub.f32 v21, v16;
	v28 =	vmul.f32 v18, v18  }
0x2cd: {  	v11 =	vld [tilespmem:$0x19280];
	v15 =	vsub.f32 v23, v15;
	v14 =	vsub.f32 v24, v14;
	v35 =	vmul.f32 v17, v17  }
0x2ce: {  	v29 =	vld [tilespmem:s29+$0x3000];
	v22 =	vpsel p1, $0x0, v22;
	v30 =	vmul.f32 v27, v27;
	v19 =	vadd.f32 v26, v19  }
0x2cf: {  	v37 =	vld [tilespmem:s11+$0x2800];
	v21 =	vpsel p1, $0x0, v33;
	v13 =	vsub.f32 v34, v13;
	v20 =	vmul.f32 v15, v20  }
0x2d0: {  	v38 =	vld [tilespmem:s11+$0xE800];
	v39 =	vmul.f32 v25, v25;
	v15 =	vmul.f32 v15, v15;
	v19 =	vadd.f32 v28, v19  }
0x2d1: {  	v40 =	vld [tilespmem:s29+$0xF000];
	v12 =	vsub.f32 v36, v12;
	v18 =	vmul.f32 v16, v18;
	v20 =	vadd.f32 v20, v22  }
0x2d2: {  	v41 =	vld [tilespmem:s11+$0x3800];
	v16 =	vmul.f32 v16, v16;
	v15 =	vadd.f32 v15, v21;
	v19 =	vadd.f32 v35, v19  }
0x2d3: {  	v42 =	vld [tilespmem:s29+$0x4000];
	s10 =	sadd.s32 $0x4800, s11;
	v44 =	vmul.f32 v29, v29;
	v17 =	vmul.f32 v14, v17;
	v18 =	vadd.f32 v18, v20  }
0x2d4: {  	v51 =	vld [tilespmem:s10+$0xC000];
	v14 =	vmul.f32 v14, v14;
	v15 =	vadd.f32 v16, v15;
	v19 =	vadd.f32 v30, v19  }
0x2d5: {  	v50 =	vld [tilespmem:s29+$0x12000];
	v43 =	vmul.f32 v13, v27;
	v13 =	vmul.f32 v13, v13;
	v16 =	vadd.f32 v17, v18  }
0x2d6: {  	v20 =	vmul.f32 v37, v37;
	v17 =	vld [tilespmem:s29+$0x10000];
	v14 =	vadd.f32 v14, v15;
	v19 =	vadd.f32 v39, v19  }
0x2d7: {  	v52 =	vld [tilespmem:s29+$0x8000];
	v11 =	vsub.f32 v38, v11;
	v10 =	vsub.f32 v40, v10;
	v46 =	vmul.f32 v41, v41  }
0x2d8: {  	v48 =	vmul.f32 v42, v42;
	v13 =	vadd.f32 v13, v14;
	v14 =	vld [tilespmem:s29+$0x11000];
	v18 =	vadd.f32 v20, v19  }
0x2d9: {  	v5 =	vsub.f32 v51, v5;
	v15 =	vld [tilespmem:s11+$0x4800];
	v16 =	vadd.f32 v43, v16;
	v19 =	vmul.f32 v12, v25  }
0x2da: {  	v22 =	vsub.f32 v50, v6;
	v20 =	vld [tilespmem:s11+$0xF800];
	v12 =	vmul.f32 v12, v12;
	v18 =	vadd.f32 v44, v18  }
0x2db: {  	v45 =	vld [tilespmem:s29+$0x5000];
	v47 =	vmul.f32 v11, v37;
	v9 =	vsub.f32 v17, v9;
	v16 =	vadd.f32 v19, v16  }
0x2dc: {  	v4 =	vld [tilespmem:$0x19700];
	v11 =	vmul.f32 v11, v11;
	v12 =	vadd.f32 v12, v13;
	v18 =	vadd.f32 v46, v18  }
0x2dd: {  	v57 =	vmul.f32 v52, v52;
	v13 =	vld [tilespmem:s11+$0x5800];
	v8 =	vsub.f32 v14, v8;
	v16 =	vadd.f32 v47, v16  }
0x2de: {  	v49 =	vld [tilespmem:s29+$0x7000];
	v11 =	vadd.f32 v11, v12;
	v17 =	vadd.f32 v48, v18;
	v18 =	vmul.f32 v15, v15  }
0x2df: {  	s12 =	sadd.s32 $0x5800, s11;
	v19 =	vld [tilespmem:s29+$0x6000];
	v12 =	vmul.f32 v10, v29;
	v10 =	vmul.f32 v10, v10;
	v7 =	vsub.f32 v20, v7  }
0x2e0: {  	v54 =	vld [tilespmem:s12+$0xC000];
	v14 =	vmul.f32 v45, v45;
	v53 =	vmul.f32 v9, v42;
	v17 =	vadd.f32 v18, v17  }
0x2e1: {  	v12 =	vadd.f32 v12, v16;
	v16 =	vld [tilespmem:s11+$0x6800];
	v10 =	vadd.f32 v10, v11;
	v11 =	vmul.f32 v7, v41  }
0x2e2: {  	v7 =	vmul.f32 v7, v7;
	v18 =	vld [tilespmem:$0x19580];
	v14 =	vadd.f32 v14, v17;
	v17 =	vmul.f32 v13, v13  }
0x2e3: {  	v60 =	vld [tilespmem:$0x19980];
	v9 =	vmul.f32 v9, v9;
	v20 =	vmul.f32 v49, v49;
	v11 =	vadd.f32 v11, v12  }
0x2e4: {  	v12 =	vld [tilespmem:s11+$0x7800];
	v7 =	vadd.f32 v7, v10;
	v6 =	vadd.f32 v17, v14;
	v14 =	vmul.f32 v19, v19  }
0x2e5: {  	v10 =	vadd.f32 v53, v11;
	v11 =	vmul.f32 v5, v15;
	v15 =	vld [tilespmem:s29+$0x14000];
	v5 =	vmul.f32 v5, v5  }
0x2e6: {  	v7 =	vadd.f32 v9, v7;
	v17 =	vld [tilespmem:s29+$0x13000];
	v6 =	vadd.f32 v14, v6;
	v14 =	vmul.f32 v16, v16  }
0x2e7: {  	s14 =	sadd.s32 $0x6800, s11;
	v56 =	vmul.f32 v8, v45;
	v9 =	vsub.f32 v54, v18;
	v18 =	vld [tilespmem:s11+$0x8800];
	v10 =	vadd.f32 v11, v10  }
0x2e8: {  	v8 =	vmul.f32 v8, v8;
	v7 =	vadd.f32 v5, v7;
	v6 =	vadd.f32 v14, v6;
	v14 =	vld [tilespmem:s14+$0xC000]  }
0x2e9: {  	v55 =	vld [tilespmem:s29+$0x9000];
	s15 =	sadd.s32 $0x7800, s11;
	v19 =	vmul.f32 v22, v19;
	v13 =	vmul.f32 v9, v13;
	v10 =	vadd.f32 v56, v10  }
0x2ea: {  	v7 =	vadd.f32 v8, v7;
	v8 =	vmul.f32 v9, v9;
	v6 =	vadd.f32 v20, v6;
	v20 =	vld [tilespmem:s15+$0xC000]  }
0x2eb: {  	v5 =	vld [tilespmem:s29+$0xB000];
	v11 =	vmul.f32 v12, v12;
	v15 =	vsub.f32 v15, v1;
	v9 =	vsub.f32 v17, v4  }
0x2ec: {  	v17 =	vld [tilespmem:s29+$0x15000];
	v10 =	vadd.f32 v13, v10;
	v13 =	vmul.f32 v22, v22;
	v7 =	vadd.f32 v8, v7  }
0x2ed: {  	v8 =	vld [tilespmem:s11+$0x9800];
	v58 =	vmul.f32 v18, v18;
	v11 =	vadd.f32 v11, v6;
	v14 =	vsub.f32 v14, v3  }
0x2ee: {  	v61 =	vmul.f32 v15, v52;
	v15 =	vmul.f32 v15, v15;
	v10 =	vadd.f32 v19, v10;
	v6 =	vld [tilespmem:s29+$0xA000]  }
0x2ef: {  	s17 =	sadd.s32 $0x8800, s11;
	v11 =	vadd.f32 v57, v11;
	v16 =	vmul.f32 v14, v16;
	v2 =	vsub.f32 v20, v2;
	v20 =	vld [tilespmem:$0x19900]  }
0x2f0: {  	v19 =	vmul.f32 v55, v55;
	v7 =	vadd.f32 v13, v7;
	v13 =	vmul.f32 v14, v14;
	v14 =	vld [tilespmem:s17+$0xC000]  }
0x2f1: {  	v59 =	vmul.f32 v9, v49;
	v11 =	vadd.f32 v58, v11;
	v10 =	vadd.f32 v16, v10;
	v16 =	vld [tilespmem:$0x19880]  }
0x2f2: {  	v1 =	vld [tilespmem:s11+$0xA800];
	v9 =	vmul.f32 v9, v9;
	v12 =	vmul.f32 v2, v12;
	v7 =	vadd.f32 v13, v7  }
0x2f3: {  	s18 =	sadd.s32 $0x9800, s11;
	v4 =	vld [tilespmem:s29+$0x16000];
	v13 =	vmul.f32 v8, v8;
	v11 =	vadd.f32 v19, v11;
	v10 =	vadd.f32 v59, v10  }
0x2f4: {  	v2 =	vmul.f32 v2, v2;
	v19 =	vadd.f32 v9, v7;
	v9 =	vsub.f32 v17, v20;
	v20 =	vld [tilespmem:s18+$0xC000]  }
0x2f5: {  	v7 =	vld [tilespmem:s29+$0x17000];
	v10 =	vadd.f32 v12, v10;
	v12 =	vadd.f32 v13, v11;
	v13 =	vmul.f32 v6, v6  }
0x2f6: {  	v3 =	vmul.f32 v5, v5;
	v17 =	vadd.f32 v2, v19;
	v2 =	vld [tilespmem:s11+$0xB800];
	v16 =	vsub.f32 v14, v16  }
0x2f7: {  	v63 =	vmul.f32 v1, v1;
	v11 =	vld [tilespmem:$0x19A00];
	v14 =	vadd.f32 v61, v10;
	v62 =	vadd.f32 v13, v12  }
0x2f8: {  	s21 =	sadd.s32 $0xA800, s11;
	v17 =	vadd.f32 v15, v17;
	v10 =	vld [tilespmem:$0x19A80];
	v18 =	vmul.f32 v16, v18;
	v19 =	vmul.f32 v16, v16  }
0x2f9: {  	s30 =	simm.s32 $0x1;
	s9 =	sadd.s32 $0xB800, s11;
	v13 =	vmul.f32 v9, v55;
	v12 =	vld [tilespmem:s21+$0xC000];
	v16 =	vsub.f32 v20, v60;
	v15 =	vadd.f32 v63, v62  }
.LBB2_16:
0x2fa: {  	p2 =	sne.s32 s30, $0x6F;
	v14 =	vadd.f32 v18, v14;
	v17 =	vadd.f32 v19, v17;
	v9 =	vmul.f32 v9, v9;
	s10 =	smov.u32 s30;
	s30 =	sadd.s32 $0x1, s30  }
0x2fb: {  	v8 =	vmul.f32 v16, v8;
	v18 =	vld [tilespmem:$0x19B00];
	v3 =	vadd.f32 v3, v15;
	v15 =	vmul.f32 v2, v2  }
0x2fc: {  	v16 =	vmul.f32 v16, v16;
	v9 =	vadd.f32 v9, v17;
	v4 =	vsub.f32 v4, v11;
	v11 =	vld [tilespmem:$0x19B80]  }
0x2fd: {  	v13 =	vadd.f32 v13, v14;
	v14 =	vld [tilespmem:s9+$0xC000];
	v3 =	vadd.f32 v15, v3  }
0x2fe: {  	v9 =	vadd.f32 v16, v9;
	v15 =	vmul.f32 v4, v4;
	v10 =	vsub.f32 v12, v10  }
0x2ff: {  	v8 =	vadd.f32 v8, v13;
	v4 =	vmul.f32 v4, v6;
	[tilespmem:s29+$0x1A400] =	vst v3  }
0x300: {  	v3 =	vadd.f32 v15, v9;
	v6 =	vmul.f32 v10, v10;
	v7 =	vsub.f32 v7, v18  }
0x301: {  	v4 =	vadd.f32 v4, v8;
	v1 =	vmul.f32 v10, v1  }
0x302: {  	v3 =	vadd.f32 v6, v3;
	v6 =	vmul.f32 v7, v7;
	v8 =	vsub.f32 v14, v11  }
0x303: {  	v1 =	vadd.f32 v1, v4;
	v4 =	vmul.f32 v7, v5  }
0x304: {  	v3 =	vadd.f32 v6, v3;
	v5 =	vmul.f32 v8, v8  }
0x305: {  	v1 =	vadd.f32 v4, v1;
	v2 =	vmul.f32 v8, v2  }
0x306: {  	v3 =	vadd.f32 v5, v3  }
0x307: {  	v1 =	vadd.f32 v2, v1  }
0x308: {  	[tilespmem:s29+$0x1AC00] =	vst v3  }
0x309: {  	[tilespmem:s29+$0x19C00] =	vst v1;
	_ =	sdelay $0x1  }
0x30a: {  	v1 =	vld [tilespmem:$0x19800]  }
0x30b: {  	v2 =	vld [tilespmem:$0x19780]  }
0x30c: {  	v3 =	vld [tilespmem:$0x19680]  }
0x30d: {  	v4 =	vld [tilespmem:$0x19700]  }
0x30e: {  	s9 =	sand.u32 $0xFE, s10;
	v5 =	vld [tilespmem:$0x19580]  }
0x30f: {  	s9 =	sshrl.u32 s9, $0x1;
	v6 =	vld [tilespmem:$0x19480]  }
0x310: {  	s9 =	smul.u32 $0x93, s9;
	v7 =	vld [tilespmem:$0x19600]  }
0x311: {  	v8 =	vld [tilespmem:$0x19380]  }
0x312: {  	s11 =	sshrl.u32 s9, $0xA;
	s12 =	sshrl.u32 s9, $0x2;
	s9 =	sshrl.u32 s9, $0x3;
	v9 =	vld [tilespmem:$0x19500]  }
0x313: {  	s11 =	smul.u32 $0xE, s11;
	v10 =	vld [tilespmem:$0x19400]  }
0x314: {  	v11 =	vld [tilespmem:$0x19300]  }
0x315: {  	s10 =	ssub.s32 s10, s11;
	v12 =	vld [tilespmem:$0x19280]  }
0x316: {  	s11 =	sshll.u32 s10, $0x4;
	s10 =	sshll.u32 s10, $0x7;
	v13 =	vld [tilespmem:$0x19200]  }
0x317: {  	s12 =	sand.u32 $0x800, s12;
	s9 =	sand.u32 $0x380, s9;
	s10 =	sand.u32 $0x400, s10;
	v14 =	vld [tilespmem:$0x19180]  }
0x318: {  	s14 =	sor.u32 s10, s9;
	s10 =	sor.u32 s10, s12;
	v15 =	vld [tilespmem:$0x19100]  }
0x319: {  	s11 =	sand.u32 $0x70, s11;
	s12 =	sor.u32 s12, s14;
	s9 =	sor.u32 s9, s10;
	v16 =	vld [tilespmem:$0x19000]  }
0x31a: {  	s29 =	sor.u32 s11, s12;
	s10 =	sor.u32 s11, s9;
	v17 =	vld [tilespmem:$0x19080]  }
0x31b: {  	s21 =	sadd.s32 $0x4800, s10;
	s18 =	sadd.s32 $0x5800, s10;
	s17 =	sadd.s32 $0x6800, s10;
	v18 =	vld [tilespmem:s29+$0x1000]  }
0x31c: {  	s15 =	sadd.s32 $0x7800, s10;
	s14 =	sadd.s32 $0x8800, s10;
	s12 =	sadd.s32 $0x9800, s10;
	v19 =	vld [tilespmem:s10+$0x800]  }
0x31d: {  	s11 =	sadd.s32 $0xA800, s10;
	s9 =	sadd.s32 $0xB800, s10;
	v20 =	vld [tilespmem:s29+$0x1A400]  }
0x31e: {  	v21 =	vld [tilespmem:s29+$0x19C00]  }
0x31f: {  	v22 =	vld [tilespmem:s29+$0x0]  }
0x320: {  	v23 =	vld [tilespmem:s10+$0xC800]  }
0x321: {  	v24 =	vld [tilespmem:s29+$0xC000]  }
0x322: {  	v25 =	vld [tilespmem:s29+$0xD000]  }
0x323: {  	v21 =	vpsel p1, $0x0, v21;
	v26 =	vld [tilespmem:s29+$0x2000]  }
0x324: {  	v20 =	vpsel p1, $0x0, v20;
	v27 =	vmul.f32 v22, v22;
	v28 =	vld [tilespmem:s10+$0x1800]  }
0x325: {  	v29 =	vld [tilespmem:s29+$0x1AC00];
	v17 =	vsub.f32 v23, v17;
	v23 =	vmul.f32 v19, v19  }
0x326: {  	v16 =	vsub.f32 v24, v16;
	v20 =	vadd.f32 v27, v20;
	v24 =	vld [tilespmem:s10+$0xD800]  }
0x327: {  	v19 =	vmul.f32 v17, v19;
	v15 =	vsub.f32 v25, v15;
	v25 =	vmul.f32 v18, v18;
	v27 =	vld [tilespmem:s29+$0xE000]  }
0x328: {  	v22 =	vmul.f32 v16, v22;
	v16 =	vmul.f32 v16, v16;
	v20 =	vadd.f32 v23, v20;
	v23 =	vld [tilespmem:s29+$0x3000]  }
0x329: {  	v18 =	vmul.f32 v15, v18;
	v30 =	vmul.f32 v28, v28;
	v31 =	vld [tilespmem:s10+$0x2800]  }
0x32a: {  	v17 =	vmul.f32 v17, v17;
	v21 =	vadd.f32 v22, v21;
	v20 =	vadd.f32 v25, v20;
	v22 =	vld [tilespmem:s10+$0xE800]  }
0x32b: {  	v15 =	vmul.f32 v15, v15;
	v25 =	vpsel p1, $0x0, v29;
	v14 =	vsub.f32 v24, v14;
	v24 =	vld [tilespmem:s29+$0x4000]  }
0x32c: {  	v20 =	vadd.f32 v30, v20;
	v13 =	vsub.f32 v27, v13;
	v27 =	vmul.f32 v26, v26;
	v29 =	vld [tilespmem:s29+$0xF000]  }
0x32d: {  	v16 =	vadd.f32 v16, v25;
	v19 =	vadd.f32 v19, v21;
	v21 =	vmul.f32 v14, v28;
	v25 =	vld [tilespmem:s10+$0x3800]  }
0x32e: {  	v28 =	vmul.f32 v23, v23;
	v20 =	vadd.f32 v27, v20;
	v27 =	vmul.f32 v31, v31;
	v30 =	vld [tilespmem:s29+$0x5000]  }
0x32f: {  	v16 =	vadd.f32 v17, v16;
	v14 =	vmul.f32 v14, v14;
	v17 =	vadd.f32 v18, v19;
	v18 =	vld [tilespmem:s29+$0x10000]  }
0x330: {  	v19 =	vmul.f32 v13, v26;
	v12 =	vsub.f32 v22, v12;
	v20 =	vadd.f32 v27, v20;
	v22 =	vld [tilespmem:s29+$0x6000]  }
0x331: {  	v15 =	vadd.f32 v15, v16;
	v11 =	vsub.f32 v29, v11;
	v16 =	vld [tilespmem:s10+$0x4800]  }
0x332: {  	v13 =	vmul.f32 v13, v13;
	v20 =	vadd.f32 v28, v20;
	v26 =	vld [tilespmem:s10+$0xF800];
	v27 =	vmul.f32 v25, v25  }
0x333: {  	v17 =	vadd.f32 v21, v17;
	v14 =	vadd.f32 v14, v15;
	v15 =	vmul.f32 v12, v31;
	v21 =	vld [tilespmem:s29+$0x11000]  }
0x334: {  	v20 =	vadd.f32 v27, v20;
	v10 =	vsub.f32 v18, v10;
	v18 =	vmul.f32 v24, v24;
	v27 =	vld [tilespmem:s29+$0x7000]  }
0x335: {  	v12 =	vmul.f32 v12, v12;
	v17 =	vadd.f32 v19, v17;
	v13 =	vadd.f32 v13, v14;
	v14 =	vld [tilespmem:s10+$0x5800]  }
0x336: {  	v19 =	vmul.f32 v11, v11;
	v18 =	vadd.f32 v18, v20;
	v20 =	vmul.f32 v16, v16;
	v28 =	vld [tilespmem:s29+$0x12000]  }
0x337: {  	v11 =	vmul.f32 v11, v23;
	v15 =	vadd.f32 v15, v17;
	v12 =	vadd.f32 v12, v13;
	v13 =	vld [tilespmem:s21+$0xC000]  }
0x338: {  	v17 =	vadd.f32 v20, v18;
	v9 =	vsub.f32 v21, v9;
	v18 =	vmul.f32 v30, v30;
	v20 =	vld [tilespmem:s29+$0x8000]  }
0x339: {  	v11 =	vadd.f32 v11, v15;
	v8 =	vsub.f32 v26, v8;
	v15 =	vld [tilespmem:s10+$0x6800];
	v21 =	vmul.f32 v27, v27  }
0x33a: {  	v12 =	vadd.f32 v19, v12;
	v17 =	vadd.f32 v18, v17;
	v18 =	vmul.f32 v14, v14;
	v19 =	vld [tilespmem:s29+$0x13000]  }
0x33b: {  	v24 =	vmul.f32 v10, v24;
	v23 =	vmul.f32 v8, v25;
	v25 =	vld [tilespmem:s18+$0xC000];
	v7 =	vsub.f32 v28, v7  }
0x33c: {  	v8 =	vmul.f32 v8, v8;
	v17 =	vadd.f32 v18, v17;
	v18 =	vmul.f32 v22, v22;
	v26 =	vld [tilespmem:s29+$0x9000]  }
0x33d: {  	v10 =	vmul.f32 v10, v10;
	v11 =	vadd.f32 v23, v11;
	v6 =	vsub.f32 v13, v6;
	v13 =	vld [tilespmem:s10+$0x7800]  }
0x33e: {  	v8 =	vadd.f32 v8, v12;
	v12 =	vadd.f32 v18, v17;
	v17 =	vmul.f32 v15, v15;
	v18 =	vld [tilespmem:s29+$0x14000]  }
0x33f: {  	v11 =	vadd.f32 v24, v11;
	v16 =	vmul.f32 v6, v16;
	v23 =	vmul.f32 v6, v6;
	v6 =	vld [tilespmem:s29+$0xA000]  }
0x340: {  	v24 =	vmul.f32 v9, v30;
	v28 =	vld [tilespmem:s17+$0xC000];
	v12 =	vadd.f32 v17, v12;
	v17 =	vmul.f32 v20, v20  }
0x341: {  	v8 =	vadd.f32 v10, v8;
	v9 =	vmul.f32 v9, v9;
	v10 =	vsub.f32 v25, v5;
	v25 =	vld [tilespmem:s10+$0x8800]  }
0x342: {  	v11 =	vadd.f32 v16, v11;
	v12 =	vadd.f32 v21, v12;
	v16 =	vmul.f32 v13, v13;
	v21 =	vld [tilespmem:s29+$0x15000]  }
0x343: {  	v8 =	vadd.f32 v23, v8;
	v14 =	vmul.f32 v10, v14;
	v5 =	vld [tilespmem:s29+$0xB000]  }
0x344: {  	v22 =	vmul.f32 v7, v22;
	v11 =	vadd.f32 v24, v11;
	v23 =	vld [tilespmem:s15+$0xC000];
	v12 =	vadd.f32 v16, v12  }
0x345: {  	v8 =	vadd.f32 v9, v8;
	v9 =	vmul.f32 v10, v10;
	v10 =	vsub.f32 v19, v4;
	v4 =	vld [tilespmem:s29+$0x16000]  }
0x346: {  	v11 =	vadd.f32 v14, v11;
	v14 =	vmul.f32 v7, v7;
	v12 =	vadd.f32 v17, v12;
	v7 =	vld [tilespmem:s29+$0x17000]  }
0x347: {  	v9 =	vadd.f32 v9, v8;
	v16 =	vsub.f32 v28, v3;
	v17 =	vmul.f32 v25, v25;
	v8 =	vld [tilespmem:s10+$0x9800]  }
0x348: {  	v19 =	vmul.f32 v26, v26;
	v11 =	vadd.f32 v22, v11;
	v3 =	vmul.f32 v5, v5  }
0x349: {  	v22 =	vmul.f32 v10, v27;
	v15 =	vmul.f32 v16, v15;
	v2 =	vsub.f32 v23, v2;
	v23 =	vld [tilespmem:$0x19900]  }
0x34a: {  	v9 =	vadd.f32 v14, v9;
	v14 =	vmul.f32 v16, v16;
	v12 =	vadd.f32 v17, v12;
	v16 =	vld [tilespmem:s14+$0xC000]  }
0x34b: {  	v11 =	vadd.f32 v15, v11;
	v15 =	vsub.f32 v18, v1;
	v13 =	vmul.f32 v2, v13;
	v17 =	vld [tilespmem:$0x19880]  }
0x34c: {  	v10 =	vmul.f32 v10, v10;
	v9 =	vadd.f32 v14, v9;
	v12 =	vadd.f32 v19, v12;
	v1 =	vld [tilespmem:s10+$0xA800]  }
0x34d: {  	v11 =	vadd.f32 v22, v11;
	v2 =	vmul.f32 v2, v2;
	v14 =	vmul.f32 v8, v8;
	v22 =	vld [tilespmem:$0x19980]  }
0x34e: {  	v10 =	vadd.f32 v10, v9;
	v18 =	vmul.f32 v15, v20;
	v9 =	vsub.f32 v21, v23;
	v20 =	vld [tilespmem:s12+$0xC000]  }
.Ltmp9:
0x34f: {  	v11 =	vadd.f32 v13, v11;
	v13 =	vmul.f32 v6, v6;
	v12 =	vadd.f32 v14, v12;
	(pc) =	sbr.rel @p2 .LBB2_16-.Ltmp9, $4  }
0x350: {  	v15 =	vmul.f32 v15, v15;
	v10 =	vadd.f32 v2, v10;
	v16 =	vsub.f32 v16, v17;
	v2 =	vld [tilespmem:s10+$0xB800]  }
0x351: {  	v14 =	vadd.f32 v18, v11;
	v21 =	vadd.f32 v13, v12;
	v11 =	vld [tilespmem:$0x19A00];
	v23 =	vmul.f32 v1, v1  }
0x352: {  	v17 =	vadd.f32 v15, v10;
	v18 =	vmul.f32 v16, v25;
	v19 =	vmul.f32 v16, v16;
	v10 =	vld [tilespmem:$0x19A80]  }
0x353: {  	v13 =	vmul.f32 v9, v26;
	v16 =	vsub.f32 v20, v22;
	v12 =	vld [tilespmem:s11+$0xC000];
	v15 =	vadd.f32 v23, v21  }
0x354: {  	v17 =	vadd.f32 v19, v17;
	v9 =	vmul.f32 v9, v9  }
0x355: {  	v14 =	vadd.f32 v18, v14;
	v50 =	vld [tilespmem:$0x19B00]  }
0x356: {  	v52 =	vld [tilespmem:$0x19B80];
	v51 =	vmul.f32 v16, v16;
	v9 =	vadd.f32 v9, v17;
	v4 =	vsub.f32 v4, v11  }
0x357: {  	v53 =	vld [tilespmem:s9+$0xC000];
	v8 =	vmul.f32 v16, v8;
	v13 =	vadd.f32 v13, v14  }
0x358: {  	v9 =	vadd.f32 v51, v9;
	v54 =	vmul.f32 v4, v4;
	v10 =	vsub.f32 v12, v10  }
0x359: {  	v8 =	vadd.f32 v8, v13;
	v4 =	vmul.f32 v4, v6  }
0x35a: {  	v7 =	vsub.f32 v7, v50;
	v55 =	vadd.f32 v54, v9;
	v56 =	vmul.f32 v10, v10  }
0x35b: {  	v3 =	vadd.f32 v3, v15;
	v4 =	vadd.f32 v4, v8;
	v1 =	vmul.f32 v10, v1  }
0x35c: {  	v58 =	vsub.f32 v53, v52;
	v57 =	vmul.f32 v7, v7;
	v6 =	vadd.f32 v56, v55  }
0x35d: {  	s3 =	sadd.s32 $0x1, s3;
	v59 =	vmul.f32 v2, v2;
	v60 =	vmul.f32 v7, v5;
	v1 =	vadd.f32 v1, v4  }
0x35e: {  	p1 =	sne.s32 s3, $0x8;
	v62 =	vmul.f32 v58, v58;
	v61 =	vadd.f32 v57, v6  }
.Ltmp10:
0x35f: {  	v3 =	vadd.f32 v59, v3;
	v2 =	vmul.f32 v58, v2;
	v1 =	vadd.f32 v60, v1;
	(pc) =	sbr.rel @p1 .LBB2_15-.Ltmp10, $4  }
0x360: {  	v63 =	vadd.f32 v62, v61  }
0x361: {  	[tilespmem:s29+$0x1A400] =	vst v3;
	v1 =	vadd.f32 v2, v1  }
0x362: {  	[tilespmem:s29+$0x1AC00] =	vst v63  }
0x363: {  	[tilespmem:s29+$0x19C00] =	vst v1  }
0x364: {  	s0 =	simm.s32 $0x0  }
0x365: {  	s0 =	sand.u32 $0xFE, s0  }
0x366: {  	s0 =	sshrl.u32 s0, $0x1  }
0x367: {  	s0 =	smul.u32 $0x93, s0;
	_ =	sdelay $0x1  }
0x368: {  	s3 =	sshrl.u32 s0, $0xA  }
0x369: {  	s3 =	smul.u32 $0xE, s3;
	_ =	sdelay $0x1  }
0x36a: {  	s3 =	ssub.s32 $0x0, s3  }
0x36b: {  	s9 =	sshrl.u32 s0, $0x2;
	s10 =	sshll.u32 s3, $0x7  }
0x36c: {  	s0 =	sshrl.u32 s0, $0x3;
	s9 =	sand.u32 $0x800, s9;
	s10 =	sand.u32 $0x400, s10  }
0x36d: {  	s0 =	sand.u32 $0x380, s0;
	s3 =	sshll.u32 s3, $0x4;
	s9 =	sor.u32 s10, s9  }
0x36e: {  	s3 =	sand.u32 $0x70, s3;
	s0 =	sor.u32 s0, s9  }
0x36f: {  	s10 =	sor.u32 s3, s0  }
0x370: {  	s11 =	simm.s32 $0x1;
	v2 =	vld [tilespmem:s10+$0x1AC00]  }
0x371: {  	s0 =	sand.u32 $0xFE, s11;
	v1 =	vld [tilespmem:s10+$0x1A400]  }
0x372: {  	s0 =	sshrl.u32 s0, $0x1  }
0x373: {  	s0 =	smul.u32 $0x93, s0;
	_ =	sdelay $0x1  }
0x374: {  	s12 =	sshrl.u32 s0, $0xA;
	v2 =	vmax.f32 v2, $1.000000020e-16  }
0x375: {  	s3 =	smul.u32 $0xE, s12;
	v1 =	vmax.f32 v1, $1.000000020e-16;
	v4 =	vshra.s32 v2, $0x1;
	v2 =	vmul.f32 $5.000000000e-01, v2  }
0x376: {  	v3 =	vshra.s32 v1, $0x1;
	v1 =	vmul.f32 $5.000000000e-01, v1;
	v4 =	vsub.s32 $0x5F3759DF, v4  }
0x377: {  	s3 =	ssub.s32 $0x1, s3;
	v3 =	vsub.s32 $0x5F3759DF, v3;
	v6 =	vmul.f32 v4, v2  }
0x378: {  	s14 =	simm.s32 $0x2;
	s11 =	sshrl.u32 s0, $0x2;
	s12 =	sshll.u32 s3, $0x7;
	v5 =	vmul.f32 v3, v1  }
0x379: {  	s0 =	sshrl.u32 s0, $0x3;
	s11 =	sand.u32 $0x800, s11;
	s12 =	sand.u32 $0x400, s12;
	v6 =	vmul.f32 v4, v6  }
0x37a: {  	s0 =	sand.u32 $0x380, s0;
	s3 =	sshll.u32 s3, $0x4;
	s11 =	sor.u32 s12, s11;
	v5 =	vmul.f32 v3, v5  }
0x37b: {  	s9 =	sand.u32 $0xFE, s14;
	s3 =	sand.u32 $0x70, s3;
	s0 =	sor.u32 s0, s11;
	v6 =	vsub.f32 $1.500000000e+00, v6  }
0x37c: {  	s15 =	sshrl.u32 s9, $0x1;
	s0 =	sor.u32 s3, s0;
	v5 =	vsub.f32 $1.500000000e+00, v5  }
0x37d: {  	s3 =	smul.u32 $0x93, s15;
	v7 =	vld [tilespmem:s0+$0x1A400];
	v6 =	vmul.f32 v4, v6  }
0x37e: {  	v5 =	vmul.f32 v3, v5;
	v3 =	vld [tilespmem:s0+$0x1AC00]  }
0x37f: {  	s17 =	sshrl.u32 s3, $0xA;
	v8 =	vmul.f32 v6, v2  }
0x380: {  	s9 =	smul.u32 $0xE, s17;
	v4 =	vmul.f32 v5, v1  }
0x381: {  	v8 =	vmul.f32 v8, v6  }
0x382: {  	s9 =	ssub.s32 $0x2, s9;
	v7 =	vmax.f32 v7, $1.000000020e-16;
	v4 =	vmul.f32 v4, v5  }
0x383: {  	s18 =	sshrl.u32 s3, $0x2;
	s21 =	sshll.u32 s9, $0x7;
	v10 =	vshra.s32 v7, $0x1;
	v9 =	vmax.f32 v3, $1.000000020e-16;
	v8 =	vsub.f32 $1.500000000e+00, v8  }
0x384: {  	s3 =	sshrl.u32 s3, $0x3;
	s11 =	sand.u32 $0x800, s18;
	s12 =	sand.u32 $0x400, s21;
	v3 =	vmul.f32 $5.000000000e-01, v7;
	v11 =	vsub.f32 $1.500000000e+00, v4;
	v7 =	vshra.s32 v9, $0x1  }
0x385: {  	s3 =	sand.u32 $0x380, s3;
	s9 =	sshll.u32 s9, $0x4;
	s11 =	sor.u32 s12, s11;
	v4 =	vmul.f32 $5.000000000e-01, v9;
	v9 =	vsub.s32 $0x5F3759DF, v10;
	v10 =	vld [tilespmem:s10+$0x18800];
	v8 =	vmul.f32 v8, v6  }
0x386: {  	s9 =	sand.u32 $0x70, s9;
	s3 =	sor.u32 s3, s11;
	v12 =	vsub.s32 $0x5F3759DF, v7;
	v5 =	vmul.f32 v11, v5;
	v11 =	vmul.f32 v9, v3;
	v6 =	vld [tilespmem:s10+$0x18000]  }
0x387: {  	s3 =	sor.u32 s9, s3;
	v7 =	vmul.f32 v12, v4;
	v2 =	vmul.f32 v8, v2  }
0x388: {  	v14 =	vld [tilespmem:s3+$0x1A400];
	v13 =	vmul.f32 v5, v1;
	v11 =	vmul.f32 v9, v11  }
0x389: {  	s9 =	simm.s32 $0x3;
	v15 =	vld [tilespmem:s3+$0x1AC00];
	v1 =	vimm.f32 $0.0e+00;
	v7 =	vmul.f32 v12, v7;
	v2 =	vmul.f32 v2, v8  }
0x38a: {  	s29 =	sand.u32 $0xFE, s9;
	vm0 =	veq.f32 v10, $0.0e+00;
	v13 =	vmul.f32 v13, v5;
	v10 =	vsub.f32 $1.500000000e+00, v11  }
0x38b: {  	s11 =	sshrl.u32 s29, $0x1;
	v11 =	vsub.f32 $1.500000000e+00, v7;
	vm1 =	vlt.f32 v6, $0.0e+00;
	v2 =	vsub.f32 $1.500000000e+00, v2  }
0x38c: {  	s11 =	smul.u32 $0x93, s11;
	vm2 =	vgt.f32 v6, $0.0e+00;
	v13 =	vsub.f32 $1.500000000e+00, v13;
	v7 =	vmul.f32 v9, v10  }
0x38d: {  	v14 =	vmax.f32 v14, $1.000000020e-16;
	v6 =	vmul.f32 v12, v11;
	v2 =	vmul.f32 v2, v8;
	v8 =	vld [tilespmem:s10+$0x19C00]  }
0x38e: {  	s30 =	sshrl.u32 s11, $0xA;
	v9 =	vmax.f32 v15, $1.000000020e-16;
	vm1 =	vmor vm2, vm1;
	v12 =	vmul.f32 v13, v5  }
0x38f: {  	s12 =	smul.u32 $0xE, s30;
	v10 =	vshra.s32 v14, $0x1;
	v13 =	vmul.f32 v7, v3;
	v11 =	vmul.f32 v6, v4  }
0x390: {  	s10 =	simm.s32 $0x4;
	v5 =	vmul.f32 $5.000000000e-01, v14;
	v12 =	vmul.f32 v2, v12;
	v2 =	vimm.f32 $0.0e+00  }
.LBB2_19:
0x391: {  	p1 =	sne.s32 s10, $0x6F;
	s12 =	ssub.s32 s9, s12;
	v14 =	vshra.s32 v9, $0x1;
	v13 =	vmul.f32 v13, v7;
	v11 =	vmul.f32 v11, v6;
	s9 =	smov.u32 s10  }
0x392: {  	s14 =	sshrl.u32 s11, $0x2;
	v9 =	vmul.f32 $5.000000000e-01, v9;
	vm0 =	vmand vm1, vm0;
	s15 =	sshll.u32 s12, $0x7;
	v8 =	vmul.f32 v12, v8  }
0x393: {  	s11 =	sshrl.u32 s11, $0x3;
	v10 =	vsub.s32 $0x5F3759DF, v10;
	s14 =	sand.u32 $0x800, s14;
	s15 =	sand.u32 $0x400, s15;
	v12 =	vsub.f32 $1.500000000e+00, v13;
	v11 =	vsub.f32 $1.500000000e+00, v11  }
0x394: {  	s12 =	sshll.u32 s12, $0x4;
	s11 =	sand.u32 $0x380, s11;
	v14 =	vsub.s32 $0x5F3759DF, v14;
	v13 =	vmul.f32 v10, v5;
	s14 =	sor.u32 s15, s14;
	v15 =	vld [tilespmem:s0+$0x18800];
	v8 =	vsub.f32 $1.000000000e+00, v8  }
0x395: {  	s12 =	sand.u32 $0x70, s12;
	s11 =	sor.u32 s11, s14;
	v12 =	vmul.f32 v12, v7;
	v11 =	vmul.f32 v11, v6;
	v6 =	vld [tilespmem:s0+$0x18000];
	v7 =	vsel vm0, $0x3F800000, v0  }
0x396: {  	v16 =	vmul.f32 v14, v9;
	s12 =	sor.u32 s12, s11;
	v8 =	vmul.f32 v8, v7;
	v1 =	vadd.f32 v7, v1  }
0x397: {  	v7 =	vld [tilespmem:s12+$0x1A400];
	v17 =	vmul.f32 v12, v3;
	v18 =	vmul.f32 v11, v4;
	v4 =	vmovc v9;
	v3 =	vmov v5  }
0x398: {  	s11 =	sand.u32 $0xFE, s10;
	v9 =	vmul.f32 v10, v13;
	v13 =	vmul.f32 v14, v16;
	v5 =	vld [tilespmem:s12+$0x1AC00];
	v2 =	vadd.f32 v8, v2  }
0x399: {  	s11 =	sshrl.u32 s11, $0x1;
	v8 =	vmul.f32 v17, v12;
	v16 =	vmul.f32 v18, v11;
	vm0 =	veq.f32 v15, $0.0e+00  }
0x39a: {  	s11 =	smul.u32 $0x93, s11;
	v9 =	vsub.f32 $1.500000000e+00, v9;
	v13 =	vsub.f32 $1.500000000e+00, v13;
	vm1 =	vlt.f32 v6, $0.0e+00  }
.Ltmp11:
0x39b: {  	vm2 =	vgt.f32 v6, $0.0e+00;
	v15 =	vsub.f32 $1.500000000e+00, v8;
	v16 =	vsub.f32 $1.500000000e+00, v16;
	(pc) =	sbr.rel @p1 .LBB2_19-.Ltmp11, $4  }
0x39c: {  	v6 =	vmul.f32 v14, v13;
	v17 =	vmax.f32 v7, $1.000000020e-16;
	v7 =	vmul.f32 v10, v9;
	v8 =	vld [tilespmem:s0+$0x19C00];
	s0 =	smov.u32 s3;
	s3 =	smov.u32 s12  }
0x39d: {  	s12 =	sshrl.u32 s11, $0xA;
	v9 =	vmax.f32 v5, $1.000000020e-16;
	v12 =	vmul.f32 v15, v12;
	v14 =	vmul.f32 v16, v11  }
0x39e: {  	vm1 =	vmor vm2, vm1;
	s12 =	smul.u32 $0xE, s12;
	v11 =	vmul.f32 v6, v4;
	v13 =	vmul.f32 v7, v3  }
0x39f: {  	s10 =	sadd.s32 $0x1, s10;
	v10 =	vshra.s32 v17, $0x1;
	v5 =	vmul.f32 $5.000000000e-01, v17;
	v12 =	vmul.f32 v14, v12  }
0x3a0: {  	s9 =	ssub.s32 s9, s12  }
0x3a1: {  	s10 =	sshrl.u32 s11, $0x2;
	s12 =	sshll.u32 s9, $0x7  }
0x3a2: {  	s18 =	sshrl.u32 s11, $0x3;
	s10 =	sand.u32 $0x800, s10;
	s12 =	sand.u32 $0x400, s12  }
0x3a3: {  	s9 =	sshll.u32 s9, $0x4;
	s11 =	sand.u32 $0x380, s18;
	s10 =	sor.u32 s12, s10  }
0x3a4: {  	s9 =	sand.u32 $0x70, s9;
	s10 =	sor.u32 s11, s10  }
0x3a5: {  	v13 =	vmul.f32 v13, v7;
	v11 =	vmul.f32 v11, v6;
	v15 =	vshra.s32 v9, $0x1;
	s9 =	sor.u32 s9, s10  }
0x3a6: {  	v34 =	vmul.f32 $5.000000000e-01, v9;
	v10 =	vsub.s32 $0x5F3759DF, v10;
	v8 =	vmul.f32 v12, v8;
	v14 =	vld [tilespmem:s9+$0x1A400]  }
0x3a7: {  	v15 =	vsub.s32 $0x5F3759DF, v15;
	v13 =	vsub.f32 $1.500000000e+00, v13;
	v11 =	vsub.f32 $1.500000000e+00, v11;
	v36 =	vld [tilespmem:s9+$0x1AC00]  }
0x3a8: {  	vm0 =	vmand vm1, vm0;
	v37 =	vmul.f32 v10, v5;
	v39 =	vmul.f32 v15, v34  }
0x3a9: {  	v8 =	vsub.f32 $1.000000000e+00, v8;
	v35 =	vmul.f32 v13, v7;
	v38 =	vmul.f32 v11, v6  }
0x3aa: {  	v47 =	vsel vm0, $0x3F800000, v0;
	v13 =	vmul.f32 v10, v37;
	v11 =	vmul.f32 v15, v39  }
0x3ab: {  	v8 =	vmul.f32 v8, v47;
	v3 =	vmul.f32 v35, v3;
	v14 =	vmax.f32 v14, $1.000000020e-16  }
0x3ac: {  	v4 =	vmul.f32 v38, v4;
	v12 =	vmax.f32 v36, $1.000000020e-16;
	v16 =	vshra.s32 v14, $0x1  }
0x3ad: {  	v14 =	vmul.f32 $5.000000000e-01, v14;
	v17 =	vshra.s32 v12, $0x1;
	v12 =	vmul.f32 $5.000000000e-01, v12  }
0x3ae: {  	v13 =	vsub.f32 $1.500000000e+00, v13;
	v16 =	vsub.s32 $0x5F3759DF, v16;
	v17 =	vsub.s32 $0x5F3759DF, v17  }
0x3af: {  	v18 =	vmul.f32 v16, v14;
	v19 =	vmul.f32 v17, v12  }
0x3b0: {  	v11 =	vsub.f32 $1.500000000e+00, v11;
	v3 =	vmul.f32 v3, v35;
	v10 =	vmul.f32 v10, v13  }
0x3b1: {  	v18 =	vmul.f32 v16, v18;
	v40 =	vmul.f32 v17, v19  }
0x3b2: {  	v4 =	vmul.f32 v4, v38;
	v11 =	vmul.f32 v15, v11;
	v3 =	vsub.f32 $1.500000000e+00, v3  }
0x3b3: {  	v43 =	vmul.f32 v10, v5;
	v18 =	vsub.f32 $1.500000000e+00, v18;
	v41 =	vsub.f32 $1.500000000e+00, v40  }
0x3b4: {  	v15 =	vmul.f32 v11, v34;
	v3 =	vmul.f32 v3, v35  }
0x3b5: {  	v42 =	vmul.f32 v16, v18;
	v6 =	vmul.f32 v17, v41  }
0x3b6: {  	v4 =	vsub.f32 $1.500000000e+00, v4;
	v13 =	vmul.f32 v43, v10;
	v15 =	vmul.f32 v15, v11  }
0x3b7: {  	v44 =	vld [tilespmem:s0+$0x18800];
	v16 =	vmul.f32 v42, v14;
	v45 =	vmul.f32 v6, v12  }
0x3b8: {  	v46 =	vld [tilespmem:s0+$0x18000];
	v4 =	vmul.f32 v4, v38;
	v13 =	vsub.f32 $1.500000000e+00, v13;
	v15 =	vsub.f32 $1.500000000e+00, v15  }
0x3b9: {  	v16 =	vmul.f32 v16, v42;
	v18 =	vmul.f32 v45, v6  }
0x3ba: {  	v54 =	vld [tilespmem:s3+$0x18000];
	v1 =	vadd.f32 v47, v1;
	v10 =	vmul.f32 v13, v10;
	v11 =	vmul.f32 v15, v11  }
0x3bb: {  	v48 =	vld [tilespmem:s0+$0x19C00];
	v3 =	vmul.f32 v4, v3;
	v16 =	vsub.f32 $1.500000000e+00, v16;
	v49 =	vsub.f32 $1.500000000e+00, v18  }
0x3bc: {  	vm8 =	veq.f32 v44, $0.0e+00;
	v50 =	vmul.f32 v10, v5;
	v9 =	vmul.f32 v11, v34  }
0x3bd: {  	v56 =	vld [tilespmem:s3+$0x18800];
	vm9 =	vlt.f32 v46, $0.0e+00;
	v7 =	vmul.f32 v16, v42;
	v6 =	vmul.f32 v49, v6  }
0x3be: {  	vm2 =	vgt.f32 v46, $0.0e+00;
	v51 =	vmul.f32 v50, v10;
	v52 =	vmul.f32 v9, v11  }
0x3bf: {  	vm10 =	vlt.f32 v54, $0.0e+00;
	v53 =	vmul.f32 v7, v14;
	v12 =	vmul.f32 v6, v12  }
0x3c0: {  	v3 =	vmul.f32 v3, v48;
	v4 =	vsub.f32 $1.500000000e+00, v51;
	v5 =	vsub.f32 $1.500000000e+00, v52  }
0x3c1: {  	vm11 =	vgt.f32 v54, $0.0e+00;
	v9 =	vmul.f32 v53, v7;
	v12 =	vmul.f32 v12, v6  }
0x3c2: {  	v55 =	vld [tilespmem:s3+$0x19C00];
	vm12 =	veq.f32 v56, $0.0e+00;
	v4 =	vmul.f32 v4, v10;
	v5 =	vmul.f32 v5, v11  }
0x3c3: {  	vm1 =	vmor vm2, vm9;
	v58 =	vld [tilespmem:s9+$0x18000];
	v9 =	vsub.f32 $1.500000000e+00, v9;
	v12 =	vsub.f32 $1.500000000e+00, v12  }
0x3c4: {  	v59 =	vld [tilespmem:s9+$0x19C00];
	vm0 =	vmand vm1, vm8;
	v3 =	vsub.f32 $1.000000000e+00, v3;
	v4 =	vmul.f32 v5, v4  }
0x3c5: {  	v60 =	vld [tilespmem:s9+$0x18800];
	v57 =	vsel vm0, $0x3F800000, v0;
	v7 =	vmul.f32 v9, v7;
	v6 =	vmul.f32 v12, v6  }
0x3c6: {  	v2 =	vadd.f32 v8, v2;
	vm0 =	vmor vm11, vm10;
	v3 =	vmul.f32 v3, v57  }
0x3c7: {  	vm0 =	vmand vm0, vm12;
	v4 =	vmul.f32 v4, v55;
	v6 =	vmul.f32 v6, v7  }
0x3c8: {  	v1 =	vadd.f32 v57, v1;
	vm13 =	vlt.f32 v58, $0.0e+00;
	vm14 =	vgt.f32 v58, $0.0e+00  }
0x3c9: {  	v2 =	vadd.f32 v3, v2;
	v3 =	vsub.f32 $1.000000000e+00, v4;
	v61 =	vmul.f32 v6, v59  }
0x3ca: {  	v62 =	vsel vm0, $0x3F800000, v0;
	vm15 =	veq.f32 v60, $0.0e+00;
	vm1 =	vmor vm14, vm13  }
0x3cb: {  	vm0 =	vmand vm1, vm15;
	v3 =	vmul.f32 v3, v62;
	v4 =	vsub.f32 $1.000000000e+00, v61  }
0x3cc: {  	v1 =	vadd.f32 v62, v1;
	v63 =	vsel vm0, $0x3F800000, v0  }
0x3cd: {  	v2 =	vadd.f32 v3, v2;
	v3 =	vmul.f32 v4, v63  }
0x3ce: {  	v1 =	vadd.f32 v63, v1  }
0x3cf: {  	v2 =	vadd.f32 v3, v2  }
0x3d0: {  	[tilespmem:$0x1B700] =	vst v1  }
0x3d1: {  	s0 =	simm.s32 $0x0;
	s21 =	rddreg [dreg:$0xb];
	s29 =	simm.s32 $0x18000;
	[tilespmem:$0x1B500] =	vst v2  }
0x3d2: {  	[tilespmem:s29], [sflag:$0x1] =	stream.linear.gather [hbm4b:s21+s0], $0x800, $0x38;
	[tilespmem:$0x1B800] =	vst v63  }
0x3d3: {  	_ =	swait.ge [sflag:s22], $0x800  }
0x3d4: {  	[sflag:s22] =	ssyncset.done $0x0  }
0x3d5: {  	s30 =	rddreg [dreg:$0xc];
	[sflag:s22] =	ssyncadd.s32 $0xFFFFF800  }
0x3d6: {  	[tilespmem:s23], [sflag:$0x1] =	stream.linear.gather [hbm4b:s30+s0], $0x800, $0x38;
	[tilespmem:$0x1B800] =	vst v63  }
0x3d7: {  	_ =	swait.ge [sflag:s22], $0x800  }
0x3d8: {  	[sflag:s22] =	ssyncset.done $0x0  }
0x3d9: {  	s3 =	simm.s32 $0x0;
	[sflag:s22] =	ssyncadd.s32 $0xFFFFF800  }
.LBB2_21:
0x3da: {  	s9 =	smul.u32 $0x150000, s3;
	_ =	sdelay $0x1  }
0x3db: {  	s9 =	sadd.s32 s9, s19  }
0x3dc: {  	s9 =	sshrl.u32 s9, $0x3  }
0x3dd: {  	s10 =	sadd.s32 s1, s9  }
0x3de: {  	[tilespmem:s0], [sflag:$0x1] =	stream.strided.gather [hbm4b:s10+s24], $0xC000, s25, s24, $0x38;
	[tilespmem:$0x1B800] =	vst v63  }
0x3df: {  	_ =	swait.ge [sflag:s22], $0xC000  }
0x3e0: {  	[sflag:s22] =	ssyncset.done $0x0  }
0x3e1: {  	s9 =	sadd.s32 s2, s9;
	[sflag:s22] =	ssyncadd.s32 $0xFFFF4000  }
0x3e2: {  	[tilespmem:s26], [sflag:$0x1] =	stream.strided.gather [hbm4b:s9+s24], $0xC000, s25, s24, $0x38;
	[tilespmem:$0x1B800] =	vst v63  }
0x3e3: {  	s17 =	smul.u32 $0x180, s3;
	_ =	swait.ge [sflag:s22], $0xC000  }
0x3e4: {  	[sflag:s22] =	ssyncset.done $0x0  }
0x3e5: {  	s9 =	sadd.s32 s5, s17;
	[sflag:s22] =	ssyncadd.s32 $0xFFFF4000  }
0x3e6: {  	[tilespmem:s28], [sflag:$0x1] =	stream.linear.gather [hbm4b:s9+s0], $0xC00, $0x38;
	[tilespmem:$0x1B800] =	vst v63  }
0x3e7: {  	_ =	swait.ge [sflag:s22], $0xC00  }
0x3e8: {  	[sflag:s22] =	ssyncset.done $0x0  }
0x3e9: {  	[sflag:s22] =	ssyncadd.s32 $0xFFFFF400  }
0x3ea: {  	v1 =	vld [tilespmem:$0x19800]  }
0x3eb: {  	s18 =	sand.u32 $0xFE, s0;
	v2 =	vld [tilespmem:$0x19780]  }
0x3ec: {  	s9 =	sshrl.u32 s18, $0x1;
	v3 =	vld [tilespmem:$0x19680]  }
0x3ed: {  	s9 =	smul.u32 $0x93, s9;
	v5 =	vld [tilespmem:$0x19480]  }
0x3ee: {  	v6 =	vld [tilespmem:$0x19600]  }
0x3ef: {  	s21 =	sshrl.u32 s9, $0xA;
	v7 =	vld [tilespmem:$0x19380]  }
0x3f0: {  	v8 =	vld [tilespmem:$0x19500];
	s10 =	smul.u32 $0xE, s21  }
0x3f1: {  	v9 =	vld [tilespmem:$0x19400]  }
0x3f2: {  	v10 =	vld [tilespmem:$0x19300];
	s10 =	ssub.s32 $0x0, s10  }
0x3f3: {  	s11 =	sshrl.u32 s9, $0x3;
	v12 =	vld [tilespmem:$0x19200];
	s12 =	sshll.u32 s10, $0x7  }
0x3f4: {  	s9 =	sshrl.u32 s9, $0x2;
	s11 =	sand.u32 $0x380, s11;
	v13 =	vld [tilespmem:$0x19180];
	s12 =	sand.u32 $0x400, s12  }
0x3f5: {  	s9 =	sand.u32 $0x800, s9;
	v14 =	vld [tilespmem:$0x19100];
	s10 =	sshll.u32 s10, $0x4;
	s14 =	sor.u32 s12, s11  }
0x3f6: {  	v15 =	vld [tilespmem:$0x19000];
	s10 =	sand.u32 $0x70, s10;
	s12 =	sor.u32 s12, s9;
	s9 =	sor.u32 s9, s14  }
0x3f7: {  	v16 =	vld [tilespmem:$0x19080];
	s11 =	sor.u32 s11, s12;
	s29 =	sor.u32 s10, s9  }
0x3f8: {  	s11 =	sor.u32 s10, s11;
	v17 =	vld [tilespmem:s29+$0x1000]  }
0x3f9: {  	v18 =	vld [tilespmem:s11+$0x800]  }
0x3fa: {  	v19 =	vld [tilespmem:s29+$0x1A400]  }
0x3fb: {  	v20 =	vld [tilespmem:s29+$0x0]  }
0x3fc: {  	v21 =	vld [tilespmem:s11+$0xC800]  }
0x3fd: {  	v22 =	vld [tilespmem:s29+$0x19C00]  }
0x3fe: {  	v23 =	vld [tilespmem:s29+$0xC000]  }
0x3ff: {  	v24 =	vld [tilespmem:s29+$0xD000]  }
0x400: {  	v27 =	vld [tilespmem:s11+$0x1800]  }
0x401: {  	v33 =	vld [tilespmem:s29+$0x1AC00]  }
0x402: {  	v34 =	vld [tilespmem:s11+$0xD800]  }
0x403: {  	p1 =	seq.s32 s3, $0x0;
	v25 =	vld [tilespmem:s29+$0x2000];
	v26 =	vmul.f32 v20, v20  }
0x404: {  	v36 =	vld [tilespmem:s29+$0xE000];
	v19 =	vpsel p1, $0x0, v19;
	v16 =	vsub.f32 v21, v16;
	v28 =	vmul.f32 v18, v18  }
0x405: {  	v11 =	vld [tilespmem:$0x19280];
	v15 =	vsub.f32 v23, v15;
	v14 =	vsub.f32 v24, v14;
	v35 =	vmul.f32 v17, v17  }
0x406: {  	v29 =	vld [tilespmem:s29+$0x3000];
	v22 =	vpsel p1, $0x0, v22;
	v30 =	vmul.f32 v27, v27;
	v19 =	vadd.f32 v26, v19  }
0x407: {  	v37 =	vld [tilespmem:s11+$0x2800];
	v21 =	vpsel p1, $0x0, v33;
	v13 =	vsub.f32 v34, v13;
	v20 =	vmul.f32 v15, v20  }
0x408: {  	v38 =	vld [tilespmem:s11+$0xE800];
	v39 =	vmul.f32 v25, v25;
	v15 =	vmul.f32 v15, v15;
	v19 =	vadd.f32 v28, v19  }
0x409: {  	v40 =	vld [tilespmem:s29+$0xF000];
	v12 =	vsub.f32 v36, v12;
	v18 =	vmul.f32 v16, v18;
	v20 =	vadd.f32 v20, v22  }
0x40a: {  	v41 =	vld [tilespmem:s11+$0x3800];
	v16 =	vmul.f32 v16, v16;
	v15 =	vadd.f32 v15, v21;
	v19 =	vadd.f32 v35, v19  }
0x40b: {  	v42 =	vld [tilespmem:s29+$0x4000];
	s10 =	sadd.s32 $0x4800, s11;
	v44 =	vmul.f32 v29, v29;
	v17 =	vmul.f32 v14, v17;
	v18 =	vadd.f32 v18, v20  }
0x40c: {  	v51 =	vld [tilespmem:s10+$0xC000];
	v14 =	vmul.f32 v14, v14;
	v15 =	vadd.f32 v16, v15;
	v19 =	vadd.f32 v30, v19  }
0x40d: {  	v50 =	vld [tilespmem:s29+$0x12000];
	v43 =	vmul.f32 v13, v27;
	v13 =	vmul.f32 v13, v13;
	v16 =	vadd.f32 v17, v18  }
0x40e: {  	v20 =	vmul.f32 v37, v37;
	v17 =	vld [tilespmem:s29+$0x10000];
	v14 =	vadd.f32 v14, v15;
	v19 =	vadd.f32 v39, v19  }
0x40f: {  	v52 =	vld [tilespmem:s29+$0x8000];
	v11 =	vsub.f32 v38, v11;
	v10 =	vsub.f32 v40, v10;
	v46 =	vmul.f32 v41, v41  }
0x410: {  	v48 =	vmul.f32 v42, v42;
	v13 =	vadd.f32 v13, v14;
	v14 =	vld [tilespmem:s29+$0x11000];
	v18 =	vadd.f32 v20, v19  }
0x411: {  	v5 =	vsub.f32 v51, v5;
	v15 =	vld [tilespmem:s11+$0x4800];
	v16 =	vadd.f32 v43, v16;
	v19 =	vmul.f32 v12, v25  }
0x412: {  	v22 =	vsub.f32 v50, v6;
	v20 =	vld [tilespmem:s11+$0xF800];
	v12 =	vmul.f32 v12, v12;
	v18 =	vadd.f32 v44, v18  }
0x413: {  	v45 =	vld [tilespmem:s29+$0x5000];
	v47 =	vmul.f32 v11, v37;
	v9 =	vsub.f32 v17, v9;
	v16 =	vadd.f32 v19, v16  }
0x414: {  	v4 =	vld [tilespmem:$0x19700];
	v11 =	vmul.f32 v11, v11;
	v12 =	vadd.f32 v12, v13;
	v18 =	vadd.f32 v46, v18  }
0x415: {  	v57 =	vmul.f32 v52, v52;
	v13 =	vld [tilespmem:s11+$0x5800];
	v8 =	vsub.f32 v14, v8;
	v16 =	vadd.f32 v47, v16  }
0x416: {  	v49 =	vld [tilespmem:s29+$0x7000];
	v11 =	vadd.f32 v11, v12;
	v17 =	vadd.f32 v48, v18;
	v18 =	vmul.f32 v15, v15  }
0x417: {  	s12 =	sadd.s32 $0x5800, s11;
	v19 =	vld [tilespmem:s29+$0x6000];
	v12 =	vmul.f32 v10, v29;
	v10 =	vmul.f32 v10, v10;
	v7 =	vsub.f32 v20, v7  }
0x418: {  	v54 =	vld [tilespmem:s12+$0xC000];
	v14 =	vmul.f32 v45, v45;
	v53 =	vmul.f32 v9, v42;
	v17 =	vadd.f32 v18, v17  }
0x419: {  	v12 =	vadd.f32 v12, v16;
	v16 =	vld [tilespmem:s11+$0x6800];
	v10 =	vadd.f32 v10, v11;
	v11 =	vmul.f32 v7, v41  }
0x41a: {  	v7 =	vmul.f32 v7, v7;
	v18 =	vld [tilespmem:$0x19580];
	v14 =	vadd.f32 v14, v17;
	v17 =	vmul.f32 v13, v13  }
0x41b: {  	v60 =	vld [tilespmem:$0x19980];
	v9 =	vmul.f32 v9, v9;
	v20 =	vmul.f32 v49, v49;
	v11 =	vadd.f32 v11, v12  }
0x41c: {  	v12 =	vld [tilespmem:s11+$0x7800];
	v7 =	vadd.f32 v7, v10;
	v6 =	vadd.f32 v17, v14;
	v14 =	vmul.f32 v19, v19  }
0x41d: {  	v10 =	vadd.f32 v53, v11;
	v11 =	vmul.f32 v5, v15;
	v15 =	vld [tilespmem:s29+$0x14000];
	v5 =	vmul.f32 v5, v5  }
0x41e: {  	v7 =	vadd.f32 v9, v7;
	v17 =	vld [tilespmem:s29+$0x13000];
	v6 =	vadd.f32 v14, v6;
	v14 =	vmul.f32 v16, v16  }
0x41f: {  	s14 =	sadd.s32 $0x6800, s11;
	v56 =	vmul.f32 v8, v45;
	v9 =	vsub.f32 v54, v18;
	v18 =	vld [tilespmem:s11+$0x8800];
	v10 =	vadd.f32 v11, v10  }
0x420: {  	v8 =	vmul.f32 v8, v8;
	v7 =	vadd.f32 v5, v7;
	v6 =	vadd.f32 v14, v6;
	v14 =	vld [tilespmem:s14+$0xC000]  }
0x421: {  	v55 =	vld [tilespmem:s29+$0x9000];
	s15 =	sadd.s32 $0x7800, s11;
	v19 =	vmul.f32 v22, v19;
	v13 =	vmul.f32 v9, v13;
	v10 =	vadd.f32 v56, v10  }
0x422: {  	v7 =	vadd.f32 v8, v7;
	v8 =	vmul.f32 v9, v9;
	v6 =	vadd.f32 v20, v6;
	v20 =	vld [tilespmem:s15+$0xC000]  }
0x423: {  	v5 =	vld [tilespmem:s29+$0xB000];
	v11 =	vmul.f32 v12, v12;
	v15 =	vsub.f32 v15, v1;
	v9 =	vsub.f32 v17, v4  }
0x424: {  	v17 =	vld [tilespmem:s29+$0x15000];
	v10 =	vadd.f32 v13, v10;
	v13 =	vmul.f32 v22, v22;
	v7 =	vadd.f32 v8, v7  }
0x425: {  	v8 =	vld [tilespmem:s11+$0x9800];
	v58 =	vmul.f32 v18, v18;
	v11 =	vadd.f32 v11, v6;
	v14 =	vsub.f32 v14, v3  }
0x426: {  	v61 =	vmul.f32 v15, v52;
	v15 =	vmul.f32 v15, v15;
	v10 =	vadd.f32 v19, v10;
	v6 =	vld [tilespmem:s29+$0xA000]  }
0x427: {  	s17 =	sadd.s32 $0x8800, s11;
	v11 =	vadd.f32 v57, v11;
	v16 =	vmul.f32 v14, v16;
	v2 =	vsub.f32 v20, v2;
	v20 =	vld [tilespmem:$0x19900]  }
0x428: {  	v19 =	vmul.f32 v55, v55;
	v7 =	vadd.f32 v13, v7;
	v13 =	vmul.f32 v14, v14;
	v14 =	vld [tilespmem:s17+$0xC000]  }
0x429: {  	v59 =	vmul.f32 v9, v49;
	v11 =	vadd.f32 v58, v11;
	v10 =	vadd.f32 v16, v10;
	v16 =	vld [tilespmem:$0x19880]  }
0x42a: {  	v1 =	vld [tilespmem:s11+$0xA800];
	v9 =	vmul.f32 v9, v9;
	v12 =	vmul.f32 v2, v12;
	v7 =	vadd.f32 v13, v7  }
0x42b: {  	s18 =	sadd.s32 $0x9800, s11;
	v4 =	vld [tilespmem:s29+$0x16000];
	v13 =	vmul.f32 v8, v8;
	v11 =	vadd.f32 v19, v11;
	v10 =	vadd.f32 v59, v10  }
0x42c: {  	v2 =	vmul.f32 v2, v2;
	v19 =	vadd.f32 v9, v7;
	v9 =	vsub.f32 v17, v20;
	v20 =	vld [tilespmem:s18+$0xC000]  }
0x42d: {  	v7 =	vld [tilespmem:s29+$0x17000];
	v10 =	vadd.f32 v12, v10;
	v12 =	vadd.f32 v13, v11;
	v13 =	vmul.f32 v6, v6  }
0x42e: {  	v3 =	vmul.f32 v5, v5;
	v17 =	vadd.f32 v2, v19;
	v2 =	vld [tilespmem:s11+$0xB800];
	v16 =	vsub.f32 v14, v16  }
0x42f: {  	v63 =	vmul.f32 v1, v1;
	v11 =	vld [tilespmem:$0x19A00];
	v14 =	vadd.f32 v61, v10;
	v62 =	vadd.f32 v13, v12  }
0x430: {  	s21 =	sadd.s32 $0xA800, s11;
	v17 =	vadd.f32 v15, v17;
	v10 =	vld [tilespmem:$0x19A80];
	v18 =	vmul.f32 v16, v18;
	v19 =	vmul.f32 v16, v16  }
0x431: {  	s30 =	simm.s32 $0x1;
	s9 =	sadd.s32 $0xB800, s11;
	v13 =	vmul.f32 v9, v55;
	v12 =	vld [tilespmem:s21+$0xC000];
	v16 =	vsub.f32 v20, v60;
	v15 =	vadd.f32 v63, v62  }
.LBB2_22:
0x432: {  	p2 =	sne.s32 s30, $0x6F;
	v14 =	vadd.f32 v18, v14;
	v17 =	vadd.f32 v19, v17;
	v9 =	vmul.f32 v9, v9;
	s10 =	smov.u32 s30;
	s30 =	sadd.s32 $0x1, s30  }
0x433: {  	v8 =	vmul.f32 v16, v8;
	v18 =	vld [tilespmem:$0x19B00];
	v3 =	vadd.f32 v3, v15;
	v15 =	vmul.f32 v2, v2  }
0x434: {  	v16 =	vmul.f32 v16, v16;
	v9 =	vadd.f32 v9, v17;
	v4 =	vsub.f32 v4, v11;
	v11 =	vld [tilespmem:$0x19B80]  }
0x435: {  	v13 =	vadd.f32 v13, v14;
	v14 =	vld [tilespmem:s9+$0xC000];
	v3 =	vadd.f32 v15, v3  }
0x436: {  	v9 =	vadd.f32 v16, v9;
	v15 =	vmul.f32 v4, v4;
	v10 =	vsub.f32 v12, v10  }
0x437: {  	v8 =	vadd.f32 v8, v13;
	v4 =	vmul.f32 v4, v6;
	[tilespmem:s29+$0x1A400] =	vst v3  }
0x438: {  	v3 =	vadd.f32 v15, v9;
	v6 =	vmul.f32 v10, v10;
	v7 =	vsub.f32 v7, v18  }
0x439: {  	v4 =	vadd.f32 v4, v8;
	v1 =	vmul.f32 v10, v1  }
0x43a: {  	v3 =	vadd.f32 v6, v3;
	v6 =	vmul.f32 v7, v7;
	v8 =	vsub.f32 v14, v11  }
0x43b: {  	v1 =	vadd.f32 v1, v4;
	v4 =	vmul.f32 v7, v5  }
0x43c: {  	v3 =	vadd.f32 v6, v3;
	v5 =	vmul.f32 v8, v8  }
0x43d: {  	v1 =	vadd.f32 v4, v1;
	v2 =	vmul.f32 v8, v2  }
0x43e: {  	v3 =	vadd.f32 v5, v3  }
0x43f: {  	v1 =	vadd.f32 v2, v1  }
0x440: {  	[tilespmem:s29+$0x1AC00] =	vst v3  }
0x441: {  	[tilespmem:s29+$0x19C00] =	vst v1;
	_ =	sdelay $0x1  }
0x442: {  	v1 =	vld [tilespmem:$0x19800]  }
0x443: {  	v2 =	vld [tilespmem:$0x19780]  }
0x444: {  	v3 =	vld [tilespmem:$0x19680]  }
0x445: {  	v4 =	vld [tilespmem:$0x19700]  }
0x446: {  	s9 =	sand.u32 $0xFE, s10;
	v5 =	vld [tilespmem:$0x19580]  }
0x447: {  	s9 =	sshrl.u32 s9, $0x1;
	v6 =	vld [tilespmem:$0x19480]  }
0x448: {  	s9 =	smul.u32 $0x93, s9;
	v7 =	vld [tilespmem:$0x19600]  }
0x449: {  	v8 =	vld [tilespmem:$0x19380]  }
0x44a: {  	s11 =	sshrl.u32 s9, $0xA;
	s12 =	sshrl.u32 s9, $0x2;
	s9 =	sshrl.u32 s9, $0x3;
	v9 =	vld [tilespmem:$0x19500]  }
0x44b: {  	s11 =	smul.u32 $0xE, s11;
	v10 =	vld [tilespmem:$0x19400]  }
0x44c: {  	v11 =	vld [tilespmem:$0x19300]  }
0x44d: {  	s10 =	ssub.s32 s10, s11;
	v12 =	vld [tilespmem:$0x19280]  }
0x44e: {  	s11 =	sshll.u32 s10, $0x4;
	s10 =	sshll.u32 s10, $0x7;
	v13 =	vld [tilespmem:$0x19200]  }
0x44f: {  	s12 =	sand.u32 $0x800, s12;
	s9 =	sand.u32 $0x380, s9;
	s10 =	sand.u32 $0x400, s10;
	v14 =	vld [tilespmem:$0x19180]  }
0x450: {  	s14 =	sor.u32 s10, s9;
	s10 =	sor.u32 s10, s12;
	v15 =	vld [tilespmem:$0x19100]  }
0x451: {  	s11 =	sand.u32 $0x70, s11;
	s12 =	sor.u32 s12, s14;
	s9 =	sor.u32 s9, s10;
	v16 =	vld [tilespmem:$0x19000]  }
0x452: {  	s29 =	sor.u32 s11, s12;
	s10 =	sor.u32 s11, s9;
	v17 =	vld [tilespmem:$0x19080]  }
0x453: {  	s21 =	sadd.s32 $0x4800, s10;
	s18 =	sadd.s32 $0x5800, s10;
	s17 =	sadd.s32 $0x6800, s10;
	v18 =	vld [tilespmem:s29+$0x1000]  }
0x454: {  	s15 =	sadd.s32 $0x7800, s10;
	s14 =	sadd.s32 $0x8800, s10;
	s12 =	sadd.s32 $0x9800, s10;
	v19 =	vld [tilespmem:s10+$0x800]  }
0x455: {  	s11 =	sadd.s32 $0xA800, s10;
	s9 =	sadd.s32 $0xB800, s10;
	v20 =	vld [tilespmem:s29+$0x1A400]  }
0x456: {  	v21 =	vld [tilespmem:s29+$0x19C00]  }
0x457: {  	v22 =	vld [tilespmem:s29+$0x0]  }
0x458: {  	v23 =	vld [tilespmem:s10+$0xC800]  }
0x459: {  	v24 =	vld [tilespmem:s29+$0xC000]  }
0x45a: {  	v25 =	vld [tilespmem:s29+$0xD000]  }
0x45b: {  	v21 =	vpsel p1, $0x0, v21;
	v26 =	vld [tilespmem:s29+$0x2000]  }
0x45c: {  	v20 =	vpsel p1, $0x0, v20;
	v27 =	vmul.f32 v22, v22;
	v28 =	vld [tilespmem:s10+$0x1800]  }
0x45d: {  	v29 =	vld [tilespmem:s29+$0x1AC00];
	v17 =	vsub.f32 v23, v17;
	v23 =	vmul.f32 v19, v19  }
0x45e: {  	v16 =	vsub.f32 v24, v16;
	v20 =	vadd.f32 v27, v20;
	v24 =	vld [tilespmem:s10+$0xD800]  }
0x45f: {  	v19 =	vmul.f32 v17, v19;
	v15 =	vsub.f32 v25, v15;
	v25 =	vmul.f32 v18, v18;
	v27 =	vld [tilespmem:s29+$0xE000]  }
0x460: {  	v22 =	vmul.f32 v16, v22;
	v16 =	vmul.f32 v16, v16;
	v20 =	vadd.f32 v23, v20;
	v23 =	vld [tilespmem:s29+$0x3000]  }
0x461: {  	v18 =	vmul.f32 v15, v18;
	v30 =	vmul.f32 v28, v28;
	v31 =	vld [tilespmem:s10+$0x2800]  }
0x462: {  	v17 =	vmul.f32 v17, v17;
	v21 =	vadd.f32 v22, v21;
	v20 =	vadd.f32 v25, v20;
	v22 =	vld [tilespmem:s10+$0xE800]  }
0x463: {  	v15 =	vmul.f32 v15, v15;
	v25 =	vpsel p1, $0x0, v29;
	v14 =	vsub.f32 v24, v14;
	v24 =	vld [tilespmem:s29+$0x4000]  }
0x464: {  	v20 =	vadd.f32 v30, v20;
	v13 =	vsub.f32 v27, v13;
	v27 =	vmul.f32 v26, v26;
	v29 =	vld [tilespmem:s29+$0xF000]  }
0x465: {  	v16 =	vadd.f32 v16, v25;
	v19 =	vadd.f32 v19, v21;
	v21 =	vmul.f32 v14, v28;
	v25 =	vld [tilespmem:s10+$0x3800]  }
0x466: {  	v28 =	vmul.f32 v23, v23;
	v20 =	vadd.f32 v27, v20;
	v27 =	vmul.f32 v31, v31;
	v30 =	vld [tilespmem:s29+$0x5000]  }
0x467: {  	v16 =	vadd.f32 v17, v16;
	v14 =	vmul.f32 v14, v14;
	v17 =	vadd.f32 v18, v19;
	v18 =	vld [tilespmem:s29+$0x10000]  }
0x468: {  	v19 =	vmul.f32 v13, v26;
	v12 =	vsub.f32 v22, v12;
	v20 =	vadd.f32 v27, v20;
	v22 =	vld [tilespmem:s29+$0x6000]  }
0x469: {  	v15 =	vadd.f32 v15, v16;
	v11 =	vsub.f32 v29, v11;
	v16 =	vld [tilespmem:s10+$0x4800]  }
0x46a: {  	v13 =	vmul.f32 v13, v13;
	v20 =	vadd.f32 v28, v20;
	v26 =	vld [tilespmem:s10+$0xF800];
	v27 =	vmul.f32 v25, v25  }
0x46b: {  	v17 =	vadd.f32 v21, v17;
	v14 =	vadd.f32 v14, v15;
	v15 =	vmul.f32 v12, v31;
	v21 =	vld [tilespmem:s29+$0x11000]  }
0x46c: {  	v20 =	vadd.f32 v27, v20;
	v10 =	vsub.f32 v18, v10;
	v18 =	vmul.f32 v24, v24;
	v27 =	vld [tilespmem:s29+$0x7000]  }
0x46d: {  	v12 =	vmul.f32 v12, v12;
	v17 =	vadd.f32 v19, v17;
	v13 =	vadd.f32 v13, v14;
	v14 =	vld [tilespmem:s10+$0x5800]  }
0x46e: {  	v19 =	vmul.f32 v11, v11;
	v18 =	vadd.f32 v18, v20;
	v20 =	vmul.f32 v16, v16;
	v28 =	vld [tilespmem:s29+$0x12000]  }
0x46f: {  	v11 =	vmul.f32 v11, v23;
	v15 =	vadd.f32 v15, v17;
	v12 =	vadd.f32 v12, v13;
	v13 =	vld [tilespmem:s21+$0xC000]  }
0x470: {  	v17 =	vadd.f32 v20, v18;
	v9 =	vsub.f32 v21, v9;
	v18 =	vmul.f32 v30, v30;
	v20 =	vld [tilespmem:s29+$0x8000]  }
0x471: {  	v11 =	vadd.f32 v11, v15;
	v8 =	vsub.f32 v26, v8;
	v15 =	vld [tilespmem:s10+$0x6800];
	v21 =	vmul.f32 v27, v27  }
0x472: {  	v12 =	vadd.f32 v19, v12;
	v17 =	vadd.f32 v18, v17;
	v18 =	vmul.f32 v14, v14;
	v19 =	vld [tilespmem:s29+$0x13000]  }
0x473: {  	v24 =	vmul.f32 v10, v24;
	v23 =	vmul.f32 v8, v25;
	v25 =	vld [tilespmem:s18+$0xC000];
	v7 =	vsub.f32 v28, v7  }
0x474: {  	v8 =	vmul.f32 v8, v8;
	v17 =	vadd.f32 v18, v17;
	v18 =	vmul.f32 v22, v22;
	v26 =	vld [tilespmem:s29+$0x9000]  }
0x475: {  	v10 =	vmul.f32 v10, v10;
	v11 =	vadd.f32 v23, v11;
	v6 =	vsub.f32 v13, v6;
	v13 =	vld [tilespmem:s10+$0x7800]  }
0x476: {  	v8 =	vadd.f32 v8, v12;
	v12 =	vadd.f32 v18, v17;
	v17 =	vmul.f32 v15, v15;
	v18 =	vld [tilespmem:s29+$0x14000]  }
0x477: {  	v11 =	vadd.f32 v24, v11;
	v16 =	vmul.f32 v6, v16;
	v23 =	vmul.f32 v6, v6;
	v6 =	vld [tilespmem:s29+$0xA000]  }
0x478: {  	v24 =	vmul.f32 v9, v30;
	v28 =	vld [tilespmem:s17+$0xC000];
	v12 =	vadd.f32 v17, v12;
	v17 =	vmul.f32 v20, v20  }
0x479: {  	v8 =	vadd.f32 v10, v8;
	v9 =	vmul.f32 v9, v9;
	v10 =	vsub.f32 v25, v5;
	v25 =	vld [tilespmem:s10+$0x8800]  }
0x47a: {  	v11 =	vadd.f32 v16, v11;
	v12 =	vadd.f32 v21, v12;
	v16 =	vmul.f32 v13, v13;
	v21 =	vld [tilespmem:s29+$0x15000]  }
0x47b: {  	v8 =	vadd.f32 v23, v8;
	v14 =	vmul.f32 v10, v14;
	v5 =	vld [tilespmem:s29+$0xB000]  }
0x47c: {  	v22 =	vmul.f32 v7, v22;
	v11 =	vadd.f32 v24, v11;
	v23 =	vld [tilespmem:s15+$0xC000];
	v12 =	vadd.f32 v16, v12  }
0x47d: {  	v8 =	vadd.f32 v9, v8;
	v9 =	vmul.f32 v10, v10;
	v10 =	vsub.f32 v19, v4;
	v4 =	vld [tilespmem:s29+$0x16000]  }
0x47e: {  	v11 =	vadd.f32 v14, v11;
	v14 =	vmul.f32 v7, v7;
	v12 =	vadd.f32 v17, v12;
	v7 =	vld [tilespmem:s29+$0x17000]  }
0x47f: {  	v9 =	vadd.f32 v9, v8;
	v16 =	vsub.f32 v28, v3;
	v17 =	vmul.f32 v25, v25;
	v8 =	vld [tilespmem:s10+$0x9800]  }
0x480: {  	v19 =	vmul.f32 v26, v26;
	v11 =	vadd.f32 v22, v11;
	v3 =	vmul.f32 v5, v5  }
0x481: {  	v22 =	vmul.f32 v10, v27;
	v15 =	vmul.f32 v16, v15;
	v2 =	vsub.f32 v23, v2;
	v23 =	vld [tilespmem:$0x19900]  }
0x482: {  	v9 =	vadd.f32 v14, v9;
	v14 =	vmul.f32 v16, v16;
	v12 =	vadd.f32 v17, v12;
	v16 =	vld [tilespmem:s14+$0xC000]  }
0x483: {  	v11 =	vadd.f32 v15, v11;
	v15 =	vsub.f32 v18, v1;
	v13 =	vmul.f32 v2, v13;
	v17 =	vld [tilespmem:$0x19880]  }
0x484: {  	v10 =	vmul.f32 v10, v10;
	v9 =	vadd.f32 v14, v9;
	v12 =	vadd.f32 v19, v12;
	v1 =	vld [tilespmem:s10+$0xA800]  }
0x485: {  	v11 =	vadd.f32 v22, v11;
	v2 =	vmul.f32 v2, v2;
	v14 =	vmul.f32 v8, v8;
	v22 =	vld [tilespmem:$0x19980]  }
0x486: {  	v10 =	vadd.f32 v10, v9;
	v18 =	vmul.f32 v15, v20;
	v9 =	vsub.f32 v21, v23;
	v20 =	vld [tilespmem:s12+$0xC000]  }
.Ltmp12:
0x487: {  	v11 =	vadd.f32 v13, v11;
	v13 =	vmul.f32 v6, v6;
	v12 =	vadd.f32 v14, v12;
	(pc) =	sbr.rel @p2 .LBB2_22-.Ltmp12, $4  }
0x488: {  	v15 =	vmul.f32 v15, v15;
	v10 =	vadd.f32 v2, v10;
	v16 =	vsub.f32 v16, v17;
	v2 =	vld [tilespmem:s10+$0xB800]  }
0x489: {  	v14 =	vadd.f32 v18, v11;
	v21 =	vadd.f32 v13, v12;
	v11 =	vld [tilespmem:$0x19A00];
	v23 =	vmul.f32 v1, v1  }
0x48a: {  	v17 =	vadd.f32 v15, v10;
	v18 =	vmul.f32 v16, v25;
	v19 =	vmul.f32 v16, v16;
	v10 =	vld [tilespmem:$0x19A80]  }
0x48b: {  	v13 =	vmul.f32 v9, v26;
	v16 =	vsub.f32 v20, v22;
	v12 =	vld [tilespmem:s11+$0xC000];
	v15 =	vadd.f32 v23, v21  }
0x48c: {  	v17 =	vadd.f32 v19, v17;
	v9 =	vmul.f32 v9, v9  }
0x48d: {  	v14 =	vadd.f32 v18, v14;
	v50 =	vld [tilespmem:$0x19B00]  }
0x48e: {  	v52 =	vld [tilespmem:$0x19B80];
	v51 =	vmul.f32 v16, v16;
	v9 =	vadd.f32 v9, v17;
	v4 =	vsub.f32 v4, v11  }
0x48f: {  	v53 =	vld [tilespmem:s9+$0xC000];
	v8 =	vmul.f32 v16, v8;
	v13 =	vadd.f32 v13, v14  }
0x490: {  	v9 =	vadd.f32 v51, v9;
	v54 =	vmul.f32 v4, v4;
	v10 =	vsub.f32 v12, v10  }
0x491: {  	v8 =	vadd.f32 v8, v13;
	v4 =	vmul.f32 v4, v6  }
0x492: {  	v7 =	vsub.f32 v7, v50;
	v55 =	vadd.f32 v54, v9;
	v56 =	vmul.f32 v10, v10  }
0x493: {  	v3 =	vadd.f32 v3, v15;
	v4 =	vadd.f32 v4, v8;
	v1 =	vmul.f32 v10, v1  }
0x494: {  	v58 =	vsub.f32 v53, v52;
	v57 =	vmul.f32 v7, v7;
	v6 =	vadd.f32 v56, v55  }
0x495: {  	s3 =	sadd.s32 $0x1, s3;
	v59 =	vmul.f32 v2, v2;
	v60 =	vmul.f32 v7, v5;
	v1 =	vadd.f32 v1, v4  }
0x496: {  	p1 =	sne.s32 s3, $0x8;
	v62 =	vmul.f32 v58, v58;
	v61 =	vadd.f32 v57, v6  }
.Ltmp13:
0x497: {  	v3 =	vadd.f32 v59, v3;
	v2 =	vmul.f32 v58, v2;
	v1 =	vadd.f32 v60, v1;
	(pc) =	sbr.rel @p1 .LBB2_21-.Ltmp13, $4  }
0x498: {  	v63 =	vadd.f32 v62, v61  }
0x499: {  	[tilespmem:s29+$0x1A400] =	vst v3;
	v1 =	vadd.f32 v2, v1  }
0x49a: {  	[tilespmem:s29+$0x1AC00] =	vst v63  }
0x49b: {  	[tilespmem:s29+$0x19C00] =	vst v1  }
0x49c: {  	s0 =	simm.s32 $0x0  }
0x49d: {  	s0 =	sand.u32 $0xFE, s0  }
0x49e: {  	s0 =	sshrl.u32 s0, $0x1  }
0x49f: {  	s0 =	smul.u32 $0x93, s0;
	_ =	sdelay $0x1  }
0x4a0: {  	s3 =	sshrl.u32 s0, $0xA  }
0x4a1: {  	s3 =	smul.u32 $0xE, s3;
	_ =	sdelay $0x1  }
0x4a2: {  	s3 =	ssub.s32 $0x0, s3  }
0x4a3: {  	s9 =	sshrl.u32 s0, $0x2;
	s10 =	sshll.u32 s3, $0x7  }
0x4a4: {  	s0 =	sshrl.u32 s0, $0x3;
	s9 =	sand.u32 $0x800, s9;
	s10 =	sand.u32 $0x400, s10  }
0x4a5: {  	s0 =	sand.u32 $0x380, s0;
	s3 =	sshll.u32 s3, $0x4;
	s9 =	sor.u32 s10, s9  }
0x4a6: {  	s3 =	sand.u32 $0x70, s3;
	s0 =	sor.u32 s0, s9  }
0x4a7: {  	s10 =	sor.u32 s3, s0  }
0x4a8: {  	s11 =	simm.s32 $0x1;
	v2 =	vld [tilespmem:s10+$0x1AC00]  }
0x4a9: {  	s0 =	sand.u32 $0xFE, s11;
	v1 =	vld [tilespmem:s10+$0x1A400]  }
0x4aa: {  	s0 =	sshrl.u32 s0, $0x1  }
0x4ab: {  	s0 =	smul.u32 $0x93, s0;
	_ =	sdelay $0x1  }
0x4ac: {  	s12 =	sshrl.u32 s0, $0xA;
	v2 =	vmax.f32 v2, $1.000000020e-16  }
0x4ad: {  	s3 =	smul.u32 $0xE, s12;
	v1 =	vmax.f32 v1, $1.000000020e-16;
	v4 =	vshra.s32 v2, $0x1;
	v2 =	vmul.f32 $5.000000000e-01, v2  }
0x4ae: {  	v3 =	vshra.s32 v1, $0x1;
	v1 =	vmul.f32 $5.000000000e-01, v1;
	v4 =	vsub.s32 $0x5F3759DF, v4  }
0x4af: {  	s3 =	ssub.s32 $0x1, s3;
	v3 =	vsub.s32 $0x5F3759DF, v3;
	v6 =	vmul.f32 v4, v2  }
0x4b0: {  	s14 =	simm.s32 $0x2;
	s11 =	sshrl.u32 s0, $0x2;
	s12 =	sshll.u32 s3, $0x7;
	v5 =	vmul.f32 v3, v1  }
0x4b1: {  	s0 =	sshrl.u32 s0, $0x3;
	s11 =	sand.u32 $0x800, s11;
	s12 =	sand.u32 $0x400, s12;
	v6 =	vmul.f32 v4, v6  }
0x4b2: {  	s0 =	sand.u32 $0x380, s0;
	s3 =	sshll.u32 s3, $0x4;
	s11 =	sor.u32 s12, s11;
	v5 =	vmul.f32 v3, v5  }
0x4b3: {  	s9 =	sand.u32 $0xFE, s14;
	s3 =	sand.u32 $0x70, s3;
	s0 =	sor.u32 s0, s11;
	v6 =	vsub.f32 $1.500000000e+00, v6  }
0x4b4: {  	s15 =	sshrl.u32 s9, $0x1;
	s0 =	sor.u32 s3, s0;
	v5 =	vsub.f32 $1.500000000e+00, v5  }
0x4b5: {  	s3 =	smul.u32 $0x93, s15;
	v7 =	vld [tilespmem:s0+$0x1A400];
	v6 =	vmul.f32 v4, v6  }
0x4b6: {  	v5 =	vmul.f32 v3, v5;
	v3 =	vld [tilespmem:s0+$0x1AC00]  }
0x4b7: {  	s17 =	sshrl.u32 s3, $0xA;
	v8 =	vmul.f32 v6, v2  }
0x4b8: {  	s9 =	smul.u32 $0xE, s17;
	v4 =	vmul.f32 v5, v1  }
0x4b9: {  	v8 =	vmul.f32 v8, v6  }
0x4ba: {  	s9 =	ssub.s32 $0x2, s9;
	v7 =	vmax.f32 v7, $1.000000020e-16;
	v4 =	vmul.f32 v4, v5  }
0x4bb: {  	s18 =	sshrl.u32 s3, $0x2;
	s21 =	sshll.u32 s9, $0x7;
	v10 =	vshra.s32 v7, $0x1;
	v9 =	vmax.f32 v3, $1.000000020e-16;
	v8 =	vsub.f32 $1.500000000e+00, v8  }
0x4bc: {  	s3 =	sshrl.u32 s3, $0x3;
	s11 =	sand.u32 $0x800, s18;
	s12 =	sand.u32 $0x400, s21;
	v3 =	vmul.f32 $5.000000000e-01, v7;
	v11 =	vsub.f32 $1.500000000e+00, v4;
	v7 =	vshra.s32 v9, $0x1  }
0x4bd: {  	s3 =	sand.u32 $0x380, s3;
	s9 =	sshll.u32 s9, $0x4;
	s11 =	sor.u32 s12, s11;
	v4 =	vmul.f32 $5.000000000e-01, v9;
	v9 =	vsub.s32 $0x5F3759DF, v10;
	v10 =	vld [tilespmem:s10+$0x18800];
	v8 =	vmul.f32 v8, v6  }
0x4be: {  	s9 =	sand.u32 $0x70, s9;
	s3 =	sor.u32 s3, s11;
	v12 =	vsub.s32 $0x5F3759DF, v7;
	v5 =	vmul.f32 v11, v5;
	v11 =	vmul.f32 v9, v3;
	v6 =	vld [tilespmem:s10+$0x18000]  }
0x4bf: {  	s3 =	sor.u32 s9, s3;
	v7 =	vmul.f32 v12, v4;
	v2 =	vmul.f32 v8, v2  }
0x4c0: {  	v14 =	vld [tilespmem:s3+$0x1A400];
	v13 =	vmul.f32 v5, v1;
	v11 =	vmul.f32 v9, v11  }
0x4c1: {  	s9 =	simm.s32 $0x3;
	v15 =	vld [tilespmem:s3+$0x1AC00];
	v1 =	vimm.f32 $0.0e+00;
	v7 =	vmul.f32 v12, v7;
	v2 =	vmul.f32 v2, v8  }
0x4c2: {  	s29 =	sand.u32 $0xFE, s9;
	vm0 =	veq.f32 v10, $0.0e+00;
	v13 =	vmul.f32 v13, v5;
	v10 =	vsub.f32 $1.500000000e+00, v11  }
0x4c3: {  	s11 =	sshrl.u32 s29, $0x1;
	v11 =	vsub.f32 $1.500000000e+00, v7;
	vm1 =	vlt.f32 v6, $0.0e+00;
	v2 =	vsub.f32 $1.500000000e+00, v2  }
0x4c4: {  	s11 =	smul.u32 $0x93, s11;
	vm2 =	vgt.f32 v6, $0.0e+00;
	v13 =	vsub.f32 $1.500000000e+00, v13;
	v7 =	vmul.f32 v9, v10  }
0x4c5: {  	v14 =	vmax.f32 v14, $1.000000020e-16;
	v6 =	vmul.f32 v12, v11;
	v2 =	vmul.f32 v2, v8;
	v8 =	vld [tilespmem:s10+$0x19C00]  }
0x4c6: {  	s30 =	sshrl.u32 s11, $0xA;
	v9 =	vmax.f32 v15, $1.000000020e-16;
	vm1 =	vmor vm2, vm1;
	v12 =	vmul.f32 v13, v5  }
0x4c7: {  	s12 =	smul.u32 $0xE, s30;
	v10 =	vshra.s32 v14, $0x1;
	v13 =	vmul.f32 v7, v3;
	v11 =	vmul.f32 v6, v4  }
0x4c8: {  	s10 =	simm.s32 $0x4;
	v5 =	vmul.f32 $5.000000000e-01, v14;
	v12 =	vmul.f32 v2, v12;
	v2 =	vimm.f32 $0.0e+00  }
.LBB2_25:
0x4c9: {  	p1 =	sne.s32 s10, $0x6F;
	s12 =	ssub.s32 s9, s12;
	v14 =	vshra.s32 v9, $0x1;
	v13 =	vmul.f32 v13, v7;
	v11 =	vmul.f32 v11, v6;
	s9 =	smov.u32 s10  }
0x4ca: {  	s14 =	sshrl.u32 s11, $0x2;
	v9 =	vmul.f32 $5.000000000e-01, v9;
	vm0 =	vmand vm1, vm0;
	s15 =	sshll.u32 s12, $0x7;
	v8 =	vmul.f32 v12, v8  }
0x4cb: {  	s11 =	sshrl.u32 s11, $0x3;
	v10 =	vsub.s32 $0x5F3759DF, v10;
	s14 =	sand.u32 $0x800, s14;
	s15 =	sand.u32 $0x400, s15;
	v12 =	vsub.f32 $1.500000000e+00, v13;
	v11 =	vsub.f32 $1.500000000e+00, v11  }
0x4cc: {  	s12 =	sshll.u32 s12, $0x4;
	s11 =	sand.u32 $0x380, s11;
	v14 =	vsub.s32 $0x5F3759DF, v14;
	v13 =	vmul.f32 v10, v5;
	s14 =	sor.u32 s15, s14;
	v15 =	vld [tilespmem:s0+$0x18800];
	v8 =	vsub.f32 $1.000000000e+00, v8  }
0x4cd: {  	s12 =	sand.u32 $0x70, s12;
	s11 =	sor.u32 s11, s14;
	v12 =	vmul.f32 v12, v7;
	v11 =	vmul.f32 v11, v6;
	v6 =	vld [tilespmem:s0+$0x18000];
	v7 =	vsel vm0, $0x3F800000, v0  }
0x4ce: {  	v16 =	vmul.f32 v14, v9;
	s12 =	sor.u32 s12, s11;
	v8 =	vmul.f32 v8, v7;
	v1 =	vadd.f32 v7, v1  }
0x4cf: {  	v7 =	vld [tilespmem:s12+$0x1A400];
	v17 =	vmul.f32 v12, v3;
	v18 =	vmul.f32 v11, v4;
	v4 =	vmovc v9;
	v3 =	vmov v5  }
0x4d0: {  	s11 =	sand.u32 $0xFE, s10;
	v9 =	vmul.f32 v10, v13;
	v13 =	vmul.f32 v14, v16;
	v5 =	vld [tilespmem:s12+$0x1AC00];
	v2 =	vadd.f32 v8, v2  }
0x4d1: {  	s11 =	sshrl.u32 s11, $0x1;
	v8 =	vmul.f32 v17, v12;
	v16 =	vmul.f32 v18, v11;
	vm0 =	veq.f32 v15, $0.0e+00  }
0x4d2: {  	s11 =	smul.u32 $0x93, s11;
	v9 =	vsub.f32 $1.500000000e+00, v9;
	v13 =	vsub.f32 $1.500000000e+00, v13;
	vm1 =	vlt.f32 v6, $0.0e+00  }
.Ltmp14:
0x4d3: {  	vm2 =	vgt.f32 v6, $0.0e+00;
	v15 =	vsub.f32 $1.500000000e+00, v8;
	v16 =	vsub.f32 $1.500000000e+00, v16;
	(pc) =	sbr.rel @p1 .LBB2_25-.Ltmp14, $4  }
0x4d4: {  	v6 =	vmul.f32 v14, v13;
	v17 =	vmax.f32 v7, $1.000000020e-16;
	v7 =	vmul.f32 v10, v9;
	v8 =	vld [tilespmem:s0+$0x19C00];
	s0 =	smov.u32 s3;
	s3 =	smov.u32 s12  }
0x4d5: {  	s12 =	sshrl.u32 s11, $0xA;
	v9 =	vmax.f32 v5, $1.000000020e-16;
	v12 =	vmul.f32 v15, v12;
	v14 =	vmul.f32 v16, v11  }
0x4d6: {  	vm1 =	vmor vm2, vm1;
	s12 =	smul.u32 $0xE, s12;
	v11 =	vmul.f32 v6, v4;
	v13 =	vmul.f32 v7, v3  }
0x4d7: {  	s10 =	sadd.s32 $0x1, s10;
	v10 =	vshra.s32 v17, $0x1;
	v5 =	vmul.f32 $5.000000000e-01, v17;
	v12 =	vmul.f32 v14, v12  }
0x4d8: {  	s9 =	ssub.s32 s9, s12  }
0x4d9: {  	s10 =	sshrl.u32 s11, $0x2;
	s12 =	sshll.u32 s9, $0x7  }
0x4da: {  	s30 =	sshrl.u32 s11, $0x3;
	s10 =	sand.u32 $0x800, s10;
	s12 =	sand.u32 $0x400, s12  }
0x4db: {  	s9 =	sshll.u32 s9, $0x4;
	s11 =	sand.u32 $0x380, s30;
	s10 =	sor.u32 s12, s10  }
0x4dc: {  	s9 =	sand.u32 $0x70, s9;
	s10 =	sor.u32 s11, s10  }
0x4dd: {  	v13 =	vmul.f32 v13, v7;
	v11 =	vmul.f32 v11, v6;
	v15 =	vshra.s32 v9, $0x1;
	s9 =	sor.u32 s9, s10  }
0x4de: {  	v34 =	vmul.f32 $5.000000000e-01, v9;
	v10 =	vsub.s32 $0x5F3759DF, v10;
	v8 =	vmul.f32 v12, v8;
	v14 =	vld [tilespmem:s9+$0x1A400]  }
0x4df: {  	v15 =	vsub.s32 $0x5F3759DF, v15;
	v13 =	vsub.f32 $1.500000000e+00, v13;
	v11 =	vsub.f32 $1.500000000e+00, v11;
	v36 =	vld [tilespmem:s9+$0x1AC00]  }
0x4e0: {  	vm0 =	vmand vm1, vm0;
	v37 =	vmul.f32 v10, v5;
	v39 =	vmul.f32 v15, v34  }
0x4e1: {  	v8 =	vsub.f32 $1.000000000e+00, v8;
	v35 =	vmul.f32 v13, v7;
	v38 =	vmul.f32 v11, v6  }
0x4e2: {  	v47 =	vsel vm0, $0x3F800000, v0;
	v13 =	vmul.f32 v10, v37;
	v11 =	vmul.f32 v15, v39  }
0x4e3: {  	v8 =	vmul.f32 v8, v47;
	v3 =	vmul.f32 v35, v3;
	v14 =	vmax.f32 v14, $1.000000020e-16  }
0x4e4: {  	v4 =	vmul.f32 v38, v4;
	v12 =	vmax.f32 v36, $1.000000020e-16;
	v16 =	vshra.s32 v14, $0x1  }
0x4e5: {  	v14 =	vmul.f32 $5.000000000e-01, v14;
	v17 =	vshra.s32 v12, $0x1;
	v12 =	vmul.f32 $5.000000000e-01, v12  }
0x4e6: {  	v13 =	vsub.f32 $1.500000000e+00, v13;
	v16 =	vsub.s32 $0x5F3759DF, v16;
	v17 =	vsub.s32 $0x5F3759DF, v17  }
0x4e7: {  	v18 =	vmul.f32 v16, v14;
	v19 =	vmul.f32 v17, v12  }
0x4e8: {  	v11 =	vsub.f32 $1.500000000e+00, v11;
	v3 =	vmul.f32 v3, v35;
	v10 =	vmul.f32 v10, v13  }
0x4e9: {  	v18 =	vmul.f32 v16, v18;
	v40 =	vmul.f32 v17, v19  }
0x4ea: {  	v4 =	vmul.f32 v4, v38;
	v11 =	vmul.f32 v15, v11;
	v3 =	vsub.f32 $1.500000000e+00, v3  }
0x4eb: {  	v43 =	vmul.f32 v10, v5;
	v18 =	vsub.f32 $1.500000000e+00, v18;
	v41 =	vsub.f32 $1.500000000e+00, v40  }
0x4ec: {  	v15 =	vmul.f32 v11, v34;
	v3 =	vmul.f32 v3, v35  }
0x4ed: {  	v42 =	vmul.f32 v16, v18;
	v6 =	vmul.f32 v17, v41  }
0x4ee: {  	v4 =	vsub.f32 $1.500000000e+00, v4;
	v13 =	vmul.f32 v43, v10;
	v15 =	vmul.f32 v15, v11  }
0x4ef: {  	v44 =	vld [tilespmem:s0+$0x18800];
	v16 =	vmul.f32 v42, v14;
	v45 =	vmul.f32 v6, v12  }
0x4f0: {  	v46 =	vld [tilespmem:s0+$0x18000];
	v4 =	vmul.f32 v4, v38;
	v13 =	vsub.f32 $1.500000000e+00, v13;
	v15 =	vsub.f32 $1.500000000e+00, v15  }
0x4f1: {  	v16 =	vmul.f32 v16, v42;
	v18 =	vmul.f32 v45, v6  }
0x4f2: {  	v54 =	vld [tilespmem:s3+$0x18000];
	v1 =	vadd.f32 v47, v1;
	v10 =	vmul.f32 v13, v10;
	v11 =	vmul.f32 v15, v11  }
0x4f3: {  	v48 =	vld [tilespmem:s0+$0x19C00];
	v3 =	vmul.f32 v4, v3;
	v16 =	vsub.f32 $1.500000000e+00, v16;
	v49 =	vsub.f32 $1.500000000e+00, v18  }
0x4f4: {  	vm8 =	veq.f32 v44, $0.0e+00;
	v50 =	vmul.f32 v10, v5;
	v9 =	vmul.f32 v11, v34  }
0x4f5: {  	v56 =	vld [tilespmem:s3+$0x18800];
	vm9 =	vlt.f32 v46, $0.0e+00;
	v7 =	vmul.f32 v16, v42;
	v6 =	vmul.f32 v49, v6  }
0x4f6: {  	vm2 =	vgt.f32 v46, $0.0e+00;
	v51 =	vmul.f32 v50, v10;
	v52 =	vmul.f32 v9, v11  }
0x4f7: {  	vm10 =	vlt.f32 v54, $0.0e+00;
	v53 =	vmul.f32 v7, v14;
	v12 =	vmul.f32 v6, v12  }
0x4f8: {  	v3 =	vmul.f32 v3, v48;
	v4 =	vsub.f32 $1.500000000e+00, v51;
	v5 =	vsub.f32 $1.500000000e+00, v52  }
0x4f9: {  	vm11 =	vgt.f32 v54, $0.0e+00;
	v9 =	vmul.f32 v53, v7;
	v12 =	vmul.f32 v12, v6  }
0x4fa: {  	v55 =	vld [tilespmem:s3+$0x19C00];
	vm12 =	veq.f32 v56, $0.0e+00;
	v4 =	vmul.f32 v4, v10;
	v5 =	vmul.f32 v5, v11  }
0x4fb: {  	vm1 =	vmor vm2, vm9;
	v58 =	vld [tilespmem:s9+$0x18000];
	v9 =	vsub.f32 $1.500000000e+00, v9;
	v12 =	vsub.f32 $1.500000000e+00, v12  }
0x4fc: {  	v59 =	vld [tilespmem:s9+$0x19C00];
	vm0 =	vmand vm1, vm8;
	v3 =	vsub.f32 $1.000000000e+00, v3;
	v4 =	vmul.f32 v5, v4  }
0x4fd: {  	v60 =	vld [tilespmem:s9+$0x18800];
	v57 =	vsel vm0, $0x3F800000, v0;
	v7 =	vmul.f32 v9, v7;
	v6 =	vmul.f32 v12, v6  }
0x4fe: {  	v2 =	vadd.f32 v8, v2;
	vm0 =	vmor vm11, vm10;
	v3 =	vmul.f32 v3, v57  }
0x4ff: {  	vm0 =	vmand vm0, vm12;
	v4 =	vmul.f32 v4, v55;
	v6 =	vmul.f32 v6, v7  }
0x500: {  	v1 =	vadd.f32 v57, v1;
	vm13 =	vlt.f32 v58, $0.0e+00;
	vm14 =	vgt.f32 v58, $0.0e+00  }
0x501: {  	v2 =	vadd.f32 v3, v2;
	v3 =	vsub.f32 $1.000000000e+00, v4;
	v61 =	vmul.f32 v6, v59  }
0x502: {  	v62 =	vsel vm0, $0x3F800000, v0;
	vm15 =	veq.f32 v60, $0.0e+00;
	vm1 =	vmor vm14, vm13  }
0x503: {  	vm0 =	vmand vm1, vm15;
	v3 =	vmul.f32 v3, v62;
	v4 =	vsub.f32 $1.000000000e+00, v61  }
0x504: {  	v1 =	vadd.f32 v62, v1;
	v63 =	vsel vm0, $0x3F800000, v0  }
.Ltmp15:
0x505: {  	v2 =	vadd.f32 v3, v2;
	v3 =	vmul.f32 v4, v63;
	(pc) =	sbr.rel .LBB2_28-.Ltmp15, $4  }
0x506: {  	v1 =	vadd.f32 v63, v1  }
0x507: {  	v2 =	vadd.f32 v3, v2  }
0x508: {  	[tilespmem:$0x1B780] =	vst v1  }
0x509: {  	s0 =	simm.s32 $0x1B400;
	s3 =	simm.s32 $0x1B600;
	[tilespmem:$0x1B580] =	vst v2  }
.LBB2_29:
0x50a: {  	_ =	sfence.sel $0x180000  }
0x50b: {  	[bflag:$0x0] =	sbarrier.arrive $0xFFFF  }
0x50c: {  	_ =	strace $0x90000047  }
0x50d: {  	s0 =	stileid.u32;
	[bflag:$0x2] =	sbarrier.arrive $0xFFFF  }
0x50e: {  	p0 =	sne.s32 s0, $0x0;
	s0 =	rddreg [dreg:$0x4]  }
0x50f: {  	s0 =	sadd.s32 @!p0 $0x100000, s0  }
0x510: {  	[sflag:s0] =	ssyncadd.tile.s32 @!p0 $0x1;
	_ =	shalt  }
.Lfunc_end2:
_tile_overlayer_lowered:
.L_overlay_start_2:
0x511: {  	(tag) =	ssettag $0x2  }
0x512: {  	s0 =	rddreg [dreg:$0x0];
	s2 =	stileid.u32  }
0x513: {  	s1 =	rddreg [dreg:$0x1];
	p0 =	sne.s32 s2, $0x0  }
0x514: {  	s3 =	rddreg [dreg:$0x2];
	[bflag:$0x3] =	sbarrier.arrive $0xFFFF;
	s2 =	simm.s32 @!p0 $0x1C01  }
0x515: {  	[timem:s3], [sflag:s2] =	dma.local @!p0 [hbm:s0], s1  }
0x516: {  	s0 =	simm.s32 @!p0 $0x1  }
0x517: {  	_ =	swait.ge @!p0 [sflag:s0], s1  }
0x518: {  	s1 =	ssub.s32 @!p0 $0x0, s1;
	[sflag:s0] =	ssyncset.done @!p0 $0x0  }
0x519: {  	[sflag:s0] =	ssyncadd.s32 @!p0 s1  }
0x51a: {  	[bflag:$0x3] =	sbarrier.arrive $0xFFFF  }
0x51b: {  	_ =	shalt  }

</sc_bundles>
